<compile_context>
chip_gen: v7x
topology: tpu7x:2x2x1
jax: 0.10.2.dev20260603
libtpu: 0.0.44.dev20260713+nightly
codegen_flags: <defaults>
</compile_context>

<pallas_src>
import functools

import jax
import jax.numpy as jnp
from jax import lax
from jax.experimental import pallas as pl
from jax.experimental.pallas import tpu as pltpu
from jax.experimental.pallas import tpu_sc as plsc

B, L, V, D = 4096, 26, 1000, 16
NC, NS, LANES = 2, 16, 16
NW = NC * NS
BPW = B // NW
NG = BPW // LANES
TS = D + 1
DW = D // 2
TSW = DW + 1


def _gather_sum(x3, table_flat):
    mesh = plsc.VectorSubcoreMesh(core_axis_name="c", subcore_axis_name="s")

    @functools.partial(
        pl.kernel,
        out_type=jax.ShapeDtypeStruct((D, B), jnp.float32),
        mesh=mesh,
        scratch_types=[
            pltpu.VMEM((V * TSW,), jnp.int32),
            pltpu.VMEM((BPW * L,), jnp.int32),
            pltpu.VMEM((D, BPW), jnp.float32),
        ],
        compiler_params=pltpu.CompilerParams(needs_layout_passes=False),
    )
    def body(x_hbm, table_hbm, out_hbm, table_v, idx_v, s_v):
        wid = lax.axis_index("s") * NC + lax.axis_index("c")
        pltpu.sync_copy(table_hbm, table_v)
        pltpu.sync_copy(x_hbm.at[wid], idx_v)
        lanes = jax.lax.iota(jnp.int32, LANES)

        @plsc.parallel_loop(0, NG, unroll=2)
        def group(g):
            col = g * LANES
            row_base = (col + lanes) * L

            bases = [plsc.load_gather(idx_v, [row_base + l]) * TSW
                     for l in range(L)]
            accs = [jnp.zeros((LANES,), jnp.float32) for _ in range(D)]
            for l in range(L):
                for k in range(DW):
                    w = plsc.load_gather(table_v, [bases[l] + k])
                    accs[2 * k] += plsc.bitcast(w << 16, jnp.float32)
                    accs[2 * k + 1] += plsc.bitcast(
                        w & jnp.int32(-65536), jnp.float32)
            for d in range(D):
                s_v[d, pl.ds(col, LANES)] = accs[d]
        pltpu.sync_copy(s_v, out_hbm.at[:, pl.ds(wid * BPW, BPW)])

    return body(x3, table_flat)


VBLK = 200


def _decode(s2, W_dec):

    def mm(s_ref, w_ref, o_ref):
        o_ref[...] = lax.dot_general(
            w_ref[...].astype(jnp.bfloat16), s_ref[...].astype(jnp.bfloat16),
            dimension_numbers=(((1,), (0,)), ((), ())),
            preferred_element_type=jnp.float32,
        )

    return pl.pallas_call(
        mm,
        grid=(V // VBLK,),
        in_specs=[
            pl.BlockSpec((D, B), lambda i: (0, 0)),
            pl.BlockSpec((VBLK, D), lambda i: (i, 0)),
        ],
        out_specs=pl.BlockSpec((VBLK, B), lambda i: (i, 0)),
        out_shape=jax.ShapeDtypeStruct((V, B), jnp.float32),
    )(s2, W_dec)


def kernel(x, table, W_dec):
    x3 = x.astype(jnp.int32).reshape(NW, BPW * L)
    t16 = lax.bitcast_convert_type(table.astype(jnp.bfloat16), jnp.uint16)
    tw = (t16[:, 0::2].astype(jnp.uint32)
          | (t16[:, 1::2].astype(jnp.uint32) << 16)).astype(jnp.int32)
    tw_pad = jnp.pad(tw, ((0, 0), (0, TSW - DW))).reshape(V * TSW)
    s2 = _gather_sum(x3, tw_pad)
    return _decode(s2, W_dec).T

# --- scband reference (transcript-rebuilt; emitter-appended) ---
"""Pipeline reference for scband-bin-embedding-55267639165072 (READ-ONLY COPY).

The authoritative reference and input builder live on the scoring server;
editing this copy changes nothing except your own understanding.
"""

import jax, jax.numpy as jnp
import numpy as np

B, L, V, D = 4096, 26, 1000, 16

def setup_inputs(seed: int = 0) -> dict:
    key = jax.random.key(seed)
    k1, k2, k3 = jax.random.split(key, 3)
    x = jax.random.randint(k1, (B, L), 0, V)
    # learned params: embedding table [V, D] and decoder weight [V, D] (torch Linear weight is [out, in])
    table = jax.random.normal(k2, (V, D), dtype=jnp.float32)
    W_dec = jax.random.normal(k3, (V, D), dtype=jnp.float32) * 0.05
    return {"x": x, "table": table, "W_dec": W_dec}

def reference(x, table, W_dec):
    # h = embedding(x): gather rows -> [B, L, D]
    h = jnp.take(table, x, axis=0)
    # decoder: Linear(D, V, bias=False) -> h @ W_dec.T -> [B, L, V]
    logits = jnp.einsum('bld,vd->blv', h, W_dec)
    # sum over dim=1 (the L dimension) -> [B, V]
    out = jnp.sum(logits, axis=1)
    return out

if __name__ == "__main__":
    import jax
    _d = setup_inputs()
    print(jax.jit(kernel)(*tuple(_d.values())))

</pallas_src>

<mosaic_0001>
#map = affine_map<(d0, d1) -> (0, 0)>
#map1 = affine_map<(d0, d1) -> (0)>
module attributes {stable_mosaic.version = 14 : i64} {
  func.func @body(%arg0: i32, %arg1: i32, %arg2: memref<32x3328xi32, #tpu.memory_space<hbm>>, %arg3: memref<9000xi32, #tpu.memory_space<hbm>>, %arg4: memref<16x4096xf32, #tpu.memory_space<hbm>>, %arg5: memref<9000xi32, #tpu.memory_space<vmem>>, %arg6: memref<3328xi32, #tpu.memory_space<vmem>>, %arg7: memref<16x128xf32, #tpu.memory_space<vmem>>) attributes {dimension_semantics = [#tpu.dimension_semantics<core_parallel>, #tpu.dimension_semantics<subcore_parallel>], iteration_bounds = array<i64: 2, 16>, scalar_prefetch = 0 : i64, scratch_operands = 3 : i64, tpu.core_type = #tpu.core_type<sc_vector_subcore>, window_params = [{transform_indices = #map}, {transform_indices = #map1}, {transform_indices = #map}]} {
    %mul3A = arith.constant 2 : i32
    %mul3A_0 = arith.muli %arg1, %mul3A : i32
    %add3A = arith.addi %mul3A_0, %arg0 : i32
    "tpu.region"() ({
      %run_scoped3A = tpu.sem_alloc : memref<!tpu.dma_semaphore, #tpu.memory_space<semaphore_mem>>
      tpu.enqueue_dma source(%arg3 : memref<9000xi32, #tpu.memory_space<hbm>>) target(%arg5 : memref<9000xi32, #tpu.memory_space<vmem>>) target_semaphore(%run_scoped3A : memref<!tpu.dma_semaphore, #tpu.memory_space<semaphore_mem>>)
      tpu.wait_dma2 semaphore(%run_scoped3A : memref<!tpu.dma_semaphore, #tpu.memory_space<semaphore_mem>>) src(%arg3 : memref<9000xi32, #tpu.memory_space<hbm>>) dst(%arg5 : memref<9000xi32, #tpu.memory_space<vmem>>)
      tpu.yield
    }) : () -> ()
    "tpu.region"() ({
      %run_scoped3A = tpu.sem_alloc : memref<!tpu.dma_semaphore, #tpu.memory_space<semaphore_mem>>
      %dma_start3A = arith.constant 0 : i32
      %dma_start3A_5 = tpu.memref_slice %arg2[%add3A, %dma_start3A] : memref<32x3328xi32, #tpu.memory_space<hbm>> -> memref<1x3328xi32, #tpu.memory_space<hbm>>
      %dma_start3A_6 = tpu.memref_squeeze %dma_start3A_5 : memref<1x3328xi32, #tpu.memory_space<hbm>> -> memref<3328xi32, #tpu.memory_space<hbm>>
      %dma_start3A_7 = arith.constant 0 : i32
      %dma_start3A_8 = tpu.memref_slice %arg2[%add3A, %dma_start3A_7] : memref<32x3328xi32, #tpu.memory_space<hbm>> -> memref<1x3328xi32, #tpu.memory_space<hbm>>
      %dma_start3A_9 = tpu.memref_squeeze %dma_start3A_8 : memref<1x3328xi32, #tpu.memory_space<hbm>> -> memref<3328xi32, #tpu.memory_space<hbm>>
      tpu.enqueue_dma source(%dma_start3A_9 : memref<3328xi32, #tpu.memory_space<hbm>>) target(%arg6 : memref<3328xi32, #tpu.memory_space<vmem>>) target_semaphore(%run_scoped3A : memref<!tpu.dma_semaphore, #tpu.memory_space<semaphore_mem>>)
      %dma_wait3A = arith.constant 0 : i32
      %dma_wait3A_10 = tpu.memref_slice %arg2[%add3A, %dma_wait3A] : memref<32x3328xi32, #tpu.memory_space<hbm>> -> memref<1x3328xi32, #tpu.memory_space<hbm>>
      %dma_wait3A_11 = tpu.memref_squeeze %dma_wait3A_10 : memref<1x3328xi32, #tpu.memory_space<hbm>> -> memref<3328xi32, #tpu.memory_space<hbm>>
      %dma_wait3A_12 = arith.constant 0 : i32
      %dma_wait3A_13 = tpu.memref_slice %arg2[%add3A, %dma_wait3A_12] : memref<32x3328xi32, #tpu.memory_space<hbm>> -> memref<1x3328xi32, #tpu.memory_space<hbm>>
      %dma_wait3A_14 = tpu.memref_squeeze %dma_wait3A_13 : memref<1x3328xi32, #tpu.memory_space<hbm>> -> memref<3328xi32, #tpu.memory_space<hbm>>
      tpu.wait_dma2 semaphore(%run_scoped3A : memref<!tpu.dma_semaphore, #tpu.memory_space<semaphore_mem>>) src(%dma_wait3A_14 : memref<3328xi32, #tpu.memory_space<hbm>>) dst(%arg6 : memref<3328xi32, #tpu.memory_space<vmem>>)
      tpu.yield
    }) : () -> ()
    %iota3A = tpu.iota {dimensions = array<i32: 0>} : vector<16xi32>
    %parallel_loop3A = arith.constant 0 : i32
    %parallel_loop3A_1 = arith.constant 8 : i32
    %parallel_loop3A_2 = arith.constant 1 : i32
    scf.for %parallel_loop3A_5 = %parallel_loop3A to %parallel_loop3A_1 step %parallel_loop3A_2  : i32 {
      %parallel_loop3A_6 = arith.constant 16 : i32
      %parallel_loop3A_7 = arith.muli %parallel_loop3A_5, %parallel_loop3A_6 : i32
      %parallel_loop3A_8 = vector.broadcast %parallel_loop3A_7 : i32 to vector<16xi32>
      %parallel_loop3A_9 = arith.addi %parallel_loop3A_8, %iota3A : vector<16xi32>
      %parallel_loop3A_10 = arith.constant 26 : i32
      %parallel_loop3A_11 = vector.broadcast %parallel_loop3A_10 : i32 to vector<16xi32>
      %parallel_loop3A_12 = arith.muli %parallel_loop3A_9, %parallel_loop3A_11 : vector<16xi32>
      %parallel_loop3A_13 = arith.constant 0 : i32
      %parallel_loop3A_14 = vector.broadcast %parallel_loop3A_13 : i32 to vector<16xi32>
      %parallel_loop3A_15 = arith.addi %parallel_loop3A_12, %parallel_loop3A_14 : vector<16xi32>
      %parallel_loop3A_16 = tpu.vector_load_idx %arg6[%parallel_loop3A_15] : memref<3328xi32, #tpu.memory_space<vmem>>[vector<16xi32>], vector<16xi32>,
      %parallel_loop3A_17 = arith.constant 9 : i32
      %parallel_loop3A_18 = vector.broadcast %parallel_loop3A_17 : i32 to vector<16xi32>
      %parallel_loop3A_19 = arith.muli %parallel_loop3A_16, %parallel_loop3A_18 : vector<16xi32>
      %parallel_loop3A_20 = arith.constant 1 : i32
      %parallel_loop3A_21 = vector.broadcast %parallel_loop3A_20 : i32 to vector<16xi32>
      %parallel_loop3A_22 = arith.addi %parallel_loop3A_12, %parallel_loop3A_21 : vector<16xi32>
      %parallel_loop3A_23 = tpu.vector_load_idx %arg6[%parallel_loop3A_22] : memref<3328xi32, #tpu.memory_space<vmem>>[vector<16xi32>], vector<16xi32>,
      %parallel_loop3A_24 = arith.constant 9 : i32
      %parallel_loop3A_25 = vector.broadcast %parallel_loop3A_24 : i32 to vector<16xi32>
      %parallel_loop3A_26 = arith.muli %parallel_loop3A_23, %parallel_loop3A_25 : vector<16xi32>
      %parallel_loop3A_27 = arith.constant 2 : i32
      %parallel_loop3A_28 = vector.broadcast %parallel_loop3A_27 : i32 to vector<16xi32>
      %parallel_loop3A_29 = arith.addi %parallel_loop3A_12, %parallel_loop3A_28 : vector<16xi32>
      %parallel_loop3A_30 = tpu.vector_load_idx %arg6[%parallel_loop3A_29] : memref<3328xi32, #tpu.memory_space<vmem>>[vector<16xi32>], vector<16xi32>,
      %parallel_loop3A_31 = arith.constant 9 : i32
      %parallel_loop3A_32 = vector.broadcast %parallel_loop3A_31 : i32 to vector<16xi32>
      %parallel_loop3A_33 = arith.muli %parallel_loop3A_30, %parallel_loop3A_32 : vector<16xi32>
      %parallel_loop3A_34 = arith.constant 3 : i32
      %parallel_loop3A_35 = vector.broadcast %parallel_loop3A_34 : i32 to vector<16xi32>
      %parallel_loop3A_36 = arith.addi %parallel_loop3A_12, %parallel_loop3A_35 : vector<16xi32>
      %parallel_loop3A_37 = tpu.vector_load_idx %arg6[%parallel_loop3A_36] : memref<3328xi32, #tpu.memory_space<vmem>>[vector<16xi32>], vector<16xi32>,
      %parallel_loop3A_38 = arith.constant 9 : i32
      %parallel_loop3A_39 = vector.broadcast %parallel_loop3A_38 : i32 to vector<16xi32>
      %parallel_loop3A_40 = arith.muli %parallel_loop3A_37, %parallel_loop3A_39 : vector<16xi32>
      %parallel_loop3A_41 = arith.constant 4 : i32
      %parallel_loop3A_42 = vector.broadcast %parallel_loop3A_41 : i32 to vector<16xi32>
      %parallel_loop3A_43 = arith.addi %parallel_loop3A_12, %parallel_loop3A_42 : vector<16xi32>
      %parallel_loop3A_44 = tpu.vector_load_idx %arg6[%parallel_loop3A_43] : memref<3328xi32, #tpu.memory_space<vmem>>[vector<16xi32>], vector<16xi32>,
      %parallel_loop3A_45 = arith.constant 9 : i32
      %parallel_loop3A_46 = vector.broadcast %parallel_loop3A_45 : i32 to vector<16xi32>
      %parallel_loop3A_47 = arith.muli %parallel_loop3A_44, %parallel_loop3A_46 : vector<16xi32>
      %parallel_loop3A_48 = arith.constant 5 : i32
      %parallel_loop3A_49 = vector.broadcast %parallel_loop3A_48 : i32 to vector<16xi32>
      %parallel_loop3A_50 = arith.addi %parallel_loop3A_12, %parallel_loop3A_49 : vector<16xi32>
      %parallel_loop3A_51 = tpu.vector_load_idx %arg6[%parallel_loop3A_50] : memref<3328xi32, #tpu.memory_space<vmem>>[vector<16xi32>], vector<16xi32>,
      %parallel_loop3A_52 = arith.constant 9 : i32
      %parallel_loop3A_53 = vector.broadcast %parallel_loop3A_52 : i32 to vector<16xi32>
      %parallel_loop3A_54 = arith.muli %parallel_loop3A_51, %parallel_loop3A_53 : vector<16xi32>
      %parallel_loop3A_55 = arith.constant 6 : i32
      %parallel_loop3A_56 = vector.broadcast %parallel_loop3A_55 : i32 to vector<16xi32>
      %parallel_loop3A_57 = arith.addi %parallel_loop3A_12, %parallel_loop3A_56 : vector<16xi32>
      %parallel_loop3A_58 = tpu.vector_load_idx %arg6[%parallel_loop3A_57] : memref<3328xi32, #tpu.memory_space<vmem>>[vector<16xi32>], vector<16xi32>,
      %parallel_loop3A_59 = arith.constant 9 : i32
      %parallel_loop3A_60 = vector.broadcast %parallel_loop3A_59 : i32 to vector<16xi32>
      %parallel_loop3A_61 = arith.muli %parallel_loop3A_58, %parallel_loop3A_60 : vector<16xi32>
      %parallel_loop3A_62 = arith.constant 7 : i32
      %parallel_loop3A_63 = vector.broadcast %parallel_loop3A_62 : i32 to vector<16xi32>
      %parallel_loop3A_64 = arith.addi %parallel_loop3A_12, %parallel_loop3A_63 : vector<16xi32>
      %parallel_loop3A_65 = tpu.vector_load_idx %arg6[%parallel_loop3A_64] : memref<3328xi32, #tpu.memory_space<vmem>>[vector<16xi32>], vector<16xi32>,
      %parallel_loop3A_66 = arith.constant 9 : i32
      %parallel_loop3A_67 = vector.broadcast %parallel_loop3A_66 : i32 to vector<16xi32>
      %parallel_loop3A_68 = arith.muli %parallel_loop3A_65, %parallel_loop3A_67 : vector<16xi32>
      %parallel_loop3A_69 = arith.constant 8 : i32
      %parallel_loop3A_70 = vector.broadcast %parallel_loop3A_69 : i32 to vector<16xi32>
      %parallel_loop3A_71 = arith.addi %parallel_loop3A_12, %parallel_loop3A_70 : vector<16xi32>
      %parallel_loop3A_72 = tpu.vector_load_idx %arg6[%parallel_loop3A_71] : memref<3328xi32, #tpu.memory_space<vmem>>[vector<16xi32>], vector<16xi32>,
      %parallel_loop3A_73 = arith.constant 9 : i32
      %parallel_loop3A_74 = vector.broadcast %parallel_loop3A_73 : i32 to vector<16xi32>
      %parallel_loop3A_75 = arith.muli %parallel_loop3A_72, %parallel_loop3A_74 : vector<16xi32>
      %parallel_loop3A_76 = arith.constant 9 : i32
      %parallel_loop3A_77 = vector.broadcast %parallel_loop3A_76 : i32 to vector<16xi32>
      %parallel_loop3A_78 = arith.addi %parallel_loop3A_12, %parallel_loop3A_77 : vector<16xi32>
      %parallel_loop3A_79 = tpu.vector_load_idx %arg6[%parallel_loop3A_78] : memref<3328xi32, #tpu.memory_space<vmem>>[vector<16xi32>], vector<16xi32>,
      %parallel_loop3A_80 = arith.constant 9 : i32
      %parallel_loop3A_81 = vector.broadcast %parallel_loop3A_80 : i32 to vector<16xi32>
      %parallel_loop3A_82 = arith.muli %parallel_loop3A_79, %parallel_loop3A_81 : vector<16xi32>
      %parallel_loop3A_83 = arith.constant 10 : i32
      %parallel_loop3A_84 = vector.broadcast %parallel_loop3A_83 : i32 to vector<16xi32>
      %parallel_loop3A_85 = arith.addi %parallel_loop3A_12, %parallel_loop3A_84 : vector<16xi32>
      %parallel_loop3A_86 = tpu.vector_load_idx %arg6[%parallel_loop3A_85] : memref<3328xi32, #tpu.memory_space<vmem>>[vector<16xi32>], vector<16xi32>,
      %parallel_loop3A_87 = arith.constant 9 : i32
      %parallel_loop3A_88 = vector.broadcast %parallel_loop3A_87 : i32 to vector<16xi32>
      %parallel_loop3A_89 = arith.muli %parallel_loop3A_86, %parallel_loop3A_88 : vector<16xi32>
      %parallel_loop3A_90 = arith.constant 11 : i32
      %parallel_loop3A_91 = vector.broadcast %parallel_loop3A_90 : i32 to vector<16xi32>
      %parallel_loop3A_92 = arith.addi %parallel_loop3A_12, %parallel_loop3A_91 : vector<16xi32>
      %parallel_loop3A_93 = tpu.vector_load_idx %arg6[%parallel_loop3A_92] : memref<3328xi32, #tpu.memory_space<vmem>>[vector<16xi32>], vector<16xi32>,
      %parallel_loop3A_94 = arith.constant 9 : i32
      %parallel_loop3A_95 = vector.broadcast %parallel_loop3A_94 : i32 to vector<16xi32>
      %parallel_loop3A_96 = arith.muli %parallel_loop3A_93, %parallel_loop3A_95 : vector<16xi32>
      %parallel_loop3A_97 = arith.constant 12 : i32
      %parallel_loop3A_98 = vector.broadcast %parallel_loop3A_97 : i32 to vector<16xi32>
      %parallel_loop3A_99 = arith.addi %parallel_loop3A_12, %parallel_loop3A_98 : vector<16xi32>
      %parallel_loop3A_100 = tpu.vector_load_idx %arg6[%parallel_loop3A_99] : memref<3328xi32, #tpu.memory_space<vmem>>[vector<16xi32>], vector<16xi32>,
      %parallel_loop3A_101 = arith.constant 9 : i32
      %parallel_loop3A_102 = vector.broadcast %parallel_loop3A_101 : i32 to vector<16xi32>
      %parallel_loop3A_103 = arith.muli %parallel_loop3A_100, %parallel_loop3A_102 : vector<16xi32>
      %parallel_loop3A_104 = arith.constant 13 : i32
      %parallel_loop3A_105 = vector.broadcast %parallel_loop3A_104 : i32 to vector<16xi32>
      %parallel_loop3A_106 = arith.addi %parallel_loop3A_12, %parallel_loop3A_105 : vector<16xi32>
      %parallel_loop3A_107 = tpu.vector_load_idx %arg6[%parallel_loop3A_106] : memref<3328xi32, #tpu.memory_space<vmem>>[vector<16xi32>], vector<16xi32>,
      %parallel_loop3A_108 = arith.constant 9 : i32
      %parallel_loop3A_109 = vector.broadcast %parallel_loop3A_108 : i32 to vector<16xi32>
      %parallel_loop3A_110 = arith.muli %parallel_loop3A_107, %parallel_loop3A_109 : vector<16xi32>
      %parallel_loop3A_111 = arith.constant 14 : i32
      %parallel_loop3A_112 = vector.broadcast %parallel_loop3A_111 : i32 to vector<16xi32>
      %parallel_loop3A_113 = arith.addi %parallel_loop3A_12, %parallel_loop3A_112 : vector<16xi32>
      %parallel_loop3A_114 = tpu.vector_load_idx %arg6[%parallel_loop3A_113] : memref<3328xi32, #tpu.memory_space<vmem>>[vector<16xi32>], vector<16xi32>,
      %parallel_loop3A_115 = arith.constant 9 : i32
      %parallel_loop3A_116 = vector.broadcast %parallel_loop3A_115 : i32 to vector<16xi32>
      %parallel_loop3A_117 = arith.muli %parallel_loop3A_114, %parallel_loop3A_116 : vector<16xi32>
      %parallel_loop3A_118 = arith.constant 15 : i32
      %parallel_loop3A_119 = vector.broadcast %parallel_loop3A_118 : i32 to vector<16xi32>
      %parallel_loop3A_120 = arith.addi %parallel_loop3A_12, %parallel_loop3A_119 : vector<16xi32>
      %parallel_loop3A_121 = tpu.vector_load_idx %arg6[%parallel_loop3A_120] : memref<3328xi32, #tpu.memory_space<vmem>>[vector<16xi32>], vector<16xi32>,
      %parallel_loop3A_122 = arith.constant 9 : i32
      %parallel_loop3A_123 = vector.broadcast %parallel_loop3A_122 : i32 to vector<16xi32>
      %parallel_loop3A_124 = arith.muli %parallel_loop3A_121, %parallel_loop3A_123 : vector<16xi32>
      %parallel_loop3A_125 = arith.constant 16 : i32
      %parallel_loop3A_126 = vector.broadcast %parallel_loop3A_125 : i32 to vector<16xi32>
      %parallel_loop3A_127 = arith.addi %parallel_loop3A_12, %parallel_loop3A_126 : vector<16xi32>
      %parallel_loop3A_128 = tpu.vector_load_idx %arg6[%parallel_loop3A_127] : memref<3328xi32, #tpu.memory_space<vmem>>[vector<16xi32>], vector<16xi32>,
      %parallel_loop3A_129 = arith.constant 9 : i32
      %parallel_loop3A_130 = vector.broadcast %parallel_loop3A_129 : i32 to vector<16xi32>
      %parallel_loop3A_131 = arith.muli %parallel_loop3A_128, %parallel_loop3A_130 : vector<16xi32>
      %parallel_loop3A_132 = arith.constant 17 : i32
      %parallel_loop3A_133 = vector.broadcast %parallel_loop3A_132 : i32 to vector<16xi32>
      %parallel_loop3A_134 = arith.addi %parallel_loop3A_12, %parallel_loop3A_133 : vector<16xi32>
      %parallel_loop3A_135 = tpu.vector_load_idx %arg6[%parallel_loop3A_134] : memref<3328xi32, #tpu.memory_space<vmem>>[vector<16xi32>], vector<16xi32>,
      %parallel_loop3A_136 = arith.constant 9 : i32
      %parallel_loop3A_137 = vector.broadcast %parallel_loop3A_136 : i32 to vector<16xi32>
      %parallel_loop3A_138 = arith.muli %parallel_loop3A_135, %parallel_loop3A_137 : vector<16xi32>
      %parallel_loop3A_139 = arith.constant 18 : i32
      %parallel_loop3A_140 = vector.broadcast %parallel_loop3A_139 : i32 to vector<16xi32>
      %parallel_loop3A_141 = arith.addi %parallel_loop3A_12, %parallel_loop3A_140 : vector<16xi32>
      %parallel_loop3A_142 = tpu.vector_load_idx %arg6[%parallel_loop3A_141] : memref<3328xi32, #tpu.memory_space<vmem>>[vector<16xi32>], vector<16xi32>,
      %parallel_loop3A_143 = arith.constant 9 : i32
      %parallel_loop3A_144 = vector.broadcast %parallel_loop3A_143 : i32 to vector<16xi32>
      %parallel_loop3A_145 = arith.muli %parallel_loop3A_142, %parallel_loop3A_144 : vector<16xi32>
      %parallel_loop3A_146 = arith.constant 19 : i32
      %parallel_loop3A_147 = vector.broadcast %parallel_loop3A_146 : i32 to vector<16xi32>
      %parallel_loop3A_148 = arith.addi %parallel_loop3A_12, %parallel_loop3A_147 : vector<16xi32>
      %parallel_loop3A_149 = tpu.vector_load_idx %arg6[%parallel_loop3A_148] : memref<3328xi32, #tpu.memory_space<vmem>>[vector<16xi32>], vector<16xi32>,
      %parallel_loop3A_150 = arith.constant 9 : i32
      %parallel_loop3A_151 = vector.broadcast %parallel_loop3A_150 : i32 to vector<16xi32>
      %parallel_loop3A_152 = arith.muli %parallel_loop3A_149, %parallel_loop3A_151 : vector<16xi32>
      %parallel_loop3A_153 = arith.constant 20 : i32
      %parallel_loop3A_154 = vector.broadcast %parallel_loop3A_153 : i32 to vector<16xi32>
      %parallel_loop3A_155 = arith.addi %parallel_loop3A_12, %parallel_loop3A_154 : vector<16xi32>
      %parallel_loop3A_156 = tpu.vector_load_idx %arg6[%parallel_loop3A_155] : memref<3328xi32, #tpu.memory_space<vmem>>[vector<16xi32>], vector<16xi32>,
      %parallel_loop3A_157 = arith.constant 9 : i32
      %parallel_loop3A_158 = vector.broadcast %parallel_loop3A_157 : i32 to vector<16xi32>
      %parallel_loop3A_159 = arith.muli %parallel_loop3A_156, %parallel_loop3A_158 : vector<16xi32>
      %parallel_loop3A_160 = arith.constant 21 : i32
      %parallel_loop3A_161 = vector.broadcast %parallel_loop3A_160 : i32 to vector<16xi32>
      %parallel_loop3A_162 = arith.addi %parallel_loop3A_12, %parallel_loop3A_161 : vector<16xi32>
      %parallel_loop3A_163 = tpu.vector_load_idx %arg6[%parallel_loop3A_162] : memref<3328xi32, #tpu.memory_space<vmem>>[vector<16xi32>], vector<16xi32>,
      %parallel_loop3A_164 = arith.constant 9 : i32
      %parallel_loop3A_165 = vector.broadcast %parallel_loop3A_164 : i32 to vector<16xi32>
      %parallel_loop3A_166 = arith.muli %parallel_loop3A_163, %parallel_loop3A_165 : vector<16xi32>
      %parallel_loop3A_167 = arith.constant 22 : i32
      %parallel_loop3A_168 = vector.broadcast %parallel_loop3A_167 : i32 to vector<16xi32>
      %parallel_loop3A_169 = arith.addi %parallel_loop3A_12, %parallel_loop3A_168 : vector<16xi32>
      %parallel_loop3A_170 = tpu.vector_load_idx %arg6[%parallel_loop3A_169] : memref<3328xi32, #tpu.memory_space<vmem>>[vector<16xi32>], vector<16xi32>,
      %parallel_loop3A_171 = arith.constant 9 : i32
      %parallel_loop3A_172 = vector.broadcast %parallel_loop3A_171 : i32 to vector<16xi32>
      %parallel_loop3A_173 = arith.muli %parallel_loop3A_170, %parallel_loop3A_172 : vector<16xi32>
      %parallel_loop3A_174 = arith.constant 23 : i32
      %parallel_loop3A_175 = vector.broadcast %parallel_loop3A_174 : i32 to vector<16xi32>
      %parallel_loop3A_176 = arith.addi %parallel_loop3A_12, %parallel_loop3A_175 : vector<16xi32>
      %parallel_loop3A_177 = tpu.vector_load_idx %arg6[%parallel_loop3A_176] : memref<3328xi32, #tpu.memory_space<vmem>>[vector<16xi32>], vector<16xi32>,
      %parallel_loop3A_178 = arith.constant 9 : i32
      %parallel_loop3A_179 = vector.broadcast %parallel_loop3A_178 : i32 to vector<16xi32>
      %parallel_loop3A_180 = arith.muli %parallel_loop3A_177, %parallel_loop3A_179 : vector<16xi32>
      %parallel_loop3A_181 = arith.constant 24 : i32
      %parallel_loop3A_182 = vector.broadcast %parallel_loop3A_181 : i32 to vector<16xi32>
      %parallel_loop3A_183 = arith.addi %parallel_loop3A_12, %parallel_loop3A_182 : vector<16xi32>
      %parallel_loop3A_184 = tpu.vector_load_idx %arg6[%parallel_loop3A_183] : memref<3328xi32, #tpu.memory_space<vmem>>[vector<16xi32>], vector<16xi32>,
      %parallel_loop3A_185 = arith.constant 9 : i32
      %parallel_loop3A_186 = vector.broadcast %parallel_loop3A_185 : i32 to vector<16xi32>
      %parallel_loop3A_187 = arith.muli %parallel_loop3A_184, %parallel_loop3A_186 : vector<16xi32>
      %parallel_loop3A_188 = arith.constant 25 : i32
      %parallel_loop3A_189 = vector.broadcast %parallel_loop3A_188 : i32 to vector<16xi32>
      %parallel_loop3A_190 = arith.addi %parallel_loop3A_12, %parallel_loop3A_189 : vector<16xi32>
      %parallel_loop3A_191 = tpu.vector_load_idx %arg6[%parallel_loop3A_190] : memref<3328xi32, #tpu.memory_space<vmem>>[vector<16xi32>], vector<16xi32>,
      %parallel_loop3A_192 = arith.constant 9 : i32
      %parallel_loop3A_193 = vector.broadcast %parallel_loop3A_192 : i32 to vector<16xi32>
      %parallel_loop3A_194 = arith.muli %parallel_loop3A_191, %parallel_loop3A_193 : vector<16xi32>
      %parallel_loop3A_195 = arith.constant 0.000000e+00 : f32
      %parallel_loop3A_196 = vector.broadcast %parallel_loop3A_195 : f32 to vector<16xf32>
      %parallel_loop3A_197 = arith.constant 0.000000e+00 : f32
      %parallel_loop3A_198 = vector.broadcast %parallel_loop3A_197 : f32 to vector<16xf32>
      %parallel_loop3A_199 = arith.constant 0.000000e+00 : f32
      %parallel_loop3A_200 = vector.broadcast %parallel_loop3A_199 : f32 to vector<16xf32>
      %parallel_loop3A_201 = arith.constant 0.000000e+00 : f32
      %parallel_loop3A_202 = vector.broadcast %parallel_loop3A_201 : f32 to vector<16xf32>
      %parallel_loop3A_203 = arith.constant 0.000000e+00 : f32
      %parallel_loop3A_204 = vector.broadcast %parallel_loop3A_203 : f32 to vector<16xf32>
      %parallel_loop3A_205 = arith.constant 0.000000e+00 : f32
      %parallel_loop3A_206 = vector.broadcast %parallel_loop3A_205 : f32 to vector<16xf32>
      %parallel_loop3A_207 = arith.constant 0.000000e+00 : f32
      %parallel_loop3A_208 = vector.broadcast %parallel_loop3A_207 : f32 to vector<16xf32>
      %parallel_loop3A_209 = arith.constant 0.000000e+00 : f32
      %parallel_loop3A_210 = vector.broadcast %parallel_loop3A_209 : f32 to vector<16xf32>
      %parallel_loop3A_211 = arith.constant 0.000000e+00 : f32
      %parallel_loop3A_212 = vector.broadcast %parallel_loop3A_211 : f32 to vector<16xf32>
      %parallel_loop3A_213 = arith.constant 0.000000e+00 : f32
      %parallel_loop3A_214 = vector.broadcast %parallel_loop3A_213 : f32 to vector<16xf32>
      %parallel_loop3A_215 = arith.constant 0.000000e+00 : f32
      %parallel_loop3A_216 = vector.broadcast %parallel_loop3A_215 : f32 to vector<16xf32>
      %parallel_loop3A_217 = arith.constant 0.000000e+00 : f32
      %parallel_loop3A_218 = vector.broadcast %parallel_loop3A_217 : f32 to vector<16xf32>
      %parallel_loop3A_219 = arith.constant 0.000000e+00 : f32
      %parallel_loop3A_220 = vector.broadcast %parallel_loop3A_219 : f32 to vector<16xf32>
      %parallel_loop3A_221 = arith.constant 0.000000e+00 : f32
      %parallel_loop3A_222 = vector.broadcast %parallel_loop3A_221 : f32 to vector<16xf32>
      %parallel_loop3A_223 = arith.constant 0.000000e+00 : f32
      %parallel_loop3A_224 = vector.broadcast %parallel_loop3A_223 : f32 to vector<16xf32>
      %parallel_loop3A_225 = arith.constant 0.000000e+00 : f32
      %parallel_loop3A_226 = vector.broadcast %parallel_loop3A_225 : f32 to vector<16xf32>
      %parallel_loop3A_227 = arith.constant 0 : i32
      %parallel_loop3A_228 = vector.broadcast %parallel_loop3A_227 : i32 to vector<16xi32>
      %parallel_loop3A_229 = arith.addi %parallel_loop3A_19, %parallel_loop3A_228 : vector<16xi32>
      %parallel_loop3A_230 = tpu.vector_load_idx %arg5[%parallel_loop3A_229] : memref<9000xi32, #tpu.memory_space<vmem>>[vector<16xi32>], vector<16xi32>,
      %parallel_loop3A_231 = arith.constant 16 : i32
      %parallel_loop3A_232 = vector.broadcast %parallel_loop3A_231 : i32 to vector<16xi32>
      %parallel_loop3A_233 = arith.shli %parallel_loop3A_230, %parallel_loop3A_232 : vector<16xi32>
      %parallel_loop3A_234 = vector.bitcast %parallel_loop3A_233 : vector<16xi32> to vector<16xf32>
      %parallel_loop3A_235 = arith.addf %parallel_loop3A_196, %parallel_loop3A_234 : vector<16xf32>
      %parallel_loop3A_236 = arith.constant -65536 : i32
      %parallel_loop3A_237 = vector.broadcast %parallel_loop3A_236 : i32 to vector<16xi32>
      %parallel_loop3A_238 = arith.andi %parallel_loop3A_230, %parallel_loop3A_237 : vector<16xi32>
      %parallel_loop3A_239 = vector.bitcast %parallel_loop3A_238 : vector<16xi32> to vector<16xf32>
      %parallel_loop3A_240 = arith.addf %parallel_loop3A_198, %parallel_loop3A_239 : vector<16xf32>
      %parallel_loop3A_241 = arith.constant 1 : i32
      %parallel_loop3A_242 = vector.broadcast %parallel_loop3A_241 : i32 to vector<16xi32>
      %parallel_loop3A_243 = arith.addi %parallel_loop3A_19, %parallel_loop3A_242 : vector<16xi32>
      %parallel_loop3A_244 = tpu.vector_load_idx %arg5[%parallel_loop3A_243] : memref<9000xi32, #tpu.memory_space<vmem>>[vector<16xi32>], vector<16xi32>,
      %parallel_loop3A_245 = arith.constant 16 : i32
      %parallel_loop3A_246 = vector.broadcast %parallel_loop3A_245 : i32 to vector<16xi32>
      %parallel_loop3A_247 = arith.shli %parallel_loop3A_244, %parallel_loop3A_246 : vector<16xi32>
      %parallel_loop3A_248 = vector.bitcast %parallel_loop3A_247 : vector<16xi32> to vector<16xf32>
      %parallel_loop3A_249 = arith.addf %parallel_loop3A_200, %parallel_loop3A_248 : vector<16xf32>
      %parallel_loop3A_250 = arith.constant -65536 : i32
      %parallel_loop3A_251 = vector.broadcast %parallel_loop3A_250 : i32 to vector<16xi32>
      %parallel_loop3A_252 = arith.andi %parallel_loop3A_244, %parallel_loop3A_251 : vector<16xi32>
      %parallel_loop3A_253 = vector.bitcast %parallel_loop3A_252 : vector<16xi32> to vector<16xf32>
      %parallel_loop3A_254 = arith.addf %parallel_loop3A_202, %parallel_loop3A_253 : vector<16xf32>
      %parallel_loop3A_255 = arith.constant 2 : i32
      %parallel_loop3A_256 = vector.broadcast %parallel_loop3A_255 : i32 to vector<16xi32>
      %parallel_loop3A_257 = arith.addi %parallel_loop3A_19, %parallel_loop3A_256 : vector<16xi32>
      %parallel_loop3A_258 = tpu.vector_load_idx %arg5[%parallel_loop3A_257] : memref<9000xi32, #tpu.memory_space<vmem>>[vector<16xi32>], vector<16xi32>,
      %parallel_loop3A_259 = arith.constant 16 : i32
      %parallel_loop3A_260 = vector.broadcast %parallel_loop3A_259 : i32 to vector<16xi32>
      %parallel_loop3A_261 = arith.shli %parallel_loop3A_258, %parallel_loop3A_260 : vector<16xi32>
      %parallel_loop3A_262 = vector.bitcast %parallel_loop3A_261 : vector<16xi32> to vector<16xf32>
      %parallel_loop3A_263 = arith.addf %parallel_loop3A_204, %parallel_loop3A_262 : vector<16xf32>
      %parallel_loop3A_264 = arith.constant -65536 : i32
      %parallel_loop3A_265 = vector.broadcast %parallel_loop3A_264 : i32 to vector<16xi32>
      %parallel_loop3A_266 = arith.andi %parallel_loop3A_258, %parallel_loop3A_265 : vector<16xi32>
      %parallel_loop3A_267 = vector.bitcast %parallel_loop3A_266 : vector<16xi32> to vector<16xf32>
      %parallel_loop3A_268 = arith.addf %parallel_loop3A_206, %parallel_loop3A_267 : vector<16xf32>
      %parallel_loop3A_269 = arith.constant 3 : i32
      %parallel_loop3A_270 = vector.broadcast %parallel_loop3A_269 : i32 to vector<16xi32>
      %parallel_loop3A_271 = arith.addi %parallel_loop3A_19, %parallel_loop3A_270 : vector<16xi32>
      %parallel_loop3A_272 = tpu.vector_load_idx %arg5[%parallel_loop3A_271] : memref<9000xi32, #tpu.memory_space<vmem>>[vector<16xi32>], vector<16xi32>,
      %parallel_loop3A_273 = arith.constant 16 : i32
      %parallel_loop3A_274 = vector.broadcast %parallel_loop3A_273 : i32 to vector<16xi32>
      %parallel_loop3A_275 = arith.shli %parallel_loop3A_272, %parallel_loop3A_274 : vector<16xi32>
      %parallel_loop3A_276 = vector.bitcast %parallel_loop3A_275 : vector<16xi32> to vector<16xf32>
      %parallel_loop3A_277 = arith.addf %parallel_loop3A_208, %parallel_loop3A_276 : vector<16xf32>
      %parallel_loop3A_278 = arith.constant -65536 : i32
      %parallel_loop3A_279 = vector.broadcast %parallel_loop3A_278 : i32 to vector<16xi32>
      %parallel_loop3A_280 = arith.andi %parallel_loop3A_272, %parallel_loop3A_279 : vector<16xi32>
      %parallel_loop3A_281 = vector.bitcast %parallel_loop3A_280 : vector<16xi32> to vector<16xf32>
      %parallel_loop3A_282 = arith.addf %parallel_loop3A_210, %parallel_loop3A_281 : vector<16xf32>
      %parallel_loop3A_283 = arith.constant 4 : i32
      %parallel_loop3A_284 = vector.broadcast %parallel_loop3A_283 : i32 to vector<16xi32>
      %parallel_loop3A_285 = arith.addi %parallel_loop3A_19, %parallel_loop3A_284 : vector<16xi32>
      %parallel_loop3A_286 = tpu.vector_load_idx %arg5[%parallel_loop3A_285] : memref<9000xi32, #tpu.memory_space<vmem>>[vector<16xi32>], vector<16xi32>,
      %parallel_loop3A_287 = arith.constant 16 : i32
      %parallel_loop3A_288 = vector.broadcast %parallel_loop3A_287 : i32 to vector<16xi32>
      %parallel_loop3A_289 = arith.shli %parallel_loop3A_286, %parallel_loop3A_288 : vector<16xi32>
      %parallel_loop3A_290 = vector.bitcast %parallel_loop3A_289 : vector<16xi32> to vector<16xf32>
      %parallel_loop3A_291 = arith.addf %parallel_loop3A_212, %parallel_loop3A_290 : vector<16xf32>
      %parallel_loop3A_292 = arith.constant -65536 : i32
      %parallel_loop3A_293 = vector.broadcast %parallel_loop3A_292 : i32 to vector<16xi32>
      %parallel_loop3A_294 = arith.andi %parallel_loop3A_286, %parallel_loop3A_293 : vector<16xi32>
      %parallel_loop3A_295 = vector.bitcast %parallel_loop3A_294 : vector<16xi32> to vector<16xf32>
      %parallel_loop3A_296 = arith.addf %parallel_loop3A_214, %parallel_loop3A_295 : vector<16xf32>
      %parallel_loop3A_297 = arith.constant 5 : i32
      %parallel_loop3A_298 = vector.broadcast %parallel_loop3A_297 : i32 to vector<16xi32>
      %parallel_loop3A_299 = arith.addi %parallel_loop3A_19, %parallel_loop3A_298 : vector<16xi32>
      %parallel_loop3A_300 = tpu.vector_load_idx %arg5[%parallel_loop3A_299] : memref<9000xi32, #tpu.memory_space<vmem>>[vector<16xi32>], vector<16xi32>,
      %parallel_loop3A_301 = arith.constant 16 : i32
      %parallel_loop3A_302 = vector.broadcast %parallel_loop3A_301 : i32 to vector<16xi32>
      %parallel_loop3A_303 = arith.shli %parallel_loop3A_300, %parallel_loop3A_302 : vector<16xi32>
      %parallel_loop3A_304 = vector.bitcast %parallel_loop3A_303 : vector<16xi32> to vector<16xf32>
      %parallel_loop3A_305 = arith.addf %parallel_loop3A_216, %parallel_loop3A_304 : vector<16xf32>
      %parallel_loop3A_306 = arith.constant -65536 : i32
      %parallel_loop3A_307 = vector.broadcast %parallel_loop3A_306 : i32 to vector<16xi32>
      %parallel_loop3A_308 = arith.andi %parallel_loop3A_300, %parallel_loop3A_307 : vector<16xi32>
      %parallel_loop3A_309 = vector.bitcast %parallel_loop3A_308 : vector<16xi32> to vector<16xf32>
      %parallel_loop3A_310 = arith.addf %parallel_loop3A_218, %parallel_loop3A_309 : vector<16xf32>
      %parallel_loop3A_311 = arith.constant 6 : i32
      %parallel_loop3A_312 = vector.broadcast %parallel_loop3A_311 : i32 to vector<16xi32>
      %parallel_loop3A_313 = arith.addi %parallel_loop3A_19, %parallel_loop3A_312 : vector<16xi32>
      %parallel_loop3A_314 = tpu.vector_load_idx %arg5[%parallel_loop3A_313] : memref<9000xi32, #tpu.memory_space<vmem>>[vector<16xi32>], vector<16xi32>,
      %parallel_loop3A_315 = arith.constant 16 : i32
      %parallel_loop3A_316 = vector.broadcast %parallel_loop3A_315 : i32 to vector<16xi32>
      %parallel_loop3A_317 = arith.shli %parallel_loop3A_314, %parallel_loop3A_316 : vector<16xi32>
      %parallel_loop3A_318 = vector.bitcast %parallel_loop3A_317 : vector<16xi32> to vector<16xf32>
      %parallel_loop3A_319 = arith.addf %parallel_loop3A_220, %parallel_loop3A_318 : vector<16xf32>
      %parallel_loop3A_320 = arith.constant -65536 : i32
      %parallel_loop3A_321 = vector.broadcast %parallel_loop3A_320 : i32 to vector<16xi32>
      %parallel_loop3A_322 = arith.andi %parallel_loop3A_314, %parallel_loop3A_321 : vector<16xi32>
      %parallel_loop3A_323 = vector.bitcast %parallel_loop3A_322 : vector<16xi32> to vector<16xf32>
      %parallel_loop3A_324 = arith.addf %parallel_loop3A_222, %parallel_loop3A_323 : vector<16xf32>
      %parallel_loop3A_325 = arith.constant 7 : i32
      %parallel_loop3A_326 = vector.broadcast %parallel_loop3A_325 : i32 to vector<16xi32>
      %parallel_loop3A_327 = arith.addi %parallel_loop3A_19, %parallel_loop3A_326 : vector<16xi32>
      %parallel_loop3A_328 = tpu.vector_load_idx %arg5[%parallel_loop3A_327] : memref<9000xi32, #tpu.memory_space<vmem>>[vector<16xi32>], vector<16xi32>,
      %parallel_loop3A_329 = arith.constant 16 : i32
      %parallel_loop3A_330 = vector.broadcast %parallel_loop3A_329 : i32 to vector<16xi32>
      %parallel_loop3A_331 = arith.shli %parallel_loop3A_328, %parallel_loop3A_330 : vector<16xi32>
      %parallel_loop3A_332 = vector.bitcast %parallel_loop3A_331 : vector<16xi32> to vector<16xf32>
      %parallel_loop3A_333 = arith.addf %parallel_loop3A_224, %parallel_loop3A_332 : vector<16xf32>
      %parallel_loop3A_334 = arith.constant -65536 : i32
      %parallel_loop3A_335 = vector.broadcast %parallel_loop3A_334 : i32 to vector<16xi32>
      %parallel_loop3A_336 = arith.andi %parallel_loop3A_328, %parallel_loop3A_335 : vector<16xi32>
      %parallel_loop3A_337 = vector.bitcast %parallel_loop3A_336 : vector<16xi32> to vector<16xf32>
      %parallel_loop3A_338 = arith.addf %parallel_loop3A_226, %parallel_loop3A_337 : vector<16xf32>
      %parallel_loop3A_339 = arith.constant 0 : i32
      %parallel_loop3A_340 = vector.broadcast %parallel_loop3A_339 : i32 to vector<16xi32>
      %parallel_loop3A_341 = arith.addi %parallel_loop3A_26, %parallel_loop3A_340 : vector<16xi32>
      %parallel_loop3A_342 = tpu.vector_load_idx %arg5[%parallel_loop3A_341] : memref<9000xi32, #tpu.memory_space<vmem>>[vector<16xi32>], vector<16xi32>,
      %parallel_loop3A_343 = arith.constant 16 : i32
      %parallel_loop3A_344 = vector.broadcast %parallel_loop3A_343 : i32 to vector<16xi32>
      %parallel_loop3A_345 = arith.shli %parallel_loop3A_342, %parallel_loop3A_344 : vector<16xi32>
      %parallel_loop3A_346 = vector.bitcast %parallel_loop3A_345 : vector<16xi32> to vector<16xf32>
      %parallel_loop3A_347 = arith.addf %parallel_loop3A_235, %parallel_loop3A_346 : vector<16xf32>
      %parallel_loop3A_348 = arith.constant -65536 : i32
      %parallel_loop3A_349 = vector.broadcast %parallel_loop3A_348 : i32 to vector<16xi32>
      %parallel_loop3A_350 = arith.andi %parallel_loop3A_342, %parallel_loop3A_349 : vector<16xi32>
      %parallel_loop3A_351 = vector.bitcast %parallel_loop3A_350 : vector<16xi32> to vector<16xf32>
      %parallel_loop3A_352 = arith.addf %parallel_loop3A_240, %parallel_loop3A_351 : vector<16xf32>
      %parallel_loop3A_353 = arith.constant 1 : i32
      %parallel_loop3A_354 = vector.broadcast %parallel_loop3A_353 : i32 to vector<16xi32>
      %parallel_loop3A_355 = arith.addi %parallel_loop3A_26, %parallel_loop3A_354 : vector<16xi32>
      %parallel_loop3A_356 = tpu.vector_load_idx %arg5[%parallel_loop3A_355] : memref<9000xi32, #tpu.memory_space<vmem>>[vector<16xi32>], vector<16xi32>,
      %parallel_loop3A_357 = arith.constant 16 : i32
      %parallel_loop3A_358 = vector.broadcast %parallel_loop3A_357 : i32 to vector<16xi32>
      %parallel_loop3A_359 = arith.shli %parallel_loop3A_356, %parallel_loop3A_358 : vector<16xi32>
      %parallel_loop3A_360 = vector.bitcast %parallel_loop3A_359 : vector<16xi32> to vector<16xf32>
      %parallel_loop3A_361 = arith.addf %parallel_loop3A_249, %parallel_loop3A_360 : vector<16xf32>
      %parallel_loop3A_362 = arith.constant -65536 : i32
      %parallel_loop3A_363 = vector.broadcast %parallel_loop3A_362 : i32 to vector<16xi32>
      %parallel_loop3A_364 = arith.andi %parallel_loop3A_356, %parallel_loop3A_363 : vector<16xi32>
      %parallel_loop3A_365 = vector.bitcast %parallel_loop3A_364 : vector<16xi32> to vector<16xf32>
      %parallel_loop3A_366 = arith.addf %parallel_loop3A_254, %parallel_loop3A_365 : vector<16xf32>
      %parallel_loop3A_367 = arith.constant 2 : i32
      %parallel_loop3A_368 = vector.broadcast %parallel_loop3A_367 : i32 to vector<16xi32>
      %parallel_loop3A_369 = arith.addi %parallel_loop3A_26, %parallel_loop3A_368 : vector<16xi32>
      %parallel_loop3A_370 = tpu.vector_load_idx %arg5[%parallel_loop3A_369] : memref<9000xi32, #tpu.memory_space<vmem>>[vector<16xi32>], vector<16xi32>,
      %parallel_loop3A_371 = arith.constant 16 : i32
      %parallel_loop3A_372 = vector.broadcast %parallel_loop3A_371 : i32 to vector<16xi32>
      %parallel_loop3A_373 = arith.shli %parallel_loop3A_370, %parallel_loop3A_372 : vector<16xi32>
      %parallel_loop3A_374 = vector.bitcast %parallel_loop3A_373 : vector<16xi32> to vector<16xf32>
      %parallel_loop3A_375 = arith.addf %parallel_loop3A_263, %parallel_loop3A_374 : vector<16xf32>
      %parallel_loop3A_376 = arith.constant -65536 : i32
      %parallel_loop3A_377 = vector.broadcast %parallel_loop3A_376 : i32 to vector<16xi32>
      %parallel_loop3A_378 = arith.andi %parallel_loop3A_370, %parallel_loop3A_377 : vector<16xi32>
      %parallel_loop3A_379 = vector.bitcast %parallel_loop3A_378 : vector<16xi32> to vector<16xf32>
      %parallel_loop3A_380 = arith.addf %parallel_loop3A_268, %parallel_loop3A_379 : vector<16xf32>
      %parallel_loop3A_381 = arith.constant 3 : i32
      %parallel_loop3A_382 = vector.broadcast %parallel_loop3A_381 : i32 to vector<16xi32>
      %parallel_loop3A_383 = arith.addi %parallel_loop3A_26, %parallel_loop3A_382 : vector<16xi32>
      %parallel_loop3A_384 = tpu.vector_load_idx %arg5[%parallel_loop3A_383] : memref<9000xi32, #tpu.memory_space<vmem>>[vector<16xi32>], vector<16xi32>,
      %parallel_loop3A_385 = arith.constant 16 : i32
      %parallel_loop3A_386 = vector.broadcast %parallel_loop3A_385 : i32 to vector<16xi32>
      %parallel_loop3A_387 = arith.shli %parallel_loop3A_384, %parallel_loop3A_386 : vector<16xi32>
      %parallel_loop3A_388 = vector.bitcast %parallel_loop3A_387 : vector<16xi32> to vector<16xf32>
      %parallel_loop3A_389 = arith.addf %parallel_loop3A_277, %parallel_loop3A_388 : vector<16xf32>
      %parallel_loop3A_390 = arith.constant -65536 : i32
      %parallel_loop3A_391 = vector.broadcast %parallel_loop3A_390 : i32 to vector<16xi32>
      %parallel_loop3A_392 = arith.andi %parallel_loop3A_384, %parallel_loop3A_391 : vector<16xi32>
      %parallel_loop3A_393 = vector.bitcast %parallel_loop3A_392 : vector<16xi32> to vector<16xf32>
      %parallel_loop3A_394 = arith.addf %parallel_loop3A_282, %parallel_loop3A_393 : vector<16xf32>
      %parallel_loop3A_395 = arith.constant 4 : i32
      %parallel_loop3A_396 = vector.broadcast %parallel_loop3A_395 : i32 to vector<16xi32>
      %parallel_loop3A_397 = arith.addi %parallel_loop3A_26, %parallel_loop3A_396 : vector<16xi32>
      %parallel_loop3A_398 = tpu.vector_load_idx %arg5[%parallel_loop3A_397] : memref<9000xi32, #tpu.memory_space<vmem>>[vector<16xi32>], vector<16xi32>,
      %parallel_loop3A_399 = arith.constant 16 : i32
      %parallel_loop3A_400 = vector.broadcast %parallel_loop3A_399 : i32 to vector<16xi32>
      %parallel_loop3A_401 = arith.shli %parallel_loop3A_398, %parallel_loop3A_400 : vector<16xi32>
      %parallel_loop3A_402 = vector.bitcast %parallel_loop3A_401 : vector<16xi32> to vector<16xf32>
      %parallel_loop3A_403 = arith.addf %parallel_loop3A_291, %parallel_loop3A_402 : vector<16xf32>
      %parallel_loop3A_404 = arith.constant -65536 : i32
      %parallel_loop3A_405 = vector.broadcast %parallel_loop3A_404 : i32 to vector<16xi32>
      %parallel_loop3A_406 = arith.andi %parallel_loop3A_398, %parallel_loop3A_405 : vector<16xi32>
      %parallel_loop3A_407 = vector.bitcast %parallel_loop3A_406 : vector<16xi32> to vector<16xf32>
      %parallel_loop3A_408 = arith.addf %parallel_loop3A_296, %parallel_loop3A_407 : vector<16xf32>
      %parallel_loop3A_409 = arith.constant 5 : i32
      %parallel_loop3A_410 = vector.broadcast %parallel_loop3A_409 : i32 to vector<16xi32>
      %parallel_loop3A_411 = arith.addi %parallel_loop3A_26, %parallel_loop3A_410 : vector<16xi32>
      %parallel_loop3A_412 = tpu.vector_load_idx %arg5[%parallel_loop3A_411] : memref<9000xi32, #tpu.memory_space<vmem>>[vector<16xi32>], vector<16xi32>,
      %parallel_loop3A_413 = arith.constant 16 : i32
      %parallel_loop3A_414 = vector.broadcast %parallel_loop3A_413 : i32 to vector<16xi32>
      %parallel_loop3A_415 = arith.shli %parallel_loop3A_412, %parallel_loop3A_414 : vector<16xi32>
      %parallel_loop3A_416 = vector.bitcast %parallel_loop3A_415 : vector<16xi32> to vector<16xf32>
      %parallel_loop3A_417 = arith.addf %parallel_loop3A_305, %parallel_loop3A_416 : vector<16xf32>
      %parallel_loop3A_418 = arith.constant -65536 : i32
      %parallel_loop3A_419 = vector.broadcast %parallel_loop3A_418 : i32 to vector<16xi32>
      %parallel_loop3A_420 = arith.andi %parallel_loop3A_412, %parallel_loop3A_419 : vector<16xi32>
      %parallel_loop3A_421 = vector.bitcast %parallel_loop3A_420 : vector<16xi32> to vector<16xf32>
      %parallel_loop3A_422 = arith.addf %parallel_loop3A_310, %parallel_loop3A_421 : vector<16xf32>
      %parallel_loop3A_423 = arith.constant 6 : i32
      %parallel_loop3A_424 = vector.broadcast %parallel_loop3A_423 : i32 to vector<16xi32>
      %parallel_loop3A_425 = arith.addi %parallel_loop3A_26, %parallel_loop3A_424 : vector<16xi32>
      %parallel_loop3A_426 = tpu.vector_load_idx %arg5[%parallel_loop3A_425] : memref<9000xi32, #tpu.memory_space<vmem>>[vector<16xi32>], vector<16xi32>,
      %parallel_loop3A_427 = arith.constant 16 : i32
      %parallel_loop3A_428 = vector.broadcast %parallel_loop3A_427 : i32 to vector<16xi32>
      %parallel_loop3A_429 = arith.shli %parallel_loop3A_426, %parallel_loop3A_428 : vector<16xi32>
      %parallel_loop3A_430 = vector.bitcast %parallel_loop3A_429 : vector<16xi32> to vector<16xf32>
      %parallel_loop3A_431 = arith.addf %parallel_loop3A_319, %parallel_loop3A_430 : vector<16xf32>
      %parallel_loop3A_432 = arith.constant -65536 : i32
      %parallel_loop3A_433 = vector.broadcast %parallel_loop3A_432 : i32 to vector<16xi32>
      %parallel_loop3A_434 = arith.andi %parallel_loop3A_426, %parallel_loop3A_433 : vector<16xi32>
      %parallel_loop3A_435 = vector.bitcast %parallel_loop3A_434 : vector<16xi32> to vector<16xf32>
      %parallel_loop3A_436 = arith.addf %parallel_loop3A_324, %parallel_loop3A_435 : vector<16xf32>
      %parallel_loop3A_437 = arith.constant 7 : i32
      %parallel_loop3A_438 = vector.broadcast %parallel_loop3A_437 : i32 to vector<16xi32>
      %parallel_loop3A_439 = arith.addi %parallel_loop3A_26, %parallel_loop3A_438 : vector<16xi32>
      %parallel_loop3A_440 = tpu.vector_load_idx %arg5[%parallel_loop3A_439] : memref<9000xi32, #tpu.memory_space<vmem>>[vector<16xi32>], vector<16xi32>,
      %parallel_loop3A_441 = arith.constant 16 : i32
      %parallel_loop3A_442 = vector.broadcast %parallel_loop3A_441 : i32 to vector<16xi32>
      %parallel_loop3A_443 = arith.shli %parallel_loop3A_440, %parallel_loop3A_442 : vector<16xi32>
      %parallel_loop3A_444 = vector.bitcast %parallel_loop3A_443 : vector<16xi32> to vector<16xf32>
      %parallel_loop3A_445 = arith.addf %parallel_loop3A_333, %parallel_loop3A_444 : vector<16xf32>
      %parallel_loop3A_446 = arith.constant -65536 : i32
      %parallel_loop3A_447 = vector.broadcast %parallel_loop3A_446 : i32 to vector<16xi32>
      %parallel_loop3A_448 = arith.andi %parallel_loop3A_440, %parallel_loop3A_447 : vector<16xi32>
      %parallel_loop3A_449 = vector.bitcast %parallel_loop3A_448 : vector<16xi32> to vector<16xf32>
      %parallel_loop3A_450 = arith.addf %parallel_loop3A_338, %parallel_loop3A_449 : vector<16xf32>
      %parallel_loop3A_451 = arith.constant 0 : i32
      %parallel_loop3A_452 = vector.broadcast %parallel_loop3A_451 : i32 to vector<16xi32>
      %parallel_loop3A_453 = arith.addi %parallel_loop3A_33, %parallel_loop3A_452 : vector<16xi32>
      %parallel_loop3A_454 = tpu.vector_load_idx %arg5[%parallel_loop3A_453] : memref<9000xi32, #tpu.memory_space<vmem>>[vector<16xi32>], vector<16xi32>,
      %parallel_loop3A_455 = arith.constant 16 : i32
      %parallel_loop3A_456 = vector.broadcast %parallel_loop3A_455 : i32 to vector<16xi32>
      %parallel_loop3A_457 = arith.shli %parallel_loop3A_454, %parallel_loop3A_456 : vector<16xi32>
      %parallel_loop3A_458 = vector.bitcast %parallel_loop3A_457 : vector<16xi32> to vector<16xf32>
      %parallel_loop3A_459 = arith.addf %parallel_loop3A_347, %parallel_loop3A_458 : vector<16xf32>
      %parallel_loop3A_460 = arith.constant -65536 : i32
      %parallel_loop3A_461 = vector.broadcast %parallel_loop3A_460 : i32 to vector<16xi32>
      %parallel_loop3A_462 = arith.andi %parallel_loop3A_454, %parallel_loop3A_461 : vector<16xi32>
      %parallel_loop3A_463 = vector.bitcast %parallel_loop3A_462 : vector<16xi32> to vector<16xf32>
      %parallel_loop3A_464 = arith.addf %parallel_loop3A_352, %parallel_loop3A_463 : vector<16xf32>
      %parallel_loop3A_465 = arith.constant 1 : i32
      %parallel_loop3A_466 = vector.broadcast %parallel_loop3A_465 : i32 to vector<16xi32>
      %parallel_loop3A_467 = arith.addi %parallel_loop3A_33, %parallel_loop3A_466 : vector<16xi32>
      %parallel_loop3A_468 = tpu.vector_load_idx %arg5[%parallel_loop3A_467] : memref<9000xi32, #tpu.memory_space<vmem>>[vector<16xi32>], vector<16xi32>,
      %parallel_loop3A_469 = arith.constant 16 : i32
      %parallel_loop3A_470 = vector.broadcast %parallel_loop3A_469 : i32 to vector<16xi32>
      %parallel_loop3A_471 = arith.shli %parallel_loop3A_468, %parallel_loop3A_470 : vector<16xi32>
      %parallel_loop3A_472 = vector.bitcast %parallel_loop3A_471 : vector<16xi32> to vector<16xf32>
      %parallel_loop3A_473 = arith.addf %parallel_loop3A_361, %parallel_loop3A_472 : vector<16xf32>
      %parallel_loop3A_474 = arith.constant -65536 : i32
      %parallel_loop3A_475 = vector.broadcast %parallel_loop3A_474 : i32 to vector<16xi32>
      %parallel_loop3A_476 = arith.andi %parallel_loop3A_468, %parallel_loop3A_475 : vector<16xi32>
      %parallel_loop3A_477 = vector.bitcast %parallel_loop3A_476 : vector<16xi32> to vector<16xf32>
      %parallel_loop3A_478 = arith.addf %parallel_loop3A_366, %parallel_loop3A_477 : vector<16xf32>
      %parallel_loop3A_479 = arith.constant 2 : i32
      %parallel_loop3A_480 = vector.broadcast %parallel_loop3A_479 : i32 to vector<16xi32>
      %parallel_loop3A_481 = arith.addi %parallel_loop3A_33, %parallel_loop3A_480 : vector<16xi32>
      %parallel_loop3A_482 = tpu.vector_load_idx %arg5[%parallel_loop3A_481] : memref<9000xi32, #tpu.memory_space<vmem>>[vector<16xi32>], vector<16xi32>,
      %parallel_loop3A_483 = arith.constant 16 : i32
      %parallel_loop3A_484 = vector.broadcast %parallel_loop3A_483 : i32 to vector<16xi32>
      %parallel_loop3A_485 = arith.shli %parallel_loop3A_482, %parallel_loop3A_484 : vector<16xi32>
      %parallel_loop3A_486 = vector.bitcast %parallel_loop3A_485 : vector<16xi32> to vector<16xf32>
      %parallel_loop3A_487 = arith.addf %parallel_loop3A_375, %parallel_loop3A_486 : vector<16xf32>
      %parallel_loop3A_488 = arith.constant -65536 : i32
      %parallel_loop3A_489 = vector.broadcast %parallel_loop3A_488 : i32 to vector<16xi32>
      %parallel_loop3A_490 = arith.andi %parallel_loop3A_482, %parallel_loop3A_489 : vector<16xi32>
      %parallel_loop3A_491 = vector.bitcast %parallel_loop3A_490 : vector<16xi32> to vector<16xf32>
      %parallel_loop3A_492 = arith.addf %parallel_loop3A_380, %parallel_loop3A_491 : vector<16xf32>
      %parallel_loop3A_493 = arith.constant 3 : i32
      %parallel_loop3A_494 = vector.broadcast %parallel_loop3A_493 : i32 to vector<16xi32>
      %parallel_loop3A_495 = arith.addi %parallel_loop3A_33, %parallel_loop3A_494 : vector<16xi32>
      %parallel_loop3A_496 = tpu.vector_load_idx %arg5[%parallel_loop3A_495] : memref<9000xi32, #tpu.memory_space<vmem>>[vector<16xi32>], vector<16xi32>,
      %parallel_loop3A_497 = arith.constant 16 : i32
      %parallel_loop3A_498 = vector.broadcast %parallel_loop3A_497 : i32 to vector<16xi32>
      %parallel_loop3A_499 = arith.shli %parallel_loop3A_496, %parallel_loop3A_498 : vector<16xi32>
      %parallel_loop3A_500 = vector.bitcast %parallel_loop3A_499 : vector<16xi32> to vector<16xf32>
      %parallel_loop3A_501 = arith.addf %parallel_loop3A_389, %parallel_loop3A_500 : vector<16xf32>
      %parallel_loop3A_502 = arith.constant -65536 : i32
      %parallel_loop3A_503 = vector.broadcast %parallel_loop3A_502 : i32 to vector<16xi32>
      %parallel_loop3A_504 = arith.andi %parallel_loop3A_496, %parallel_loop3A_503 : vector<16xi32>
      %parallel_loop3A_505 = vector.bitcast %parallel_loop3A_504 : vector<16xi32> to vector<16xf32>
      %parallel_loop3A_506 = arith.addf %parallel_loop3A_394, %parallel_loop3A_505 : vector<16xf32>
      %parallel_loop3A_507 = arith.constant 4 : i32
      %parallel_loop3A_508 = vector.broadcast %parallel_loop3A_507 : i32 to vector<16xi32>
      %parallel_loop3A_509 = arith.addi %parallel_loop3A_33, %parallel_loop3A_508 : vector<16xi32>
      %parallel_loop3A_510 = tpu.vector_load_idx %arg5[%parallel_loop3A_509] : memref<9000xi32, #tpu.memory_space<vmem>>[vector<16xi32>], vector<16xi32>,
      %parallel_loop3A_511 = arith.constant 16 : i32
      %parallel_loop3A_512 = vector.broadcast %parallel_loop3A_511 : i32 to vector<16xi32>
      %parallel_loop3A_513 = arith.shli %parallel_loop3A_510, %parallel_loop3A_512 : vector<16xi32>
      %parallel_loop3A_514 = vector.bitcast %parallel_loop3A_513 : vector<16xi32> to vector<16xf32>
      %parallel_loop3A_515 = arith.addf %parallel_loop3A_403, %parallel_loop3A_514 : vector<16xf32>
      %parallel_loop3A_516 = arith.constant -65536 : i32
      %parallel_loop3A_517 = vector.broadcast %parallel_loop3A_516 : i32 to vector<16xi32>
      %parallel_loop3A_518 = arith.andi %parallel_loop3A_510, %parallel_loop3A_517 : vector<16xi32>
      %parallel_loop3A_519 = vector.bitcast %parallel_loop3A_518 : vector<16xi32> to vector<16xf32>
      %parallel_loop3A_520 = arith.addf %parallel_loop3A_408, %parallel_loop3A_519 : vector<16xf32>
      %parallel_loop3A_521 = arith.constant 5 : i32
      %parallel_loop3A_522 = vector.broadcast %parallel_loop3A_521 : i32 to vector<16xi32>
      %parallel_loop3A_523 = arith.addi %parallel_loop3A_33, %parallel_loop3A_522 : vector<16xi32>
      %parallel_loop3A_524 = tpu.vector_load_idx %arg5[%parallel_loop3A_523] : memref<9000xi32, #tpu.memory_space<vmem>>[vector<16xi32>], vector<16xi32>,
      %parallel_loop3A_525 = arith.constant 16 : i32
      %parallel_loop3A_526 = vector.broadcast %parallel_loop3A_525 : i32 to vector<16xi32>
      %parallel_loop3A_527 = arith.shli %parallel_loop3A_524, %parallel_loop3A_526 : vector<16xi32>
      %parallel_loop3A_528 = vector.bitcast %parallel_loop3A_527 : vector<16xi32> to vector<16xf32>
      %parallel_loop3A_529 = arith.addf %parallel_loop3A_417, %parallel_loop3A_528 : vector<16xf32>
      %parallel_loop3A_530 = arith.constant -65536 : i32
      %parallel_loop3A_531 = vector.broadcast %parallel_loop3A_530 : i32 to vector<16xi32>
      %parallel_loop3A_532 = arith.andi %parallel_loop3A_524, %parallel_loop3A_531 : vector<16xi32>
      %parallel_loop3A_533 = vector.bitcast %parallel_loop3A_532 : vector<16xi32> to vector<16xf32>
      %parallel_loop3A_534 = arith.addf %parallel_loop3A_422, %parallel_loop3A_533 : vector<16xf32>
      %parallel_loop3A_535 = arith.constant 6 : i32
      %parallel_loop3A_536 = vector.broadcast %parallel_loop3A_535 : i32 to vector<16xi32>
      %parallel_loop3A_537 = arith.addi %parallel_loop3A_33, %parallel_loop3A_536 : vector<16xi32>
      %parallel_loop3A_538 = tpu.vector_load_idx %arg5[%parallel_loop3A_537] : memref<9000xi32, #tpu.memory_space<vmem>>[vector<16xi32>], vector<16xi32>,
      %parallel_loop3A_539 = arith.constant 16 : i32
      %parallel_loop3A_540 = vector.broadcast %parallel_loop3A_539 : i32 to vector<16xi32>
      %parallel_loop3A_541 = arith.shli %parallel_loop3A_538, %parallel_loop3A_540 : vector<16xi32>
      %parallel_loop3A_542 = vector.bitcast %parallel_loop3A_541 : vector<16xi32> to vector<16xf32>
      %parallel_loop3A_543 = arith.addf %parallel_loop3A_431, %parallel_loop3A_542 : vector<16xf32>
      %parallel_loop3A_544 = arith.constant -65536 : i32
      %parallel_loop3A_545 = vector.broadcast %parallel_loop3A_544 : i32 to vector<16xi32>
      %parallel_loop3A_546 = arith.andi %parallel_loop3A_538, %parallel_loop3A_545 : vector<16xi32>
      %parallel_loop3A_547 = vector.bitcast %parallel_loop3A_546 : vector<16xi32> to vector<16xf32>
      %parallel_loop3A_548 = arith.addf %parallel_loop3A_436, %parallel_loop3A_547 : vector<16xf32>
      %parallel_loop3A_549 = arith.constant 7 : i32
      %parallel_loop3A_550 = vector.broadcast %parallel_loop3A_549 : i32 to vector<16xi32>
      %parallel_loop3A_551 = arith.addi %parallel_loop3A_33, %parallel_loop3A_550 : vector<16xi32>
      %parallel_loop3A_552 = tpu.vector_load_idx %arg5[%parallel_loop3A_551] : memref<9000xi32, #tpu.memory_space<vmem>>[vector<16xi32>], vector<16xi32>,
      %parallel_loop3A_553 = arith.constant 16 : i32
      %parallel_loop3A_554 = vector.broadcast %parallel_loop3A_553 : i32 to vector<16xi32>
      %parallel_loop3A_555 = arith.shli %parallel_loop3A_552, %parallel_loop3A_554 : vector<16xi32>
      %parallel_loop3A_556 = vector.bitcast %parallel_loop3A_555 : vector<16xi32> to vector<16xf32>
      %parallel_loop3A_557 = arith.addf %parallel_loop3A_445, %parallel_loop3A_556 : vector<16xf32>
      %parallel_loop3A_558 = arith.constant -65536 : i32
      %parallel_loop3A_559 = vector.broadcast %parallel_loop3A_558 : i32 to vector<16xi32>
      %parallel_loop3A_560 = arith.andi %parallel_loop3A_552, %parallel_loop3A_559 : vector<16xi32>
      %parallel_loop3A_561 = vector.bitcast %parallel_loop3A_560 : vector<16xi32> to vector<16xf32>
      %parallel_loop3A_562 = arith.addf %parallel_loop3A_450, %parallel_loop3A_561 : vector<16xf32>
      %parallel_loop3A_563 = arith.constant 0 : i32
      %parallel_loop3A_564 = vector.broadcast %parallel_loop3A_563 : i32 to vector<16xi32>
      %parallel_loop3A_565 = arith.addi %parallel_loop3A_40, %parallel_loop3A_564 : vector<16xi32>
      %parallel_loop3A_566 = tpu.vector_load_idx %arg5[%parallel_loop3A_565] : memref<9000xi32, #tpu.memory_space<vmem>>[vector<16xi32>], vector<16xi32>,
      %parallel_loop3A_567 = arith.constant 16 : i32
      %parallel_loop3A_568 = vector.broadcast %parallel_loop3A_567 : i32 to vector<16xi32>
      %parallel_loop3A_569 = arith.shli %parallel_loop3A_566, %parallel_loop3A_568 : vector<16xi32>
      %parallel_loop3A_570 = vector.bitcast %parallel_loop3A_569 : vector<16xi32> to vector<16xf32>
      %parallel_loop3A_571 = arith.addf %parallel_loop3A_459, %parallel_loop3A_570 : vector<16xf32>
      %parallel_loop3A_572 = arith.constant -65536 : i32
      %parallel_loop3A_573 = vector.broadcast %parallel_loop3A_572 : i32 to vector<16xi32>
      %parallel_loop3A_574 = arith.andi %parallel_loop3A_566, %parallel_loop3A_573 : vector<16xi32>
      %parallel_loop3A_575 = vector.bitcast %parallel_loop3A_574 : vector<16xi32> to vector<16xf32>
      %parallel_loop3A_576 = arith.addf %parallel_loop3A_464, %parallel_loop3A_575 : vector<16xf32>
      %parallel_loop3A_577 = arith.constant 1 : i32
      %parallel_loop3A_578 = vector.broadcast %parallel_loop3A_577 : i32 to vector<16xi32>
      %parallel_loop3A_579 = arith.addi %parallel_loop3A_40, %parallel_loop3A_578 : vector<16xi32>
      %parallel_loop3A_580 = tpu.vector_load_idx %arg5[%parallel_loop3A_579] : memref<9000xi32, #tpu.memory_space<vmem>>[vector<16xi32>], vector<16xi32>,
      %parallel_loop3A_581 = arith.constant 16 : i32
      %parallel_loop3A_582 = vector.broadcast %parallel_loop3A_581 : i32 to vector<16xi32>
      %parallel_loop3A_583 = arith.shli %parallel_loop3A_580, %parallel_loop3A_582 : vector<16xi32>
      %parallel_loop3A_584 = vector.bitcast %parallel_loop3A_583 : vector<16xi32> to vector<16xf32>
      %parallel_loop3A_585 = arith.addf %parallel_loop3A_473, %parallel_loop3A_584 : vector<16xf32>
      %parallel_loop3A_586 = arith.constant -65536 : i32
      %parallel_loop3A_587 = vector.broadcast %parallel_loop3A_586 : i32 to vector<16xi32>
      %parallel_loop3A_588 = arith.andi %parallel_loop3A_580, %parallel_loop3A_587 : vector<16xi32>
      %parallel_loop3A_589 = vector.bitcast %parallel_loop3A_588 : vector<16xi32> to vector<16xf32>
      %parallel_loop3A_590 = arith.addf %parallel_loop3A_478, %parallel_loop3A_589 : vector<16xf32>
      %parallel_loop3A_591 = arith.constant 2 : i32
      %parallel_loop3A_592 = vector.broadcast %parallel_loop3A_591 : i32 to vector<16xi32>
      %parallel_loop3A_593 = arith.addi %parallel_loop3A_40, %parallel_loop3A_592 : vector<16xi32>
      %parallel_loop3A_594 = tpu.vector_load_idx %arg5[%parallel_loop3A_593] : memref<9000xi32, #tpu.memory_space<vmem>>[vector<16xi32>], vector<16xi32>,
      %parallel_loop3A_595 = arith.constant 16 : i32
      %parallel_loop3A_596 = vector.broadcast %parallel_loop3A_595 : i32 to vector<16xi32>
      %parallel_loop3A_597 = arith.shli %parallel_loop3A_594, %parallel_loop3A_596 : vector<16xi32>
      %parallel_loop3A_598 = vector.bitcast %parallel_loop3A_597 : vector<16xi32> to vector<16xf32>
      %parallel_loop3A_599 = arith.addf %parallel_loop3A_487, %parallel_loop3A_598 : vector<16xf32>
      %parallel_loop3A_600 = arith.constant -65536 : i32
      %parallel_loop3A_601 = vector.broadcast %parallel_loop3A_600 : i32 to vector<16xi32>
      %parallel_loop3A_602 = arith.andi %parallel_loop3A_594, %parallel_loop3A_601 : vector<16xi32>
      %parallel_loop3A_603 = vector.bitcast %parallel_loop3A_602 : vector<16xi32> to vector<16xf32>
      %parallel_loop3A_604 = arith.addf %parallel_loop3A_492, %parallel_loop3A_603 : vector<16xf32>
      %parallel_loop3A_605 = arith.constant 3 : i32
      %parallel_loop3A_606 = vector.broadcast %parallel_loop3A_605 : i32 to vector<16xi32>
      %parallel_loop3A_607 = arith.addi %parallel_loop3A_40, %parallel_loop3A_606 : vector<16xi32>
      %parallel_loop3A_608 = tpu.vector_load_idx %arg5[%parallel_loop3A_607] : memref<9000xi32, #tpu.memory_space<vmem>>[vector<16xi32>], vector<16xi32>,
      %parallel_loop3A_609 = arith.constant 16 : i32
      %parallel_loop3A_610 = vector.broadcast %parallel_loop3A_609 : i32 to vector<16xi32>
      %parallel_loop3A_611 = arith.shli %parallel_loop3A_608, %parallel_loop3A_610 : vector<16xi32>
      %parallel_loop3A_612 = vector.bitcast %parallel_loop3A_611 : vector<16xi32> to vector<16xf32>
      %parallel_loop3A_613 = arith.addf %parallel_loop3A_501, %parallel_loop3A_612 : vector<16xf32>
      %parallel_loop3A_614 = arith.constant -65536 : i32
      %parallel_loop3A_615 = vector.broadcast %parallel_loop3A_614 : i32 to vector<16xi32>
      %parallel_loop3A_616 = arith.andi %parallel_loop3A_608, %parallel_loop3A_615 : vector<16xi32>
      %parallel_loop3A_617 = vector.bitcast %parallel_loop3A_616 : vector<16xi32> to vector<16xf32>
      %parallel_loop3A_618 = arith.addf %parallel_loop3A_506, %parallel_loop3A_617 : vector<16xf32>
      %parallel_loop3A_619 = arith.constant 4 : i32
      %parallel_loop3A_620 = vector.broadcast %parallel_loop3A_619 : i32 to vector<16xi32>
      %parallel_loop3A_621 = arith.addi %parallel_loop3A_40, %parallel_loop3A_620 : vector<16xi32>
      %parallel_loop3A_622 = tpu.vector_load_idx %arg5[%parallel_loop3A_621] : memref<9000xi32, #tpu.memory_space<vmem>>[vector<16xi32>], vector<16xi32>,
      %parallel_loop3A_623 = arith.constant 16 : i32
      %parallel_loop3A_624 = vector.broadcast %parallel_loop3A_623 : i32 to vector<16xi32>
      %parallel_loop3A_625 = arith.shli %parallel_loop3A_622, %parallel_loop3A_624 : vector<16xi32>
      %parallel_loop3A_626 = vector.bitcast %parallel_loop3A_625 : vector<16xi32> to vector<16xf32>
      %parallel_loop3A_627 = arith.addf %parallel_loop3A_515, %parallel_loop3A_626 : vector<16xf32>
      %parallel_loop3A_628 = arith.constant -65536 : i32
      %parallel_loop3A_629 = vector.broadcast %parallel_loop3A_628 : i32 to vector<16xi32>
      %parallel_loop3A_630 = arith.andi %parallel_loop3A_622, %parallel_loop3A_629 : vector<16xi32>
      %parallel_loop3A_631 = vector.bitcast %parallel_loop3A_630 : vector<16xi32> to vector<16xf32>
      %parallel_loop3A_632 = arith.addf %parallel_loop3A_520, %parallel_loop3A_631 : vector<16xf32>
      %parallel_loop3A_633 = arith.constant 5 : i32
      %parallel_loop3A_634 = vector.broadcast %parallel_loop3A_633 : i32 to vector<16xi32>
      %parallel_loop3A_635 = arith.addi %parallel_loop3A_40, %parallel_loop3A_634 : vector<16xi32>
      %parallel_loop3A_636 = tpu.vector_load_idx %arg5[%parallel_loop3A_635] : memref<9000xi32, #tpu.memory_space<vmem>>[vector<16xi32>], vector<16xi32>,
      %parallel_loop3A_637 = arith.constant 16 : i32
      %parallel_loop3A_638 = vector.broadcast %parallel_loop3A_637 : i32 to vector<16xi32>
      %parallel_loop3A_639 = arith.shli %parallel_loop3A_636, %parallel_loop3A_638 : vector<16xi32>
      %parallel_loop3A_640 = vector.bitcast %parallel_loop3A_639 : vector<16xi32> to vector<16xf32>
      %parallel_loop3A_641 = arith.addf %parallel_loop3A_529, %parallel_loop3A_640 : vector<16xf32>
      %parallel_loop3A_642 = arith.constant -65536 : i32
      %parallel_loop3A_643 = vector.broadcast %parallel_loop3A_642 : i32 to vector<16xi32>
      %parallel_loop3A_644 = arith.andi %parallel_loop3A_636, %parallel_loop3A_643 : vector<16xi32>
      %parallel_loop3A_645 = vector.bitcast %parallel_loop3A_644 : vector<16xi32> to vector<16xf32>
      %parallel_loop3A_646 = arith.addf %parallel_loop3A_534, %parallel_loop3A_645 : vector<16xf32>
      %parallel_loop3A_647 = arith.constant 6 : i32
      %parallel_loop3A_648 = vector.broadcast %parallel_loop3A_647 : i32 to vector<16xi32>
      %parallel_loop3A_649 = arith.addi %parallel_loop3A_40, %parallel_loop3A_648 : vector<16xi32>
      %parallel_loop3A_650 = tpu.vector_load_idx %arg5[%parallel_loop3A_649] : memref<9000xi32, #tpu.memory_space<vmem>>[vector<16xi32>], vector<16xi32>,
      %parallel_loop3A_651 = arith.constant 16 : i32
      %parallel_loop3A_652 = vector.broadcast %parallel_loop3A_651 : i32 to vector<16xi32>
      %parallel_loop3A_653 = arith.shli %parallel_loop3A_650, %parallel_loop3A_652 : vector<16xi32>
      %parallel_loop3A_654 = vector.bitcast %parallel_loop3A_653 : vector<16xi32> to vector<16xf32>
      %parallel_loop3A_655 = arith.addf %parallel_loop3A_543, %parallel_loop3A_654 : vector<16xf32>
      %parallel_loop3A_656 = arith.constant -65536 : i32
      %parallel_loop3A_657 = vector.broadcast %parallel_loop3A_656 : i32 to vector<16xi32>
      %parallel_loop3A_658 = arith.andi %parallel_loop3A_650, %parallel_loop3A_657 : vector<16xi32>
      %parallel_loop3A_659 = vector.bitcast %parallel_loop3A_658 : vector<16xi32> to vector<16xf32>
      %parallel_loop3A_660 = arith.addf %parallel_loop3A_548, %parallel_loop3A_659 : vector<16xf32>
      %parallel_loop3A_661 = arith.constant 7 : i32
      %parallel_loop3A_662 = vector.broadcast %parallel_loop3A_661 : i32 to vector<16xi32>
      %parallel_loop3A_663 = arith.addi %parallel_loop3A_40, %parallel_loop3A_662 : vector<16xi32>
      %parallel_loop3A_664 = tpu.vector_load_idx %arg5[%parallel_loop3A_663] : memref<9000xi32, #tpu.memory_space<vmem>>[vector<16xi32>], vector<16xi32>,
      %parallel_loop3A_665 = arith.constant 16 : i32
      %parallel_loop3A_666 = vector.broadcast %parallel_loop3A_665 : i32 to vector<16xi32>
      %parallel_loop3A_667 = arith.shli %parallel_loop3A_664, %parallel_loop3A_666 : vector<16xi32>
      %parallel_loop3A_668 = vector.bitcast %parallel_loop3A_667 : vector<16xi32> to vector<16xf32>
      %parallel_loop3A_669 = arith.addf %parallel_loop3A_557, %parallel_loop3A_668 : vector<16xf32>
      %parallel_loop3A_670 = arith.constant -65536 : i32
      %parallel_loop3A_671 = vector.broadcast %parallel_loop3A_670 : i32 to vector<16xi32>
      %parallel_loop3A_672 = arith.andi %parallel_loop3A_664, %parallel_loop3A_671 : vector<16xi32>
      %parallel_loop3A_673 = vector.bitcast %parallel_loop3A_672 : vector<16xi32> to vector<16xf32>
      %parallel_loop3A_674 = arith.addf %parallel_loop3A_562, %parallel_loop3A_673 : vector<16xf32>
      %parallel_loop3A_675 = arith.constant 0 : i32
      %parallel_loop3A_676 = vector.broadcast %parallel_loop3A_675 : i32 to vector<16xi32>
      %parallel_loop3A_677 = arith.addi %parallel_loop3A_47, %parallel_loop3A_676 : vector<16xi32>
      %parallel_loop3A_678 = tpu.vector_load_idx %arg5[%parallel_loop3A_677] : memref<9000xi32, #tpu.memory_space<vmem>>[vector<16xi32>], vector<16xi32>,
      %parallel_loop3A_679 = arith.constant 16 : i32
      %parallel_loop3A_680 = vector.broadcast %parallel_loop3A_679 : i32 to vector<16xi32>
      %parallel_loop3A_681 = arith.shli %parallel_loop3A_678, %parallel_loop3A_680 : vector<16xi32>
      %parallel_loop3A_682 = vector.bitcast %parallel_loop3A_681 : vector<16xi32> to vector<16xf32>
      %parallel_loop3A_683 = arith.addf %parallel_loop3A_571, %parallel_loop3A_682 : vector<16xf32>
      %parallel_loop3A_684 = arith.constant -65536 : i32
      %parallel_loop3A_685 = vector.broadcast %parallel_loop3A_684 : i32 to vector<16xi32>
      %parallel_loop3A_686 = arith.andi %parallel_loop3A_678, %parallel_loop3A_685 : vector<16xi32>
      %parallel_loop3A_687 = vector.bitcast %parallel_loop3A_686 : vector<16xi32> to vector<16xf32>
      %parallel_loop3A_688 = arith.addf %parallel_loop3A_576, %parallel_loop3A_687 : vector<16xf32>
      %parallel_loop3A_689 = arith.constant 1 : i32
      %parallel_loop3A_690 = vector.broadcast %parallel_loop3A_689 : i32 to vector<16xi32>
      %parallel_loop3A_691 = arith.addi %parallel_loop3A_47, %parallel_loop3A_690 : vector<16xi32>
      %parallel_loop3A_692 = tpu.vector_load_idx %arg5[%parallel_loop3A_691] : memref<9000xi32, #tpu.memory_space<vmem>>[vector<16xi32>], vector<16xi32>,
      %parallel_loop3A_693 = arith.constant 16 : i32
      %parallel_loop3A_694 = vector.broadcast %parallel_loop3A_693 : i32 to vector<16xi32>
      %parallel_loop3A_695 = arith.shli %parallel_loop3A_692, %parallel_loop3A_694 : vector<16xi32>
      %parallel_loop3A_696 = vector.bitcast %parallel_loop3A_695 : vector<16xi32> to vector<16xf32>
      %parallel_loop3A_697 = arith.addf %parallel_loop3A_585, %parallel_loop3A_696 : vector<16xf32>
      %parallel_loop3A_698 = arith.constant -65536 : i32
      %parallel_loop3A_699 = vector.broadcast %parallel_loop3A_698 : i32 to vector<16xi32>
      %parallel_loop3A_700 = arith.andi %parallel_loop3A_692, %parallel_loop3A_699 : vector<16xi32>
      %parallel_loop3A_701 = vector.bitcast %parallel_loop3A_700 : vector<16xi32> to vector<16xf32>
      %parallel_loop3A_702 = arith.addf %parallel_loop3A_590, %parallel_loop3A_701 : vector<16xf32>
      %parallel_loop3A_703 = arith.constant 2 : i32
      %parallel_loop3A_704 = vector.broadcast %parallel_loop3A_703 : i32 to vector<16xi32>
      %parallel_loop3A_705 = arith.addi %parallel_loop3A_47, %parallel_loop3A_704 : vector<16xi32>
      %parallel_loop3A_706 = tpu.vector_load_idx %arg5[%parallel_loop3A_705] : memref<9000xi32, #tpu.memory_space<vmem>>[vector<16xi32>], vector<16xi32>,
      %parallel_loop3A_707 = arith.constant 16 : i32
      %parallel_loop3A_708 = vector.broadcast %parallel_loop3A_707 : i32 to vector<16xi32>
      %parallel_loop3A_709 = arith.shli %parallel_loop3A_706, %parallel_loop3A_708 : vector<16xi32>
      %parallel_loop3A_710 = vector.bitcast %parallel_loop3A_709 : vector<16xi32> to vector<16xf32>
      %parallel_loop3A_711 = arith.addf %parallel_loop3A_599, %parallel_loop3A_710 : vector<16xf32>
      %parallel_loop3A_712 = arith.constant -65536 : i32
      %parallel_loop3A_713 = vector.broadcast %parallel_loop3A_712 : i32 to vector<16xi32>
      %parallel_loop3A_714 = arith.andi %parallel_loop3A_706, %parallel_loop3A_713 : vector<16xi32>
      %parallel_loop3A_715 = vector.bitcast %parallel_loop3A_714 : vector<16xi32> to vector<16xf32>
      %parallel_loop3A_716 = arith.addf %parallel_loop3A_604, %parallel_loop3A_715 : vector<16xf32>
      %parallel_loop3A_717 = arith.constant 3 : i32
      %parallel_loop3A_718 = vector.broadcast %parallel_loop3A_717 : i32 to vector<16xi32>
      %parallel_loop3A_719 = arith.addi %parallel_loop3A_47, %parallel_loop3A_718 : vector<16xi32>
      %parallel_loop3A_720 = tpu.vector_load_idx %arg5[%parallel_loop3A_719] : memref<9000xi32, #tpu.memory_space<vmem>>[vector<16xi32>], vector<16xi32>,
      %parallel_loop3A_721 = arith.constant 16 : i32
      %parallel_loop3A_722 = vector.broadcast %parallel_loop3A_721 : i32 to vector<16xi32>
      %parallel_loop3A_723 = arith.shli %parallel_loop3A_720, %parallel_loop3A_722 : vector<16xi32>
      %parallel_loop3A_724 = vector.bitcast %parallel_loop3A_723 : vector<16xi32> to vector<16xf32>
      %parallel_loop3A_725 = arith.addf %parallel_loop3A_613, %parallel_loop3A_724 : vector<16xf32>
      %parallel_loop3A_726 = arith.constant -65536 : i32
      %parallel_loop3A_727 = vector.broadcast %parallel_loop3A_726 : i32 to vector<16xi32>
      %parallel_loop3A_728 = arith.andi %parallel_loop3A_720, %parallel_loop3A_727 : vector<16xi32>
      %parallel_loop3A_729 = vector.bitcast %parallel_loop3A_728 : vector<16xi32> to vector<16xf32>
      %parallel_loop3A_730 = arith.addf %parallel_loop3A_618, %parallel_loop3A_729 : vector<16xf32>
      %parallel_loop3A_731 = arith.constant 4 : i32
      %parallel_loop3A_732 = vector.broadcast %parallel_loop3A_731 : i32 to vector<16xi32>
      %parallel_loop3A_733 = arith.addi %parallel_loop3A_47, %parallel_loop3A_732 : vector<16xi32>
      %parallel_loop3A_734 = tpu.vector_load_idx %arg5[%parallel_loop3A_733] : memref<9000xi32, #tpu.memory_space<vmem>>[vector<16xi32>], vector<16xi32>,
      %parallel_loop3A_735 = arith.constant 16 : i32
      %parallel_loop3A_736 = vector.broadcast %parallel_loop3A_735 : i32 to vector<16xi32>
      %parallel_loop3A_737 = arith.shli %parallel_loop3A_734, %parallel_loop3A_736 : vector<16xi32>
      %parallel_loop3A_738 = vector.bitcast %parallel_loop3A_737 : vector<16xi32> to vector<16xf32>
      %parallel_loop3A_739 = arith.addf %parallel_loop3A_627, %parallel_loop3A_738 : vector<16xf32>
      %parallel_loop3A_740 = arith.constant -65536 : i32
      %parallel_loop3A_741 = vector.broadcast %parallel_loop3A_740 : i32 to vector<16xi32>
      %parallel_loop3A_742 = arith.andi %parallel_loop3A_734, %parallel_loop3A_741 : vector<16xi32>
      %parallel_loop3A_743 = vector.bitcast %parallel_loop3A_742 : vector<16xi32> to vector<16xf32>
      %parallel_loop3A_744 = arith.addf %parallel_loop3A_632, %parallel_loop3A_743 : vector<16xf32>
      %parallel_loop3A_745 = arith.constant 5 : i32
      %parallel_loop3A_746 = vector.broadcast %parallel_loop3A_745 : i32 to vector<16xi32>
      %parallel_loop3A_747 = arith.addi %parallel_loop3A_47, %parallel_loop3A_746 : vector<16xi32>
      %parallel_loop3A_748 = tpu.vector_load_idx %arg5[%parallel_loop3A_747] : memref<9000xi32, #tpu.memory_space<vmem>>[vector<16xi32>], vector<16xi32>,
      %parallel_loop3A_749 = arith.constant 16 : i32
      %parallel_loop3A_750 = vector.broadcast %parallel_loop3A_749 : i32 to vector<16xi32>
      %parallel_loop3A_751 = arith.shli %parallel_loop3A_748, %parallel_loop3A_750 : vector<16xi32>
      %parallel_loop3A_752 = vector.bitcast %parallel_loop3A_751 : vector<16xi32> to vector<16xf32>
      %parallel_loop3A_753 = arith.addf %parallel_loop3A_641, %parallel_loop3A_752 : vector<16xf32>
      %parallel_loop3A_754 = arith.constant -65536 : i32
      %parallel_loop3A_755 = vector.broadcast %parallel_loop3A_754 : i32 to vector<16xi32>
      %parallel_loop3A_756 = arith.andi %parallel_loop3A_748, %parallel_loop3A_755 : vector<16xi32>
      %parallel_loop3A_757 = vector.bitcast %parallel_loop3A_756 : vector<16xi32> to vector<16xf32>
      %parallel_loop3A_758 = arith.addf %parallel_loop3A_646, %parallel_loop3A_757 : vector<16xf32>
      %parallel_loop3A_759 = arith.constant 6 : i32
      %parallel_loop3A_760 = vector.broadcast %parallel_loop3A_759 : i32 to vector<16xi32>
      %parallel_loop3A_761 = arith.addi %parallel_loop3A_47, %parallel_loop3A_760 : vector<16xi32>
      %parallel_loop3A_762 = tpu.vector_load_idx %arg5[%parallel_loop3A_761] : memref<9000xi32, #tpu.memory_space<vmem>>[vector<16xi32>], vector<16xi32>,
      %parallel_loop3A_763 = arith.constant 16 : i32
      %parallel_loop3A_764 = vector.broadcast %parallel_loop3A_763 : i32 to vector<16xi32>
      %parallel_loop3A_765 = arith.shli %parallel_loop3A_762, %parallel_loop3A_764 : vector<16xi32>
      %parallel_loop3A_766 = vector.bitcast %parallel_loop3A_765 : vector<16xi32> to vector<16xf32>
      %parallel_loop3A_767 = arith.addf %parallel_loop3A_655, %parallel_loop3A_766 : vector<16xf32>
      %parallel_loop3A_768 = arith.constant -65536 : i32
      %parallel_loop3A_769 = vector.broadcast %parallel_loop3A_768 : i32 to vector<16xi32>
      %parallel_loop3A_770 = arith.andi %parallel_loop3A_762, %parallel_loop3A_769 : vector<16xi32>
      %parallel_loop3A_771 = vector.bitcast %parallel_loop3A_770 : vector<16xi32> to vector<16xf32>
      %parallel_loop3A_772 = arith.addf %parallel_loop3A_660, %parallel_loop3A_771 : vector<16xf32>
      %parallel_loop3A_773 = arith.constant 7 : i32
      %parallel_loop3A_774 = vector.broadcast %parallel_loop3A_773 : i32 to vector<16xi32>
      %parallel_loop3A_775 = arith.addi %parallel_loop3A_47, %parallel_loop3A_774 : vector<16xi32>
      %parallel_loop3A_776 = tpu.vector_load_idx %arg5[%parallel_loop3A_775] : memref<9000xi32, #tpu.memory_space<vmem>>[vector<16xi32>], vector<16xi32>,
      %parallel_loop3A_777 = arith.constant 16 : i32
      %parallel_loop3A_778 = vector.broadcast %parallel_loop3A_777 : i32 to vector<16xi32>
      %parallel_loop3A_779 = arith.shli %parallel_loop3A_776, %parallel_loop3A_778 : vector<16xi32>
      %parallel_loop3A_780 = vector.bitcast %parallel_loop3A_779 : vector<16xi32> to vector<16xf32>
      %parallel_loop3A_781 = arith.addf %parallel_loop3A_669, %parallel_loop3A_780 : vector<16xf32>
      %parallel_loop3A_782 = arith.constant -65536 : i32
      %parallel_loop3A_783 = vector.broadcast %parallel_loop3A_782 : i32 to vector<16xi32>
      %parallel_loop3A_784 = arith.andi %parallel_loop3A_776, %parallel_loop3A_783 : vector<16xi32>
      %parallel_loop3A_785 = vector.bitcast %parallel_loop3A_784 : vector<16xi32> to vector<16xf32>
      %parallel_loop3A_786 = arith.addf %parallel_loop3A_674, %parallel_loop3A_785 : vector<16xf32>
      %parallel_loop3A_787 = arith.constant 0 : i32
      %parallel_loop3A_788 = vector.broadcast %parallel_loop3A_787 : i32 to vector<16xi32>
      %parallel_loop3A_789 = arith.addi %parallel_loop3A_54, %parallel_loop3A_788 : vector<16xi32>
      %parallel_loop3A_790 = tpu.vector_load_idx %arg5[%parallel_loop3A_789] : memref<9000xi32, #tpu.memory_space<vmem>>[vector<16xi32>], vector<16xi32>,
      %parallel_loop3A_791 = arith.constant 16 : i32
      %parallel_loop3A_792 = vector.broadcast %parallel_loop3A_791 : i32 to vector<16xi32>
      %parallel_loop3A_793 = arith.shli %parallel_loop3A_790, %parallel_loop3A_792 : vector<16xi32>
      %parallel_loop3A_794 = vector.bitcast %parallel_loop3A_793 : vector<16xi32> to vector<16xf32>
      %parallel_loop3A_795 = arith.addf %parallel_loop3A_683, %parallel_loop3A_794 : vector<16xf32>
      %parallel_loop3A_796 = arith.constant -65536 : i32
      %parallel_loop3A_797 = vector.broadcast %parallel_loop3A_796 : i32 to vector<16xi32>
      %parallel_loop3A_798 = arith.andi %parallel_loop3A_790, %parallel_loop3A_797 : vector<16xi32>
      %parallel_loop3A_799 = vector.bitcast %parallel_loop3A_798 : vector<16xi32> to vector<16xf32>
      %parallel_loop3A_800 = arith.addf %parallel_loop3A_688, %parallel_loop3A_799 : vector<16xf32>
      %parallel_loop3A_801 = arith.constant 1 : i32
      %parallel_loop3A_802 = vector.broadcast %parallel_loop3A_801 : i32 to vector<16xi32>
      %parallel_loop3A_803 = arith.addi %parallel_loop3A_54, %parallel_loop3A_802 : vector<16xi32>
      %parallel_loop3A_804 = tpu.vector_load_idx %arg5[%parallel_loop3A_803] : memref<9000xi32, #tpu.memory_space<vmem>>[vector<16xi32>], vector<16xi32>,
      %parallel_loop3A_805 = arith.constant 16 : i32
      %parallel_loop3A_806 = vector.broadcast %parallel_loop3A_805 : i32 to vector<16xi32>
      %parallel_loop3A_807 = arith.shli %parallel_loop3A_804, %parallel_loop3A_806 : vector<16xi32>
      %parallel_loop3A_808 = vector.bitcast %parallel_loop3A_807 : vector<16xi32> to vector<16xf32>
      %parallel_loop3A_809 = arith.addf %parallel_loop3A_697, %parallel_loop3A_808 : vector<16xf32>
      %parallel_loop3A_810 = arith.constant -65536 : i32
      %parallel_loop3A_811 = vector.broadcast %parallel_loop3A_810 : i32 to vector<16xi32>
      %parallel_loop3A_812 = arith.andi %parallel_loop3A_804, %parallel_loop3A_811 : vector<16xi32>
      %parallel_loop3A_813 = vector.bitcast %parallel_loop3A_812 : vector<16xi32> to vector<16xf32>
      %parallel_loop3A_814 = arith.addf %parallel_loop3A_702, %parallel_loop3A_813 : vector<16xf32>
      %parallel_loop3A_815 = arith.constant 2 : i32
      %parallel_loop3A_816 = vector.broadcast %parallel_loop3A_815 : i32 to vector<16xi32>
      %parallel_loop3A_817 = arith.addi %parallel_loop3A_54, %parallel_loop3A_816 : vector<16xi32>
      %parallel_loop3A_818 = tpu.vector_load_idx %arg5[%parallel_loop3A_817] : memref<9000xi32, #tpu.memory_space<vmem>>[vector<16xi32>], vector<16xi32>,
      %parallel_loop3A_819 = arith.constant 16 : i32
      %parallel_loop3A_820 = vector.broadcast %parallel_loop3A_819 : i32 to vector<16xi32>
      %parallel_loop3A_821 = arith.shli %parallel_loop3A_818, %parallel_loop3A_820 : vector<16xi32>
      %parallel_loop3A_822 = vector.bitcast %parallel_loop3A_821 : vector<16xi32> to vector<16xf32>
      %parallel_loop3A_823 = arith.addf %parallel_loop3A_711, %parallel_loop3A_822 : vector<16xf32>
      %parallel_loop3A_824 = arith.constant -65536 : i32
      %parallel_loop3A_825 = vector.broadcast %parallel_loop3A_824 : i32 to vector<16xi32>
      %parallel_loop3A_826 = arith.andi %parallel_loop3A_818, %parallel_loop3A_825 : vector<16xi32>
      %parallel_loop3A_827 = vector.bitcast %parallel_loop3A_826 : vector<16xi32> to vector<16xf32>
      %parallel_loop3A_828 = arith.addf %parallel_loop3A_716, %parallel_loop3A_827 : vector<16xf32>
      %parallel_loop3A_829 = arith.constant 3 : i32
      %parallel_loop3A_830 = vector.broadcast %parallel_loop3A_829 : i32 to vector<16xi32>
      %parallel_loop3A_831 = arith.addi %parallel_loop3A_54, %parallel_loop3A_830 : vector<16xi32>
      %parallel_loop3A_832 = tpu.vector_load_idx %arg5[%parallel_loop3A_831] : memref<9000xi32, #tpu.memory_space<vmem>>[vector<16xi32>], vector<16xi32>,
      %parallel_loop3A_833 = arith.constant 16 : i32
      %parallel_loop3A_834 = vector.broadcast %parallel_loop3A_833 : i32 to vector<16xi32>
      %parallel_loop3A_835 = arith.shli %parallel_loop3A_832, %parallel_loop3A_834 : vector<16xi32>
      %parallel_loop3A_836 = vector.bitcast %parallel_loop3A_835 : vector<16xi32> to vector<16xf32>
      %parallel_loop3A_837 = arith.addf %parallel_loop3A_725, %parallel_loop3A_836 : vector<16xf32>
      %parallel_loop3A_838 = arith.constant -65536 : i32
      %parallel_loop3A_839 = vector.broadcast %parallel_loop3A_838 : i32 to vector<16xi32>
      %parallel_loop3A_840 = arith.andi %parallel_loop3A_832, %parallel_loop3A_839 : vector<16xi32>
      %parallel_loop3A_841 = vector.bitcast %parallel_loop3A_840 : vector<16xi32> to vector<16xf32>
      %parallel_loop3A_842 = arith.addf %parallel_loop3A_730, %parallel_loop3A_841 : vector<16xf32>
      %parallel_loop3A_843 = arith.constant 4 : i32
      %parallel_loop3A_844 = vector.broadcast %parallel_loop3A_843 : i32 to vector<16xi32>
      %parallel_loop3A_845 = arith.addi %parallel_loop3A_54, %parallel_loop3A_844 : vector<16xi32>
      %parallel_loop3A_846 = tpu.vector_load_idx %arg5[%parallel_loop3A_845] : memref<9000xi32, #tpu.memory_space<vmem>>[vector<16xi32>], vector<16xi32>,
      %parallel_loop3A_847 = arith.constant 16 : i32
      %parallel_loop3A_848 = vector.broadcast %parallel_loop3A_847 : i32 to vector<16xi32>
      %parallel_loop3A_849 = arith.shli %parallel_loop3A_846, %parallel_loop3A_848 : vector<16xi32>
      %parallel_loop3A_850 = vector.bitcast %parallel_loop3A_849 : vector<16xi32> to vector<16xf32>
      %parallel_loop3A_851 = arith.addf %parallel_loop3A_739, %parallel_loop3A_850 : vector<16xf32>
      %parallel_loop3A_852 = arith.constant -65536 : i32
      %parallel_loop3A_853 = vector.broadcast %parallel_loop3A_852 : i32 to vector<16xi32>
      %parallel_loop3A_854 = arith.andi %parallel_loop3A_846, %parallel_loop3A_853 : vector<16xi32>
      %parallel_loop3A_855 = vector.bitcast %parallel_loop3A_854 : vector<16xi32> to vector<16xf32>
      %parallel_loop3A_856 = arith.addf %parallel_loop3A_744, %parallel_loop3A_855 : vector<16xf32>
      %parallel_loop3A_857 = arith.constant 5 : i32
      %parallel_loop3A_858 = vector.broadcast %parallel_loop3A_857 : i32 to vector<16xi32>
      %parallel_loop3A_859 = arith.addi %parallel_loop3A_54, %parallel_loop3A_858 : vector<16xi32>
      %parallel_loop3A_860 = tpu.vector_load_idx %arg5[%parallel_loop3A_859] : memref<9000xi32, #tpu.memory_space<vmem>>[vector<16xi32>], vector<16xi32>,
      %parallel_loop3A_861 = arith.constant 16 : i32
      %parallel_loop3A_862 = vector.broadcast %parallel_loop3A_861 : i32 to vector<16xi32>
      %parallel_loop3A_863 = arith.shli %parallel_loop3A_860, %parallel_loop3A_862 : vector<16xi32>
      %parallel_loop3A_864 = vector.bitcast %parallel_loop3A_863 : vector<16xi32> to vector<16xf32>
      %parallel_loop3A_865 = arith.addf %parallel_loop3A_753, %parallel_loop3A_864 : vector<16xf32>
      %parallel_loop3A_866 = arith.constant -65536 : i32
      %parallel_loop3A_867 = vector.broadcast %parallel_loop3A_866 : i32 to vector<16xi32>
      %parallel_loop3A_868 = arith.andi %parallel_loop3A_860, %parallel_loop3A_867 : vector<16xi32>
      %parallel_loop3A_869 = vector.bitcast %parallel_loop3A_868 : vector<16xi32> to vector<16xf32>
      %parallel_loop3A_870 = arith.addf %parallel_loop3A_758, %parallel_loop3A_869 : vector<16xf32>
      %parallel_loop3A_871 = arith.constant 6 : i32
      %parallel_loop3A_872 = vector.broadcast %parallel_loop3A_871 : i32 to vector<16xi32>
      %parallel_loop3A_873 = arith.addi %parallel_loop3A_54, %parallel_loop3A_872 : vector<16xi32>
      %parallel_loop3A_874 = tpu.vector_load_idx %arg5[%parallel_loop3A_873] : memref<9000xi32, #tpu.memory_space<vmem>>[vector<16xi32>], vector<16xi32>,
      %parallel_loop3A_875 = arith.constant 16 : i32
      %parallel_loop3A_876 = vector.broadcast %parallel_loop3A_875 : i32 to vector<16xi32>
      %parallel_loop3A_877 = arith.shli %parallel_loop3A_874, %parallel_loop3A_876 : vector<16xi32>
      %parallel_loop3A_878 = vector.bitcast %parallel_loop3A_877 : vector<16xi32> to vector<16xf32>
      %parallel_loop3A_879 = arith.addf %parallel_loop3A_767, %parallel_loop3A_878 : vector<16xf32>
      %parallel_loop3A_880 = arith.constant -65536 : i32
      %parallel_loop3A_881 = vector.broadcast %parallel_loop3A_880 : i32 to vector<16xi32>
      %parallel_loop3A_882 = arith.andi %parallel_loop3A_874, %parallel_loop3A_881 : vector<16xi32>
      %parallel_loop3A_883 = vector.bitcast %parallel_loop3A_882 : vector<16xi32> to vector<16xf32>
      %parallel_loop3A_884 = arith.addf %parallel_loop3A_772, %parallel_loop3A_883 : vector<16xf32>
      %parallel_loop3A_885 = arith.constant 7 : i32
      %parallel_loop3A_886 = vector.broadcast %parallel_loop3A_885 : i32 to vector<16xi32>
      %parallel_loop3A_887 = arith.addi %parallel_loop3A_54, %parallel_loop3A_886 : vector<16xi32>
      %parallel_loop3A_888 = tpu.vector_load_idx %arg5[%parallel_loop3A_887] : memref<9000xi32, #tpu.memory_space<vmem>>[vector<16xi32>], vector<16xi32>,
      %parallel_loop3A_889 = arith.constant 16 : i32
      %parallel_loop3A_890 = vector.broadcast %parallel_loop3A_889 : i32 to vector<16xi32>
      %parallel_loop3A_891 = arith.shli %parallel_loop3A_888, %parallel_loop3A_890 : vector<16xi32>
      %parallel_loop3A_892 = vector.bitcast %parallel_loop3A_891 : vector<16xi32> to vector<16xf32>
      %parallel_loop3A_893 = arith.addf %parallel_loop3A_781, %parallel_loop3A_892 : vector<16xf32>
      %parallel_loop3A_894 = arith.constant -65536 : i32
      %parallel_loop3A_895 = vector.broadcast %parallel_loop3A_894 : i32 to vector<16xi32>
      %parallel_loop3A_896 = arith.andi %parallel_loop3A_888, %parallel_loop3A_895 : vector<16xi32>
      %parallel_loop3A_897 = vector.bitcast %parallel_loop3A_896 : vector<16xi32> to vector<16xf32>
      %parallel_loop3A_898 = arith.addf %parallel_loop3A_786, %parallel_loop3A_897 : vector<16xf32>
      %parallel_loop3A_899 = arith.constant 0 : i32
      %parallel_loop3A_900 = vector.broadcast %parallel_loop3A_899 : i32 to vector<16xi32>
      %parallel_loop3A_901 = arith.addi %parallel_loop3A_61, %parallel_loop3A_900 : vector<16xi32>
      %parallel_loop3A_902 = tpu.vector_load_idx %arg5[%parallel_loop3A_901] : memref<9000xi32, #tpu.memory_space<vmem>>[vector<16xi32>], vector<16xi32>,
      %parallel_loop3A_903 = arith.constant 16 : i32
      %parallel_loop3A_904 = vector.broadcast %parallel_loop3A_903 : i32 to vector<16xi32>
      %parallel_loop3A_905 = arith.shli %parallel_loop3A_902, %parallel_loop3A_904 : vector<16xi32>
      %parallel_loop3A_906 = vector.bitcast %parallel_loop3A_905 : vector<16xi32> to vector<16xf32>
      %parallel_loop3A_907 = arith.addf %parallel_loop3A_795, %parallel_loop3A_906 : vector<16xf32>
      %parallel_loop3A_908 = arith.constant -65536 : i32
      %parallel_loop3A_909 = vector.broadcast %parallel_loop3A_908 : i32 to vector<16xi32>
      %parallel_loop3A_910 = arith.andi %parallel_loop3A_902, %parallel_loop3A_909 : vector<16xi32>
      %parallel_loop3A_911 = vector.bitcast %parallel_loop3A_910 : vector<16xi32> to vector<16xf32>
      %parallel_loop3A_912 = arith.addf %parallel_loop3A_800, %parallel_loop3A_911 : vector<16xf32>
      %parallel_loop3A_913 = arith.constant 1 : i32
      %parallel_loop3A_914 = vector.broadcast %parallel_loop3A_913 : i32 to vector<16xi32>
      %parallel_loop3A_915 = arith.addi %parallel_loop3A_61, %parallel_loop3A_914 : vector<16xi32>
      %parallel_loop3A_916 = tpu.vector_load_idx %arg5[%parallel_loop3A_915] : memref<9000xi32, #tpu.memory_space<vmem>>[vector<16xi32>], vector<16xi32>,
      %parallel_loop3A_917 = arith.constant 16 : i32
      %parallel_loop3A_918 = vector.broadcast %parallel_loop3A_917 : i32 to vector<16xi32>
      %parallel_loop3A_919 = arith.shli %parallel_loop3A_916, %parallel_loop3A_918 : vector<16xi32>
      %parallel_loop3A_920 = vector.bitcast %parallel_loop3A_919 : vector<16xi32> to vector<16xf32>
      %parallel_loop3A_921 = arith.addf %parallel_loop3A_809, %parallel_loop3A_920 : vector<16xf32>
      %parallel_loop3A_922 = arith.constant -65536 : i32
      %parallel_loop3A_923 = vector.broadcast %parallel_loop3A_922 : i32 to vector<16xi32>
      %parallel_loop3A_924 = arith.andi %parallel_loop3A_916, %parallel_loop3A_923 : vector<16xi32>
      %parallel_loop3A_925 = vector.bitcast %parallel_loop3A_924 : vector<16xi32> to vector<16xf32>
      %parallel_loop3A_926 = arith.addf %parallel_loop3A_814, %parallel_loop3A_925 : vector<16xf32>
      %parallel_loop3A_927 = arith.constant 2 : i32
      %parallel_loop3A_928 = vector.broadcast %parallel_loop3A_927 : i32 to vector<16xi32>
      %parallel_loop3A_929 = arith.addi %parallel_loop3A_61, %parallel_loop3A_928 : vector<16xi32>
      %parallel_loop3A_930 = tpu.vector_load_idx %arg5[%parallel_loop3A_929] : memref<9000xi32, #tpu.memory_space<vmem>>[vector<16xi32>], vector<16xi32>,
      %parallel_loop3A_931 = arith.constant 16 : i32
      %parallel_loop3A_932 = vector.broadcast %parallel_loop3A_931 : i32 to vector<16xi32>
      %parallel_loop3A_933 = arith.shli %parallel_loop3A_930, %parallel_loop3A_932 : vector<16xi32>
      %parallel_loop3A_934 = vector.bitcast %parallel_loop3A_933 : vector<16xi32> to vector<16xf32>
      %parallel_loop3A_935 = arith.addf %parallel_loop3A_823, %parallel_loop3A_934 : vector<16xf32>
      %parallel_loop3A_936 = arith.constant -65536 : i32
      %parallel_loop3A_937 = vector.broadcast %parallel_loop3A_936 : i32 to vector<16xi32>
      %parallel_loop3A_938 = arith.andi %parallel_loop3A_930, %parallel_loop3A_937 : vector<16xi32>
      %parallel_loop3A_939 = vector.bitcast %parallel_loop3A_938 : vector<16xi32> to vector<16xf32>
      %parallel_loop3A_940 = arith.addf %parallel_loop3A_828, %parallel_loop3A_939 : vector<16xf32>
      %parallel_loop3A_941 = arith.constant 3 : i32
      %parallel_loop3A_942 = vector.broadcast %parallel_loop3A_941 : i32 to vector<16xi32>
      %parallel_loop3A_943 = arith.addi %parallel_loop3A_61, %parallel_loop3A_942 : vector<16xi32>
      %parallel_loop3A_944 = tpu.vector_load_idx %arg5[%parallel_loop3A_943] : memref<9000xi32, #tpu.memory_space<vmem>>[vector<16xi32>], vector<16xi32>,
      %parallel_loop3A_945 = arith.constant 16 : i32
      %parallel_loop3A_946 = vector.broadcast %parallel_loop3A_945 : i32 to vector<16xi32>
      %parallel_loop3A_947 = arith.shli %parallel_loop3A_944, %parallel_loop3A_946 : vector<16xi32>
      %parallel_loop3A_948 = vector.bitcast %parallel_loop3A_947 : vector<16xi32> to vector<16xf32>
      %parallel_loop3A_949 = arith.addf %parallel_loop3A_837, %parallel_loop3A_948 : vector<16xf32>
      %parallel_loop3A_950 = arith.constant -65536 : i32
      %parallel_loop3A_951 = vector.broadcast %parallel_loop3A_950 : i32 to vector<16xi32>
      %parallel_loop3A_952 = arith.andi %parallel_loop3A_944, %parallel_loop3A_951 : vector<16xi32>
      %parallel_loop3A_953 = vector.bitcast %parallel_loop3A_952 : vector<16xi32> to vector<16xf32>
      %parallel_loop3A_954 = arith.addf %parallel_loop3A_842, %parallel_loop3A_953 : vector<16xf32>
      %parallel_loop3A_955 = arith.constant 4 : i32
      %parallel_loop3A_956 = vector.broadcast %parallel_loop3A_955 : i32 to vector<16xi32>
      %parallel_loop3A_957 = arith.addi %parallel_loop3A_61, %parallel_loop3A_956 : vector<16xi32>
      %parallel_loop3A_958 = tpu.vector_load_idx %arg5[%parallel_loop3A_957] : memref<9000xi32, #tpu.memory_space<vmem>>[vector<16xi32>], vector<16xi32>,
      %parallel_loop3A_959 = arith.constant 16 : i32
      %parallel_loop3A_960 = vector.broadcast %parallel_loop3A_959 : i32 to vector<16xi32>
      %parallel_loop3A_961 = arith.shli %parallel_loop3A_958, %parallel_loop3A_960 : vector<16xi32>
      %parallel_loop3A_962 = vector.bitcast %parallel_loop3A_961 : vector<16xi32> to vector<16xf32>
      %parallel_loop3A_963 = arith.addf %parallel_loop3A_851, %parallel_loop3A_962 : vector<16xf32>
      %parallel_loop3A_964 = arith.constant -65536 : i32
      %parallel_loop3A_965 = vector.broadcast %parallel_loop3A_964 : i32 to vector<16xi32>
      %parallel_loop3A_966 = arith.andi %parallel_loop3A_958, %parallel_loop3A_965 : vector<16xi32>
      %parallel_loop3A_967 = vector.bitcast %parallel_loop3A_966 : vector<16xi32> to vector<16xf32>
      %parallel_loop3A_968 = arith.addf %parallel_loop3A_856, %parallel_loop3A_967 : vector<16xf32>
      %parallel_loop3A_969 = arith.constant 5 : i32
      %parallel_loop3A_970 = vector.broadcast %parallel_loop3A_969 : i32 to vector<16xi32>
      %parallel_loop3A_971 = arith.addi %parallel_loop3A_61, %parallel_loop3A_970 : vector<16xi32>
      %parallel_loop3A_972 = tpu.vector_load_idx %arg5[%parallel_loop3A_971] : memref<9000xi32, #tpu.memory_space<vmem>>[vector<16xi32>], vector<16xi32>,
      %parallel_loop3A_973 = arith.constant 16 : i32
      %parallel_loop3A_974 = vector.broadcast %parallel_loop3A_973 : i32 to vector<16xi32>
      %parallel_loop3A_975 = arith.shli %parallel_loop3A_972, %parallel_loop3A_974 : vector<16xi32>
      %parallel_loop3A_976 = vector.bitcast %parallel_loop3A_975 : vector<16xi32> to vector<16xf32>
      %parallel_loop3A_977 = arith.addf %parallel_loop3A_865, %parallel_loop3A_976 : vector<16xf32>
      %parallel_loop3A_978 = arith.constant -65536 : i32
      %parallel_loop3A_979 = vector.broadcast %parallel_loop3A_978 : i32 to vector<16xi32>
      %parallel_loop3A_980 = arith.andi %parallel_loop3A_972, %parallel_loop3A_979 : vector<16xi32>
      %parallel_loop3A_981 = vector.bitcast %parallel_loop3A_980 : vector<16xi32> to vector<16xf32>
      %parallel_loop3A_982 = arith.addf %parallel_loop3A_870, %parallel_loop3A_981 : vector<16xf32>
      %parallel_loop3A_983 = arith.constant 6 : i32
      %parallel_loop3A_984 = vector.broadcast %parallel_loop3A_983 : i32 to vector<16xi32>
      %parallel_loop3A_985 = arith.addi %parallel_loop3A_61, %parallel_loop3A_984 : vector<16xi32>
      %parallel_loop3A_986 = tpu.vector_load_idx %arg5[%parallel_loop3A_985] : memref<9000xi32, #tpu.memory_space<vmem>>[vector<16xi32>], vector<16xi32>,
      %parallel_loop3A_987 = arith.constant 16 : i32
      %parallel_loop3A_988 = vector.broadcast %parallel_loop3A_987 : i32 to vector<16xi32>
      %parallel_loop3A_989 = arith.shli %parallel_loop3A_986, %parallel_loop3A_988 : vector<16xi32>
      %parallel_loop3A_990 = vector.bitcast %parallel_loop3A_989 : vector<16xi32> to vector<16xf32>
      %parallel_loop3A_991 = arith.addf %parallel_loop3A_879, %parallel_loop3A_990 : vector<16xf32>
      %parallel_loop3A_992 = arith.constant -65536 : i32
      %parallel_loop3A_993 = vector.broadcast %parallel_loop3A_992 : i32 to vector<16xi32>
      %parallel_loop3A_994 = arith.andi %parallel_loop3A_986, %parallel_loop3A_993 : vector<16xi32>
      %parallel_loop3A_995 = vector.bitcast %parallel_loop3A_994 : vector<16xi32> to vector<16xf32>
      %parallel_loop3A_996 = arith.addf %parallel_loop3A_884, %parallel_loop3A_995 : vector<16xf32>
      %parallel_loop3A_997 = arith.constant 7 : i32
      %parallel_loop3A_998 = vector.broadcast %parallel_loop3A_997 : i32 to vector<16xi32>
      %parallel_loop3A_999 = arith.addi %parallel_loop3A_61, %parallel_loop3A_998 : vector<16xi32>
      %parallel_loop3A_1000 = tpu.vector_load_idx %arg5[%parallel_loop3A_999] : memref<9000xi32, #tpu.memory_space<vmem>>[vector<16xi32>], vector<16xi32>,
      %parallel_loop3A_1001 = arith.constant 16 : i32
      %parallel_loop3A_1002 = vector.broadcast %parallel_loop3A_1001 : i32 to vector<16xi32>
      %parallel_loop3A_1003 = arith.shli %parallel_loop3A_1000, %parallel_loop3A_1002 : vector<16xi32>
      %parallel_loop3A_1004 = vector.bitcast %parallel_loop3A_1003 : vector<16xi32> to vector<16xf32>
      %parallel_loop3A_1005 = arith.addf %parallel_loop3A_893, %parallel_loop3A_1004 : vector<16xf32>
      %parallel_loop3A_1006 = arith.constant -65536 : i32
      %parallel_loop3A_1007 = vector.broadcast %parallel_loop3A_1006 : i32 to vector<16xi32>
      %parallel_loop3A_1008 = arith.andi %parallel_loop3A_1000, %parallel_loop3A_1007 : vector<16xi32>
      %parallel_loop3A_1009 = vector.bitcast %parallel_loop3A_1008 : vector<16xi32> to vector<16xf32>
      %parallel_loop3A_1010 = arith.addf %parallel_loop3A_898, %parallel_loop3A_1009 : vector<16xf32>
      %parallel_loop3A_1011 = arith.constant 0 : i32
      %parallel_loop3A_1012 = vector.broadcast %parallel_loop3A_1011 : i32 to vector<16xi32>
      %parallel_loop3A_1013 = arith.addi %parallel_loop3A_68, %parallel_loop3A_1012 : vector<16xi32>
      %parallel_loop3A_1014 = tpu.vector_load_idx %arg5[%parallel_loop3A_1013] : memref<9000xi32, #tpu.memory_space<vmem>>[vector<16xi32>], vector<16xi32>,
      %parallel_loop3A_1015 = arith.constant 16 : i32
      %parallel_loop3A_1016 = vector.broadcast %parallel_loop3A_1015 : i32 to vector<16xi32>
      %parallel_loop3A_1017 = arith.shli %parallel_loop3A_1014, %parallel_loop3A_1016 : vector<16xi32>
      %parallel_loop3A_1018 = vector.bitcast %parallel_loop3A_1017 : vector<16xi32> to vector<16xf32>
      %parallel_loop3A_1019 = arith.addf %parallel_loop3A_907, %parallel_loop3A_1018 : vector<16xf32>
      %parallel_loop3A_1020 = arith.constant -65536 : i32
      %parallel_loop3A_1021 = vector.broadcast %parallel_loop3A_1020 : i32 to vector<16xi32>
      %parallel_loop3A_1022 = arith.andi %parallel_loop3A_1014, %parallel_loop3A_1021 : vector<16xi32>
      %parallel_loop3A_1023 = vector.bitcast %parallel_loop3A_1022 : vector<16xi32> to vector<16xf32>
      %parallel_loop3A_1024 = arith.addf %parallel_loop3A_912, %parallel_loop3A_1023 : vector<16xf32>
      %parallel_loop3A_1025 = arith.constant 1 : i32
      %parallel_loop3A_1026 = vector.broadcast %parallel_loop3A_1025 : i32 to vector<16xi32>
      %parallel_loop3A_1027 = arith.addi %parallel_loop3A_68, %parallel_loop3A_1026 : vector<16xi32>
      %parallel_loop3A_1028 = tpu.vector_load_idx %arg5[%parallel_loop3A_1027] : memref<9000xi32, #tpu.memory_space<vmem>>[vector<16xi32>], vector<16xi32>,
      %parallel_loop3A_1029 = arith.constant 16 : i32
      %parallel_loop3A_1030 = vector.broadcast %parallel_loop3A_1029 : i32 to vector<16xi32>
      %parallel_loop3A_1031 = arith.shli %parallel_loop3A_1028, %parallel_loop3A_1030 : vector<16xi32>
      %parallel_loop3A_1032 = vector.bitcast %parallel_loop3A_1031 : vector<16xi32> to vector<16xf32>
      %parallel_loop3A_1033 = arith.addf %parallel_loop3A_921, %parallel_loop3A_1032 : vector<16xf32>
      %parallel_loop3A_1034 = arith.constant -65536 : i32
      %parallel_loop3A_1035 = vector.broadcast %parallel_loop3A_1034 : i32 to vector<16xi32>
      %parallel_loop3A_1036 = arith.andi %parallel_loop3A_1028, %parallel_loop3A_1035 : vector<16xi32>
      %parallel_loop3A_1037 = vector.bitcast %parallel_loop3A_1036 : vector<16xi32> to vector<16xf32>
      %parallel_loop3A_1038 = arith.addf %parallel_loop3A_926, %parallel_loop3A_1037 : vector<16xf32>
      %parallel_loop3A_1039 = arith.constant 2 : i32
      %parallel_loop3A_1040 = vector.broadcast %parallel_loop3A_1039 : i32 to vector<16xi32>
      %parallel_loop3A_1041 = arith.addi %parallel_loop3A_68, %parallel_loop3A_1040 : vector<16xi32>
      %parallel_loop3A_1042 = tpu.vector_load_idx %arg5[%parallel_loop3A_1041] : memref<9000xi32, #tpu.memory_space<vmem>>[vector<16xi32>], vector<16xi32>,
      %parallel_loop3A_1043 = arith.constant 16 : i32
      %parallel_loop3A_1044 = vector.broadcast %parallel_loop3A_1043 : i32 to vector<16xi32>
      %parallel_loop3A_1045 = arith.shli %parallel_loop3A_1042, %parallel_loop3A_1044 : vector<16xi32>
      %parallel_loop3A_1046 = vector.bitcast %parallel_loop3A_1045 : vector<16xi32> to vector<16xf32>
      %parallel_loop3A_1047 = arith.addf %parallel_loop3A_935, %parallel_loop3A_1046 : vector<16xf32>
      %parallel_loop3A_1048 = arith.constant -65536 : i32
      %parallel_loop3A_1049 = vector.broadcast %parallel_loop3A_1048 : i32 to vector<16xi32>
      %parallel_loop3A_1050 = arith.andi %parallel_loop3A_1042, %parallel_loop3A_1049 : vector<16xi32>
      %parallel_loop3A_1051 = vector.bitcast %parallel_loop3A_1050 : vector<16xi32> to vector<16xf32>
      %parallel_loop3A_1052 = arith.addf %parallel_loop3A_940, %parallel_loop3A_1051 : vector<16xf32>
      %parallel_loop3A_1053 = arith.constant 3 : i32
      %parallel_loop3A_1054 = vector.broadcast %parallel_loop3A_1053 : i32 to vector<16xi32>
      %parallel_loop3A_1055 = arith.addi %parallel_loop3A_68, %parallel_loop3A_1054 : vector<16xi32>
      %parallel_loop3A_1056 = tpu.vector_load_idx %arg5[%parallel_loop3A_1055] : memref<9000xi32, #tpu.memory_space<vmem>>[vector<16xi32>], vector<16xi32>,
      %parallel_loop3A_1057 = arith.constant 16 : i32
      %parallel_loop3A_1058 = vector.broadcast %parallel_loop3A_1057 : i32 to vector<16xi32>
      %parallel_loop3A_1059 = arith.shli %parallel_loop3A_1056, %parallel_loop3A_1058 : vector<16xi32>
      %parallel_loop3A_1060 = vector.bitcast %parallel_loop3A_1059 : vector<16xi32> to vector<16xf32>
      %parallel_loop3A_1061 = arith.addf %parallel_loop3A_949, %parallel_loop3A_1060 : vector<16xf32>
      %parallel_loop3A_1062 = arith.constant -65536 : i32
      %parallel_loop3A_1063 = vector.broadcast %parallel_loop3A_1062 : i32 to vector<16xi32>
      %parallel_loop3A_1064 = arith.andi %parallel_loop3A_1056, %parallel_loop3A_1063 : vector<16xi32>
      %parallel_loop3A_1065 = vector.bitcast %parallel_loop3A_1064 : vector<16xi32> to vector<16xf32>
      %parallel_loop3A_1066 = arith.addf %parallel_loop3A_954, %parallel_loop3A_1065 : vector<16xf32>
      %parallel_loop3A_1067 = arith.constant 4 : i32
      %parallel_loop3A_1068 = vector.broadcast %parallel_loop3A_1067 : i32 to vector<16xi32>
      %parallel_loop3A_1069 = arith.addi %parallel_loop3A_68, %parallel_loop3A_1068 : vector<16xi32>
      %parallel_loop3A_1070 = tpu.vector_load_idx %arg5[%parallel_loop3A_1069] : memref<9000xi32, #tpu.memory_space<vmem>>[vector<16xi32>], vector<16xi32>,
      %parallel_loop3A_1071 = arith.constant 16 : i32
      %parallel_loop3A_1072 = vector.broadcast %parallel_loop3A_1071 : i32 to vector<16xi32>
      %parallel_loop3A_1073 = arith.shli %parallel_loop3A_1070, %parallel_loop3A_1072 : vector<16xi32>
      %parallel_loop3A_1074 = vector.bitcast %parallel_loop3A_1073 : vector<16xi32> to vector<16xf32>
      %parallel_loop3A_1075 = arith.addf %parallel_loop3A_963, %parallel_loop3A_1074 : vector<16xf32>
      %parallel_loop3A_1076 = arith.constant -65536 : i32
      %parallel_loop3A_1077 = vector.broadcast %parallel_loop3A_1076 : i32 to vector<16xi32>
      %parallel_loop3A_1078 = arith.andi %parallel_loop3A_1070, %parallel_loop3A_1077 : vector<16xi32>
      %parallel_loop3A_1079 = vector.bitcast %parallel_loop3A_1078 : vector<16xi32> to vector<16xf32>
      %parallel_loop3A_1080 = arith.addf %parallel_loop3A_968, %parallel_loop3A_1079 : vector<16xf32>
      %parallel_loop3A_1081 = arith.constant 5 : i32
      %parallel_loop3A_1082 = vector.broadcast %parallel_loop3A_1081 : i32 to vector<16xi32>
      %parallel_loop3A_1083 = arith.addi %parallel_loop3A_68, %parallel_loop3A_1082 : vector<16xi32>
      %parallel_loop3A_1084 = tpu.vector_load_idx %arg5[%parallel_loop3A_1083] : memref<9000xi32, #tpu.memory_space<vmem>>[vector<16xi32>], vector<16xi32>,
      %parallel_loop3A_1085 = arith.constant 16 : i32
      %parallel_loop3A_1086 = vector.broadcast %parallel_loop3A_1085 : i32 to vector<16xi32>
      %parallel_loop3A_1087 = arith.shli %parallel_loop3A_1084, %parallel_loop3A_1086 : vector<16xi32>
      %parallel_loop3A_1088 = vector.bitcast %parallel_loop3A_1087 : vector<16xi32> to vector<16xf32>
      %parallel_loop3A_1089 = arith.addf %parallel_loop3A_977, %parallel_loop3A_1088 : vector<16xf32>
      %parallel_loop3A_1090 = arith.constant -65536 : i32
      %parallel_loop3A_1091 = vector.broadcast %parallel_loop3A_1090 : i32 to vector<16xi32>
      %parallel_loop3A_1092 = arith.andi %parallel_loop3A_1084, %parallel_loop3A_1091 : vector<16xi32>
      %parallel_loop3A_1093 = vector.bitcast %parallel_loop3A_1092 : vector<16xi32> to vector<16xf32>
      %parallel_loop3A_1094 = arith.addf %parallel_loop3A_982, %parallel_loop3A_1093 : vector<16xf32>
      %parallel_loop3A_1095 = arith.constant 6 : i32
      %parallel_loop3A_1096 = vector.broadcast %parallel_loop3A_1095 : i32 to vector<16xi32>
      %parallel_loop3A_1097 = arith.addi %parallel_loop3A_68, %parallel_loop3A_1096 : vector<16xi32>
      %parallel_loop3A_1098 = tpu.vector_load_idx %arg5[%parallel_loop3A_1097] : memref<9000xi32, #tpu.memory_space<vmem>>[vector<16xi32>], vector<16xi32>,
      %parallel_loop3A_1099 = arith.constant 16 : i32
      %parallel_loop3A_1100 = vector.broadcast %parallel_loop3A_1099 : i32 to vector<16xi32>
      %parallel_loop3A_1101 = arith.shli %parallel_loop3A_1098, %parallel_loop3A_1100 : vector<16xi32>
      %parallel_loop3A_1102 = vector.bitcast %parallel_loop3A_1101 : vector<16xi32> to vector<16xf32>
      %parallel_loop3A_1103 = arith.addf %parallel_loop3A_991, %parallel_loop3A_1102 : vector<16xf32>
      %parallel_loop3A_1104 = arith.constant -65536 : i32
      %parallel_loop3A_1105 = vector.broadcast %parallel_loop3A_1104 : i32 to vector<16xi32>
      %parallel_loop3A_1106 = arith.andi %parallel_loop3A_1098, %parallel_loop3A_1105 : vector<16xi32>
      %parallel_loop3A_1107 = vector.bitcast %parallel_loop3A_1106 : vector<16xi32> to vector<16xf32>
      %parallel_loop3A_1108 = arith.addf %parallel_loop3A_996, %parallel_loop3A_1107 : vector<16xf32>
      %parallel_loop3A_1109 = arith.constant 7 : i32
      %parallel_loop3A_1110 = vector.broadcast %parallel_loop3A_1109 : i32 to vector<16xi32>
      %parallel_loop3A_1111 = arith.addi %parallel_loop3A_68, %parallel_loop3A_1110 : vector<16xi32>
      %parallel_loop3A_1112 = tpu.vector_load_idx %arg5[%parallel_loop3A_1111] : memref<9000xi32, #tpu.memory_space<vmem>>[vector<16xi32>], vector<16xi32>,
      %parallel_loop3A_1113 = arith.constant 16 : i32
      %parallel_loop3A_1114 = vector.broadcast %parallel_loop3A_1113 : i32 to vector<16xi32>
      %parallel_loop3A_1115 = arith.shli %parallel_loop3A_1112, %parallel_loop3A_1114 : vector<16xi32>
      %parallel_loop3A_1116 = vector.bitcast %parallel_loop3A_1115 : vector<16xi32> to vector<16xf32>
      %parallel_loop3A_1117 = arith.addf %parallel_loop3A_1005, %parallel_loop3A_1116 : vector<16xf32>
      %parallel_loop3A_1118 = arith.constant -65536 : i32
      %parallel_loop3A_1119 = vector.broadcast %parallel_loop3A_1118 : i32 to vector<16xi32>
      %parallel_loop3A_1120 = arith.andi %parallel_loop3A_1112, %parallel_loop3A_1119 : vector<16xi32>
      %parallel_loop3A_1121 = vector.bitcast %parallel_loop3A_1120 : vector<16xi32> to vector<16xf32>
      %parallel_loop3A_1122 = arith.addf %parallel_loop3A_1010, %parallel_loop3A_1121 : vector<16xf32>
      %parallel_loop3A_1123 = arith.constant 0 : i32
      %parallel_loop3A_1124 = vector.broadcast %parallel_loop3A_1123 : i32 to vector<16xi32>
      %parallel_loop3A_1125 = arith.addi %parallel_loop3A_75, %parallel_loop3A_1124 : vector<16xi32>
      %parallel_loop3A_1126 = tpu.vector_load_idx %arg5[%parallel_loop3A_1125] : memref<9000xi32, #tpu.memory_space<vmem>>[vector<16xi32>], vector<16xi32>,
      %parallel_loop3A_1127 = arith.constant 16 : i32
      %parallel_loop3A_1128 = vector.broadcast %parallel_loop3A_1127 : i32 to vector<16xi32>
      %parallel_loop3A_1129 = arith.shli %parallel_loop3A_1126, %parallel_loop3A_1128 : vector<16xi32>
      %parallel_loop3A_1130 = vector.bitcast %parallel_loop3A_1129 : vector<16xi32> to vector<16xf32>
      %parallel_loop3A_1131 = arith.addf %parallel_loop3A_1019, %parallel_loop3A_1130 : vector<16xf32>
      %parallel_loop3A_1132 = arith.constant -65536 : i32
      %parallel_loop3A_1133 = vector.broadcast %parallel_loop3A_1132 : i32 to vector<16xi32>
      %parallel_loop3A_1134 = arith.andi %parallel_loop3A_1126, %parallel_loop3A_1133 : vector<16xi32>
      %parallel_loop3A_1135 = vector.bitcast %parallel_loop3A_1134 : vector<16xi32> to vector<16xf32>
      %parallel_loop3A_1136 = arith.addf %parallel_loop3A_1024, %parallel_loop3A_1135 : vector<16xf32>
      %parallel_loop3A_1137 = arith.constant 1 : i32
      %parallel_loop3A_1138 = vector.broadcast %parallel_loop3A_1137 : i32 to vector<16xi32>
      %parallel_loop3A_1139 = arith.addi %parallel_loop3A_75, %parallel_loop3A_1138 : vector<16xi32>
      %parallel_loop3A_1140 = tpu.vector_load_idx %arg5[%parallel_loop3A_1139] : memref<9000xi32, #tpu.memory_space<vmem>>[vector<16xi32>], vector<16xi32>,
      %parallel_loop3A_1141 = arith.constant 16 : i32
      %parallel_loop3A_1142 = vector.broadcast %parallel_loop3A_1141 : i32 to vector<16xi32>
      %parallel_loop3A_1143 = arith.shli %parallel_loop3A_1140, %parallel_loop3A_1142 : vector<16xi32>
      %parallel_loop3A_1144 = vector.bitcast %parallel_loop3A_1143 : vector<16xi32> to vector<16xf32>
      %parallel_loop3A_1145 = arith.addf %parallel_loop3A_1033, %parallel_loop3A_1144 : vector<16xf32>
      %parallel_loop3A_1146 = arith.constant -65536 : i32
      %parallel_loop3A_1147 = vector.broadcast %parallel_loop3A_1146 : i32 to vector<16xi32>
      %parallel_loop3A_1148 = arith.andi %parallel_loop3A_1140, %parallel_loop3A_1147 : vector<16xi32>
      %parallel_loop3A_1149 = vector.bitcast %parallel_loop3A_1148 : vector<16xi32> to vector<16xf32>
      %parallel_loop3A_1150 = arith.addf %parallel_loop3A_1038, %parallel_loop3A_1149 : vector<16xf32>
      %parallel_loop3A_1151 = arith.constant 2 : i32
      %parallel_loop3A_1152 = vector.broadcast %parallel_loop3A_1151 : i32 to vector<16xi32>
      %parallel_loop3A_1153 = arith.addi %parallel_loop3A_75, %parallel_loop3A_1152 : vector<16xi32>
      %parallel_loop3A_1154 = tpu.vector_load_idx %arg5[%parallel_loop3A_1153] : memref<9000xi32, #tpu.memory_space<vmem>>[vector<16xi32>], vector<16xi32>,
      %parallel_loop3A_1155 = arith.constant 16 : i32
      %parallel_loop3A_1156 = vector.broadcast %parallel_loop3A_1155 : i32 to vector<16xi32>
      %parallel_loop3A_1157 = arith.shli %parallel_loop3A_1154, %parallel_loop3A_1156 : vector<16xi32>
      %parallel_loop3A_1158 = vector.bitcast %parallel_loop3A_1157 : vector<16xi32> to vector<16xf32>
      %parallel_loop3A_1159 = arith.addf %parallel_loop3A_1047, %parallel_loop3A_1158 : vector<16xf32>
      %parallel_loop3A_1160 = arith.constant -65536 : i32
      %parallel_loop3A_1161 = vector.broadcast %parallel_loop3A_1160 : i32 to vector<16xi32>
      %parallel_loop3A_1162 = arith.andi %parallel_loop3A_1154, %parallel_loop3A_1161 : vector<16xi32>
      %parallel_loop3A_1163 = vector.bitcast %parallel_loop3A_1162 : vector<16xi32> to vector<16xf32>
      %parallel_loop3A_1164 = arith.addf %parallel_loop3A_1052, %parallel_loop3A_1163 : vector<16xf32>
      %parallel_loop3A_1165 = arith.constant 3 : i32
      %parallel_loop3A_1166 = vector.broadcast %parallel_loop3A_1165 : i32 to vector<16xi32>
      %parallel_loop3A_1167 = arith.addi %parallel_loop3A_75, %parallel_loop3A_1166 : vector<16xi32>
      %parallel_loop3A_1168 = tpu.vector_load_idx %arg5[%parallel_loop3A_1167] : memref<9000xi32, #tpu.memory_space<vmem>>[vector<16xi32>], vector<16xi32>,
      %parallel_loop3A_1169 = arith.constant 16 : i32
      %parallel_loop3A_1170 = vector.broadcast %parallel_loop3A_1169 : i32 to vector<16xi32>
      %parallel_loop3A_1171 = arith.shli %parallel_loop3A_1168, %parallel_loop3A_1170 : vector<16xi32>
      %parallel_loop3A_1172 = vector.bitcast %parallel_loop3A_1171 : vector<16xi32> to vector<16xf32>
      %parallel_loop3A_1173 = arith.addf %parallel_loop3A_1061, %parallel_loop3A_1172 : vector<16xf32>
      %parallel_loop3A_1174 = arith.constant -65536 : i32
      %parallel_loop3A_1175 = vector.broadcast %parallel_loop3A_1174 : i32 to vector<16xi32>
      %parallel_loop3A_1176 = arith.andi %parallel_loop3A_1168, %parallel_loop3A_1175 : vector<16xi32>
      %parallel_loop3A_1177 = vector.bitcast %parallel_loop3A_1176 : vector<16xi32> to vector<16xf32>
      %parallel_loop3A_1178 = arith.addf %parallel_loop3A_1066, %parallel_loop3A_1177 : vector<16xf32>
      %parallel_loop3A_1179 = arith.constant 4 : i32
      %parallel_loop3A_1180 = vector.broadcast %parallel_loop3A_1179 : i32 to vector<16xi32>
      %parallel_loop3A_1181 = arith.addi %parallel_loop3A_75, %parallel_loop3A_1180 : vector<16xi32>
      %parallel_loop3A_1182 = tpu.vector_load_idx %arg5[%parallel_loop3A_1181] : memref<9000xi32, #tpu.memory_space<vmem>>[vector<16xi32>], vector<16xi32>,
      %parallel_loop3A_1183 = arith.constant 16 : i32
      %parallel_loop3A_1184 = vector.broadcast %parallel_loop3A_1183 : i32 to vector<16xi32>
      %parallel_loop3A_1185 = arith.shli %parallel_loop3A_1182, %parallel_loop3A_1184 : vector<16xi32>
      %parallel_loop3A_1186 = vector.bitcast %parallel_loop3A_1185 : vector<16xi32> to vector<16xf32>
      %parallel_loop3A_1187 = arith.addf %parallel_loop3A_1075, %parallel_loop3A_1186 : vector<16xf32>
      %parallel_loop3A_1188 = arith.constant -65536 : i32
      %parallel_loop3A_1189 = vector.broadcast %parallel_loop3A_1188 : i32 to vector<16xi32>
      %parallel_loop3A_1190 = arith.andi %parallel_loop3A_1182, %parallel_loop3A_1189 : vector<16xi32>
      %parallel_loop3A_1191 = vector.bitcast %parallel_loop3A_1190 : vector<16xi32> to vector<16xf32>
      %parallel_loop3A_1192 = arith.addf %parallel_loop3A_1080, %parallel_loop3A_1191 : vector<16xf32>
      %parallel_loop3A_1193 = arith.constant 5 : i32
      %parallel_loop3A_1194 = vector.broadcast %parallel_loop3A_1193 : i32 to vector<16xi32>
      %parallel_loop3A_1195 = arith.addi %parallel_loop3A_75, %parallel_loop3A_1194 : vector<16xi32>
      %parallel_loop3A_1196 = tpu.vector_load_idx %arg5[%parallel_loop3A_1195] : memref<9000xi32, #tpu.memory_space<vmem>>[vector<16xi32>], vector<16xi32>,
      %parallel_loop3A_1197 = arith.constant 16 : i32
      %parallel_loop3A_1198 = vector.broadcast %parallel_loop3A_1197 : i32 to vector<16xi32>
      %parallel_loop3A_1199 = arith.shli %parallel_loop3A_1196, %parallel_loop3A_1198 : vector<16xi32>
      %parallel_loop3A_1200 = vector.bitcast %parallel_loop3A_1199 : vector<16xi32> to vector<16xf32>
      %parallel_loop3A_1201 = arith.addf %parallel_loop3A_1089, %parallel_loop3A_1200 : vector<16xf32>
      %parallel_loop3A_1202 = arith.constant -65536 : i32
      %parallel_loop3A_1203 = vector.broadcast %parallel_loop3A_1202 : i32 to vector<16xi32>
      %parallel_loop3A_1204 = arith.andi %parallel_loop3A_1196, %parallel_loop3A_1203 : vector<16xi32>
      %parallel_loop3A_1205 = vector.bitcast %parallel_loop3A_1204 : vector<16xi32> to vector<16xf32>
      %parallel_loop3A_1206 = arith.addf %parallel_loop3A_1094, %parallel_loop3A_1205 : vector<16xf32>
      %parallel_loop3A_1207 = arith.constant 6 : i32
      %parallel_loop3A_1208 = vector.broadcast %parallel_loop3A_1207 : i32 to vector<16xi32>
      %parallel_loop3A_1209 = arith.addi %parallel_loop3A_75, %parallel_loop3A_1208 : vector<16xi32>
      %parallel_loop3A_1210 = tpu.vector_load_idx %arg5[%parallel_loop3A_1209] : memref<9000xi32, #tpu.memory_space<vmem>>[vector<16xi32>], vector<16xi32>,
      %parallel_loop3A_1211 = arith.constant 16 : i32
      %parallel_loop3A_1212 = vector.broadcast %parallel_loop3A_1211 : i32 to vector<16xi32>
      %parallel_loop3A_1213 = arith.shli %parallel_loop3A_1210, %parallel_loop3A_1212 : vector<16xi32>
      %parallel_loop3A_1214 = vector.bitcast %parallel_loop3A_1213 : vector<16xi32> to vector<16xf32>
      %parallel_loop3A_1215 = arith.addf %parallel_loop3A_1103, %parallel_loop3A_1214 : vector<16xf32>
      %parallel_loop3A_1216 = arith.constant -65536 : i32
      %parallel_loop3A_1217 = vector.broadcast %parallel_loop3A_1216 : i32 to vector<16xi32>
      %parallel_loop3A_1218 = arith.andi %parallel_loop3A_1210, %parallel_loop3A_1217 : vector<16xi32>
      %parallel_loop3A_1219 = vector.bitcast %parallel_loop3A_1218 : vector<16xi32> to vector<16xf32>
      %parallel_loop3A_1220 = arith.addf %parallel_loop3A_1108, %parallel_loop3A_1219 : vector<16xf32>
      %parallel_loop3A_1221 = arith.constant 7 : i32
      %parallel_loop3A_1222 = vector.broadcast %parallel_loop3A_1221 : i32 to vector<16xi32>
      %parallel_loop3A_1223 = arith.addi %parallel_loop3A_75, %parallel_loop3A_1222 : vector<16xi32>
      %parallel_loop3A_1224 = tpu.vector_load_idx %arg5[%parallel_loop3A_1223] : memref<9000xi32, #tpu.memory_space<vmem>>[vector<16xi32>], vector<16xi32>,
      %parallel_loop3A_1225 = arith.constant 16 : i32
      %parallel_loop3A_1226 = vector.broadcast %parallel_loop3A_1225 : i32 to vector<16xi32>
      %parallel_loop3A_1227 = arith.shli %parallel_loop3A_1224, %parallel_loop3A_1226 : vector<16xi32>
      %parallel_loop3A_1228 = vector.bitcast %parallel_loop3A_1227 : vector<16xi32> to vector<16xf32>
      %parallel_loop3A_1229 = arith.addf %parallel_loop3A_1117, %parallel_loop3A_1228 : vector<16xf32>
      %parallel_loop3A_1230 = arith.constant -65536 : i32
      %parallel_loop3A_1231 = vector.broadcast %parallel_loop3A_1230 : i32 to vector<16xi32>
      %parallel_loop3A_1232 = arith.andi %parallel_loop3A_1224, %parallel_loop3A_1231 : vector<16xi32>
      %parallel_loop3A_1233 = vector.bitcast %parallel_loop3A_1232 : vector<16xi32> to vector<16xf32>
      %parallel_loop3A_1234 = arith.addf %parallel_loop3A_1122, %parallel_loop3A_1233 : vector<16xf32>
      %parallel_loop3A_1235 = arith.constant 0 : i32
      %parallel_loop3A_1236 = vector.broadcast %parallel_loop3A_1235 : i32 to vector<16xi32>
      %parallel_loop3A_1237 = arith.addi %parallel_loop3A_82, %parallel_loop3A_1236 : vector<16xi32>
      %parallel_loop3A_1238 = tpu.vector_load_idx %arg5[%parallel_loop3A_1237] : memref<9000xi32, #tpu.memory_space<vmem>>[vector<16xi32>], vector<16xi32>,
      %parallel_loop3A_1239 = arith.constant 16 : i32
      %parallel_loop3A_1240 = vector.broadcast %parallel_loop3A_1239 : i32 to vector<16xi32>
      %parallel_loop3A_1241 = arith.shli %parallel_loop3A_1238, %parallel_loop3A_1240 : vector<16xi32>
      %parallel_loop3A_1242 = vector.bitcast %parallel_loop3A_1241 : vector<16xi32> to vector<16xf32>
      %parallel_loop3A_1243 = arith.addf %parallel_loop3A_1131, %parallel_loop3A_1242 : vector<16xf32>
      %parallel_loop3A_1244 = arith.constant -65536 : i32
      %parallel_loop3A_1245 = vector.broadcast %parallel_loop3A_1244 : i32 to vector<16xi32>
      %parallel_loop3A_1246 = arith.andi %parallel_loop3A_1238, %parallel_loop3A_1245 : vector<16xi32>
      %parallel_loop3A_1247 = vector.bitcast %parallel_loop3A_1246 : vector<16xi32> to vector<16xf32>
      %parallel_loop3A_1248 = arith.addf %parallel_loop3A_1136, %parallel_loop3A_1247 : vector<16xf32>
      %parallel_loop3A_1249 = arith.constant 1 : i32
      %parallel_loop3A_1250 = vector.broadcast %parallel_loop3A_1249 : i32 to vector<16xi32>
      %parallel_loop3A_1251 = arith.addi %parallel_loop3A_82, %parallel_loop3A_1250 : vector<16xi32>
      %parallel_loop3A_1252 = tpu.vector_load_idx %arg5[%parallel_loop3A_1251] : memref<9000xi32, #tpu.memory_space<vmem>>[vector<16xi32>], vector<16xi32>,
      %parallel_loop3A_1253 = arith.constant 16 : i32
      %parallel_loop3A_1254 = vector.broadcast %parallel_loop3A_1253 : i32 to vector<16xi32>
      %parallel_loop3A_1255 = arith.shli %parallel_loop3A_1252, %parallel_loop3A_1254 : vector<16xi32>
      %parallel_loop3A_1256 = vector.bitcast %parallel_loop3A_1255 : vector<16xi32> to vector<16xf32>
      %parallel_loop3A_1257 = arith.addf %parallel_loop3A_1145, %parallel_loop3A_1256 : vector<16xf32>
      %parallel_loop3A_1258 = arith.constant -65536 : i32
      %parallel_loop3A_1259 = vector.broadcast %parallel_loop3A_1258 : i32 to vector<16xi32>
      %parallel_loop3A_1260 = arith.andi %parallel_loop3A_1252, %parallel_loop3A_1259 : vector<16xi32>
      %parallel_loop3A_1261 = vector.bitcast %parallel_loop3A_1260 : vector<16xi32> to vector<16xf32>
      %parallel_loop3A_1262 = arith.addf %parallel_loop3A_1150, %parallel_loop3A_1261 : vector<16xf32>
      %parallel_loop3A_1263 = arith.constant 2 : i32
      %parallel_loop3A_1264 = vector.broadcast %parallel_loop3A_1263 : i32 to vector<16xi32>
      %parallel_loop3A_1265 = arith.addi %parallel_loop3A_82, %parallel_loop3A_1264 : vector<16xi32>
      %parallel_loop3A_1266 = tpu.vector_load_idx %arg5[%parallel_loop3A_1265] : memref<9000xi32, #tpu.memory_space<vmem>>[vector<16xi32>], vector<16xi32>,
      %parallel_loop3A_1267 = arith.constant 16 : i32
      %parallel_loop3A_1268 = vector.broadcast %parallel_loop3A_1267 : i32 to vector<16xi32>
      %parallel_loop3A_1269 = arith.shli %parallel_loop3A_1266, %parallel_loop3A_1268 : vector<16xi32>
      %parallel_loop3A_1270 = vector.bitcast %parallel_loop3A_1269 : vector<16xi32> to vector<16xf32>
      %parallel_loop3A_1271 = arith.addf %parallel_loop3A_1159, %parallel_loop3A_1270 : vector<16xf32>
      %parallel_loop3A_1272 = arith.constant -65536 : i32
      %parallel_loop3A_1273 = vector.broadcast %parallel_loop3A_1272 : i32 to vector<16xi32>
      %parallel_loop3A_1274 = arith.andi %parallel_loop3A_1266, %parallel_loop3A_1273 : vector<16xi32>
      %parallel_loop3A_1275 = vector.bitcast %parallel_loop3A_1274 : vector<16xi32> to vector<16xf32>
      %parallel_loop3A_1276 = arith.addf %parallel_loop3A_1164, %parallel_loop3A_1275 : vector<16xf32>
      %parallel_loop3A_1277 = arith.constant 3 : i32
      %parallel_loop3A_1278 = vector.broadcast %parallel_loop3A_1277 : i32 to vector<16xi32>
      %parallel_loop3A_1279 = arith.addi %parallel_loop3A_82, %parallel_loop3A_1278 : vector<16xi32>
      %parallel_loop3A_1280 = tpu.vector_load_idx %arg5[%parallel_loop3A_1279] : memref<9000xi32, #tpu.memory_space<vmem>>[vector<16xi32>], vector<16xi32>,
      %parallel_loop3A_1281 = arith.constant 16 : i32
      %parallel_loop3A_1282 = vector.broadcast %parallel_loop3A_1281 : i32 to vector<16xi32>
      %parallel_loop3A_1283 = arith.shli %parallel_loop3A_1280, %parallel_loop3A_1282 : vector<16xi32>
      %parallel_loop3A_1284 = vector.bitcast %parallel_loop3A_1283 : vector<16xi32> to vector<16xf32>
      %parallel_loop3A_1285 = arith.addf %parallel_loop3A_1173, %parallel_loop3A_1284 : vector<16xf32>
      %parallel_loop3A_1286 = arith.constant -65536 : i32
      %parallel_loop3A_1287 = vector.broadcast %parallel_loop3A_1286 : i32 to vector<16xi32>
      %parallel_loop3A_1288 = arith.andi %parallel_loop3A_1280, %parallel_loop3A_1287 : vector<16xi32>
      %parallel_loop3A_1289 = vector.bitcast %parallel_loop3A_1288 : vector<16xi32> to vector<16xf32>
      %parallel_loop3A_1290 = arith.addf %parallel_loop3A_1178, %parallel_loop3A_1289 : vector<16xf32>
      %parallel_loop3A_1291 = arith.constant 4 : i32
      %parallel_loop3A_1292 = vector.broadcast %parallel_loop3A_1291 : i32 to vector<16xi32>
      %parallel_loop3A_1293 = arith.addi %parallel_loop3A_82, %parallel_loop3A_1292 : vector<16xi32>
      %parallel_loop3A_1294 = tpu.vector_load_idx %arg5[%parallel_loop3A_1293] : memref<9000xi32, #tpu.memory_space<vmem>>[vector<16xi32>], vector<16xi32>,
      %parallel_loop3A_1295 = arith.constant 16 : i32
      %parallel_loop3A_1296 = vector.broadcast %parallel_loop3A_1295 : i32 to vector<16xi32>
      %parallel_loop3A_1297 = arith.shli %parallel_loop3A_1294, %parallel_loop3A_1296 : vector<16xi32>
      %parallel_loop3A_1298 = vector.bitcast %parallel_loop3A_1297 : vector<16xi32> to vector<16xf32>
      %parallel_loop3A_1299 = arith.addf %parallel_loop3A_1187, %parallel_loop3A_1298 : vector<16xf32>
      %parallel_loop3A_1300 = arith.constant -65536 : i32
      %parallel_loop3A_1301 = vector.broadcast %parallel_loop3A_1300 : i32 to vector<16xi32>
      %parallel_loop3A_1302 = arith.andi %parallel_loop3A_1294, %parallel_loop3A_1301 : vector<16xi32>
      %parallel_loop3A_1303 = vector.bitcast %parallel_loop3A_1302 : vector<16xi32> to vector<16xf32>
      %parallel_loop3A_1304 = arith.addf %parallel_loop3A_1192, %parallel_loop3A_1303 : vector<16xf32>
      %parallel_loop3A_1305 = arith.constant 5 : i32
      %parallel_loop3A_1306 = vector.broadcast %parallel_loop3A_1305 : i32 to vector<16xi32>
      %parallel_loop3A_1307 = arith.addi %parallel_loop3A_82, %parallel_loop3A_1306 : vector<16xi32>
      %parallel_loop3A_1308 = tpu.vector_load_idx %arg5[%parallel_loop3A_1307] : memref<9000xi32, #tpu.memory_space<vmem>>[vector<16xi32>], vector<16xi32>,
      %parallel_loop3A_1309 = arith.constant 16 : i32
      %parallel_loop3A_1310 = vector.broadcast %parallel_loop3A_1309 : i32 to vector<16xi32>
      %parallel_loop3A_1311 = arith.shli %parallel_loop3A_1308, %parallel_loop3A_1310 : vector<16xi32>
      %parallel_loop3A_1312 = vector.bitcast %parallel_loop3A_1311 : vector<16xi32> to vector<16xf32>
      %parallel_loop3A_1313 = arith.addf %parallel_loop3A_1201, %parallel_loop3A_1312 : vector<16xf32>
      %parallel_loop3A_1314 = arith.constant -65536 : i32
      %parallel_loop3A_1315 = vector.broadcast %parallel_loop3A_1314 : i32 to vector<16xi32>
      %parallel_loop3A_1316 = arith.andi %parallel_loop3A_1308, %parallel_loop3A_1315 : vector<16xi32>
      %parallel_loop3A_1317 = vector.bitcast %parallel_loop3A_1316 : vector<16xi32> to vector<16xf32>
      %parallel_loop3A_1318 = arith.addf %parallel_loop3A_1206, %parallel_loop3A_1317 : vector<16xf32>
      %parallel_loop3A_1319 = arith.constant 6 : i32
      %parallel_loop3A_1320 = vector.broadcast %parallel_loop3A_1319 : i32 to vector<16xi32>
      %parallel_loop3A_1321 = arith.addi %parallel_loop3A_82, %parallel_loop3A_1320 : vector<16xi32>
      %parallel_loop3A_1322 = tpu.vector_load_idx %arg5[%parallel_loop3A_1321] : memref<9000xi32, #tpu.memory_space<vmem>>[vector<16xi32>], vector<16xi32>,
      %parallel_loop3A_1323 = arith.constant 16 : i32
      %parallel_loop3A_1324 = vector.broadcast %parallel_loop3A_1323 : i32 to vector<16xi32>
      %parallel_loop3A_1325 = arith.shli %parallel_loop3A_1322, %parallel_loop3A_1324 : vector<16xi32>
      %parallel_loop3A_1326 = vector.bitcast %parallel_loop3A_1325 : vector<16xi32> to vector<16xf32>
      %parallel_loop3A_1327 = arith.addf %parallel_loop3A_1215, %parallel_loop3A_1326 : vector<16xf32>
      %parallel_loop3A_1328 = arith.constant -65536 : i32
      %parallel_loop3A_1329 = vector.broadcast %parallel_loop3A_1328 : i32 to vector<16xi32>
      %parallel_loop3A_1330 = arith.andi %parallel_loop3A_1322, %parallel_loop3A_1329 : vector<16xi32>
      %parallel_loop3A_1331 = vector.bitcast %parallel_loop3A_1330 : vector<16xi32> to vector<16xf32>
      %parallel_loop3A_1332 = arith.addf %parallel_loop3A_1220, %parallel_loop3A_1331 : vector<16xf32>
      %parallel_loop3A_1333 = arith.constant 7 : i32
      %parallel_loop3A_1334 = vector.broadcast %parallel_loop3A_1333 : i32 to vector<16xi32>
      %parallel_loop3A_1335 = arith.addi %parallel_loop3A_82, %parallel_loop3A_1334 : vector<16xi32>
      %parallel_loop3A_1336 = tpu.vector_load_idx %arg5[%parallel_loop3A_1335] : memref<9000xi32, #tpu.memory_space<vmem>>[vector<16xi32>], vector<16xi32>,
      %parallel_loop3A_1337 = arith.constant 16 : i32
      %parallel_loop3A_1338 = vector.broadcast %parallel_loop3A_1337 : i32 to vector<16xi32>
      %parallel_loop3A_1339 = arith.shli %parallel_loop3A_1336, %parallel_loop3A_1338 : vector<16xi32>
      %parallel_loop3A_1340 = vector.bitcast %parallel_loop3A_1339 : vector<16xi32> to vector<16xf32>
      %parallel_loop3A_1341 = arith.addf %parallel_loop3A_1229, %parallel_loop3A_1340 : vector<16xf32>
      %parallel_loop3A_1342 = arith.constant -65536 : i32
      %parallel_loop3A_1343 = vector.broadcast %parallel_loop3A_1342 : i32 to vector<16xi32>
      %parallel_loop3A_1344 = arith.andi %parallel_loop3A_1336, %parallel_loop3A_1343 : vector<16xi32>
      %parallel_loop3A_1345 = vector.bitcast %parallel_loop3A_1344 : vector<16xi32> to vector<16xf32>
      %parallel_loop3A_1346 = arith.addf %parallel_loop3A_1234, %parallel_loop3A_1345 : vector<16xf32>
      %parallel_loop3A_1347 = arith.constant 0 : i32
      %parallel_loop3A_1348 = vector.broadcast %parallel_loop3A_1347 : i32 to vector<16xi32>
      %parallel_loop3A_1349 = arith.addi %parallel_loop3A_89, %parallel_loop3A_1348 : vector<16xi32>
      %parallel_loop3A_1350 = tpu.vector_load_idx %arg5[%parallel_loop3A_1349] : memref<9000xi32, #tpu.memory_space<vmem>>[vector<16xi32>], vector<16xi32>,
      %parallel_loop3A_1351 = arith.constant 16 : i32
      %parallel_loop3A_1352 = vector.broadcast %parallel_loop3A_1351 : i32 to vector<16xi32>
      %parallel_loop3A_1353 = arith.shli %parallel_loop3A_1350, %parallel_loop3A_1352 : vector<16xi32>
      %parallel_loop3A_1354 = vector.bitcast %parallel_loop3A_1353 : vector<16xi32> to vector<16xf32>
      %parallel_loop3A_1355 = arith.addf %parallel_loop3A_1243, %parallel_loop3A_1354 : vector<16xf32>
      %parallel_loop3A_1356 = arith.constant -65536 : i32
      %parallel_loop3A_1357 = vector.broadcast %parallel_loop3A_1356 : i32 to vector<16xi32>
      %parallel_loop3A_1358 = arith.andi %parallel_loop3A_1350, %parallel_loop3A_1357 : vector<16xi32>
      %parallel_loop3A_1359 = vector.bitcast %parallel_loop3A_1358 : vector<16xi32> to vector<16xf32>
      %parallel_loop3A_1360 = arith.addf %parallel_loop3A_1248, %parallel_loop3A_1359 : vector<16xf32>
      %parallel_loop3A_1361 = arith.constant 1 : i32
      %parallel_loop3A_1362 = vector.broadcast %parallel_loop3A_1361 : i32 to vector<16xi32>
      %parallel_loop3A_1363 = arith.addi %parallel_loop3A_89, %parallel_loop3A_1362 : vector<16xi32>
      %parallel_loop3A_1364 = tpu.vector_load_idx %arg5[%parallel_loop3A_1363] : memref<9000xi32, #tpu.memory_space<vmem>>[vector<16xi32>], vector<16xi32>,
      %parallel_loop3A_1365 = arith.constant 16 : i32
      %parallel_loop3A_1366 = vector.broadcast %parallel_loop3A_1365 : i32 to vector<16xi32>
      %parallel_loop3A_1367 = arith.shli %parallel_loop3A_1364, %parallel_loop3A_1366 : vector<16xi32>
      %parallel_loop3A_1368 = vector.bitcast %parallel_loop3A_1367 : vector<16xi32> to vector<16xf32>
      %parallel_loop3A_1369 = arith.addf %parallel_loop3A_1257, %parallel_loop3A_1368 : vector<16xf32>
      %parallel_loop3A_1370 = arith.constant -65536 : i32
      %parallel_loop3A_1371 = vector.broadcast %parallel_loop3A_1370 : i32 to vector<16xi32>
      %parallel_loop3A_1372 = arith.andi %parallel_loop3A_1364, %parallel_loop3A_1371 : vector<16xi32>
      %parallel_loop3A_1373 = vector.bitcast %parallel_loop3A_1372 : vector<16xi32> to vector<16xf32>
      %parallel_loop3A_1374 = arith.addf %parallel_loop3A_1262, %parallel_loop3A_1373 : vector<16xf32>
      %parallel_loop3A_1375 = arith.constant 2 : i32
      %parallel_loop3A_1376 = vector.broadcast %parallel_loop3A_1375 : i32 to vector<16xi32>
      %parallel_loop3A_1377 = arith.addi %parallel_loop3A_89, %parallel_loop3A_1376 : vector<16xi32>
      %parallel_loop3A_1378 = tpu.vector_load_idx %arg5[%parallel_loop3A_1377] : memref<9000xi32, #tpu.memory_space<vmem>>[vector<16xi32>], vector<16xi32>,
      %parallel_loop3A_1379 = arith.constant 16 : i32
      %parallel_loop3A_1380 = vector.broadcast %parallel_loop3A_1379 : i32 to vector<16xi32>
      %parallel_loop3A_1381 = arith.shli %parallel_loop3A_1378, %parallel_loop3A_1380 : vector<16xi32>
      %parallel_loop3A_1382 = vector.bitcast %parallel_loop3A_1381 : vector<16xi32> to vector<16xf32>
      %parallel_loop3A_1383 = arith.addf %parallel_loop3A_1271, %parallel_loop3A_1382 : vector<16xf32>
      %parallel_loop3A_1384 = arith.constant -65536 : i32
      %parallel_loop3A_1385 = vector.broadcast %parallel_loop3A_1384 : i32 to vector<16xi32>
      %parallel_loop3A_1386 = arith.andi %parallel_loop3A_1378, %parallel_loop3A_1385 : vector<16xi32>
      %parallel_loop3A_1387 = vector.bitcast %parallel_loop3A_1386 : vector<16xi32> to vector<16xf32>
      %parallel_loop3A_1388 = arith.addf %parallel_loop3A_1276, %parallel_loop3A_1387 : vector<16xf32>
      %parallel_loop3A_1389 = arith.constant 3 : i32
      %parallel_loop3A_1390 = vector.broadcast %parallel_loop3A_1389 : i32 to vector<16xi32>
      %parallel_loop3A_1391 = arith.addi %parallel_loop3A_89, %parallel_loop3A_1390 : vector<16xi32>
      %parallel_loop3A_1392 = tpu.vector_load_idx %arg5[%parallel_loop3A_1391] : memref<9000xi32, #tpu.memory_space<vmem>>[vector<16xi32>], vector<16xi32>,
      %parallel_loop3A_1393 = arith.constant 16 : i32
      %parallel_loop3A_1394 = vector.broadcast %parallel_loop3A_1393 : i32 to vector<16xi32>
      %parallel_loop3A_1395 = arith.shli %parallel_loop3A_1392, %parallel_loop3A_1394 : vector<16xi32>
      %parallel_loop3A_1396 = vector.bitcast %parallel_loop3A_1395 : vector<16xi32> to vector<16xf32>
      %parallel_loop3A_1397 = arith.addf %parallel_loop3A_1285, %parallel_loop3A_1396 : vector<16xf32>
      %parallel_loop3A_1398 = arith.constant -65536 : i32
      %parallel_loop3A_1399 = vector.broadcast %parallel_loop3A_1398 : i32 to vector<16xi32>
      %parallel_loop3A_1400 = arith.andi %parallel_loop3A_1392, %parallel_loop3A_1399 : vector<16xi32>
      %parallel_loop3A_1401 = vector.bitcast %parallel_loop3A_1400 : vector<16xi32> to vector<16xf32>
      %parallel_loop3A_1402 = arith.addf %parallel_loop3A_1290, %parallel_loop3A_1401 : vector<16xf32>
      %parallel_loop3A_1403 = arith.constant 4 : i32
      %parallel_loop3A_1404 = vector.broadcast %parallel_loop3A_1403 : i32 to vector<16xi32>
      %parallel_loop3A_1405 = arith.addi %parallel_loop3A_89, %parallel_loop3A_1404 : vector<16xi32>
      %parallel_loop3A_1406 = tpu.vector_load_idx %arg5[%parallel_loop3A_1405] : memref<9000xi32, #tpu.memory_space<vmem>>[vector<16xi32>], vector<16xi32>,
      %parallel_loop3A_1407 = arith.constant 16 : i32
      %parallel_loop3A_1408 = vector.broadcast %parallel_loop3A_1407 : i32 to vector<16xi32>
      %parallel_loop3A_1409 = arith.shli %parallel_loop3A_1406, %parallel_loop3A_1408 : vector<16xi32>
      %parallel_loop3A_1410 = vector.bitcast %parallel_loop3A_1409 : vector<16xi32> to vector<16xf32>
      %parallel_loop3A_1411 = arith.addf %parallel_loop3A_1299, %parallel_loop3A_1410 : vector<16xf32>
      %parallel_loop3A_1412 = arith.constant -65536 : i32
      %parallel_loop3A_1413 = vector.broadcast %parallel_loop3A_1412 : i32 to vector<16xi32>
      %parallel_loop3A_1414 = arith.andi %parallel_loop3A_1406, %parallel_loop3A_1413 : vector<16xi32>
      %parallel_loop3A_1415 = vector.bitcast %parallel_loop3A_1414 : vector<16xi32> to vector<16xf32>
      %parallel_loop3A_1416 = arith.addf %parallel_loop3A_1304, %parallel_loop3A_1415 : vector<16xf32>
      %parallel_loop3A_1417 = arith.constant 5 : i32
      %parallel_loop3A_1418 = vector.broadcast %parallel_loop3A_1417 : i32 to vector<16xi32>
      %parallel_loop3A_1419 = arith.addi %parallel_loop3A_89, %parallel_loop3A_1418 : vector<16xi32>
      %parallel_loop3A_1420 = tpu.vector_load_idx %arg5[%parallel_loop3A_1419] : memref<9000xi32, #tpu.memory_space<vmem>>[vector<16xi32>], vector<16xi32>,
      %parallel_loop3A_1421 = arith.constant 16 : i32
      %parallel_loop3A_1422 = vector.broadcast %parallel_loop3A_1421 : i32 to vector<16xi32>
      %parallel_loop3A_1423 = arith.shli %parallel_loop3A_1420, %parallel_loop3A_1422 : vector<16xi32>
      %parallel_loop3A_1424 = vector.bitcast %parallel_loop3A_1423 : vector<16xi32> to vector<16xf32>
      %parallel_loop3A_1425 = arith.addf %parallel_loop3A_1313, %parallel_loop3A_1424 : vector<16xf32>
      %parallel_loop3A_1426 = arith.constant -65536 : i32
      %parallel_loop3A_1427 = vector.broadcast %parallel_loop3A_1426 : i32 to vector<16xi32>
      %parallel_loop3A_1428 = arith.andi %parallel_loop3A_1420, %parallel_loop3A_1427 : vector<16xi32>
      %parallel_loop3A_1429 = vector.bitcast %parallel_loop3A_1428 : vector<16xi32> to vector<16xf32>
      %parallel_loop3A_1430 = arith.addf %parallel_loop3A_1318, %parallel_loop3A_1429 : vector<16xf32>
      %parallel_loop3A_1431 = arith.constant 6 : i32
      %parallel_loop3A_1432 = vector.broadcast %parallel_loop3A_1431 : i32 to vector<16xi32>
      %parallel_loop3A_1433 = arith.addi %parallel_loop3A_89, %parallel_loop3A_1432 : vector<16xi32>
      %parallel_loop3A_1434 = tpu.vector_load_idx %arg5[%parallel_loop3A_1433] : memref<9000xi32, #tpu.memory_space<vmem>>[vector<16xi32>], vector<16xi32>,
      %parallel_loop3A_1435 = arith.constant 16 : i32
      %parallel_loop3A_1436 = vector.broadcast %parallel_loop3A_1435 : i32 to vector<16xi32>
      %parallel_loop3A_1437 = arith.shli %parallel_loop3A_1434, %parallel_loop3A_1436 : vector<16xi32>
      %parallel_loop3A_1438 = vector.bitcast %parallel_loop3A_1437 : vector<16xi32> to vector<16xf32>
      %parallel_loop3A_1439 = arith.addf %parallel_loop3A_1327, %parallel_loop3A_1438 : vector<16xf32>
      %parallel_loop3A_1440 = arith.constant -65536 : i32
      %parallel_loop3A_1441 = vector.broadcast %parallel_loop3A_1440 : i32 to vector<16xi32>
      %parallel_loop3A_1442 = arith.andi %parallel_loop3A_1434, %parallel_loop3A_1441 : vector<16xi32>
      %parallel_loop3A_1443 = vector.bitcast %parallel_loop3A_1442 : vector<16xi32> to vector<16xf32>
      %parallel_loop3A_1444 = arith.addf %parallel_loop3A_1332, %parallel_loop3A_1443 : vector<16xf32>
      %parallel_loop3A_1445 = arith.constant 7 : i32
      %parallel_loop3A_1446 = vector.broadcast %parallel_loop3A_1445 : i32 to vector<16xi32>
      %parallel_loop3A_1447 = arith.addi %parallel_loop3A_89, %parallel_loop3A_1446 : vector<16xi32>
      %parallel_loop3A_1448 = tpu.vector_load_idx %arg5[%parallel_loop3A_1447] : memref<9000xi32, #tpu.memory_space<vmem>>[vector<16xi32>], vector<16xi32>,
      %parallel_loop3A_1449 = arith.constant 16 : i32
      %parallel_loop3A_1450 = vector.broadcast %parallel_loop3A_1449 : i32 to vector<16xi32>
      %parallel_loop3A_1451 = arith.shli %parallel_loop3A_1448, %parallel_loop3A_1450 : vector<16xi32>
      %parallel_loop3A_1452 = vector.bitcast %parallel_loop3A_1451 : vector<16xi32> to vector<16xf32>
      %parallel_loop3A_1453 = arith.addf %parallel_loop3A_1341, %parallel_loop3A_1452 : vector<16xf32>
      %parallel_loop3A_1454 = arith.constant -65536 : i32
      %parallel_loop3A_1455 = vector.broadcast %parallel_loop3A_1454 : i32 to vector<16xi32>
      %parallel_loop3A_1456 = arith.andi %parallel_loop3A_1448, %parallel_loop3A_1455 : vector<16xi32>
      %parallel_loop3A_1457 = vector.bitcast %parallel_loop3A_1456 : vector<16xi32> to vector<16xf32>
      %parallel_loop3A_1458 = arith.addf %parallel_loop3A_1346, %parallel_loop3A_1457 : vector<16xf32>
      %parallel_loop3A_1459 = arith.constant 0 : i32
      %parallel_loop3A_1460 = vector.broadcast %parallel_loop3A_1459 : i32 to vector<16xi32>
      %parallel_loop3A_1461 = arith.addi %parallel_loop3A_96, %parallel_loop3A_1460 : vector<16xi32>
      %parallel_loop3A_1462 = tpu.vector_load_idx %arg5[%parallel_loop3A_1461] : memref<9000xi32, #tpu.memory_space<vmem>>[vector<16xi32>], vector<16xi32>,
      %parallel_loop3A_1463 = arith.constant 16 : i32
      %parallel_loop3A_1464 = vector.broadcast %parallel_loop3A_1463 : i32 to vector<16xi32>
      %parallel_loop3A_1465 = arith.shli %parallel_loop3A_1462, %parallel_loop3A_1464 : vector<16xi32>
      %parallel_loop3A_1466 = vector.bitcast %parallel_loop3A_1465 : vector<16xi32> to vector<16xf32>
      %parallel_loop3A_1467 = arith.addf %parallel_loop3A_1355, %parallel_loop3A_1466 : vector<16xf32>
      %parallel_loop3A_1468 = arith.constant -65536 : i32
      %parallel_loop3A_1469 = vector.broadcast %parallel_loop3A_1468 : i32 to vector<16xi32>
      %parallel_loop3A_1470 = arith.andi %parallel_loop3A_1462, %parallel_loop3A_1469 : vector<16xi32>
      %parallel_loop3A_1471 = vector.bitcast %parallel_loop3A_1470 : vector<16xi32> to vector<16xf32>
      %parallel_loop3A_1472 = arith.addf %parallel_loop3A_1360, %parallel_loop3A_1471 : vector<16xf32>
      %parallel_loop3A_1473 = arith.constant 1 : i32
      %parallel_loop3A_1474 = vector.broadcast %parallel_loop3A_1473 : i32 to vector<16xi32>
      %parallel_loop3A_1475 = arith.addi %parallel_loop3A_96, %parallel_loop3A_1474 : vector<16xi32>
      %parallel_loop3A_1476 = tpu.vector_load_idx %arg5[%parallel_loop3A_1475] : memref<9000xi32, #tpu.memory_space<vmem>>[vector<16xi32>], vector<16xi32>,
      %parallel_loop3A_1477 = arith.constant 16 : i32
      %parallel_loop3A_1478 = vector.broadcast %parallel_loop3A_1477 : i32 to vector<16xi32>
      %parallel_loop3A_1479 = arith.shli %parallel_loop3A_1476, %parallel_loop3A_1478 : vector<16xi32>
      %parallel_loop3A_1480 = vector.bitcast %parallel_loop3A_1479 : vector<16xi32> to vector<16xf32>
      %parallel_loop3A_1481 = arith.addf %parallel_loop3A_1369, %parallel_loop3A_1480 : vector<16xf32>
      %parallel_loop3A_1482 = arith.constant -65536 : i32
      %parallel_loop3A_1483 = vector.broadcast %parallel_loop3A_1482 : i32 to vector<16xi32>
      %parallel_loop3A_1484 = arith.andi %parallel_loop3A_1476, %parallel_loop3A_1483 : vector<16xi32>
      %parallel_loop3A_1485 = vector.bitcast %parallel_loop3A_1484 : vector<16xi32> to vector<16xf32>
      %parallel_loop3A_1486 = arith.addf %parallel_loop3A_1374, %parallel_loop3A_1485 : vector<16xf32>
      %parallel_loop3A_1487 = arith.constant 2 : i32
      %parallel_loop3A_1488 = vector.broadcast %parallel_loop3A_1487 : i32 to vector<16xi32>
      %parallel_loop3A_1489 = arith.addi %parallel_loop3A_96, %parallel_loop3A_1488 : vector<16xi32>
      %parallel_loop3A_1490 = tpu.vector_load_idx %arg5[%parallel_loop3A_1489] : memref<9000xi32, #tpu.memory_space<vmem>>[vector<16xi32>], vector<16xi32>,
      %parallel_loop3A_1491 = arith.constant 16 : i32
      %parallel_loop3A_1492 = vector.broadcast %parallel_loop3A_1491 : i32 to vector<16xi32>
      %parallel_loop3A_1493 = arith.shli %parallel_loop3A_1490, %parallel_loop3A_1492 : vector<16xi32>
      %parallel_loop3A_1494 = vector.bitcast %parallel_loop3A_1493 : vector<16xi32> to vector<16xf32>
      %parallel_loop3A_1495 = arith.addf %parallel_loop3A_1383, %parallel_loop3A_1494 : vector<16xf32>
      %parallel_loop3A_1496 = arith.constant -65536 : i32
      %parallel_loop3A_1497 = vector.broadcast %parallel_loop3A_1496 : i32 to vector<16xi32>
      %parallel_loop3A_1498 = arith.andi %parallel_loop3A_1490, %parallel_loop3A_1497 : vector<16xi32>
      %parallel_loop3A_1499 = vector.bitcast %parallel_loop3A_1498 : vector<16xi32> to vector<16xf32>
      %parallel_loop3A_1500 = arith.addf %parallel_loop3A_1388, %parallel_loop3A_1499 : vector<16xf32>
      %parallel_loop3A_1501 = arith.constant 3 : i32
      %parallel_loop3A_1502 = vector.broadcast %parallel_loop3A_1501 : i32 to vector<16xi32>
      %parallel_loop3A_1503 = arith.addi %parallel_loop3A_96, %parallel_loop3A_1502 : vector<16xi32>
      %parallel_loop3A_1504 = tpu.vector_load_idx %arg5[%parallel_loop3A_1503] : memref<9000xi32, #tpu.memory_space<vmem>>[vector<16xi32>], vector<16xi32>,
      %parallel_loop3A_1505 = arith.constant 16 : i32
      %parallel_loop3A_1506 = vector.broadcast %parallel_loop3A_1505 : i32 to vector<16xi32>
      %parallel_loop3A_1507 = arith.shli %parallel_loop3A_1504, %parallel_loop3A_1506 : vector<16xi32>
      %parallel_loop3A_1508 = vector.bitcast %parallel_loop3A_1507 : vector<16xi32> to vector<16xf32>
      %parallel_loop3A_1509 = arith.addf %parallel_loop3A_1397, %parallel_loop3A_1508 : vector<16xf32>
      %parallel_loop3A_1510 = arith.constant -65536 : i32
      %parallel_loop3A_1511 = vector.broadcast %parallel_loop3A_1510 : i32 to vector<16xi32>
      %parallel_loop3A_1512 = arith.andi %parallel_loop3A_1504, %parallel_loop3A_1511 : vector<16xi32>
      %parallel_loop3A_1513 = vector.bitcast %parallel_loop3A_1512 : vector<16xi32> to vector<16xf32>
      %parallel_loop3A_1514 = arith.addf %parallel_loop3A_1402, %parallel_loop3A_1513 : vector<16xf32>
      %parallel_loop3A_1515 = arith.constant 4 : i32
      %parallel_loop3A_1516 = vector.broadcast %parallel_loop3A_1515 : i32 to vector<16xi32>
      %parallel_loop3A_1517 = arith.addi %parallel_loop3A_96, %parallel_loop3A_1516 : vector<16xi32>
      %parallel_loop3A_1518 = tpu.vector_load_idx %arg5[%parallel_loop3A_1517] : memref<9000xi32, #tpu.memory_space<vmem>>[vector<16xi32>], vector<16xi32>,
      %parallel_loop3A_1519 = arith.constant 16 : i32
      %parallel_loop3A_1520 = vector.broadcast %parallel_loop3A_1519 : i32 to vector<16xi32>
      %parallel_loop3A_1521 = arith.shli %parallel_loop3A_1518, %parallel_loop3A_1520 : vector<16xi32>
      %parallel_loop3A_1522 = vector.bitcast %parallel_loop3A_1521 : vector<16xi32> to vector<16xf32>
      %parallel_loop3A_1523 = arith.addf %parallel_loop3A_1411, %parallel_loop3A_1522 : vector<16xf32>
      %parallel_loop3A_1524 = arith.constant -65536 : i32
      %parallel_loop3A_1525 = vector.broadcast %parallel_loop3A_1524 : i32 to vector<16xi32>
      %parallel_loop3A_1526 = arith.andi %parallel_loop3A_1518, %parallel_loop3A_1525 : vector<16xi32>
      %parallel_loop3A_1527 = vector.bitcast %parallel_loop3A_1526 : vector<16xi32> to vector<16xf32>
      %parallel_loop3A_1528 = arith.addf %parallel_loop3A_1416, %parallel_loop3A_1527 : vector<16xf32>
      %parallel_loop3A_1529 = arith.constant 5 : i32
      %parallel_loop3A_1530 = vector.broadcast %parallel_loop3A_1529 : i32 to vector<16xi32>
      %parallel_loop3A_1531 = arith.addi %parallel_loop3A_96, %parallel_loop3A_1530 : vector<16xi32>
      %parallel_loop3A_1532 = tpu.vector_load_idx %arg5[%parallel_loop3A_1531] : memref<9000xi32, #tpu.memory_space<vmem>>[vector<16xi32>], vector<16xi32>,
      %parallel_loop3A_1533 = arith.constant 16 : i32
      %parallel_loop3A_1534 = vector.broadcast %parallel_loop3A_1533 : i32 to vector<16xi32>
      %parallel_loop3A_1535 = arith.shli %parallel_loop3A_1532, %parallel_loop3A_1534 : vector<16xi32>
      %parallel_loop3A_1536 = vector.bitcast %parallel_loop3A_1535 : vector<16xi32> to vector<16xf32>
      %parallel_loop3A_1537 = arith.addf %parallel_loop3A_1425, %parallel_loop3A_1536 : vector<16xf32>
      %parallel_loop3A_1538 = arith.constant -65536 : i32
      %parallel_loop3A_1539 = vector.broadcast %parallel_loop3A_1538 : i32 to vector<16xi32>
      %parallel_loop3A_1540 = arith.andi %parallel_loop3A_1532, %parallel_loop3A_1539 : vector<16xi32>
      %parallel_loop3A_1541 = vector.bitcast %parallel_loop3A_1540 : vector<16xi32> to vector<16xf32>
      %parallel_loop3A_1542 = arith.addf %parallel_loop3A_1430, %parallel_loop3A_1541 : vector<16xf32>
      %parallel_loop3A_1543 = arith.constant 6 : i32
      %parallel_loop3A_1544 = vector.broadcast %parallel_loop3A_1543 : i32 to vector<16xi32>
      %parallel_loop3A_1545 = arith.addi %parallel_loop3A_96, %parallel_loop3A_1544 : vector<16xi32>
      %parallel_loop3A_1546 = tpu.vector_load_idx %arg5[%parallel_loop3A_1545] : memref<9000xi32, #tpu.memory_space<vmem>>[vector<16xi32>], vector<16xi32>,
      %parallel_loop3A_1547 = arith.constant 16 : i32
      %parallel_loop3A_1548 = vector.broadcast %parallel_loop3A_1547 : i32 to vector<16xi32>
      %parallel_loop3A_1549 = arith.shli %parallel_loop3A_1546, %parallel_loop3A_1548 : vector<16xi32>
      %parallel_loop3A_1550 = vector.bitcast %parallel_loop3A_1549 : vector<16xi32> to vector<16xf32>
      %parallel_loop3A_1551 = arith.addf %parallel_loop3A_1439, %parallel_loop3A_1550 : vector<16xf32>
      %parallel_loop3A_1552 = arith.constant -65536 : i32
      %parallel_loop3A_1553 = vector.broadcast %parallel_loop3A_1552 : i32 to vector<16xi32>
      %parallel_loop3A_1554 = arith.andi %parallel_loop3A_1546, %parallel_loop3A_1553 : vector<16xi32>
      %parallel_loop3A_1555 = vector.bitcast %parallel_loop3A_1554 : vector<16xi32> to vector<16xf32>
      %parallel_loop3A_1556 = arith.addf %parallel_loop3A_1444, %parallel_loop3A_1555 : vector<16xf32>
      %parallel_loop3A_1557 = arith.constant 7 : i32
      %parallel_loop3A_1558 = vector.broadcast %parallel_loop3A_1557 : i32 to vector<16xi32>
      %parallel_loop3A_1559 = arith.addi %parallel_loop3A_96, %parallel_loop3A_1558 : vector<16xi32>
      %parallel_loop3A_1560 = tpu.vector_load_idx %arg5[%parallel_loop3A_1559] : memref<9000xi32, #tpu.memory_space<vmem>>[vector<16xi32>], vector<16xi32>,
      %parallel_loop3A_1561 = arith.constant 16 : i32
      %parallel_loop3A_1562 = vector.broadcast %parallel_loop3A_1561 : i32 to vector<16xi32>
      %parallel_loop3A_1563 = arith.shli %parallel_loop3A_1560, %parallel_loop3A_1562 : vector<16xi32>
      %parallel_loop3A_1564 = vector.bitcast %parallel_loop3A_1563 : vector<16xi32> to vector<16xf32>
      %parallel_loop3A_1565 = arith.addf %parallel_loop3A_1453, %parallel_loop3A_1564 : vector<16xf32>
      %parallel_loop3A_1566 = arith.constant -65536 : i32
      %parallel_loop3A_1567 = vector.broadcast %parallel_loop3A_1566 : i32 to vector<16xi32>
      %parallel_loop3A_1568 = arith.andi %parallel_loop3A_1560, %parallel_loop3A_1567 : vector<16xi32>
      %parallel_loop3A_1569 = vector.bitcast %parallel_loop3A_1568 : vector<16xi32> to vector<16xf32>
      %parallel_loop3A_1570 = arith.addf %parallel_loop3A_1458, %parallel_loop3A_1569 : vector<16xf32>
      %parallel_loop3A_1571 = arith.constant 0 : i32
      %parallel_loop3A_1572 = vector.broadcast %parallel_loop3A_1571 : i32 to vector<16xi32>
      %parallel_loop3A_1573 = arith.addi %parallel_loop3A_103, %parallel_loop3A_1572 : vector<16xi32>
      %parallel_loop3A_1574 = tpu.vector_load_idx %arg5[%parallel_loop3A_1573] : memref<9000xi32, #tpu.memory_space<vmem>>[vector<16xi32>], vector<16xi32>,
      %parallel_loop3A_1575 = arith.constant 16 : i32
      %parallel_loop3A_1576 = vector.broadcast %parallel_loop3A_1575 : i32 to vector<16xi32>
      %parallel_loop3A_1577 = arith.shli %parallel_loop3A_1574, %parallel_loop3A_1576 : vector<16xi32>
      %parallel_loop3A_1578 = vector.bitcast %parallel_loop3A_1577 : vector<16xi32> to vector<16xf32>
      %parallel_loop3A_1579 = arith.addf %parallel_loop3A_1467, %parallel_loop3A_1578 : vector<16xf32>
      %parallel_loop3A_1580 = arith.constant -65536 : i32
      %parallel_loop3A_1581 = vector.broadcast %parallel_loop3A_1580 : i32 to vector<16xi32>
      %parallel_loop3A_1582 = arith.andi %parallel_loop3A_1574, %parallel_loop3A_1581 : vector<16xi32>
      %parallel_loop3A_1583 = vector.bitcast %parallel_loop3A_1582 : vector<16xi32> to vector<16xf32>
      %parallel_loop3A_1584 = arith.addf %parallel_loop3A_1472, %parallel_loop3A_1583 : vector<16xf32>
      %parallel_loop3A_1585 = arith.constant 1 : i32
      %parallel_loop3A_1586 = vector.broadcast %parallel_loop3A_1585 : i32 to vector<16xi32>
      %parallel_loop3A_1587 = arith.addi %parallel_loop3A_103, %parallel_loop3A_1586 : vector<16xi32>
      %parallel_loop3A_1588 = tpu.vector_load_idx %arg5[%parallel_loop3A_1587] : memref<9000xi32, #tpu.memory_space<vmem>>[vector<16xi32>], vector<16xi32>,
      %parallel_loop3A_1589 = arith.constant 16 : i32
      %parallel_loop3A_1590 = vector.broadcast %parallel_loop3A_1589 : i32 to vector<16xi32>
      %parallel_loop3A_1591 = arith.shli %parallel_loop3A_1588, %parallel_loop3A_1590 : vector<16xi32>
      %parallel_loop3A_1592 = vector.bitcast %parallel_loop3A_1591 : vector<16xi32> to vector<16xf32>
      %parallel_loop3A_1593 = arith.addf %parallel_loop3A_1481, %parallel_loop3A_1592 : vector<16xf32>
      %parallel_loop3A_1594 = arith.constant -65536 : i32
      %parallel_loop3A_1595 = vector.broadcast %parallel_loop3A_1594 : i32 to vector<16xi32>
      %parallel_loop3A_1596 = arith.andi %parallel_loop3A_1588, %parallel_loop3A_1595 : vector<16xi32>
      %parallel_loop3A_1597 = vector.bitcast %parallel_loop3A_1596 : vector<16xi32> to vector<16xf32>
      %parallel_loop3A_1598 = arith.addf %parallel_loop3A_1486, %parallel_loop3A_1597 : vector<16xf32>
      %parallel_loop3A_1599 = arith.constant 2 : i32
      %parallel_loop3A_1600 = vector.broadcast %parallel_loop3A_1599 : i32 to vector<16xi32>
      %parallel_loop3A_1601 = arith.addi %parallel_loop3A_103, %parallel_loop3A_1600 : vector<16xi32>
      %parallel_loop3A_1602 = tpu.vector_load_idx %arg5[%parallel_loop3A_1601] : memref<9000xi32, #tpu.memory_space<vmem>>[vector<16xi32>], vector<16xi32>,
      %parallel_loop3A_1603 = arith.constant 16 : i32
      %parallel_loop3A_1604 = vector.broadcast %parallel_loop3A_1603 : i32 to vector<16xi32>
      %parallel_loop3A_1605 = arith.shli %parallel_loop3A_1602, %parallel_loop3A_1604 : vector<16xi32>
      %parallel_loop3A_1606 = vector.bitcast %parallel_loop3A_1605 : vector<16xi32> to vector<16xf32>
      %parallel_loop3A_1607 = arith.addf %parallel_loop3A_1495, %parallel_loop3A_1606 : vector<16xf32>
      %parallel_loop3A_1608 = arith.constant -65536 : i32
      %parallel_loop3A_1609 = vector.broadcast %parallel_loop3A_1608 : i32 to vector<16xi32>
      %parallel_loop3A_1610 = arith.andi %parallel_loop3A_1602, %parallel_loop3A_1609 : vector<16xi32>
      %parallel_loop3A_1611 = vector.bitcast %parallel_loop3A_1610 : vector<16xi32> to vector<16xf32>
      %parallel_loop3A_1612 = arith.addf %parallel_loop3A_1500, %parallel_loop3A_1611 : vector<16xf32>
      %parallel_loop3A_1613 = arith.constant 3 : i32
      %parallel_loop3A_1614 = vector.broadcast %parallel_loop3A_1613 : i32 to vector<16xi32>
      %parallel_loop3A_1615 = arith.addi %parallel_loop3A_103, %parallel_loop3A_1614 : vector<16xi32>
      %parallel_loop3A_1616 = tpu.vector_load_idx %arg5[%parallel_loop3A_1615] : memref<9000xi32, #tpu.memory_space<vmem>>[vector<16xi32>], vector<16xi32>,
      %parallel_loop3A_1617 = arith.constant 16 : i32
      %parallel_loop3A_1618 = vector.broadcast %parallel_loop3A_1617 : i32 to vector<16xi32>
      %parallel_loop3A_1619 = arith.shli %parallel_loop3A_1616, %parallel_loop3A_1618 : vector<16xi32>
      %parallel_loop3A_1620 = vector.bitcast %parallel_loop3A_1619 : vector<16xi32> to vector<16xf32>
      %parallel_loop3A_1621 = arith.addf %parallel_loop3A_1509, %parallel_loop3A_1620 : vector<16xf32>
      %parallel_loop3A_1622 = arith.constant -65536 : i32
      %parallel_loop3A_1623 = vector.broadcast %parallel_loop3A_1622 : i32 to vector<16xi32>
      %parallel_loop3A_1624 = arith.andi %parallel_loop3A_1616, %parallel_loop3A_1623 : vector<16xi32>
      %parallel_loop3A_1625 = vector.bitcast %parallel_loop3A_1624 : vector<16xi32> to vector<16xf32>
      %parallel_loop3A_1626 = arith.addf %parallel_loop3A_1514, %parallel_loop3A_1625 : vector<16xf32>
      %parallel_loop3A_1627 = arith.constant 4 : i32
      %parallel_loop3A_1628 = vector.broadcast %parallel_loop3A_1627 : i32 to vector<16xi32>
      %parallel_loop3A_1629 = arith.addi %parallel_loop3A_103, %parallel_loop3A_1628 : vector<16xi32>
      %parallel_loop3A_1630 = tpu.vector_load_idx %arg5[%parallel_loop3A_1629] : memref<9000xi32, #tpu.memory_space<vmem>>[vector<16xi32>], vector<16xi32>,
      %parallel_loop3A_1631 = arith.constant 16 : i32
      %parallel_loop3A_1632 = vector.broadcast %parallel_loop3A_1631 : i32 to vector<16xi32>
      %parallel_loop3A_1633 = arith.shli %parallel_loop3A_1630, %parallel_loop3A_1632 : vector<16xi32>
      %parallel_loop3A_1634 = vector.bitcast %parallel_loop3A_1633 : vector<16xi32> to vector<16xf32>
      %parallel_loop3A_1635 = arith.addf %parallel_loop3A_1523, %parallel_loop3A_1634 : vector<16xf32>
      %parallel_loop3A_1636 = arith.constant -65536 : i32
      %parallel_loop3A_1637 = vector.broadcast %parallel_loop3A_1636 : i32 to vector<16xi32>
      %parallel_loop3A_1638 = arith.andi %parallel_loop3A_1630, %parallel_loop3A_1637 : vector<16xi32>
      %parallel_loop3A_1639 = vector.bitcast %parallel_loop3A_1638 : vector<16xi32> to vector<16xf32>
      %parallel_loop3A_1640 = arith.addf %parallel_loop3A_1528, %parallel_loop3A_1639 : vector<16xf32>
      %parallel_loop3A_1641 = arith.constant 5 : i32
      %parallel_loop3A_1642 = vector.broadcast %parallel_loop3A_1641 : i32 to vector<16xi32>
      %parallel_loop3A_1643 = arith.addi %parallel_loop3A_103, %parallel_loop3A_1642 : vector<16xi32>
      %parallel_loop3A_1644 = tpu.vector_load_idx %arg5[%parallel_loop3A_1643] : memref<9000xi32, #tpu.memory_space<vmem>>[vector<16xi32>], vector<16xi32>,
      %parallel_loop3A_1645 = arith.constant 16 : i32
      %parallel_loop3A_1646 = vector.broadcast %parallel_loop3A_1645 : i32 to vector<16xi32>
      %parallel_loop3A_1647 = arith.shli %parallel_loop3A_1644, %parallel_loop3A_1646 : vector<16xi32>
      %parallel_loop3A_1648 = vector.bitcast %parallel_loop3A_1647 : vector<16xi32> to vector<16xf32>
      %parallel_loop3A_1649 = arith.addf %parallel_loop3A_1537, %parallel_loop3A_1648 : vector<16xf32>
      %parallel_loop3A_1650 = arith.constant -65536 : i32
      %parallel_loop3A_1651 = vector.broadcast %parallel_loop3A_1650 : i32 to vector<16xi32>
      %parallel_loop3A_1652 = arith.andi %parallel_loop3A_1644, %parallel_loop3A_1651 : vector<16xi32>
      %parallel_loop3A_1653 = vector.bitcast %parallel_loop3A_1652 : vector<16xi32> to vector<16xf32>
      %parallel_loop3A_1654 = arith.addf %parallel_loop3A_1542, %parallel_loop3A_1653 : vector<16xf32>
      %parallel_loop3A_1655 = arith.constant 6 : i32
      %parallel_loop3A_1656 = vector.broadcast %parallel_loop3A_1655 : i32 to vector<16xi32>
      %parallel_loop3A_1657 = arith.addi %parallel_loop3A_103, %parallel_loop3A_1656 : vector<16xi32>
      %parallel_loop3A_1658 = tpu.vector_load_idx %arg5[%parallel_loop3A_1657] : memref<9000xi32, #tpu.memory_space<vmem>>[vector<16xi32>], vector<16xi32>,
      %parallel_loop3A_1659 = arith.constant 16 : i32
      %parallel_loop3A_1660 = vector.broadcast %parallel_loop3A_1659 : i32 to vector<16xi32>
      %parallel_loop3A_1661 = arith.shli %parallel_loop3A_1658, %parallel_loop3A_1660 : vector<16xi32>
      %parallel_loop3A_1662 = vector.bitcast %parallel_loop3A_1661 : vector<16xi32> to vector<16xf32>
      %parallel_loop3A_1663 = arith.addf %parallel_loop3A_1551, %parallel_loop3A_1662 : vector<16xf32>
      %parallel_loop3A_1664 = arith.constant -65536 : i32
      %parallel_loop3A_1665 = vector.broadcast %parallel_loop3A_1664 : i32 to vector<16xi32>
      %parallel_loop3A_1666 = arith.andi %parallel_loop3A_1658, %parallel_loop3A_1665 : vector<16xi32>
      %parallel_loop3A_1667 = vector.bitcast %parallel_loop3A_1666 : vector<16xi32> to vector<16xf32>
      %parallel_loop3A_1668 = arith.addf %parallel_loop3A_1556, %parallel_loop3A_1667 : vector<16xf32>
      %parallel_loop3A_1669 = arith.constant 7 : i32
      %parallel_loop3A_1670 = vector.broadcast %parallel_loop3A_1669 : i32 to vector<16xi32>
      %parallel_loop3A_1671 = arith.addi %parallel_loop3A_103, %parallel_loop3A_1670 : vector<16xi32>
      %parallel_loop3A_1672 = tpu.vector_load_idx %arg5[%parallel_loop3A_1671] : memref<9000xi32, #tpu.memory_space<vmem>>[vector<16xi32>], vector<16xi32>,
      %parallel_loop3A_1673 = arith.constant 16 : i32
      %parallel_loop3A_1674 = vector.broadcast %parallel_loop3A_1673 : i32 to vector<16xi32>
      %parallel_loop3A_1675 = arith.shli %parallel_loop3A_1672, %parallel_loop3A_1674 : vector<16xi32>
      %parallel_loop3A_1676 = vector.bitcast %parallel_loop3A_1675 : vector<16xi32> to vector<16xf32>
      %parallel_loop3A_1677 = arith.addf %parallel_loop3A_1565, %parallel_loop3A_1676 : vector<16xf32>
      %parallel_loop3A_1678 = arith.constant -65536 : i32
      %parallel_loop3A_1679 = vector.broadcast %parallel_loop3A_1678 : i32 to vector<16xi32>
      %parallel_loop3A_1680 = arith.andi %parallel_loop3A_1672, %parallel_loop3A_1679 : vector<16xi32>
      %parallel_loop3A_1681 = vector.bitcast %parallel_loop3A_1680 : vector<16xi32> to vector<16xf32>
      %parallel_loop3A_1682 = arith.addf %parallel_loop3A_1570, %parallel_loop3A_1681 : vector<16xf32>
      %parallel_loop3A_1683 = arith.constant 0 : i32
      %parallel_loop3A_1684 = vector.broadcast %parallel_loop3A_1683 : i32 to vector<16xi32>
      %parallel_loop3A_1685 = arith.addi %parallel_loop3A_110, %parallel_loop3A_1684 : vector<16xi32>
      %parallel_loop3A_1686 = tpu.vector_load_idx %arg5[%parallel_loop3A_1685] : memref<9000xi32, #tpu.memory_space<vmem>>[vector<16xi32>], vector<16xi32>,
      %parallel_loop3A_1687 = arith.constant 16 : i32
      %parallel_loop3A_1688 = vector.broadcast %parallel_loop3A_1687 : i32 to vector<16xi32>
      %parallel_loop3A_1689 = arith.shli %parallel_loop3A_1686, %parallel_loop3A_1688 : vector<16xi32>
      %parallel_loop3A_1690 = vector.bitcast %parallel_loop3A_1689 : vector<16xi32> to vector<16xf32>
      %parallel_loop3A_1691 = arith.addf %parallel_loop3A_1579, %parallel_loop3A_1690 : vector<16xf32>
      %parallel_loop3A_1692 = arith.constant -65536 : i32
      %parallel_loop3A_1693 = vector.broadcast %parallel_loop3A_1692 : i32 to vector<16xi32>
      %parallel_loop3A_1694 = arith.andi %parallel_loop3A_1686, %parallel_loop3A_1693 : vector<16xi32>
      %parallel_loop3A_1695 = vector.bitcast %parallel_loop3A_1694 : vector<16xi32> to vector<16xf32>
      %parallel_loop3A_1696 = arith.addf %parallel_loop3A_1584, %parallel_loop3A_1695 : vector<16xf32>
      %parallel_loop3A_1697 = arith.constant 1 : i32
      %parallel_loop3A_1698 = vector.broadcast %parallel_loop3A_1697 : i32 to vector<16xi32>
      %parallel_loop3A_1699 = arith.addi %parallel_loop3A_110, %parallel_loop3A_1698 : vector<16xi32>
      %parallel_loop3A_1700 = tpu.vector_load_idx %arg5[%parallel_loop3A_1699] : memref<9000xi32, #tpu.memory_space<vmem>>[vector<16xi32>], vector<16xi32>,
      %parallel_loop3A_1701 = arith.constant 16 : i32
      %parallel_loop3A_1702 = vector.broadcast %parallel_loop3A_1701 : i32 to vector<16xi32>
      %parallel_loop3A_1703 = arith.shli %parallel_loop3A_1700, %parallel_loop3A_1702 : vector<16xi32>
      %parallel_loop3A_1704 = vector.bitcast %parallel_loop3A_1703 : vector<16xi32> to vector<16xf32>
      %parallel_loop3A_1705 = arith.addf %parallel_loop3A_1593, %parallel_loop3A_1704 : vector<16xf32>
      %parallel_loop3A_1706 = arith.constant -65536 : i32
      %parallel_loop3A_1707 = vector.broadcast %parallel_loop3A_1706 : i32 to vector<16xi32>
      %parallel_loop3A_1708 = arith.andi %parallel_loop3A_1700, %parallel_loop3A_1707 : vector<16xi32>
      %parallel_loop3A_1709 = vector.bitcast %parallel_loop3A_1708 : vector<16xi32> to vector<16xf32>
      %parallel_loop3A_1710 = arith.addf %parallel_loop3A_1598, %parallel_loop3A_1709 : vector<16xf32>
      %parallel_loop3A_1711 = arith.constant 2 : i32
      %parallel_loop3A_1712 = vector.broadcast %parallel_loop3A_1711 : i32 to vector<16xi32>
      %parallel_loop3A_1713 = arith.addi %parallel_loop3A_110, %parallel_loop3A_1712 : vector<16xi32>
      %parallel_loop3A_1714 = tpu.vector_load_idx %arg5[%parallel_loop3A_1713] : memref<9000xi32, #tpu.memory_space<vmem>>[vector<16xi32>], vector<16xi32>,
      %parallel_loop3A_1715 = arith.constant 16 : i32
      %parallel_loop3A_1716 = vector.broadcast %parallel_loop3A_1715 : i32 to vector<16xi32>
      %parallel_loop3A_1717 = arith.shli %parallel_loop3A_1714, %parallel_loop3A_1716 : vector<16xi32>
      %parallel_loop3A_1718 = vector.bitcast %parallel_loop3A_1717 : vector<16xi32> to vector<16xf32>
      %parallel_loop3A_1719 = arith.addf %parallel_loop3A_1607, %parallel_loop3A_1718 : vector<16xf32>
      %parallel_loop3A_1720 = arith.constant -65536 : i32
      %parallel_loop3A_1721 = vector.broadcast %parallel_loop3A_1720 : i32 to vector<16xi32>
      %parallel_loop3A_1722 = arith.andi %parallel_loop3A_1714, %parallel_loop3A_1721 : vector<16xi32>
      %parallel_loop3A_1723 = vector.bitcast %parallel_loop3A_1722 : vector<16xi32> to vector<16xf32>
      %parallel_loop3A_1724 = arith.addf %parallel_loop3A_1612, %parallel_loop3A_1723 : vector<16xf32>
      %parallel_loop3A_1725 = arith.constant 3 : i32
      %parallel_loop3A_1726 = vector.broadcast %parallel_loop3A_1725 : i32 to vector<16xi32>
      %parallel_loop3A_1727 = arith.addi %parallel_loop3A_110, %parallel_loop3A_1726 : vector<16xi32>
      %parallel_loop3A_1728 = tpu.vector_load_idx %arg5[%parallel_loop3A_1727] : memref<9000xi32, #tpu.memory_space<vmem>>[vector<16xi32>], vector<16xi32>,
      %parallel_loop3A_1729 = arith.constant 16 : i32
      %parallel_loop3A_1730 = vector.broadcast %parallel_loop3A_1729 : i32 to vector<16xi32>
      %parallel_loop3A_1731 = arith.shli %parallel_loop3A_1728, %parallel_loop3A_1730 : vector<16xi32>
      %parallel_loop3A_1732 = vector.bitcast %parallel_loop3A_1731 : vector<16xi32> to vector<16xf32>
      %parallel_loop3A_1733 = arith.addf %parallel_loop3A_1621, %parallel_loop3A_1732 : vector<16xf32>
      %parallel_loop3A_1734 = arith.constant -65536 : i32
      %parallel_loop3A_1735 = vector.broadcast %parallel_loop3A_1734 : i32 to vector<16xi32>
      %parallel_loop3A_1736 = arith.andi %parallel_loop3A_1728, %parallel_loop3A_1735 : vector<16xi32>
      %parallel_loop3A_1737 = vector.bitcast %parallel_loop3A_1736 : vector<16xi32> to vector<16xf32>
      %parallel_loop3A_1738 = arith.addf %parallel_loop3A_1626, %parallel_loop3A_1737 : vector<16xf32>
      %parallel_loop3A_1739 = arith.constant 4 : i32
      %parallel_loop3A_1740 = vector.broadcast %parallel_loop3A_1739 : i32 to vector<16xi32>
      %parallel_loop3A_1741 = arith.addi %parallel_loop3A_110, %parallel_loop3A_1740 : vector<16xi32>
      %parallel_loop3A_1742 = tpu.vector_load_idx %arg5[%parallel_loop3A_1741] : memref<9000xi32, #tpu.memory_space<vmem>>[vector<16xi32>], vector<16xi32>,
      %parallel_loop3A_1743 = arith.constant 16 : i32
      %parallel_loop3A_1744 = vector.broadcast %parallel_loop3A_1743 : i32 to vector<16xi32>
      %parallel_loop3A_1745 = arith.shli %parallel_loop3A_1742, %parallel_loop3A_1744 : vector<16xi32>
      %parallel_loop3A_1746 = vector.bitcast %parallel_loop3A_1745 : vector<16xi32> to vector<16xf32>
      %parallel_loop3A_1747 = arith.addf %parallel_loop3A_1635, %parallel_loop3A_1746 : vector<16xf32>
      %parallel_loop3A_1748 = arith.constant -65536 : i32
      %parallel_loop3A_1749 = vector.broadcast %parallel_loop3A_1748 : i32 to vector<16xi32>
      %parallel_loop3A_1750 = arith.andi %parallel_loop3A_1742, %parallel_loop3A_1749 : vector<16xi32>
      %parallel_loop3A_1751 = vector.bitcast %parallel_loop3A_1750 : vector<16xi32> to vector<16xf32>
      %parallel_loop3A_1752 = arith.addf %parallel_loop3A_1640, %parallel_loop3A_1751 : vector<16xf32>
      %parallel_loop3A_1753 = arith.constant 5 : i32
      %parallel_loop3A_1754 = vector.broadcast %parallel_loop3A_1753 : i32 to vector<16xi32>
      %parallel_loop3A_1755 = arith.addi %parallel_loop3A_110, %parallel_loop3A_1754 : vector<16xi32>
      %parallel_loop3A_1756 = tpu.vector_load_idx %arg5[%parallel_loop3A_1755] : memref<9000xi32, #tpu.memory_space<vmem>>[vector<16xi32>], vector<16xi32>,
      %parallel_loop3A_1757 = arith.constant 16 : i32
      %parallel_loop3A_1758 = vector.broadcast %parallel_loop3A_1757 : i32 to vector<16xi32>
      %parallel_loop3A_1759 = arith.shli %parallel_loop3A_1756, %parallel_loop3A_1758 : vector<16xi32>
      %parallel_loop3A_1760 = vector.bitcast %parallel_loop3A_1759 : vector<16xi32> to vector<16xf32>
      %parallel_loop3A_1761 = arith.addf %parallel_loop3A_1649, %parallel_loop3A_1760 : vector<16xf32>
      %parallel_loop3A_1762 = arith.constant -65536 : i32
      %parallel_loop3A_1763 = vector.broadcast %parallel_loop3A_1762 : i32 to vector<16xi32>
      %parallel_loop3A_1764 = arith.andi %parallel_loop3A_1756, %parallel_loop3A_1763 : vector<16xi32>
      %parallel_loop3A_1765 = vector.bitcast %parallel_loop3A_1764 : vector<16xi32> to vector<16xf32>
      %parallel_loop3A_1766 = arith.addf %parallel_loop3A_1654, %parallel_loop3A_1765 : vector<16xf32>
      %parallel_loop3A_1767 = arith.constant 6 : i32
      %parallel_loop3A_1768 = vector.broadcast %parallel_loop3A_1767 : i32 to vector<16xi32>
      %parallel_loop3A_1769 = arith.addi %parallel_loop3A_110, %parallel_loop3A_1768 : vector<16xi32>
      %parallel_loop3A_1770 = tpu.vector_load_idx %arg5[%parallel_loop3A_1769] : memref<9000xi32, #tpu.memory_space<vmem>>[vector<16xi32>], vector<16xi32>,
      %parallel_loop3A_1771 = arith.constant 16 : i32
      %parallel_loop3A_1772 = vector.broadcast %parallel_loop3A_1771 : i32 to vector<16xi32>
      %parallel_loop3A_1773 = arith.shli %parallel_loop3A_1770, %parallel_loop3A_1772 : vector<16xi32>
      %parallel_loop3A_1774 = vector.bitcast %parallel_loop3A_1773 : vector<16xi32> to vector<16xf32>
      %parallel_loop3A_1775 = arith.addf %parallel_loop3A_1663, %parallel_loop3A_1774 : vector<16xf32>
      %parallel_loop3A_1776 = arith.constant -65536 : i32
      %parallel_loop3A_1777 = vector.broadcast %parallel_loop3A_1776 : i32 to vector<16xi32>
      %parallel_loop3A_1778 = arith.andi %parallel_loop3A_1770, %parallel_loop3A_1777 : vector<16xi32>
      %parallel_loop3A_1779 = vector.bitcast %parallel_loop3A_1778 : vector<16xi32> to vector<16xf32>
      %parallel_loop3A_1780 = arith.addf %parallel_loop3A_1668, %parallel_loop3A_1779 : vector<16xf32>
      %parallel_loop3A_1781 = arith.constant 7 : i32
      %parallel_loop3A_1782 = vector.broadcast %parallel_loop3A_1781 : i32 to vector<16xi32>
      %parallel_loop3A_1783 = arith.addi %parallel_loop3A_110, %parallel_loop3A_1782 : vector<16xi32>
      %parallel_loop3A_1784 = tpu.vector_load_idx %arg5[%parallel_loop3A_1783] : memref<9000xi32, #tpu.memory_space<vmem>>[vector<16xi32>], vector<16xi32>,
      %parallel_loop3A_1785 = arith.constant 16 : i32
      %parallel_loop3A_1786 = vector.broadcast %parallel_loop3A_1785 : i32 to vector<16xi32>
      %parallel_loop3A_1787 = arith.shli %parallel_loop3A_1784, %parallel_loop3A_1786 : vector<16xi32>
      %parallel_loop3A_1788 = vector.bitcast %parallel_loop3A_1787 : vector<16xi32> to vector<16xf32>
      %parallel_loop3A_1789 = arith.addf %parallel_loop3A_1677, %parallel_loop3A_1788 : vector<16xf32>
      %parallel_loop3A_1790 = arith.constant -65536 : i32
      %parallel_loop3A_1791 = vector.broadcast %parallel_loop3A_1790 : i32 to vector<16xi32>
      %parallel_loop3A_1792 = arith.andi %parallel_loop3A_1784, %parallel_loop3A_1791 : vector<16xi32>
      %parallel_loop3A_1793 = vector.bitcast %parallel_loop3A_1792 : vector<16xi32> to vector<16xf32>
      %parallel_loop3A_1794 = arith.addf %parallel_loop3A_1682, %parallel_loop3A_1793 : vector<16xf32>
      %parallel_loop3A_1795 = arith.constant 0 : i32
      %parallel_loop3A_1796 = vector.broadcast %parallel_loop3A_1795 : i32 to vector<16xi32>
      %parallel_loop3A_1797 = arith.addi %parallel_loop3A_117, %parallel_loop3A_1796 : vector<16xi32>
      %parallel_loop3A_1798 = tpu.vector_load_idx %arg5[%parallel_loop3A_1797] : memref<9000xi32, #tpu.memory_space<vmem>>[vector<16xi32>], vector<16xi32>,
      %parallel_loop3A_1799 = arith.constant 16 : i32
      %parallel_loop3A_1800 = vector.broadcast %parallel_loop3A_1799 : i32 to vector<16xi32>
      %parallel_loop3A_1801 = arith.shli %parallel_loop3A_1798, %parallel_loop3A_1800 : vector<16xi32>
      %parallel_loop3A_1802 = vector.bitcast %parallel_loop3A_1801 : vector<16xi32> to vector<16xf32>
      %parallel_loop3A_1803 = arith.addf %parallel_loop3A_1691, %parallel_loop3A_1802 : vector<16xf32>
      %parallel_loop3A_1804 = arith.constant -65536 : i32
      %parallel_loop3A_1805 = vector.broadcast %parallel_loop3A_1804 : i32 to vector<16xi32>
      %parallel_loop3A_1806 = arith.andi %parallel_loop3A_1798, %parallel_loop3A_1805 : vector<16xi32>
      %parallel_loop3A_1807 = vector.bitcast %parallel_loop3A_1806 : vector<16xi32> to vector<16xf32>
      %parallel_loop3A_1808 = arith.addf %parallel_loop3A_1696, %parallel_loop3A_1807 : vector<16xf32>
      %parallel_loop3A_1809 = arith.constant 1 : i32
      %parallel_loop3A_1810 = vector.broadcast %parallel_loop3A_1809 : i32 to vector<16xi32>
      %parallel_loop3A_1811 = arith.addi %parallel_loop3A_117, %parallel_loop3A_1810 : vector<16xi32>
      %parallel_loop3A_1812 = tpu.vector_load_idx %arg5[%parallel_loop3A_1811] : memref<9000xi32, #tpu.memory_space<vmem>>[vector<16xi32>], vector<16xi32>,
      %parallel_loop3A_1813 = arith.constant 16 : i32
      %parallel_loop3A_1814 = vector.broadcast %parallel_loop3A_1813 : i32 to vector<16xi32>
      %parallel_loop3A_1815 = arith.shli %parallel_loop3A_1812, %parallel_loop3A_1814 : vector<16xi32>
      %parallel_loop3A_1816 = vector.bitcast %parallel_loop3A_1815 : vector<16xi32> to vector<16xf32>
      %parallel_loop3A_1817 = arith.addf %parallel_loop3A_1705, %parallel_loop3A_1816 : vector<16xf32>
      %parallel_loop3A_1818 = arith.constant -65536 : i32
      %parallel_loop3A_1819 = vector.broadcast %parallel_loop3A_1818 : i32 to vector<16xi32>
      %parallel_loop3A_1820 = arith.andi %parallel_loop3A_1812, %parallel_loop3A_1819 : vector<16xi32>
      %parallel_loop3A_1821 = vector.bitcast %parallel_loop3A_1820 : vector<16xi32> to vector<16xf32>
      %parallel_loop3A_1822 = arith.addf %parallel_loop3A_1710, %parallel_loop3A_1821 : vector<16xf32>
      %parallel_loop3A_1823 = arith.constant 2 : i32
      %parallel_loop3A_1824 = vector.broadcast %parallel_loop3A_1823 : i32 to vector<16xi32>
      %parallel_loop3A_1825 = arith.addi %parallel_loop3A_117, %parallel_loop3A_1824 : vector<16xi32>
      %parallel_loop3A_1826 = tpu.vector_load_idx %arg5[%parallel_loop3A_1825] : memref<9000xi32, #tpu.memory_space<vmem>>[vector<16xi32>], vector<16xi32>,
      %parallel_loop3A_1827 = arith.constant 16 : i32
      %parallel_loop3A_1828 = vector.broadcast %parallel_loop3A_1827 : i32 to vector<16xi32>
      %parallel_loop3A_1829 = arith.shli %parallel_loop3A_1826, %parallel_loop3A_1828 : vector<16xi32>
      %parallel_loop3A_1830 = vector.bitcast %parallel_loop3A_1829 : vector<16xi32> to vector<16xf32>
      %parallel_loop3A_1831 = arith.addf %parallel_loop3A_1719, %parallel_loop3A_1830 : vector<16xf32>
      %parallel_loop3A_1832 = arith.constant -65536 : i32
      %parallel_loop3A_1833 = vector.broadcast %parallel_loop3A_1832 : i32 to vector<16xi32>
      %parallel_loop3A_1834 = arith.andi %parallel_loop3A_1826, %parallel_loop3A_1833 : vector<16xi32>
      %parallel_loop3A_1835 = vector.bitcast %parallel_loop3A_1834 : vector<16xi32> to vector<16xf32>
      %parallel_loop3A_1836 = arith.addf %parallel_loop3A_1724, %parallel_loop3A_1835 : vector<16xf32>
      %parallel_loop3A_1837 = arith.constant 3 : i32
      %parallel_loop3A_1838 = vector.broadcast %parallel_loop3A_1837 : i32 to vector<16xi32>
      %parallel_loop3A_1839 = arith.addi %parallel_loop3A_117, %parallel_loop3A_1838 : vector<16xi32>
      %parallel_loop3A_1840 = tpu.vector_load_idx %arg5[%parallel_loop3A_1839] : memref<9000xi32, #tpu.memory_space<vmem>>[vector<16xi32>], vector<16xi32>,
      %parallel_loop3A_1841 = arith.constant 16 : i32
      %parallel_loop3A_1842 = vector.broadcast %parallel_loop3A_1841 : i32 to vector<16xi32>
      %parallel_loop3A_1843 = arith.shli %parallel_loop3A_1840, %parallel_loop3A_1842 : vector<16xi32>
      %parallel_loop3A_1844 = vector.bitcast %parallel_loop3A_1843 : vector<16xi32> to vector<16xf32>
      %parallel_loop3A_1845 = arith.addf %parallel_loop3A_1733, %parallel_loop3A_1844 : vector<16xf32>
      %parallel_loop3A_1846 = arith.constant -65536 : i32
      %parallel_loop3A_1847 = vector.broadcast %parallel_loop3A_1846 : i32 to vector<16xi32>
      %parallel_loop3A_1848 = arith.andi %parallel_loop3A_1840, %parallel_loop3A_1847 : vector<16xi32>
      %parallel_loop3A_1849 = vector.bitcast %parallel_loop3A_1848 : vector<16xi32> to vector<16xf32>
      %parallel_loop3A_1850 = arith.addf %parallel_loop3A_1738, %parallel_loop3A_1849 : vector<16xf32>
      %parallel_loop3A_1851 = arith.constant 4 : i32
      %parallel_loop3A_1852 = vector.broadcast %parallel_loop3A_1851 : i32 to vector<16xi32>
      %parallel_loop3A_1853 = arith.addi %parallel_loop3A_117, %parallel_loop3A_1852 : vector<16xi32>
      %parallel_loop3A_1854 = tpu.vector_load_idx %arg5[%parallel_loop3A_1853] : memref<9000xi32, #tpu.memory_space<vmem>>[vector<16xi32>], vector<16xi32>,
      %parallel_loop3A_1855 = arith.constant 16 : i32
      %parallel_loop3A_1856 = vector.broadcast %parallel_loop3A_1855 : i32 to vector<16xi32>
      %parallel_loop3A_1857 = arith.shli %parallel_loop3A_1854, %parallel_loop3A_1856 : vector<16xi32>
      %parallel_loop3A_1858 = vector.bitcast %parallel_loop3A_1857 : vector<16xi32> to vector<16xf32>
      %parallel_loop3A_1859 = arith.addf %parallel_loop3A_1747, %parallel_loop3A_1858 : vector<16xf32>
      %parallel_loop3A_1860 = arith.constant -65536 : i32
      %parallel_loop3A_1861 = vector.broadcast %parallel_loop3A_1860 : i32 to vector<16xi32>
      %parallel_loop3A_1862 = arith.andi %parallel_loop3A_1854, %parallel_loop3A_1861 : vector<16xi32>
      %parallel_loop3A_1863 = vector.bitcast %parallel_loop3A_1862 : vector<16xi32> to vector<16xf32>
      %parallel_loop3A_1864 = arith.addf %parallel_loop3A_1752, %parallel_loop3A_1863 : vector<16xf32>
      %parallel_loop3A_1865 = arith.constant 5 : i32
      %parallel_loop3A_1866 = vector.broadcast %parallel_loop3A_1865 : i32 to vector<16xi32>
      %parallel_loop3A_1867 = arith.addi %parallel_loop3A_117, %parallel_loop3A_1866 : vector<16xi32>
      %parallel_loop3A_1868 = tpu.vector_load_idx %arg5[%parallel_loop3A_1867] : memref<9000xi32, #tpu.memory_space<vmem>>[vector<16xi32>], vector<16xi32>,
      %parallel_loop3A_1869 = arith.constant 16 : i32
      %parallel_loop3A_1870 = vector.broadcast %parallel_loop3A_1869 : i32 to vector<16xi32>
      %parallel_loop3A_1871 = arith.shli %parallel_loop3A_1868, %parallel_loop3A_1870 : vector<16xi32>
      %parallel_loop3A_1872 = vector.bitcast %parallel_loop3A_1871 : vector<16xi32> to vector<16xf32>
      %parallel_loop3A_1873 = arith.addf %parallel_loop3A_1761, %parallel_loop3A_1872 : vector<16xf32>
      %parallel_loop3A_1874 = arith.constant -65536 : i32
      %parallel_loop3A_1875 = vector.broadcast %parallel_loop3A_1874 : i32 to vector<16xi32>
      %parallel_loop3A_1876 = arith.andi %parallel_loop3A_1868, %parallel_loop3A_1875 : vector<16xi32>
      %parallel_loop3A_1877 = vector.bitcast %parallel_loop3A_1876 : vector<16xi32> to vector<16xf32>
      %parallel_loop3A_1878 = arith.addf %parallel_loop3A_1766, %parallel_loop3A_1877 : vector<16xf32>
      %parallel_loop3A_1879 = arith.constant 6 : i32
      %parallel_loop3A_1880 = vector.broadcast %parallel_loop3A_1879 : i32 to vector<16xi32>
      %parallel_loop3A_1881 = arith.addi %parallel_loop3A_117, %parallel_loop3A_1880 : vector<16xi32>
      %parallel_loop3A_1882 = tpu.vector_load_idx %arg5[%parallel_loop3A_1881] : memref<9000xi32, #tpu.memory_space<vmem>>[vector<16xi32>], vector<16xi32>,
      %parallel_loop3A_1883 = arith.constant 16 : i32
      %parallel_loop3A_1884 = vector.broadcast %parallel_loop3A_1883 : i32 to vector<16xi32>
      %parallel_loop3A_1885 = arith.shli %parallel_loop3A_1882, %parallel_loop3A_1884 : vector<16xi32>
      %parallel_loop3A_1886 = vector.bitcast %parallel_loop3A_1885 : vector<16xi32> to vector<16xf32>
      %parallel_loop3A_1887 = arith.addf %parallel_loop3A_1775, %parallel_loop3A_1886 : vector<16xf32>
      %parallel_loop3A_1888 = arith.constant -65536 : i32
      %parallel_loop3A_1889 = vector.broadcast %parallel_loop3A_1888 : i32 to vector<16xi32>
      %parallel_loop3A_1890 = arith.andi %parallel_loop3A_1882, %parallel_loop3A_1889 : vector<16xi32>
      %parallel_loop3A_1891 = vector.bitcast %parallel_loop3A_1890 : vector<16xi32> to vector<16xf32>
      %parallel_loop3A_1892 = arith.addf %parallel_loop3A_1780, %parallel_loop3A_1891 : vector<16xf32>
      %parallel_loop3A_1893 = arith.constant 7 : i32
      %parallel_loop3A_1894 = vector.broadcast %parallel_loop3A_1893 : i32 to vector<16xi32>
      %parallel_loop3A_1895 = arith.addi %parallel_loop3A_117, %parallel_loop3A_1894 : vector<16xi32>
      %parallel_loop3A_1896 = tpu.vector_load_idx %arg5[%parallel_loop3A_1895] : memref<9000xi32, #tpu.memory_space<vmem>>[vector<16xi32>], vector<16xi32>,
      %parallel_loop3A_1897 = arith.constant 16 : i32
      %parallel_loop3A_1898 = vector.broadcast %parallel_loop3A_1897 : i32 to vector<16xi32>
      %parallel_loop3A_1899 = arith.shli %parallel_loop3A_1896, %parallel_loop3A_1898 : vector<16xi32>
      %parallel_loop3A_1900 = vector.bitcast %parallel_loop3A_1899 : vector<16xi32> to vector<16xf32>
      %parallel_loop3A_1901 = arith.addf %parallel_loop3A_1789, %parallel_loop3A_1900 : vector<16xf32>
      %parallel_loop3A_1902 = arith.constant -65536 : i32
      %parallel_loop3A_1903 = vector.broadcast %parallel_loop3A_1902 : i32 to vector<16xi32>
      %parallel_loop3A_1904 = arith.andi %parallel_loop3A_1896, %parallel_loop3A_1903 : vector<16xi32>
      %parallel_loop3A_1905 = vector.bitcast %parallel_loop3A_1904 : vector<16xi32> to vector<16xf32>
      %parallel_loop3A_1906 = arith.addf %parallel_loop3A_1794, %parallel_loop3A_1905 : vector<16xf32>
      %parallel_loop3A_1907 = arith.constant 0 : i32
      %parallel_loop3A_1908 = vector.broadcast %parallel_loop3A_1907 : i32 to vector<16xi32>
      %parallel_loop3A_1909 = arith.addi %parallel_loop3A_124, %parallel_loop3A_1908 : vector<16xi32>
      %parallel_loop3A_1910 = tpu.vector_load_idx %arg5[%parallel_loop3A_1909] : memref<9000xi32, #tpu.memory_space<vmem>>[vector<16xi32>], vector<16xi32>,
      %parallel_loop3A_1911 = arith.constant 16 : i32
      %parallel_loop3A_1912 = vector.broadcast %parallel_loop3A_1911 : i32 to vector<16xi32>
      %parallel_loop3A_1913 = arith.shli %parallel_loop3A_1910, %parallel_loop3A_1912 : vector<16xi32>
      %parallel_loop3A_1914 = vector.bitcast %parallel_loop3A_1913 : vector<16xi32> to vector<16xf32>
      %parallel_loop3A_1915 = arith.addf %parallel_loop3A_1803, %parallel_loop3A_1914 : vector<16xf32>
      %parallel_loop3A_1916 = arith.constant -65536 : i32
      %parallel_loop3A_1917 = vector.broadcast %parallel_loop3A_1916 : i32 to vector<16xi32>
      %parallel_loop3A_1918 = arith.andi %parallel_loop3A_1910, %parallel_loop3A_1917 : vector<16xi32>
      %parallel_loop3A_1919 = vector.bitcast %parallel_loop3A_1918 : vector<16xi32> to vector<16xf32>
      %parallel_loop3A_1920 = arith.addf %parallel_loop3A_1808, %parallel_loop3A_1919 : vector<16xf32>
      %parallel_loop3A_1921 = arith.constant 1 : i32
      %parallel_loop3A_1922 = vector.broadcast %parallel_loop3A_1921 : i32 to vector<16xi32>
      %parallel_loop3A_1923 = arith.addi %parallel_loop3A_124, %parallel_loop3A_1922 : vector<16xi32>
      %parallel_loop3A_1924 = tpu.vector_load_idx %arg5[%parallel_loop3A_1923] : memref<9000xi32, #tpu.memory_space<vmem>>[vector<16xi32>], vector<16xi32>,
      %parallel_loop3A_1925 = arith.constant 16 : i32
      %parallel_loop3A_1926 = vector.broadcast %parallel_loop3A_1925 : i32 to vector<16xi32>
      %parallel_loop3A_1927 = arith.shli %parallel_loop3A_1924, %parallel_loop3A_1926 : vector<16xi32>
      %parallel_loop3A_1928 = vector.bitcast %parallel_loop3A_1927 : vector<16xi32> to vector<16xf32>
      %parallel_loop3A_1929 = arith.addf %parallel_loop3A_1817, %parallel_loop3A_1928 : vector<16xf32>
      %parallel_loop3A_1930 = arith.constant -65536 : i32
      %parallel_loop3A_1931 = vector.broadcast %parallel_loop3A_1930 : i32 to vector<16xi32>
      %parallel_loop3A_1932 = arith.andi %parallel_loop3A_1924, %parallel_loop3A_1931 : vector<16xi32>
      %parallel_loop3A_1933 = vector.bitcast %parallel_loop3A_1932 : vector<16xi32> to vector<16xf32>
      %parallel_loop3A_1934 = arith.addf %parallel_loop3A_1822, %parallel_loop3A_1933 : vector<16xf32>
      %parallel_loop3A_1935 = arith.constant 2 : i32
      %parallel_loop3A_1936 = vector.broadcast %parallel_loop3A_1935 : i32 to vector<16xi32>
      %parallel_loop3A_1937 = arith.addi %parallel_loop3A_124, %parallel_loop3A_1936 : vector<16xi32>
      %parallel_loop3A_1938 = tpu.vector_load_idx %arg5[%parallel_loop3A_1937] : memref<9000xi32, #tpu.memory_space<vmem>>[vector<16xi32>], vector<16xi32>,
      %parallel_loop3A_1939 = arith.constant 16 : i32
      %parallel_loop3A_1940 = vector.broadcast %parallel_loop3A_1939 : i32 to vector<16xi32>
      %parallel_loop3A_1941 = arith.shli %parallel_loop3A_1938, %parallel_loop3A_1940 : vector<16xi32>
      %parallel_loop3A_1942 = vector.bitcast %parallel_loop3A_1941 : vector<16xi32> to vector<16xf32>
      %parallel_loop3A_1943 = arith.addf %parallel_loop3A_1831, %parallel_loop3A_1942 : vector<16xf32>
      %parallel_loop3A_1944 = arith.constant -65536 : i32
      %parallel_loop3A_1945 = vector.broadcast %parallel_loop3A_1944 : i32 to vector<16xi32>
      %parallel_loop3A_1946 = arith.andi %parallel_loop3A_1938, %parallel_loop3A_1945 : vector<16xi32>
      %parallel_loop3A_1947 = vector.bitcast %parallel_loop3A_1946 : vector<16xi32> to vector<16xf32>
      %parallel_loop3A_1948 = arith.addf %parallel_loop3A_1836, %parallel_loop3A_1947 : vector<16xf32>
      %parallel_loop3A_1949 = arith.constant 3 : i32
      %parallel_loop3A_1950 = vector.broadcast %parallel_loop3A_1949 : i32 to vector<16xi32>
      %parallel_loop3A_1951 = arith.addi %parallel_loop3A_124, %parallel_loop3A_1950 : vector<16xi32>
      %parallel_loop3A_1952 = tpu.vector_load_idx %arg5[%parallel_loop3A_1951] : memref<9000xi32, #tpu.memory_space<vmem>>[vector<16xi32>], vector<16xi32>,
      %parallel_loop3A_1953 = arith.constant 16 : i32
      %parallel_loop3A_1954 = vector.broadcast %parallel_loop3A_1953 : i32 to vector<16xi32>
      %parallel_loop3A_1955 = arith.shli %parallel_loop3A_1952, %parallel_loop3A_1954 : vector<16xi32>
      %parallel_loop3A_1956 = vector.bitcast %parallel_loop3A_1955 : vector<16xi32> to vector<16xf32>
      %parallel_loop3A_1957 = arith.addf %parallel_loop3A_1845, %parallel_loop3A_1956 : vector<16xf32>
      %parallel_loop3A_1958 = arith.constant -65536 : i32
      %parallel_loop3A_1959 = vector.broadcast %parallel_loop3A_1958 : i32 to vector<16xi32>
      %parallel_loop3A_1960 = arith.andi %parallel_loop3A_1952, %parallel_loop3A_1959 : vector<16xi32>
      %parallel_loop3A_1961 = vector.bitcast %parallel_loop3A_1960 : vector<16xi32> to vector<16xf32>
      %parallel_loop3A_1962 = arith.addf %parallel_loop3A_1850, %parallel_loop3A_1961 : vector<16xf32>
      %parallel_loop3A_1963 = arith.constant 4 : i32
      %parallel_loop3A_1964 = vector.broadcast %parallel_loop3A_1963 : i32 to vector<16xi32>
      %parallel_loop3A_1965 = arith.addi %parallel_loop3A_124, %parallel_loop3A_1964 : vector<16xi32>
      %parallel_loop3A_1966 = tpu.vector_load_idx %arg5[%parallel_loop3A_1965] : memref<9000xi32, #tpu.memory_space<vmem>>[vector<16xi32>], vector<16xi32>,
      %parallel_loop3A_1967 = arith.constant 16 : i32
      %parallel_loop3A_1968 = vector.broadcast %parallel_loop3A_1967 : i32 to vector<16xi32>
      %parallel_loop3A_1969 = arith.shli %parallel_loop3A_1966, %parallel_loop3A_1968 : vector<16xi32>
      %parallel_loop3A_1970 = vector.bitcast %parallel_loop3A_1969 : vector<16xi32> to vector<16xf32>
      %parallel_loop3A_1971 = arith.addf %parallel_loop3A_1859, %parallel_loop3A_1970 : vector<16xf32>
      %parallel_loop3A_1972 = arith.constant -65536 : i32
      %parallel_loop3A_1973 = vector.broadcast %parallel_loop3A_1972 : i32 to vector<16xi32>
      %parallel_loop3A_1974 = arith.andi %parallel_loop3A_1966, %parallel_loop3A_1973 : vector<16xi32>
      %parallel_loop3A_1975 = vector.bitcast %parallel_loop3A_1974 : vector<16xi32> to vector<16xf32>
      %parallel_loop3A_1976 = arith.addf %parallel_loop3A_1864, %parallel_loop3A_1975 : vector<16xf32>
      %parallel_loop3A_1977 = arith.constant 5 : i32
      %parallel_loop3A_1978 = vector.broadcast %parallel_loop3A_1977 : i32 to vector<16xi32>
      %parallel_loop3A_1979 = arith.addi %parallel_loop3A_124, %parallel_loop3A_1978 : vector<16xi32>
      %parallel_loop3A_1980 = tpu.vector_load_idx %arg5[%parallel_loop3A_1979] : memref<9000xi32, #tpu.memory_space<vmem>>[vector<16xi32>], vector<16xi32>,
      %parallel_loop3A_1981 = arith.constant 16 : i32
      %parallel_loop3A_1982 = vector.broadcast %parallel_loop3A_1981 : i32 to vector<16xi32>
      %parallel_loop3A_1983 = arith.shli %parallel_loop3A_1980, %parallel_loop3A_1982 : vector<16xi32>
      %parallel_loop3A_1984 = vector.bitcast %parallel_loop3A_1983 : vector<16xi32> to vector<16xf32>
      %parallel_loop3A_1985 = arith.addf %parallel_loop3A_1873, %parallel_loop3A_1984 : vector<16xf32>
      %parallel_loop3A_1986 = arith.constant -65536 : i32
      %parallel_loop3A_1987 = vector.broadcast %parallel_loop3A_1986 : i32 to vector<16xi32>
      %parallel_loop3A_1988 = arith.andi %parallel_loop3A_1980, %parallel_loop3A_1987 : vector<16xi32>
      %parallel_loop3A_1989 = vector.bitcast %parallel_loop3A_1988 : vector<16xi32> to vector<16xf32>
      %parallel_loop3A_1990 = arith.addf %parallel_loop3A_1878, %parallel_loop3A_1989 : vector<16xf32>
      %parallel_loop3A_1991 = arith.constant 6 : i32
      %parallel_loop3A_1992 = vector.broadcast %parallel_loop3A_1991 : i32 to vector<16xi32>
      %parallel_loop3A_1993 = arith.addi %parallel_loop3A_124, %parallel_loop3A_1992 : vector<16xi32>
      %parallel_loop3A_1994 = tpu.vector_load_idx %arg5[%parallel_loop3A_1993] : memref<9000xi32, #tpu.memory_space<vmem>>[vector<16xi32>], vector<16xi32>,
      %parallel_loop3A_1995 = arith.constant 16 : i32
      %parallel_loop3A_1996 = vector.broadcast %parallel_loop3A_1995 : i32 to vector<16xi32>
      %parallel_loop3A_1997 = arith.shli %parallel_loop3A_1994, %parallel_loop3A_1996 : vector<16xi32>
      %parallel_loop3A_1998 = vector.bitcast %parallel_loop3A_1997 : vector<16xi32> to vector<16xf32>
      %parallel_loop3A_1999 = arith.addf %parallel_loop3A_1887, %parallel_loop3A_1998 : vector<16xf32>
      %parallel_loop3A_2000 = arith.constant -65536 : i32
      %parallel_loop3A_2001 = vector.broadcast %parallel_loop3A_2000 : i32 to vector<16xi32>
      %parallel_loop3A_2002 = arith.andi %parallel_loop3A_1994, %parallel_loop3A_2001 : vector<16xi32>
      %parallel_loop3A_2003 = vector.bitcast %parallel_loop3A_2002 : vector<16xi32> to vector<16xf32>
      %parallel_loop3A_2004 = arith.addf %parallel_loop3A_1892, %parallel_loop3A_2003 : vector<16xf32>
      %parallel_loop3A_2005 = arith.constant 7 : i32
      %parallel_loop3A_2006 = vector.broadcast %parallel_loop3A_2005 : i32 to vector<16xi32>
      %parallel_loop3A_2007 = arith.addi %parallel_loop3A_124, %parallel_loop3A_2006 : vector<16xi32>
      %parallel_loop3A_2008 = tpu.vector_load_idx %arg5[%parallel_loop3A_2007] : memref<9000xi32, #tpu.memory_space<vmem>>[vector<16xi32>], vector<16xi32>,
      %parallel_loop3A_2009 = arith.constant 16 : i32
      %parallel_loop3A_2010 = vector.broadcast %parallel_loop3A_2009 : i32 to vector<16xi32>
      %parallel_loop3A_2011 = arith.shli %parallel_loop3A_2008, %parallel_loop3A_2010 : vector<16xi32>
      %parallel_loop3A_2012 = vector.bitcast %parallel_loop3A_2011 : vector<16xi32> to vector<16xf32>
      %parallel_loop3A_2013 = arith.addf %parallel_loop3A_1901, %parallel_loop3A_2012 : vector<16xf32>
      %parallel_loop3A_2014 = arith.constant -65536 : i32
      %parallel_loop3A_2015 = vector.broadcast %parallel_loop3A_2014 : i32 to vector<16xi32>
      %parallel_loop3A_2016 = arith.andi %parallel_loop3A_2008, %parallel_loop3A_2015 : vector<16xi32>
      %parallel_loop3A_2017 = vector.bitcast %parallel_loop3A_2016 : vector<16xi32> to vector<16xf32>
      %parallel_loop3A_2018 = arith.addf %parallel_loop3A_1906, %parallel_loop3A_2017 : vector<16xf32>
      %parallel_loop3A_2019 = arith.constant 0 : i32
      %parallel_loop3A_2020 = vector.broadcast %parallel_loop3A_2019 : i32 to vector<16xi32>
      %parallel_loop3A_2021 = arith.addi %parallel_loop3A_131, %parallel_loop3A_2020 : vector<16xi32>
      %parallel_loop3A_2022 = tpu.vector_load_idx %arg5[%parallel_loop3A_2021] : memref<9000xi32, #tpu.memory_space<vmem>>[vector<16xi32>], vector<16xi32>,
      %parallel_loop3A_2023 = arith.constant 16 : i32
      %parallel_loop3A_2024 = vector.broadcast %parallel_loop3A_2023 : i32 to vector<16xi32>
      %parallel_loop3A_2025 = arith.shli %parallel_loop3A_2022, %parallel_loop3A_2024 : vector<16xi32>
      %parallel_loop3A_2026 = vector.bitcast %parallel_loop3A_2025 : vector<16xi32> to vector<16xf32>
      %parallel_loop3A_2027 = arith.addf %parallel_loop3A_1915, %parallel_loop3A_2026 : vector<16xf32>
      %parallel_loop3A_2028 = arith.constant -65536 : i32
      %parallel_loop3A_2029 = vector.broadcast %parallel_loop3A_2028 : i32 to vector<16xi32>
      %parallel_loop3A_2030 = arith.andi %parallel_loop3A_2022, %parallel_loop3A_2029 : vector<16xi32>
      %parallel_loop3A_2031 = vector.bitcast %parallel_loop3A_2030 : vector<16xi32> to vector<16xf32>
      %parallel_loop3A_2032 = arith.addf %parallel_loop3A_1920, %parallel_loop3A_2031 : vector<16xf32>
      %parallel_loop3A_2033 = arith.constant 1 : i32
      %parallel_loop3A_2034 = vector.broadcast %parallel_loop3A_2033 : i32 to vector<16xi32>
      %parallel_loop3A_2035 = arith.addi %parallel_loop3A_131, %parallel_loop3A_2034 : vector<16xi32>
      %parallel_loop3A_2036 = tpu.vector_load_idx %arg5[%parallel_loop3A_2035] : memref<9000xi32, #tpu.memory_space<vmem>>[vector<16xi32>], vector<16xi32>,
      %parallel_loop3A_2037 = arith.constant 16 : i32
      %parallel_loop3A_2038 = vector.broadcast %parallel_loop3A_2037 : i32 to vector<16xi32>
      %parallel_loop3A_2039 = arith.shli %parallel_loop3A_2036, %parallel_loop3A_2038 : vector<16xi32>
      %parallel_loop3A_2040 = vector.bitcast %parallel_loop3A_2039 : vector<16xi32> to vector<16xf32>
      %parallel_loop3A_2041 = arith.addf %parallel_loop3A_1929, %parallel_loop3A_2040 : vector<16xf32>
      %parallel_loop3A_2042 = arith.constant -65536 : i32
      %parallel_loop3A_2043 = vector.broadcast %parallel_loop3A_2042 : i32 to vector<16xi32>
      %parallel_loop3A_2044 = arith.andi %parallel_loop3A_2036, %parallel_loop3A_2043 : vector<16xi32>
      %parallel_loop3A_2045 = vector.bitcast %parallel_loop3A_2044 : vector<16xi32> to vector<16xf32>
      %parallel_loop3A_2046 = arith.addf %parallel_loop3A_1934, %parallel_loop3A_2045 : vector<16xf32>
      %parallel_loop3A_2047 = arith.constant 2 : i32
      %parallel_loop3A_2048 = vector.broadcast %parallel_loop3A_2047 : i32 to vector<16xi32>
      %parallel_loop3A_2049 = arith.addi %parallel_loop3A_131, %parallel_loop3A_2048 : vector<16xi32>
      %parallel_loop3A_2050 = tpu.vector_load_idx %arg5[%parallel_loop3A_2049] : memref<9000xi32, #tpu.memory_space<vmem>>[vector<16xi32>], vector<16xi32>,
      %parallel_loop3A_2051 = arith.constant 16 : i32
      %parallel_loop3A_2052 = vector.broadcast %parallel_loop3A_2051 : i32 to vector<16xi32>
      %parallel_loop3A_2053 = arith.shli %parallel_loop3A_2050, %parallel_loop3A_2052 : vector<16xi32>
      %parallel_loop3A_2054 = vector.bitcast %parallel_loop3A_2053 : vector<16xi32> to vector<16xf32>
      %parallel_loop3A_2055 = arith.addf %parallel_loop3A_1943, %parallel_loop3A_2054 : vector<16xf32>
      %parallel_loop3A_2056 = arith.constant -65536 : i32
      %parallel_loop3A_2057 = vector.broadcast %parallel_loop3A_2056 : i32 to vector<16xi32>
      %parallel_loop3A_2058 = arith.andi %parallel_loop3A_2050, %parallel_loop3A_2057 : vector<16xi32>
      %parallel_loop3A_2059 = vector.bitcast %parallel_loop3A_2058 : vector<16xi32> to vector<16xf32>
      %parallel_loop3A_2060 = arith.addf %parallel_loop3A_1948, %parallel_loop3A_2059 : vector<16xf32>
      %parallel_loop3A_2061 = arith.constant 3 : i32
      %parallel_loop3A_2062 = vector.broadcast %parallel_loop3A_2061 : i32 to vector<16xi32>
      %parallel_loop3A_2063 = arith.addi %parallel_loop3A_131, %parallel_loop3A_2062 : vector<16xi32>
      %parallel_loop3A_2064 = tpu.vector_load_idx %arg5[%parallel_loop3A_2063] : memref<9000xi32, #tpu.memory_space<vmem>>[vector<16xi32>], vector<16xi32>,
      %parallel_loop3A_2065 = arith.constant 16 : i32
      %parallel_loop3A_2066 = vector.broadcast %parallel_loop3A_2065 : i32 to vector<16xi32>
      %parallel_loop3A_2067 = arith.shli %parallel_loop3A_2064, %parallel_loop3A_2066 : vector<16xi32>
      %parallel_loop3A_2068 = vector.bitcast %parallel_loop3A_2067 : vector<16xi32> to vector<16xf32>
      %parallel_loop3A_2069 = arith.addf %parallel_loop3A_1957, %parallel_loop3A_2068 : vector<16xf32>
      %parallel_loop3A_2070 = arith.constant -65536 : i32
      %parallel_loop3A_2071 = vector.broadcast %parallel_loop3A_2070 : i32 to vector<16xi32>
      %parallel_loop3A_2072 = arith.andi %parallel_loop3A_2064, %parallel_loop3A_2071 : vector<16xi32>
      %parallel_loop3A_2073 = vector.bitcast %parallel_loop3A_2072 : vector<16xi32> to vector<16xf32>
      %parallel_loop3A_2074 = arith.addf %parallel_loop3A_1962, %parallel_loop3A_2073 : vector<16xf32>
      %parallel_loop3A_2075 = arith.constant 4 : i32
      %parallel_loop3A_2076 = vector.broadcast %parallel_loop3A_2075 : i32 to vector<16xi32>
      %parallel_loop3A_2077 = arith.addi %parallel_loop3A_131, %parallel_loop3A_2076 : vector<16xi32>
      %parallel_loop3A_2078 = tpu.vector_load_idx %arg5[%parallel_loop3A_2077] : memref<9000xi32, #tpu.memory_space<vmem>>[vector<16xi32>], vector<16xi32>,
      %parallel_loop3A_2079 = arith.constant 16 : i32
      %parallel_loop3A_2080 = vector.broadcast %parallel_loop3A_2079 : i32 to vector<16xi32>
      %parallel_loop3A_2081 = arith.shli %parallel_loop3A_2078, %parallel_loop3A_2080 : vector<16xi32>
      %parallel_loop3A_2082 = vector.bitcast %parallel_loop3A_2081 : vector<16xi32> to vector<16xf32>
      %parallel_loop3A_2083 = arith.addf %parallel_loop3A_1971, %parallel_loop3A_2082 : vector<16xf32>
      %parallel_loop3A_2084 = arith.constant -65536 : i32
      %parallel_loop3A_2085 = vector.broadcast %parallel_loop3A_2084 : i32 to vector<16xi32>
      %parallel_loop3A_2086 = arith.andi %parallel_loop3A_2078, %parallel_loop3A_2085 : vector<16xi32>
      %parallel_loop3A_2087 = vector.bitcast %parallel_loop3A_2086 : vector<16xi32> to vector<16xf32>
      %parallel_loop3A_2088 = arith.addf %parallel_loop3A_1976, %parallel_loop3A_2087 : vector<16xf32>
      %parallel_loop3A_2089 = arith.constant 5 : i32
      %parallel_loop3A_2090 = vector.broadcast %parallel_loop3A_2089 : i32 to vector<16xi32>
      %parallel_loop3A_2091 = arith.addi %parallel_loop3A_131, %parallel_loop3A_2090 : vector<16xi32>
      %parallel_loop3A_2092 = tpu.vector_load_idx %arg5[%parallel_loop3A_2091] : memref<9000xi32, #tpu.memory_space<vmem>>[vector<16xi32>], vector<16xi32>,
      %parallel_loop3A_2093 = arith.constant 16 : i32
      %parallel_loop3A_2094 = vector.broadcast %parallel_loop3A_2093 : i32 to vector<16xi32>
      %parallel_loop3A_2095 = arith.shli %parallel_loop3A_2092, %parallel_loop3A_2094 : vector<16xi32>
      %parallel_loop3A_2096 = vector.bitcast %parallel_loop3A_2095 : vector<16xi32> to vector<16xf32>
      %parallel_loop3A_2097 = arith.addf %parallel_loop3A_1985, %parallel_loop3A_2096 : vector<16xf32>
      %parallel_loop3A_2098 = arith.constant -65536 : i32
      %parallel_loop3A_2099 = vector.broadcast %parallel_loop3A_2098 : i32 to vector<16xi32>
      %parallel_loop3A_2100 = arith.andi %parallel_loop3A_2092, %parallel_loop3A_2099 : vector<16xi32>
      %parallel_loop3A_2101 = vector.bitcast %parallel_loop3A_2100 : vector<16xi32> to vector<16xf32>
      %parallel_loop3A_2102 = arith.addf %parallel_loop3A_1990, %parallel_loop3A_2101 : vector<16xf32>
      %parallel_loop3A_2103 = arith.constant 6 : i32
      %parallel_loop3A_2104 = vector.broadcast %parallel_loop3A_2103 : i32 to vector<16xi32>
      %parallel_loop3A_2105 = arith.addi %parallel_loop3A_131, %parallel_loop3A_2104 : vector<16xi32>
      %parallel_loop3A_2106 = tpu.vector_load_idx %arg5[%parallel_loop3A_2105] : memref<9000xi32, #tpu.memory_space<vmem>>[vector<16xi32>], vector<16xi32>,
      %parallel_loop3A_2107 = arith.constant 16 : i32
      %parallel_loop3A_2108 = vector.broadcast %parallel_loop3A_2107 : i32 to vector<16xi32>
      %parallel_loop3A_2109 = arith.shli %parallel_loop3A_2106, %parallel_loop3A_2108 : vector<16xi32>
      %parallel_loop3A_2110 = vector.bitcast %parallel_loop3A_2109 : vector<16xi32> to vector<16xf32>
      %parallel_loop3A_2111 = arith.addf %parallel_loop3A_1999, %parallel_loop3A_2110 : vector<16xf32>
      %parallel_loop3A_2112 = arith.constant -65536 : i32
      %parallel_loop3A_2113 = vector.broadcast %parallel_loop3A_2112 : i32 to vector<16xi32>
      %parallel_loop3A_2114 = arith.andi %parallel_loop3A_2106, %parallel_loop3A_2113 : vector<16xi32>
      %parallel_loop3A_2115 = vector.bitcast %parallel_loop3A_2114 : vector<16xi32> to vector<16xf32>
      %parallel_loop3A_2116 = arith.addf %parallel_loop3A_2004, %parallel_loop3A_2115 : vector<16xf32>
      %parallel_loop3A_2117 = arith.constant 7 : i32
      %parallel_loop3A_2118 = vector.broadcast %parallel_loop3A_2117 : i32 to vector<16xi32>
      %parallel_loop3A_2119 = arith.addi %parallel_loop3A_131, %parallel_loop3A_2118 : vector<16xi32>
      %parallel_loop3A_2120 = tpu.vector_load_idx %arg5[%parallel_loop3A_2119] : memref<9000xi32, #tpu.memory_space<vmem>>[vector<16xi32>], vector<16xi32>,
      %parallel_loop3A_2121 = arith.constant 16 : i32
      %parallel_loop3A_2122 = vector.broadcast %parallel_loop3A_2121 : i32 to vector<16xi32>
      %parallel_loop3A_2123 = arith.shli %parallel_loop3A_2120, %parallel_loop3A_2122 : vector<16xi32>
      %parallel_loop3A_2124 = vector.bitcast %parallel_loop3A_2123 : vector<16xi32> to vector<16xf32>
      %parallel_loop3A_2125 = arith.addf %parallel_loop3A_2013, %parallel_loop3A_2124 : vector<16xf32>
      %parallel_loop3A_2126 = arith.constant -65536 : i32
      %parallel_loop3A_2127 = vector.broadcast %parallel_loop3A_2126 : i32 to vector<16xi32>
      %parallel_loop3A_2128 = arith.andi %parallel_loop3A_2120, %parallel_loop3A_2127 : vector<16xi32>
      %parallel_loop3A_2129 = vector.bitcast %parallel_loop3A_2128 : vector<16xi32> to vector<16xf32>
      %parallel_loop3A_2130 = arith.addf %parallel_loop3A_2018, %parallel_loop3A_2129 : vector<16xf32>
      %parallel_loop3A_2131 = arith.constant 0 : i32
      %parallel_loop3A_2132 = vector.broadcast %parallel_loop3A_2131 : i32 to vector<16xi32>
      %parallel_loop3A_2133 = arith.addi %parallel_loop3A_138, %parallel_loop3A_2132 : vector<16xi32>
      %parallel_loop3A_2134 = tpu.vector_load_idx %arg5[%parallel_loop3A_2133] : memref<9000xi32, #tpu.memory_space<vmem>>[vector<16xi32>], vector<16xi32>,
      %parallel_loop3A_2135 = arith.constant 16 : i32
      %parallel_loop3A_2136 = vector.broadcast %parallel_loop3A_2135 : i32 to vector<16xi32>
      %parallel_loop3A_2137 = arith.shli %parallel_loop3A_2134, %parallel_loop3A_2136 : vector<16xi32>
      %parallel_loop3A_2138 = vector.bitcast %parallel_loop3A_2137 : vector<16xi32> to vector<16xf32>
      %parallel_loop3A_2139 = arith.addf %parallel_loop3A_2027, %parallel_loop3A_2138 : vector<16xf32>
      %parallel_loop3A_2140 = arith.constant -65536 : i32
      %parallel_loop3A_2141 = vector.broadcast %parallel_loop3A_2140 : i32 to vector<16xi32>
      %parallel_loop3A_2142 = arith.andi %parallel_loop3A_2134, %parallel_loop3A_2141 : vector<16xi32>
      %parallel_loop3A_2143 = vector.bitcast %parallel_loop3A_2142 : vector<16xi32> to vector<16xf32>
      %parallel_loop3A_2144 = arith.addf %parallel_loop3A_2032, %parallel_loop3A_2143 : vector<16xf32>
      %parallel_loop3A_2145 = arith.constant 1 : i32
      %parallel_loop3A_2146 = vector.broadcast %parallel_loop3A_2145 : i32 to vector<16xi32>
      %parallel_loop3A_2147 = arith.addi %parallel_loop3A_138, %parallel_loop3A_2146 : vector<16xi32>
      %parallel_loop3A_2148 = tpu.vector_load_idx %arg5[%parallel_loop3A_2147] : memref<9000xi32, #tpu.memory_space<vmem>>[vector<16xi32>], vector<16xi32>,
      %parallel_loop3A_2149 = arith.constant 16 : i32
      %parallel_loop3A_2150 = vector.broadcast %parallel_loop3A_2149 : i32 to vector<16xi32>
      %parallel_loop3A_2151 = arith.shli %parallel_loop3A_2148, %parallel_loop3A_2150 : vector<16xi32>
      %parallel_loop3A_2152 = vector.bitcast %parallel_loop3A_2151 : vector<16xi32> to vector<16xf32>
      %parallel_loop3A_2153 = arith.addf %parallel_loop3A_2041, %parallel_loop3A_2152 : vector<16xf32>
      %parallel_loop3A_2154 = arith.constant -65536 : i32
      %parallel_loop3A_2155 = vector.broadcast %parallel_loop3A_2154 : i32 to vector<16xi32>
      %parallel_loop3A_2156 = arith.andi %parallel_loop3A_2148, %parallel_loop3A_2155 : vector<16xi32>
      %parallel_loop3A_2157 = vector.bitcast %parallel_loop3A_2156 : vector<16xi32> to vector<16xf32>
      %parallel_loop3A_2158 = arith.addf %parallel_loop3A_2046, %parallel_loop3A_2157 : vector<16xf32>
      %parallel_loop3A_2159 = arith.constant 2 : i32
      %parallel_loop3A_2160 = vector.broadcast %parallel_loop3A_2159 : i32 to vector<16xi32>
      %parallel_loop3A_2161 = arith.addi %parallel_loop3A_138, %parallel_loop3A_2160 : vector<16xi32>
      %parallel_loop3A_2162 = tpu.vector_load_idx %arg5[%parallel_loop3A_2161] : memref<9000xi32, #tpu.memory_space<vmem>>[vector<16xi32>], vector<16xi32>,
      %parallel_loop3A_2163 = arith.constant 16 : i32
      %parallel_loop3A_2164 = vector.broadcast %parallel_loop3A_2163 : i32 to vector<16xi32>
      %parallel_loop3A_2165 = arith.shli %parallel_loop3A_2162, %parallel_loop3A_2164 : vector<16xi32>
      %parallel_loop3A_2166 = vector.bitcast %parallel_loop3A_2165 : vector<16xi32> to vector<16xf32>
      %parallel_loop3A_2167 = arith.addf %parallel_loop3A_2055, %parallel_loop3A_2166 : vector<16xf32>
      %parallel_loop3A_2168 = arith.constant -65536 : i32
      %parallel_loop3A_2169 = vector.broadcast %parallel_loop3A_2168 : i32 to vector<16xi32>
      %parallel_loop3A_2170 = arith.andi %parallel_loop3A_2162, %parallel_loop3A_2169 : vector<16xi32>
      %parallel_loop3A_2171 = vector.bitcast %parallel_loop3A_2170 : vector<16xi32> to vector<16xf32>
      %parallel_loop3A_2172 = arith.addf %parallel_loop3A_2060, %parallel_loop3A_2171 : vector<16xf32>
      %parallel_loop3A_2173 = arith.constant 3 : i32
      %parallel_loop3A_2174 = vector.broadcast %parallel_loop3A_2173 : i32 to vector<16xi32>
      %parallel_loop3A_2175 = arith.addi %parallel_loop3A_138, %parallel_loop3A_2174 : vector<16xi32>
      %parallel_loop3A_2176 = tpu.vector_load_idx %arg5[%parallel_loop3A_2175] : memref<9000xi32, #tpu.memory_space<vmem>>[vector<16xi32>], vector<16xi32>,
      %parallel_loop3A_2177 = arith.constant 16 : i32
      %parallel_loop3A_2178 = vector.broadcast %parallel_loop3A_2177 : i32 to vector<16xi32>
      %parallel_loop3A_2179 = arith.shli %parallel_loop3A_2176, %parallel_loop3A_2178 : vector<16xi32>
      %parallel_loop3A_2180 = vector.bitcast %parallel_loop3A_2179 : vector<16xi32> to vector<16xf32>
      %parallel_loop3A_2181 = arith.addf %parallel_loop3A_2069, %parallel_loop3A_2180 : vector<16xf32>
      %parallel_loop3A_2182 = arith.constant -65536 : i32
      %parallel_loop3A_2183 = vector.broadcast %parallel_loop3A_2182 : i32 to vector<16xi32>
      %parallel_loop3A_2184 = arith.andi %parallel_loop3A_2176, %parallel_loop3A_2183 : vector<16xi32>
      %parallel_loop3A_2185 = vector.bitcast %parallel_loop3A_2184 : vector<16xi32> to vector<16xf32>
      %parallel_loop3A_2186 = arith.addf %parallel_loop3A_2074, %parallel_loop3A_2185 : vector<16xf32>
      %parallel_loop3A_2187 = arith.constant 4 : i32
      %parallel_loop3A_2188 = vector.broadcast %parallel_loop3A_2187 : i32 to vector<16xi32>
      %parallel_loop3A_2189 = arith.addi %parallel_loop3A_138, %parallel_loop3A_2188 : vector<16xi32>
      %parallel_loop3A_2190 = tpu.vector_load_idx %arg5[%parallel_loop3A_2189] : memref<9000xi32, #tpu.memory_space<vmem>>[vector<16xi32>], vector<16xi32>,
      %parallel_loop3A_2191 = arith.constant 16 : i32
      %parallel_loop3A_2192 = vector.broadcast %parallel_loop3A_2191 : i32 to vector<16xi32>
      %parallel_loop3A_2193 = arith.shli %parallel_loop3A_2190, %parallel_loop3A_2192 : vector<16xi32>
      %parallel_loop3A_2194 = vector.bitcast %parallel_loop3A_2193 : vector<16xi32> to vector<16xf32>
      %parallel_loop3A_2195 = arith.addf %parallel_loop3A_2083, %parallel_loop3A_2194 : vector<16xf32>
      %parallel_loop3A_2196 = arith.constant -65536 : i32
      %parallel_loop3A_2197 = vector.broadcast %parallel_loop3A_2196 : i32 to vector<16xi32>
      %parallel_loop3A_2198 = arith.andi %parallel_loop3A_2190, %parallel_loop3A_2197 : vector<16xi32>
      %parallel_loop3A_2199 = vector.bitcast %parallel_loop3A_2198 : vector<16xi32> to vector<16xf32>
      %parallel_loop3A_2200 = arith.addf %parallel_loop3A_2088, %parallel_loop3A_2199 : vector<16xf32>
      %parallel_loop3A_2201 = arith.constant 5 : i32
      %parallel_loop3A_2202 = vector.broadcast %parallel_loop3A_2201 : i32 to vector<16xi32>
      %parallel_loop3A_2203 = arith.addi %parallel_loop3A_138, %parallel_loop3A_2202 : vector<16xi32>
      %parallel_loop3A_2204 = tpu.vector_load_idx %arg5[%parallel_loop3A_2203] : memref<9000xi32, #tpu.memory_space<vmem>>[vector<16xi32>], vector<16xi32>,
      %parallel_loop3A_2205 = arith.constant 16 : i32
      %parallel_loop3A_2206 = vector.broadcast %parallel_loop3A_2205 : i32 to vector<16xi32>
      %parallel_loop3A_2207 = arith.shli %parallel_loop3A_2204, %parallel_loop3A_2206 : vector<16xi32>
      %parallel_loop3A_2208 = vector.bitcast %parallel_loop3A_2207 : vector<16xi32> to vector<16xf32>
      %parallel_loop3A_2209 = arith.addf %parallel_loop3A_2097, %parallel_loop3A_2208 : vector<16xf32>
      %parallel_loop3A_2210 = arith.constant -65536 : i32
      %parallel_loop3A_2211 = vector.broadcast %parallel_loop3A_2210 : i32 to vector<16xi32>
      %parallel_loop3A_2212 = arith.andi %parallel_loop3A_2204, %parallel_loop3A_2211 : vector<16xi32>
      %parallel_loop3A_2213 = vector.bitcast %parallel_loop3A_2212 : vector<16xi32> to vector<16xf32>
      %parallel_loop3A_2214 = arith.addf %parallel_loop3A_2102, %parallel_loop3A_2213 : vector<16xf32>
      %parallel_loop3A_2215 = arith.constant 6 : i32
      %parallel_loop3A_2216 = vector.broadcast %parallel_loop3A_2215 : i32 to vector<16xi32>
      %parallel_loop3A_2217 = arith.addi %parallel_loop3A_138, %parallel_loop3A_2216 : vector<16xi32>
      %parallel_loop3A_2218 = tpu.vector_load_idx %arg5[%parallel_loop3A_2217] : memref<9000xi32, #tpu.memory_space<vmem>>[vector<16xi32>], vector<16xi32>,
      %parallel_loop3A_2219 = arith.constant 16 : i32
      %parallel_loop3A_2220 = vector.broadcast %parallel_loop3A_2219 : i32 to vector<16xi32>
      %parallel_loop3A_2221 = arith.shli %parallel_loop3A_2218, %parallel_loop3A_2220 : vector<16xi32>
      %parallel_loop3A_2222 = vector.bitcast %parallel_loop3A_2221 : vector<16xi32> to vector<16xf32>
      %parallel_loop3A_2223 = arith.addf %parallel_loop3A_2111, %parallel_loop3A_2222 : vector<16xf32>
      %parallel_loop3A_2224 = arith.constant -65536 : i32
      %parallel_loop3A_2225 = vector.broadcast %parallel_loop3A_2224 : i32 to vector<16xi32>
      %parallel_loop3A_2226 = arith.andi %parallel_loop3A_2218, %parallel_loop3A_2225 : vector<16xi32>
      %parallel_loop3A_2227 = vector.bitcast %parallel_loop3A_2226 : vector<16xi32> to vector<16xf32>
      %parallel_loop3A_2228 = arith.addf %parallel_loop3A_2116, %parallel_loop3A_2227 : vector<16xf32>
      %parallel_loop3A_2229 = arith.constant 7 : i32
      %parallel_loop3A_2230 = vector.broadcast %parallel_loop3A_2229 : i32 to vector<16xi32>
      %parallel_loop3A_2231 = arith.addi %parallel_loop3A_138, %parallel_loop3A_2230 : vector<16xi32>
      %parallel_loop3A_2232 = tpu.vector_load_idx %arg5[%parallel_loop3A_2231] : memref<9000xi32, #tpu.memory_space<vmem>>[vector<16xi32>], vector<16xi32>,
      %parallel_loop3A_2233 = arith.constant 16 : i32
      %parallel_loop3A_2234 = vector.broadcast %parallel_loop3A_2233 : i32 to vector<16xi32>
      %parallel_loop3A_2235 = arith.shli %parallel_loop3A_2232, %parallel_loop3A_2234 : vector<16xi32>
      %parallel_loop3A_2236 = vector.bitcast %parallel_loop3A_2235 : vector<16xi32> to vector<16xf32>
      %parallel_loop3A_2237 = arith.addf %parallel_loop3A_2125, %parallel_loop3A_2236 : vector<16xf32>
      %parallel_loop3A_2238 = arith.constant -65536 : i32
      %parallel_loop3A_2239 = vector.broadcast %parallel_loop3A_2238 : i32 to vector<16xi32>
      %parallel_loop3A_2240 = arith.andi %parallel_loop3A_2232, %parallel_loop3A_2239 : vector<16xi32>
      %parallel_loop3A_2241 = vector.bitcast %parallel_loop3A_2240 : vector<16xi32> to vector<16xf32>
      %parallel_loop3A_2242 = arith.addf %parallel_loop3A_2130, %parallel_loop3A_2241 : vector<16xf32>
      %parallel_loop3A_2243 = arith.constant 0 : i32
      %parallel_loop3A_2244 = vector.broadcast %parallel_loop3A_2243 : i32 to vector<16xi32>
      %parallel_loop3A_2245 = arith.addi %parallel_loop3A_145, %parallel_loop3A_2244 : vector<16xi32>
      %parallel_loop3A_2246 = tpu.vector_load_idx %arg5[%parallel_loop3A_2245] : memref<9000xi32, #tpu.memory_space<vmem>>[vector<16xi32>], vector<16xi32>,
      %parallel_loop3A_2247 = arith.constant 16 : i32
      %parallel_loop3A_2248 = vector.broadcast %parallel_loop3A_2247 : i32 to vector<16xi32>
      %parallel_loop3A_2249 = arith.shli %parallel_loop3A_2246, %parallel_loop3A_2248 : vector<16xi32>
      %parallel_loop3A_2250 = vector.bitcast %parallel_loop3A_2249 : vector<16xi32> to vector<16xf32>
      %parallel_loop3A_2251 = arith.addf %parallel_loop3A_2139, %parallel_loop3A_2250 : vector<16xf32>
      %parallel_loop3A_2252 = arith.constant -65536 : i32
      %parallel_loop3A_2253 = vector.broadcast %parallel_loop3A_2252 : i32 to vector<16xi32>
      %parallel_loop3A_2254 = arith.andi %parallel_loop3A_2246, %parallel_loop3A_2253 : vector<16xi32>
      %parallel_loop3A_2255 = vector.bitcast %parallel_loop3A_2254 : vector<16xi32> to vector<16xf32>
      %parallel_loop3A_2256 = arith.addf %parallel_loop3A_2144, %parallel_loop3A_2255 : vector<16xf32>
      %parallel_loop3A_2257 = arith.constant 1 : i32
      %parallel_loop3A_2258 = vector.broadcast %parallel_loop3A_2257 : i32 to vector<16xi32>
      %parallel_loop3A_2259 = arith.addi %parallel_loop3A_145, %parallel_loop3A_2258 : vector<16xi32>
      %parallel_loop3A_2260 = tpu.vector_load_idx %arg5[%parallel_loop3A_2259] : memref<9000xi32, #tpu.memory_space<vmem>>[vector<16xi32>], vector<16xi32>,
      %parallel_loop3A_2261 = arith.constant 16 : i32
      %parallel_loop3A_2262 = vector.broadcast %parallel_loop3A_2261 : i32 to vector<16xi32>
      %parallel_loop3A_2263 = arith.shli %parallel_loop3A_2260, %parallel_loop3A_2262 : vector<16xi32>
      %parallel_loop3A_2264 = vector.bitcast %parallel_loop3A_2263 : vector<16xi32> to vector<16xf32>
      %parallel_loop3A_2265 = arith.addf %parallel_loop3A_2153, %parallel_loop3A_2264 : vector<16xf32>
      %parallel_loop3A_2266 = arith.constant -65536 : i32
      %parallel_loop3A_2267 = vector.broadcast %parallel_loop3A_2266 : i32 to vector<16xi32>
      %parallel_loop3A_2268 = arith.andi %parallel_loop3A_2260, %parallel_loop3A_2267 : vector<16xi32>
      %parallel_loop3A_2269 = vector.bitcast %parallel_loop3A_2268 : vector<16xi32> to vector<16xf32>
      %parallel_loop3A_2270 = arith.addf %parallel_loop3A_2158, %parallel_loop3A_2269 : vector<16xf32>
      %parallel_loop3A_2271 = arith.constant 2 : i32
      %parallel_loop3A_2272 = vector.broadcast %parallel_loop3A_2271 : i32 to vector<16xi32>
      %parallel_loop3A_2273 = arith.addi %parallel_loop3A_145, %parallel_loop3A_2272 : vector<16xi32>
      %parallel_loop3A_2274 = tpu.vector_load_idx %arg5[%parallel_loop3A_2273] : memref<9000xi32, #tpu.memory_space<vmem>>[vector<16xi32>], vector<16xi32>,
      %parallel_loop3A_2275 = arith.constant 16 : i32
      %parallel_loop3A_2276 = vector.broadcast %parallel_loop3A_2275 : i32 to vector<16xi32>
      %parallel_loop3A_2277 = arith.shli %parallel_loop3A_2274, %parallel_loop3A_2276 : vector<16xi32>
      %parallel_loop3A_2278 = vector.bitcast %parallel_loop3A_2277 : vector<16xi32> to vector<16xf32>
      %parallel_loop3A_2279 = arith.addf %parallel_loop3A_2167, %parallel_loop3A_2278 : vector<16xf32>
      %parallel_loop3A_2280 = arith.constant -65536 : i32
      %parallel_loop3A_2281 = vector.broadcast %parallel_loop3A_2280 : i32 to vector<16xi32>
      %parallel_loop3A_2282 = arith.andi %parallel_loop3A_2274, %parallel_loop3A_2281 : vector<16xi32>
      %parallel_loop3A_2283 = vector.bitcast %parallel_loop3A_2282 : vector<16xi32> to vector<16xf32>
      %parallel_loop3A_2284 = arith.addf %parallel_loop3A_2172, %parallel_loop3A_2283 : vector<16xf32>
      %parallel_loop3A_2285 = arith.constant 3 : i32
      %parallel_loop3A_2286 = vector.broadcast %parallel_loop3A_2285 : i32 to vector<16xi32>
      %parallel_loop3A_2287 = arith.addi %parallel_loop3A_145, %parallel_loop3A_2286 : vector<16xi32>
      %parallel_loop3A_2288 = tpu.vector_load_idx %arg5[%parallel_loop3A_2287] : memref<9000xi32, #tpu.memory_space<vmem>>[vector<16xi32>], vector<16xi32>,
      %parallel_loop3A_2289 = arith.constant 16 : i32
      %parallel_loop3A_2290 = vector.broadcast %parallel_loop3A_2289 : i32 to vector<16xi32>
      %parallel_loop3A_2291 = arith.shli %parallel_loop3A_2288, %parallel_loop3A_2290 : vector<16xi32>
      %parallel_loop3A_2292 = vector.bitcast %parallel_loop3A_2291 : vector<16xi32> to vector<16xf32>
      %parallel_loop3A_2293 = arith.addf %parallel_loop3A_2181, %parallel_loop3A_2292 : vector<16xf32>
      %parallel_loop3A_2294 = arith.constant -65536 : i32
      %parallel_loop3A_2295 = vector.broadcast %parallel_loop3A_2294 : i32 to vector<16xi32>
      %parallel_loop3A_2296 = arith.andi %parallel_loop3A_2288, %parallel_loop3A_2295 : vector<16xi32>
      %parallel_loop3A_2297 = vector.bitcast %parallel_loop3A_2296 : vector<16xi32> to vector<16xf32>
      %parallel_loop3A_2298 = arith.addf %parallel_loop3A_2186, %parallel_loop3A_2297 : vector<16xf32>
      %parallel_loop3A_2299 = arith.constant 4 : i32
      %parallel_loop3A_2300 = vector.broadcast %parallel_loop3A_2299 : i32 to vector<16xi32>
      %parallel_loop3A_2301 = arith.addi %parallel_loop3A_145, %parallel_loop3A_2300 : vector<16xi32>
      %parallel_loop3A_2302 = tpu.vector_load_idx %arg5[%parallel_loop3A_2301] : memref<9000xi32, #tpu.memory_space<vmem>>[vector<16xi32>], vector<16xi32>,
      %parallel_loop3A_2303 = arith.constant 16 : i32
      %parallel_loop3A_2304 = vector.broadcast %parallel_loop3A_2303 : i32 to vector<16xi32>
      %parallel_loop3A_2305 = arith.shli %parallel_loop3A_2302, %parallel_loop3A_2304 : vector<16xi32>
      %parallel_loop3A_2306 = vector.bitcast %parallel_loop3A_2305 : vector<16xi32> to vector<16xf32>
      %parallel_loop3A_2307 = arith.addf %parallel_loop3A_2195, %parallel_loop3A_2306 : vector<16xf32>
      %parallel_loop3A_2308 = arith.constant -65536 : i32
      %parallel_loop3A_2309 = vector.broadcast %parallel_loop3A_2308 : i32 to vector<16xi32>
      %parallel_loop3A_2310 = arith.andi %parallel_loop3A_2302, %parallel_loop3A_2309 : vector<16xi32>
      %parallel_loop3A_2311 = vector.bitcast %parallel_loop3A_2310 : vector<16xi32> to vector<16xf32>
      %parallel_loop3A_2312 = arith.addf %parallel_loop3A_2200, %parallel_loop3A_2311 : vector<16xf32>
      %parallel_loop3A_2313 = arith.constant 5 : i32
      %parallel_loop3A_2314 = vector.broadcast %parallel_loop3A_2313 : i32 to vector<16xi32>
      %parallel_loop3A_2315 = arith.addi %parallel_loop3A_145, %parallel_loop3A_2314 : vector<16xi32>
      %parallel_loop3A_2316 = tpu.vector_load_idx %arg5[%parallel_loop3A_2315] : memref<9000xi32, #tpu.memory_space<vmem>>[vector<16xi32>], vector<16xi32>,
      %parallel_loop3A_2317 = arith.constant 16 : i32
      %parallel_loop3A_2318 = vector.broadcast %parallel_loop3A_2317 : i32 to vector<16xi32>
      %parallel_loop3A_2319 = arith.shli %parallel_loop3A_2316, %parallel_loop3A_2318 : vector<16xi32>
      %parallel_loop3A_2320 = vector.bitcast %parallel_loop3A_2319 : vector<16xi32> to vector<16xf32>
      %parallel_loop3A_2321 = arith.addf %parallel_loop3A_2209, %parallel_loop3A_2320 : vector<16xf32>
      %parallel_loop3A_2322 = arith.constant -65536 : i32
      %parallel_loop3A_2323 = vector.broadcast %parallel_loop3A_2322 : i32 to vector<16xi32>
      %parallel_loop3A_2324 = arith.andi %parallel_loop3A_2316, %parallel_loop3A_2323 : vector<16xi32>
      %parallel_loop3A_2325 = vector.bitcast %parallel_loop3A_2324 : vector<16xi32> to vector<16xf32>
      %parallel_loop3A_2326 = arith.addf %parallel_loop3A_2214, %parallel_loop3A_2325 : vector<16xf32>
      %parallel_loop3A_2327 = arith.constant 6 : i32
      %parallel_loop3A_2328 = vector.broadcast %parallel_loop3A_2327 : i32 to vector<16xi32>
      %parallel_loop3A_2329 = arith.addi %parallel_loop3A_145, %parallel_loop3A_2328 : vector<16xi32>
      %parallel_loop3A_2330 = tpu.vector_load_idx %arg5[%parallel_loop3A_2329] : memref<9000xi32, #tpu.memory_space<vmem>>[vector<16xi32>], vector<16xi32>,
      %parallel_loop3A_2331 = arith.constant 16 : i32
      %parallel_loop3A_2332 = vector.broadcast %parallel_loop3A_2331 : i32 to vector<16xi32>
      %parallel_loop3A_2333 = arith.shli %parallel_loop3A_2330, %parallel_loop3A_2332 : vector<16xi32>
      %parallel_loop3A_2334 = vector.bitcast %parallel_loop3A_2333 : vector<16xi32> to vector<16xf32>
      %parallel_loop3A_2335 = arith.addf %parallel_loop3A_2223, %parallel_loop3A_2334 : vector<16xf32>
      %parallel_loop3A_2336 = arith.constant -65536 : i32
      %parallel_loop3A_2337 = vector.broadcast %parallel_loop3A_2336 : i32 to vector<16xi32>
      %parallel_loop3A_2338 = arith.andi %parallel_loop3A_2330, %parallel_loop3A_2337 : vector<16xi32>
      %parallel_loop3A_2339 = vector.bitcast %parallel_loop3A_2338 : vector<16xi32> to vector<16xf32>
      %parallel_loop3A_2340 = arith.addf %parallel_loop3A_2228, %parallel_loop3A_2339 : vector<16xf32>
      %parallel_loop3A_2341 = arith.constant 7 : i32
      %parallel_loop3A_2342 = vector.broadcast %parallel_loop3A_2341 : i32 to vector<16xi32>
      %parallel_loop3A_2343 = arith.addi %parallel_loop3A_145, %parallel_loop3A_2342 : vector<16xi32>
      %parallel_loop3A_2344 = tpu.vector_load_idx %arg5[%parallel_loop3A_2343] : memref<9000xi32, #tpu.memory_space<vmem>>[vector<16xi32>], vector<16xi32>,
      %parallel_loop3A_2345 = arith.constant 16 : i32
      %parallel_loop3A_2346 = vector.broadcast %parallel_loop3A_2345 : i32 to vector<16xi32>
      %parallel_loop3A_2347 = arith.shli %parallel_loop3A_2344, %parallel_loop3A_2346 : vector<16xi32>
      %parallel_loop3A_2348 = vector.bitcast %parallel_loop3A_2347 : vector<16xi32> to vector<16xf32>
      %parallel_loop3A_2349 = arith.addf %parallel_loop3A_2237, %parallel_loop3A_2348 : vector<16xf32>
      %parallel_loop3A_2350 = arith.constant -65536 : i32
      %parallel_loop3A_2351 = vector.broadcast %parallel_loop3A_2350 : i32 to vector<16xi32>
      %parallel_loop3A_2352 = arith.andi %parallel_loop3A_2344, %parallel_loop3A_2351 : vector<16xi32>
      %parallel_loop3A_2353 = vector.bitcast %parallel_loop3A_2352 : vector<16xi32> to vector<16xf32>
      %parallel_loop3A_2354 = arith.addf %parallel_loop3A_2242, %parallel_loop3A_2353 : vector<16xf32>
      %parallel_loop3A_2355 = arith.constant 0 : i32
      %parallel_loop3A_2356 = vector.broadcast %parallel_loop3A_2355 : i32 to vector<16xi32>
      %parallel_loop3A_2357 = arith.addi %parallel_loop3A_152, %parallel_loop3A_2356 : vector<16xi32>
      %parallel_loop3A_2358 = tpu.vector_load_idx %arg5[%parallel_loop3A_2357] : memref<9000xi32, #tpu.memory_space<vmem>>[vector<16xi32>], vector<16xi32>,
      %parallel_loop3A_2359 = arith.constant 16 : i32
      %parallel_loop3A_2360 = vector.broadcast %parallel_loop3A_2359 : i32 to vector<16xi32>
      %parallel_loop3A_2361 = arith.shli %parallel_loop3A_2358, %parallel_loop3A_2360 : vector<16xi32>
      %parallel_loop3A_2362 = vector.bitcast %parallel_loop3A_2361 : vector<16xi32> to vector<16xf32>
      %parallel_loop3A_2363 = arith.addf %parallel_loop3A_2251, %parallel_loop3A_2362 : vector<16xf32>
      %parallel_loop3A_2364 = arith.constant -65536 : i32
      %parallel_loop3A_2365 = vector.broadcast %parallel_loop3A_2364 : i32 to vector<16xi32>
      %parallel_loop3A_2366 = arith.andi %parallel_loop3A_2358, %parallel_loop3A_2365 : vector<16xi32>
      %parallel_loop3A_2367 = vector.bitcast %parallel_loop3A_2366 : vector<16xi32> to vector<16xf32>
      %parallel_loop3A_2368 = arith.addf %parallel_loop3A_2256, %parallel_loop3A_2367 : vector<16xf32>
      %parallel_loop3A_2369 = arith.constant 1 : i32
      %parallel_loop3A_2370 = vector.broadcast %parallel_loop3A_2369 : i32 to vector<16xi32>
      %parallel_loop3A_2371 = arith.addi %parallel_loop3A_152, %parallel_loop3A_2370 : vector<16xi32>
      %parallel_loop3A_2372 = tpu.vector_load_idx %arg5[%parallel_loop3A_2371] : memref<9000xi32, #tpu.memory_space<vmem>>[vector<16xi32>], vector<16xi32>,
      %parallel_loop3A_2373 = arith.constant 16 : i32
      %parallel_loop3A_2374 = vector.broadcast %parallel_loop3A_2373 : i32 to vector<16xi32>
      %parallel_loop3A_2375 = arith.shli %parallel_loop3A_2372, %parallel_loop3A_2374 : vector<16xi32>
      %parallel_loop3A_2376 = vector.bitcast %parallel_loop3A_2375 : vector<16xi32> to vector<16xf32>
      %parallel_loop3A_2377 = arith.addf %parallel_loop3A_2265, %parallel_loop3A_2376 : vector<16xf32>
      %parallel_loop3A_2378 = arith.constant -65536 : i32
      %parallel_loop3A_2379 = vector.broadcast %parallel_loop3A_2378 : i32 to vector<16xi32>
      %parallel_loop3A_2380 = arith.andi %parallel_loop3A_2372, %parallel_loop3A_2379 : vector<16xi32>
      %parallel_loop3A_2381 = vector.bitcast %parallel_loop3A_2380 : vector<16xi32> to vector<16xf32>
      %parallel_loop3A_2382 = arith.addf %parallel_loop3A_2270, %parallel_loop3A_2381 : vector<16xf32>
      %parallel_loop3A_2383 = arith.constant 2 : i32
      %parallel_loop3A_2384 = vector.broadcast %parallel_loop3A_2383 : i32 to vector<16xi32>
      %parallel_loop3A_2385 = arith.addi %parallel_loop3A_152, %parallel_loop3A_2384 : vector<16xi32>
      %parallel_loop3A_2386 = tpu.vector_load_idx %arg5[%parallel_loop3A_2385] : memref<9000xi32, #tpu.memory_space<vmem>>[vector<16xi32>], vector<16xi32>,
      %parallel_loop3A_2387 = arith.constant 16 : i32
      %parallel_loop3A_2388 = vector.broadcast %parallel_loop3A_2387 : i32 to vector<16xi32>
      %parallel_loop3A_2389 = arith.shli %parallel_loop3A_2386, %parallel_loop3A_2388 : vector<16xi32>
      %parallel_loop3A_2390 = vector.bitcast %parallel_loop3A_2389 : vector<16xi32> to vector<16xf32>
      %parallel_loop3A_2391 = arith.addf %parallel_loop3A_2279, %parallel_loop3A_2390 : vector<16xf32>
      %parallel_loop3A_2392 = arith.constant -65536 : i32
      %parallel_loop3A_2393 = vector.broadcast %parallel_loop3A_2392 : i32 to vector<16xi32>
      %parallel_loop3A_2394 = arith.andi %parallel_loop3A_2386, %parallel_loop3A_2393 : vector<16xi32>
      %parallel_loop3A_2395 = vector.bitcast %parallel_loop3A_2394 : vector<16xi32> to vector<16xf32>
      %parallel_loop3A_2396 = arith.addf %parallel_loop3A_2284, %parallel_loop3A_2395 : vector<16xf32>
      %parallel_loop3A_2397 = arith.constant 3 : i32
      %parallel_loop3A_2398 = vector.broadcast %parallel_loop3A_2397 : i32 to vector<16xi32>
      %parallel_loop3A_2399 = arith.addi %parallel_loop3A_152, %parallel_loop3A_2398 : vector<16xi32>
      %parallel_loop3A_2400 = tpu.vector_load_idx %arg5[%parallel_loop3A_2399] : memref<9000xi32, #tpu.memory_space<vmem>>[vector<16xi32>], vector<16xi32>,
      %parallel_loop3A_2401 = arith.constant 16 : i32
      %parallel_loop3A_2402 = vector.broadcast %parallel_loop3A_2401 : i32 to vector<16xi32>
      %parallel_loop3A_2403 = arith.shli %parallel_loop3A_2400, %parallel_loop3A_2402 : vector<16xi32>
      %parallel_loop3A_2404 = vector.bitcast %parallel_loop3A_2403 : vector<16xi32> to vector<16xf32>
      %parallel_loop3A_2405 = arith.addf %parallel_loop3A_2293, %parallel_loop3A_2404 : vector<16xf32>
      %parallel_loop3A_2406 = arith.constant -65536 : i32
      %parallel_loop3A_2407 = vector.broadcast %parallel_loop3A_2406 : i32 to vector<16xi32>
      %parallel_loop3A_2408 = arith.andi %parallel_loop3A_2400, %parallel_loop3A_2407 : vector<16xi32>
      %parallel_loop3A_2409 = vector.bitcast %parallel_loop3A_2408 : vector<16xi32> to vector<16xf32>
      %parallel_loop3A_2410 = arith.addf %parallel_loop3A_2298, %parallel_loop3A_2409 : vector<16xf32>
      %parallel_loop3A_2411 = arith.constant 4 : i32
      %parallel_loop3A_2412 = vector.broadcast %parallel_loop3A_2411 : i32 to vector<16xi32>
      %parallel_loop3A_2413 = arith.addi %parallel_loop3A_152, %parallel_loop3A_2412 : vector<16xi32>
      %parallel_loop3A_2414 = tpu.vector_load_idx %arg5[%parallel_loop3A_2413] : memref<9000xi32, #tpu.memory_space<vmem>>[vector<16xi32>], vector<16xi32>,
      %parallel_loop3A_2415 = arith.constant 16 : i32
      %parallel_loop3A_2416 = vector.broadcast %parallel_loop3A_2415 : i32 to vector<16xi32>
      %parallel_loop3A_2417 = arith.shli %parallel_loop3A_2414, %parallel_loop3A_2416 : vector<16xi32>
      %parallel_loop3A_2418 = vector.bitcast %parallel_loop3A_2417 : vector<16xi32> to vector<16xf32>
      %parallel_loop3A_2419 = arith.addf %parallel_loop3A_2307, %parallel_loop3A_2418 : vector<16xf32>
      %parallel_loop3A_2420 = arith.constant -65536 : i32
      %parallel_loop3A_2421 = vector.broadcast %parallel_loop3A_2420 : i32 to vector<16xi32>
      %parallel_loop3A_2422 = arith.andi %parallel_loop3A_2414, %parallel_loop3A_2421 : vector<16xi32>
      %parallel_loop3A_2423 = vector.bitcast %parallel_loop3A_2422 : vector<16xi32> to vector<16xf32>
      %parallel_loop3A_2424 = arith.addf %parallel_loop3A_2312, %parallel_loop3A_2423 : vector<16xf32>
      %parallel_loop3A_2425 = arith.constant 5 : i32
      %parallel_loop3A_2426 = vector.broadcast %parallel_loop3A_2425 : i32 to vector<16xi32>
      %parallel_loop3A_2427 = arith.addi %parallel_loop3A_152, %parallel_loop3A_2426 : vector<16xi32>
      %parallel_loop3A_2428 = tpu.vector_load_idx %arg5[%parallel_loop3A_2427] : memref<9000xi32, #tpu.memory_space<vmem>>[vector<16xi32>], vector<16xi32>,
      %parallel_loop3A_2429 = arith.constant 16 : i32
      %parallel_loop3A_2430 = vector.broadcast %parallel_loop3A_2429 : i32 to vector<16xi32>
      %parallel_loop3A_2431 = arith.shli %parallel_loop3A_2428, %parallel_loop3A_2430 : vector<16xi32>
      %parallel_loop3A_2432 = vector.bitcast %parallel_loop3A_2431 : vector<16xi32> to vector<16xf32>
      %parallel_loop3A_2433 = arith.addf %parallel_loop3A_2321, %parallel_loop3A_2432 : vector<16xf32>
      %parallel_loop3A_2434 = arith.constant -65536 : i32
      %parallel_loop3A_2435 = vector.broadcast %parallel_loop3A_2434 : i32 to vector<16xi32>
      %parallel_loop3A_2436 = arith.andi %parallel_loop3A_2428, %parallel_loop3A_2435 : vector<16xi32>
      %parallel_loop3A_2437 = vector.bitcast %parallel_loop3A_2436 : vector<16xi32> to vector<16xf32>
      %parallel_loop3A_2438 = arith.addf %parallel_loop3A_2326, %parallel_loop3A_2437 : vector<16xf32>
      %parallel_loop3A_2439 = arith.constant 6 : i32
      %parallel_loop3A_2440 = vector.broadcast %parallel_loop3A_2439 : i32 to vector<16xi32>
      %parallel_loop3A_2441 = arith.addi %parallel_loop3A_152, %parallel_loop3A_2440 : vector<16xi32>
      %parallel_loop3A_2442 = tpu.vector_load_idx %arg5[%parallel_loop3A_2441] : memref<9000xi32, #tpu.memory_space<vmem>>[vector<16xi32>], vector<16xi32>,
      %parallel_loop3A_2443 = arith.constant 16 : i32
      %parallel_loop3A_2444 = vector.broadcast %parallel_loop3A_2443 : i32 to vector<16xi32>
      %parallel_loop3A_2445 = arith.shli %parallel_loop3A_2442, %parallel_loop3A_2444 : vector<16xi32>
      %parallel_loop3A_2446 = vector.bitcast %parallel_loop3A_2445 : vector<16xi32> to vector<16xf32>
      %parallel_loop3A_2447 = arith.addf %parallel_loop3A_2335, %parallel_loop3A_2446 : vector<16xf32>
      %parallel_loop3A_2448 = arith.constant -65536 : i32
      %parallel_loop3A_2449 = vector.broadcast %parallel_loop3A_2448 : i32 to vector<16xi32>
      %parallel_loop3A_2450 = arith.andi %parallel_loop3A_2442, %parallel_loop3A_2449 : vector<16xi32>
      %parallel_loop3A_2451 = vector.bitcast %parallel_loop3A_2450 : vector<16xi32> to vector<16xf32>
      %parallel_loop3A_2452 = arith.addf %parallel_loop3A_2340, %parallel_loop3A_2451 : vector<16xf32>
      %parallel_loop3A_2453 = arith.constant 7 : i32
      %parallel_loop3A_2454 = vector.broadcast %parallel_loop3A_2453 : i32 to vector<16xi32>
      %parallel_loop3A_2455 = arith.addi %parallel_loop3A_152, %parallel_loop3A_2454 : vector<16xi32>
      %parallel_loop3A_2456 = tpu.vector_load_idx %arg5[%parallel_loop3A_2455] : memref<9000xi32, #tpu.memory_space<vmem>>[vector<16xi32>], vector<16xi32>,
      %parallel_loop3A_2457 = arith.constant 16 : i32
      %parallel_loop3A_2458 = vector.broadcast %parallel_loop3A_2457 : i32 to vector<16xi32>
      %parallel_loop3A_2459 = arith.shli %parallel_loop3A_2456, %parallel_loop3A_2458 : vector<16xi32>
      %parallel_loop3A_2460 = vector.bitcast %parallel_loop3A_2459 : vector<16xi32> to vector<16xf32>
      %parallel_loop3A_2461 = arith.addf %parallel_loop3A_2349, %parallel_loop3A_2460 : vector<16xf32>
      %parallel_loop3A_2462 = arith.constant -65536 : i32
      %parallel_loop3A_2463 = vector.broadcast %parallel_loop3A_2462 : i32 to vector<16xi32>
      %parallel_loop3A_2464 = arith.andi %parallel_loop3A_2456, %parallel_loop3A_2463 : vector<16xi32>
      %parallel_loop3A_2465 = vector.bitcast %parallel_loop3A_2464 : vector<16xi32> to vector<16xf32>
      %parallel_loop3A_2466 = arith.addf %parallel_loop3A_2354, %parallel_loop3A_2465 : vector<16xf32>
      %parallel_loop3A_2467 = arith.constant 0 : i32
      %parallel_loop3A_2468 = vector.broadcast %parallel_loop3A_2467 : i32 to vector<16xi32>
      %parallel_loop3A_2469 = arith.addi %parallel_loop3A_159, %parallel_loop3A_2468 : vector<16xi32>
      %parallel_loop3A_2470 = tpu.vector_load_idx %arg5[%parallel_loop3A_2469] : memref<9000xi32, #tpu.memory_space<vmem>>[vector<16xi32>], vector<16xi32>,
      %parallel_loop3A_2471 = arith.constant 16 : i32
      %parallel_loop3A_2472 = vector.broadcast %parallel_loop3A_2471 : i32 to vector<16xi32>
      %parallel_loop3A_2473 = arith.shli %parallel_loop3A_2470, %parallel_loop3A_2472 : vector<16xi32>
      %parallel_loop3A_2474 = vector.bitcast %parallel_loop3A_2473 : vector<16xi32> to vector<16xf32>
      %parallel_loop3A_2475 = arith.addf %parallel_loop3A_2363, %parallel_loop3A_2474 : vector<16xf32>
      %parallel_loop3A_2476 = arith.constant -65536 : i32
      %parallel_loop3A_2477 = vector.broadcast %parallel_loop3A_2476 : i32 to vector<16xi32>
      %parallel_loop3A_2478 = arith.andi %parallel_loop3A_2470, %parallel_loop3A_2477 : vector<16xi32>
      %parallel_loop3A_2479 = vector.bitcast %parallel_loop3A_2478 : vector<16xi32> to vector<16xf32>
      %parallel_loop3A_2480 = arith.addf %parallel_loop3A_2368, %parallel_loop3A_2479 : vector<16xf32>
      %parallel_loop3A_2481 = arith.constant 1 : i32
      %parallel_loop3A_2482 = vector.broadcast %parallel_loop3A_2481 : i32 to vector<16xi32>
      %parallel_loop3A_2483 = arith.addi %parallel_loop3A_159, %parallel_loop3A_2482 : vector<16xi32>
      %parallel_loop3A_2484 = tpu.vector_load_idx %arg5[%parallel_loop3A_2483] : memref<9000xi32, #tpu.memory_space<vmem>>[vector<16xi32>], vector<16xi32>,
      %parallel_loop3A_2485 = arith.constant 16 : i32
      %parallel_loop3A_2486 = vector.broadcast %parallel_loop3A_2485 : i32 to vector<16xi32>
      %parallel_loop3A_2487 = arith.shli %parallel_loop3A_2484, %parallel_loop3A_2486 : vector<16xi32>
      %parallel_loop3A_2488 = vector.bitcast %parallel_loop3A_2487 : vector<16xi32> to vector<16xf32>
      %parallel_loop3A_2489 = arith.addf %parallel_loop3A_2377, %parallel_loop3A_2488 : vector<16xf32>
      %parallel_loop3A_2490 = arith.constant -65536 : i32
      %parallel_loop3A_2491 = vector.broadcast %parallel_loop3A_2490 : i32 to vector<16xi32>
      %parallel_loop3A_2492 = arith.andi %parallel_loop3A_2484, %parallel_loop3A_2491 : vector<16xi32>
      %parallel_loop3A_2493 = vector.bitcast %parallel_loop3A_2492 : vector<16xi32> to vector<16xf32>
      %parallel_loop3A_2494 = arith.addf %parallel_loop3A_2382, %parallel_loop3A_2493 : vector<16xf32>
      %parallel_loop3A_2495 = arith.constant 2 : i32
      %parallel_loop3A_2496 = vector.broadcast %parallel_loop3A_2495 : i32 to vector<16xi32>
      %parallel_loop3A_2497 = arith.addi %parallel_loop3A_159, %parallel_loop3A_2496 : vector<16xi32>
      %parallel_loop3A_2498 = tpu.vector_load_idx %arg5[%parallel_loop3A_2497] : memref<9000xi32, #tpu.memory_space<vmem>>[vector<16xi32>], vector<16xi32>,
      %parallel_loop3A_2499 = arith.constant 16 : i32
      %parallel_loop3A_2500 = vector.broadcast %parallel_loop3A_2499 : i32 to vector<16xi32>
      %parallel_loop3A_2501 = arith.shli %parallel_loop3A_2498, %parallel_loop3A_2500 : vector<16xi32>
      %parallel_loop3A_2502 = vector.bitcast %parallel_loop3A_2501 : vector<16xi32> to vector<16xf32>
      %parallel_loop3A_2503 = arith.addf %parallel_loop3A_2391, %parallel_loop3A_2502 : vector<16xf32>
      %parallel_loop3A_2504 = arith.constant -65536 : i32
      %parallel_loop3A_2505 = vector.broadcast %parallel_loop3A_2504 : i32 to vector<16xi32>
      %parallel_loop3A_2506 = arith.andi %parallel_loop3A_2498, %parallel_loop3A_2505 : vector<16xi32>
      %parallel_loop3A_2507 = vector.bitcast %parallel_loop3A_2506 : vector<16xi32> to vector<16xf32>
      %parallel_loop3A_2508 = arith.addf %parallel_loop3A_2396, %parallel_loop3A_2507 : vector<16xf32>
      %parallel_loop3A_2509 = arith.constant 3 : i32
      %parallel_loop3A_2510 = vector.broadcast %parallel_loop3A_2509 : i32 to vector<16xi32>
      %parallel_loop3A_2511 = arith.addi %parallel_loop3A_159, %parallel_loop3A_2510 : vector<16xi32>
      %parallel_loop3A_2512 = tpu.vector_load_idx %arg5[%parallel_loop3A_2511] : memref<9000xi32, #tpu.memory_space<vmem>>[vector<16xi32>], vector<16xi32>,
      %parallel_loop3A_2513 = arith.constant 16 : i32
      %parallel_loop3A_2514 = vector.broadcast %parallel_loop3A_2513 : i32 to vector<16xi32>
      %parallel_loop3A_2515 = arith.shli %parallel_loop3A_2512, %parallel_loop3A_2514 : vector<16xi32>
      %parallel_loop3A_2516 = vector.bitcast %parallel_loop3A_2515 : vector<16xi32> to vector<16xf32>
      %parallel_loop3A_2517 = arith.addf %parallel_loop3A_2405, %parallel_loop3A_2516 : vector<16xf32>
      %parallel_loop3A_2518 = arith.constant -65536 : i32
      %parallel_loop3A_2519 = vector.broadcast %parallel_loop3A_2518 : i32 to vector<16xi32>
      %parallel_loop3A_2520 = arith.andi %parallel_loop3A_2512, %parallel_loop3A_2519 : vector<16xi32>
      %parallel_loop3A_2521 = vector.bitcast %parallel_loop3A_2520 : vector<16xi32> to vector<16xf32>
      %parallel_loop3A_2522 = arith.addf %parallel_loop3A_2410, %parallel_loop3A_2521 : vector<16xf32>
      %parallel_loop3A_2523 = arith.constant 4 : i32
      %parallel_loop3A_2524 = vector.broadcast %parallel_loop3A_2523 : i32 to vector<16xi32>
      %parallel_loop3A_2525 = arith.addi %parallel_loop3A_159, %parallel_loop3A_2524 : vector<16xi32>
      %parallel_loop3A_2526 = tpu.vector_load_idx %arg5[%parallel_loop3A_2525] : memref<9000xi32, #tpu.memory_space<vmem>>[vector<16xi32>], vector<16xi32>,
      %parallel_loop3A_2527 = arith.constant 16 : i32
      %parallel_loop3A_2528 = vector.broadcast %parallel_loop3A_2527 : i32 to vector<16xi32>
      %parallel_loop3A_2529 = arith.shli %parallel_loop3A_2526, %parallel_loop3A_2528 : vector<16xi32>
      %parallel_loop3A_2530 = vector.bitcast %parallel_loop3A_2529 : vector<16xi32> to vector<16xf32>
      %parallel_loop3A_2531 = arith.addf %parallel_loop3A_2419, %parallel_loop3A_2530 : vector<16xf32>
      %parallel_loop3A_2532 = arith.constant -65536 : i32
      %parallel_loop3A_2533 = vector.broadcast %parallel_loop3A_2532 : i32 to vector<16xi32>
      %parallel_loop3A_2534 = arith.andi %parallel_loop3A_2526, %parallel_loop3A_2533 : vector<16xi32>
      %parallel_loop3A_2535 = vector.bitcast %parallel_loop3A_2534 : vector<16xi32> to vector<16xf32>
      %parallel_loop3A_2536 = arith.addf %parallel_loop3A_2424, %parallel_loop3A_2535 : vector<16xf32>
      %parallel_loop3A_2537 = arith.constant 5 : i32
      %parallel_loop3A_2538 = vector.broadcast %parallel_loop3A_2537 : i32 to vector<16xi32>
      %parallel_loop3A_2539 = arith.addi %parallel_loop3A_159, %parallel_loop3A_2538 : vector<16xi32>
      %parallel_loop3A_2540 = tpu.vector_load_idx %arg5[%parallel_loop3A_2539] : memref<9000xi32, #tpu.memory_space<vmem>>[vector<16xi32>], vector<16xi32>,
      %parallel_loop3A_2541 = arith.constant 16 : i32
      %parallel_loop3A_2542 = vector.broadcast %parallel_loop3A_2541 : i32 to vector<16xi32>
      %parallel_loop3A_2543 = arith.shli %parallel_loop3A_2540, %parallel_loop3A_2542 : vector<16xi32>
      %parallel_loop3A_2544 = vector.bitcast %parallel_loop3A_2543 : vector<16xi32> to vector<16xf32>
      %parallel_loop3A_2545 = arith.addf %parallel_loop3A_2433, %parallel_loop3A_2544 : vector<16xf32>
      %parallel_loop3A_2546 = arith.constant -65536 : i32
      %parallel_loop3A_2547 = vector.broadcast %parallel_loop3A_2546 : i32 to vector<16xi32>
      %parallel_loop3A_2548 = arith.andi %parallel_loop3A_2540, %parallel_loop3A_2547 : vector<16xi32>
      %parallel_loop3A_2549 = vector.bitcast %parallel_loop3A_2548 : vector<16xi32> to vector<16xf32>
      %parallel_loop3A_2550 = arith.addf %parallel_loop3A_2438, %parallel_loop3A_2549 : vector<16xf32>
      %parallel_loop3A_2551 = arith.constant 6 : i32
      %parallel_loop3A_2552 = vector.broadcast %parallel_loop3A_2551 : i32 to vector<16xi32>
      %parallel_loop3A_2553 = arith.addi %parallel_loop3A_159, %parallel_loop3A_2552 : vector<16xi32>
      %parallel_loop3A_2554 = tpu.vector_load_idx %arg5[%parallel_loop3A_2553] : memref<9000xi32, #tpu.memory_space<vmem>>[vector<16xi32>], vector<16xi32>,
      %parallel_loop3A_2555 = arith.constant 16 : i32
      %parallel_loop3A_2556 = vector.broadcast %parallel_loop3A_2555 : i32 to vector<16xi32>
      %parallel_loop3A_2557 = arith.shli %parallel_loop3A_2554, %parallel_loop3A_2556 : vector<16xi32>
      %parallel_loop3A_2558 = vector.bitcast %parallel_loop3A_2557 : vector<16xi32> to vector<16xf32>
      %parallel_loop3A_2559 = arith.addf %parallel_loop3A_2447, %parallel_loop3A_2558 : vector<16xf32>
      %parallel_loop3A_2560 = arith.constant -65536 : i32
      %parallel_loop3A_2561 = vector.broadcast %parallel_loop3A_2560 : i32 to vector<16xi32>
      %parallel_loop3A_2562 = arith.andi %parallel_loop3A_2554, %parallel_loop3A_2561 : vector<16xi32>
      %parallel_loop3A_2563 = vector.bitcast %parallel_loop3A_2562 : vector<16xi32> to vector<16xf32>
      %parallel_loop3A_2564 = arith.addf %parallel_loop3A_2452, %parallel_loop3A_2563 : vector<16xf32>
      %parallel_loop3A_2565 = arith.constant 7 : i32
      %parallel_loop3A_2566 = vector.broadcast %parallel_loop3A_2565 : i32 to vector<16xi32>
      %parallel_loop3A_2567 = arith.addi %parallel_loop3A_159, %parallel_loop3A_2566 : vector<16xi32>
      %parallel_loop3A_2568 = tpu.vector_load_idx %arg5[%parallel_loop3A_2567] : memref<9000xi32, #tpu.memory_space<vmem>>[vector<16xi32>], vector<16xi32>,
      %parallel_loop3A_2569 = arith.constant 16 : i32
      %parallel_loop3A_2570 = vector.broadcast %parallel_loop3A_2569 : i32 to vector<16xi32>
      %parallel_loop3A_2571 = arith.shli %parallel_loop3A_2568, %parallel_loop3A_2570 : vector<16xi32>
      %parallel_loop3A_2572 = vector.bitcast %parallel_loop3A_2571 : vector<16xi32> to vector<16xf32>
      %parallel_loop3A_2573 = arith.addf %parallel_loop3A_2461, %parallel_loop3A_2572 : vector<16xf32>
      %parallel_loop3A_2574 = arith.constant -65536 : i32
      %parallel_loop3A_2575 = vector.broadcast %parallel_loop3A_2574 : i32 to vector<16xi32>
      %parallel_loop3A_2576 = arith.andi %parallel_loop3A_2568, %parallel_loop3A_2575 : vector<16xi32>
      %parallel_loop3A_2577 = vector.bitcast %parallel_loop3A_2576 : vector<16xi32> to vector<16xf32>
      %parallel_loop3A_2578 = arith.addf %parallel_loop3A_2466, %parallel_loop3A_2577 : vector<16xf32>
      %parallel_loop3A_2579 = arith.constant 0 : i32
      %parallel_loop3A_2580 = vector.broadcast %parallel_loop3A_2579 : i32 to vector<16xi32>
      %parallel_loop3A_2581 = arith.addi %parallel_loop3A_166, %parallel_loop3A_2580 : vector<16xi32>
      %parallel_loop3A_2582 = tpu.vector_load_idx %arg5[%parallel_loop3A_2581] : memref<9000xi32, #tpu.memory_space<vmem>>[vector<16xi32>], vector<16xi32>,
      %parallel_loop3A_2583 = arith.constant 16 : i32
      %parallel_loop3A_2584 = vector.broadcast %parallel_loop3A_2583 : i32 to vector<16xi32>
      %parallel_loop3A_2585 = arith.shli %parallel_loop3A_2582, %parallel_loop3A_2584 : vector<16xi32>
      %parallel_loop3A_2586 = vector.bitcast %parallel_loop3A_2585 : vector<16xi32> to vector<16xf32>
      %parallel_loop3A_2587 = arith.addf %parallel_loop3A_2475, %parallel_loop3A_2586 : vector<16xf32>
      %parallel_loop3A_2588 = arith.constant -65536 : i32
      %parallel_loop3A_2589 = vector.broadcast %parallel_loop3A_2588 : i32 to vector<16xi32>
      %parallel_loop3A_2590 = arith.andi %parallel_loop3A_2582, %parallel_loop3A_2589 : vector<16xi32>
      %parallel_loop3A_2591 = vector.bitcast %parallel_loop3A_2590 : vector<16xi32> to vector<16xf32>
      %parallel_loop3A_2592 = arith.addf %parallel_loop3A_2480, %parallel_loop3A_2591 : vector<16xf32>
      %parallel_loop3A_2593 = arith.constant 1 : i32
      %parallel_loop3A_2594 = vector.broadcast %parallel_loop3A_2593 : i32 to vector<16xi32>
      %parallel_loop3A_2595 = arith.addi %parallel_loop3A_166, %parallel_loop3A_2594 : vector<16xi32>
      %parallel_loop3A_2596 = tpu.vector_load_idx %arg5[%parallel_loop3A_2595] : memref<9000xi32, #tpu.memory_space<vmem>>[vector<16xi32>], vector<16xi32>,
      %parallel_loop3A_2597 = arith.constant 16 : i32
      %parallel_loop3A_2598 = vector.broadcast %parallel_loop3A_2597 : i32 to vector<16xi32>
      %parallel_loop3A_2599 = arith.shli %parallel_loop3A_2596, %parallel_loop3A_2598 : vector<16xi32>
      %parallel_loop3A_2600 = vector.bitcast %parallel_loop3A_2599 : vector<16xi32> to vector<16xf32>
      %parallel_loop3A_2601 = arith.addf %parallel_loop3A_2489, %parallel_loop3A_2600 : vector<16xf32>
      %parallel_loop3A_2602 = arith.constant -65536 : i32
      %parallel_loop3A_2603 = vector.broadcast %parallel_loop3A_2602 : i32 to vector<16xi32>
      %parallel_loop3A_2604 = arith.andi %parallel_loop3A_2596, %parallel_loop3A_2603 : vector<16xi32>
      %parallel_loop3A_2605 = vector.bitcast %parallel_loop3A_2604 : vector<16xi32> to vector<16xf32>
      %parallel_loop3A_2606 = arith.addf %parallel_loop3A_2494, %parallel_loop3A_2605 : vector<16xf32>
      %parallel_loop3A_2607 = arith.constant 2 : i32
      %parallel_loop3A_2608 = vector.broadcast %parallel_loop3A_2607 : i32 to vector<16xi32>
      %parallel_loop3A_2609 = arith.addi %parallel_loop3A_166, %parallel_loop3A_2608 : vector<16xi32>
      %parallel_loop3A_2610 = tpu.vector_load_idx %arg5[%parallel_loop3A_2609] : memref<9000xi32, #tpu.memory_space<vmem>>[vector<16xi32>], vector<16xi32>,
      %parallel_loop3A_2611 = arith.constant 16 : i32
      %parallel_loop3A_2612 = vector.broadcast %parallel_loop3A_2611 : i32 to vector<16xi32>
      %parallel_loop3A_2613 = arith.shli %parallel_loop3A_2610, %parallel_loop3A_2612 : vector<16xi32>
      %parallel_loop3A_2614 = vector.bitcast %parallel_loop3A_2613 : vector<16xi32> to vector<16xf32>
      %parallel_loop3A_2615 = arith.addf %parallel_loop3A_2503, %parallel_loop3A_2614 : vector<16xf32>
      %parallel_loop3A_2616 = arith.constant -65536 : i32
      %parallel_loop3A_2617 = vector.broadcast %parallel_loop3A_2616 : i32 to vector<16xi32>
      %parallel_loop3A_2618 = arith.andi %parallel_loop3A_2610, %parallel_loop3A_2617 : vector<16xi32>
      %parallel_loop3A_2619 = vector.bitcast %parallel_loop3A_2618 : vector<16xi32> to vector<16xf32>
      %parallel_loop3A_2620 = arith.addf %parallel_loop3A_2508, %parallel_loop3A_2619 : vector<16xf32>
      %parallel_loop3A_2621 = arith.constant 3 : i32
      %parallel_loop3A_2622 = vector.broadcast %parallel_loop3A_2621 : i32 to vector<16xi32>
      %parallel_loop3A_2623 = arith.addi %parallel_loop3A_166, %parallel_loop3A_2622 : vector<16xi32>
      %parallel_loop3A_2624 = tpu.vector_load_idx %arg5[%parallel_loop3A_2623] : memref<9000xi32, #tpu.memory_space<vmem>>[vector<16xi32>], vector<16xi32>,
      %parallel_loop3A_2625 = arith.constant 16 : i32
      %parallel_loop3A_2626 = vector.broadcast %parallel_loop3A_2625 : i32 to vector<16xi32>
      %parallel_loop3A_2627 = arith.shli %parallel_loop3A_2624, %parallel_loop3A_2626 : vector<16xi32>
      %parallel_loop3A_2628 = vector.bitcast %parallel_loop3A_2627 : vector<16xi32> to vector<16xf32>
      %parallel_loop3A_2629 = arith.addf %parallel_loop3A_2517, %parallel_loop3A_2628 : vector<16xf32>
      %parallel_loop3A_2630 = arith.constant -65536 : i32
      %parallel_loop3A_2631 = vector.broadcast %parallel_loop3A_2630 : i32 to vector<16xi32>
      %parallel_loop3A_2632 = arith.andi %parallel_loop3A_2624, %parallel_loop3A_2631 : vector<16xi32>
      %parallel_loop3A_2633 = vector.bitcast %parallel_loop3A_2632 : vector<16xi32> to vector<16xf32>
      %parallel_loop3A_2634 = arith.addf %parallel_loop3A_2522, %parallel_loop3A_2633 : vector<16xf32>
      %parallel_loop3A_2635 = arith.constant 4 : i32
      %parallel_loop3A_2636 = vector.broadcast %parallel_loop3A_2635 : i32 to vector<16xi32>
      %parallel_loop3A_2637 = arith.addi %parallel_loop3A_166, %parallel_loop3A_2636 : vector<16xi32>
      %parallel_loop3A_2638 = tpu.vector_load_idx %arg5[%parallel_loop3A_2637] : memref<9000xi32, #tpu.memory_space<vmem>>[vector<16xi32>], vector<16xi32>,
      %parallel_loop3A_2639 = arith.constant 16 : i32
      %parallel_loop3A_2640 = vector.broadcast %parallel_loop3A_2639 : i32 to vector<16xi32>
      %parallel_loop3A_2641 = arith.shli %parallel_loop3A_2638, %parallel_loop3A_2640 : vector<16xi32>
      %parallel_loop3A_2642 = vector.bitcast %parallel_loop3A_2641 : vector<16xi32> to vector<16xf32>
      %parallel_loop3A_2643 = arith.addf %parallel_loop3A_2531, %parallel_loop3A_2642 : vector<16xf32>
      %parallel_loop3A_2644 = arith.constant -65536 : i32
      %parallel_loop3A_2645 = vector.broadcast %parallel_loop3A_2644 : i32 to vector<16xi32>
      %parallel_loop3A_2646 = arith.andi %parallel_loop3A_2638, %parallel_loop3A_2645 : vector<16xi32>
      %parallel_loop3A_2647 = vector.bitcast %parallel_loop3A_2646 : vector<16xi32> to vector<16xf32>
      %parallel_loop3A_2648 = arith.addf %parallel_loop3A_2536, %parallel_loop3A_2647 : vector<16xf32>
      %parallel_loop3A_2649 = arith.constant 5 : i32
      %parallel_loop3A_2650 = vector.broadcast %parallel_loop3A_2649 : i32 to vector<16xi32>
      %parallel_loop3A_2651 = arith.addi %parallel_loop3A_166, %parallel_loop3A_2650 : vector<16xi32>
      %parallel_loop3A_2652 = tpu.vector_load_idx %arg5[%parallel_loop3A_2651] : memref<9000xi32, #tpu.memory_space<vmem>>[vector<16xi32>], vector<16xi32>,
      %parallel_loop3A_2653 = arith.constant 16 : i32
      %parallel_loop3A_2654 = vector.broadcast %parallel_loop3A_2653 : i32 to vector<16xi32>
      %parallel_loop3A_2655 = arith.shli %parallel_loop3A_2652, %parallel_loop3A_2654 : vector<16xi32>
      %parallel_loop3A_2656 = vector.bitcast %parallel_loop3A_2655 : vector<16xi32> to vector<16xf32>
      %parallel_loop3A_2657 = arith.addf %parallel_loop3A_2545, %parallel_loop3A_2656 : vector<16xf32>
      %parallel_loop3A_2658 = arith.constant -65536 : i32
      %parallel_loop3A_2659 = vector.broadcast %parallel_loop3A_2658 : i32 to vector<16xi32>
      %parallel_loop3A_2660 = arith.andi %parallel_loop3A_2652, %parallel_loop3A_2659 : vector<16xi32>
      %parallel_loop3A_2661 = vector.bitcast %parallel_loop3A_2660 : vector<16xi32> to vector<16xf32>
      %parallel_loop3A_2662 = arith.addf %parallel_loop3A_2550, %parallel_loop3A_2661 : vector<16xf32>
      %parallel_loop3A_2663 = arith.constant 6 : i32
      %parallel_loop3A_2664 = vector.broadcast %parallel_loop3A_2663 : i32 to vector<16xi32>
      %parallel_loop3A_2665 = arith.addi %parallel_loop3A_166, %parallel_loop3A_2664 : vector<16xi32>
      %parallel_loop3A_2666 = tpu.vector_load_idx %arg5[%parallel_loop3A_2665] : memref<9000xi32, #tpu.memory_space<vmem>>[vector<16xi32>], vector<16xi32>,
      %parallel_loop3A_2667 = arith.constant 16 : i32
      %parallel_loop3A_2668 = vector.broadcast %parallel_loop3A_2667 : i32 to vector<16xi32>
      %parallel_loop3A_2669 = arith.shli %parallel_loop3A_2666, %parallel_loop3A_2668 : vector<16xi32>
      %parallel_loop3A_2670 = vector.bitcast %parallel_loop3A_2669 : vector<16xi32> to vector<16xf32>
      %parallel_loop3A_2671 = arith.addf %parallel_loop3A_2559, %parallel_loop3A_2670 : vector<16xf32>
      %parallel_loop3A_2672 = arith.constant -65536 : i32
      %parallel_loop3A_2673 = vector.broadcast %parallel_loop3A_2672 : i32 to vector<16xi32>
      %parallel_loop3A_2674 = arith.andi %parallel_loop3A_2666, %parallel_loop3A_2673 : vector<16xi32>
      %parallel_loop3A_2675 = vector.bitcast %parallel_loop3A_2674 : vector<16xi32> to vector<16xf32>
      %parallel_loop3A_2676 = arith.addf %parallel_loop3A_2564, %parallel_loop3A_2675 : vector<16xf32>
      %parallel_loop3A_2677 = arith.constant 7 : i32
      %parallel_loop3A_2678 = vector.broadcast %parallel_loop3A_2677 : i32 to vector<16xi32>
      %parallel_loop3A_2679 = arith.addi %parallel_loop3A_166, %parallel_loop3A_2678 : vector<16xi32>
      %parallel_loop3A_2680 = tpu.vector_load_idx %arg5[%parallel_loop3A_2679] : memref<9000xi32, #tpu.memory_space<vmem>>[vector<16xi32>], vector<16xi32>,
      %parallel_loop3A_2681 = arith.constant 16 : i32
      %parallel_loop3A_2682 = vector.broadcast %parallel_loop3A_2681 : i32 to vector<16xi32>
      %parallel_loop3A_2683 = arith.shli %parallel_loop3A_2680, %parallel_loop3A_2682 : vector<16xi32>
      %parallel_loop3A_2684 = vector.bitcast %parallel_loop3A_2683 : vector<16xi32> to vector<16xf32>
      %parallel_loop3A_2685 = arith.addf %parallel_loop3A_2573, %parallel_loop3A_2684 : vector<16xf32>
      %parallel_loop3A_2686 = arith.constant -65536 : i32
      %parallel_loop3A_2687 = vector.broadcast %parallel_loop3A_2686 : i32 to vector<16xi32>
      %parallel_loop3A_2688 = arith.andi %parallel_loop3A_2680, %parallel_loop3A_2687 : vector<16xi32>
      %parallel_loop3A_2689 = vector.bitcast %parallel_loop3A_2688 : vector<16xi32> to vector<16xf32>
      %parallel_loop3A_2690 = arith.addf %parallel_loop3A_2578, %parallel_loop3A_2689 : vector<16xf32>
      %parallel_loop3A_2691 = arith.constant 0 : i32
      %parallel_loop3A_2692 = vector.broadcast %parallel_loop3A_2691 : i32 to vector<16xi32>
      %parallel_loop3A_2693 = arith.addi %parallel_loop3A_173, %parallel_loop3A_2692 : vector<16xi32>
      %parallel_loop3A_2694 = tpu.vector_load_idx %arg5[%parallel_loop3A_2693] : memref<9000xi32, #tpu.memory_space<vmem>>[vector<16xi32>], vector<16xi32>,
      %parallel_loop3A_2695 = arith.constant 16 : i32
      %parallel_loop3A_2696 = vector.broadcast %parallel_loop3A_2695 : i32 to vector<16xi32>
      %parallel_loop3A_2697 = arith.shli %parallel_loop3A_2694, %parallel_loop3A_2696 : vector<16xi32>
      %parallel_loop3A_2698 = vector.bitcast %parallel_loop3A_2697 : vector<16xi32> to vector<16xf32>
      %parallel_loop3A_2699 = arith.addf %parallel_loop3A_2587, %parallel_loop3A_2698 : vector<16xf32>
      %parallel_loop3A_2700 = arith.constant -65536 : i32
      %parallel_loop3A_2701 = vector.broadcast %parallel_loop3A_2700 : i32 to vector<16xi32>
      %parallel_loop3A_2702 = arith.andi %parallel_loop3A_2694, %parallel_loop3A_2701 : vector<16xi32>
      %parallel_loop3A_2703 = vector.bitcast %parallel_loop3A_2702 : vector<16xi32> to vector<16xf32>
      %parallel_loop3A_2704 = arith.addf %parallel_loop3A_2592, %parallel_loop3A_2703 : vector<16xf32>
      %parallel_loop3A_2705 = arith.constant 1 : i32
      %parallel_loop3A_2706 = vector.broadcast %parallel_loop3A_2705 : i32 to vector<16xi32>
      %parallel_loop3A_2707 = arith.addi %parallel_loop3A_173, %parallel_loop3A_2706 : vector<16xi32>
      %parallel_loop3A_2708 = tpu.vector_load_idx %arg5[%parallel_loop3A_2707] : memref<9000xi32, #tpu.memory_space<vmem>>[vector<16xi32>], vector<16xi32>,
      %parallel_loop3A_2709 = arith.constant 16 : i32
      %parallel_loop3A_2710 = vector.broadcast %parallel_loop3A_2709 : i32 to vector<16xi32>
      %parallel_loop3A_2711 = arith.shli %parallel_loop3A_2708, %parallel_loop3A_2710 : vector<16xi32>
      %parallel_loop3A_2712 = vector.bitcast %parallel_loop3A_2711 : vector<16xi32> to vector<16xf32>
      %parallel_loop3A_2713 = arith.addf %parallel_loop3A_2601, %parallel_loop3A_2712 : vector<16xf32>
      %parallel_loop3A_2714 = arith.constant -65536 : i32
      %parallel_loop3A_2715 = vector.broadcast %parallel_loop3A_2714 : i32 to vector<16xi32>
      %parallel_loop3A_2716 = arith.andi %parallel_loop3A_2708, %parallel_loop3A_2715 : vector<16xi32>
      %parallel_loop3A_2717 = vector.bitcast %parallel_loop3A_2716 : vector<16xi32> to vector<16xf32>
      %parallel_loop3A_2718 = arith.addf %parallel_loop3A_2606, %parallel_loop3A_2717 : vector<16xf32>
      %parallel_loop3A_2719 = arith.constant 2 : i32
      %parallel_loop3A_2720 = vector.broadcast %parallel_loop3A_2719 : i32 to vector<16xi32>
      %parallel_loop3A_2721 = arith.addi %parallel_loop3A_173, %parallel_loop3A_2720 : vector<16xi32>
      %parallel_loop3A_2722 = tpu.vector_load_idx %arg5[%parallel_loop3A_2721] : memref<9000xi32, #tpu.memory_space<vmem>>[vector<16xi32>], vector<16xi32>,
      %parallel_loop3A_2723 = arith.constant 16 : i32
      %parallel_loop3A_2724 = vector.broadcast %parallel_loop3A_2723 : i32 to vector<16xi32>
      %parallel_loop3A_2725 = arith.shli %parallel_loop3A_2722, %parallel_loop3A_2724 : vector<16xi32>
      %parallel_loop3A_2726 = vector.bitcast %parallel_loop3A_2725 : vector<16xi32> to vector<16xf32>
      %parallel_loop3A_2727 = arith.addf %parallel_loop3A_2615, %parallel_loop3A_2726 : vector<16xf32>
      %parallel_loop3A_2728 = arith.constant -65536 : i32
      %parallel_loop3A_2729 = vector.broadcast %parallel_loop3A_2728 : i32 to vector<16xi32>
      %parallel_loop3A_2730 = arith.andi %parallel_loop3A_2722, %parallel_loop3A_2729 : vector<16xi32>
      %parallel_loop3A_2731 = vector.bitcast %parallel_loop3A_2730 : vector<16xi32> to vector<16xf32>
      %parallel_loop3A_2732 = arith.addf %parallel_loop3A_2620, %parallel_loop3A_2731 : vector<16xf32>
      %parallel_loop3A_2733 = arith.constant 3 : i32
      %parallel_loop3A_2734 = vector.broadcast %parallel_loop3A_2733 : i32 to vector<16xi32>
      %parallel_loop3A_2735 = arith.addi %parallel_loop3A_173, %parallel_loop3A_2734 : vector<16xi32>
      %parallel_loop3A_2736 = tpu.vector_load_idx %arg5[%parallel_loop3A_2735] : memref<9000xi32, #tpu.memory_space<vmem>>[vector<16xi32>], vector<16xi32>,
      %parallel_loop3A_2737 = arith.constant 16 : i32
      %parallel_loop3A_2738 = vector.broadcast %parallel_loop3A_2737 : i32 to vector<16xi32>
      %parallel_loop3A_2739 = arith.shli %parallel_loop3A_2736, %parallel_loop3A_2738 : vector<16xi32>
      %parallel_loop3A_2740 = vector.bitcast %parallel_loop3A_2739 : vector<16xi32> to vector<16xf32>
      %parallel_loop3A_2741 = arith.addf %parallel_loop3A_2629, %parallel_loop3A_2740 : vector<16xf32>
      %parallel_loop3A_2742 = arith.constant -65536 : i32
      %parallel_loop3A_2743 = vector.broadcast %parallel_loop3A_2742 : i32 to vector<16xi32>
      %parallel_loop3A_2744 = arith.andi %parallel_loop3A_2736, %parallel_loop3A_2743 : vector<16xi32>
      %parallel_loop3A_2745 = vector.bitcast %parallel_loop3A_2744 : vector<16xi32> to vector<16xf32>
      %parallel_loop3A_2746 = arith.addf %parallel_loop3A_2634, %parallel_loop3A_2745 : vector<16xf32>
      %parallel_loop3A_2747 = arith.constant 4 : i32
      %parallel_loop3A_2748 = vector.broadcast %parallel_loop3A_2747 : i32 to vector<16xi32>
      %parallel_loop3A_2749 = arith.addi %parallel_loop3A_173, %parallel_loop3A_2748 : vector<16xi32>
      %parallel_loop3A_2750 = tpu.vector_load_idx %arg5[%parallel_loop3A_2749] : memref<9000xi32, #tpu.memory_space<vmem>>[vector<16xi32>], vector<16xi32>,
      %parallel_loop3A_2751 = arith.constant 16 : i32
      %parallel_loop3A_2752 = vector.broadcast %parallel_loop3A_2751 : i32 to vector<16xi32>
      %parallel_loop3A_2753 = arith.shli %parallel_loop3A_2750, %parallel_loop3A_2752 : vector<16xi32>
      %parallel_loop3A_2754 = vector.bitcast %parallel_loop3A_2753 : vector<16xi32> to vector<16xf32>
      %parallel_loop3A_2755 = arith.addf %parallel_loop3A_2643, %parallel_loop3A_2754 : vector<16xf32>
      %parallel_loop3A_2756 = arith.constant -65536 : i32
      %parallel_loop3A_2757 = vector.broadcast %parallel_loop3A_2756 : i32 to vector<16xi32>
      %parallel_loop3A_2758 = arith.andi %parallel_loop3A_2750, %parallel_loop3A_2757 : vector<16xi32>
      %parallel_loop3A_2759 = vector.bitcast %parallel_loop3A_2758 : vector<16xi32> to vector<16xf32>
      %parallel_loop3A_2760 = arith.addf %parallel_loop3A_2648, %parallel_loop3A_2759 : vector<16xf32>
      %parallel_loop3A_2761 = arith.constant 5 : i32
      %parallel_loop3A_2762 = vector.broadcast %parallel_loop3A_2761 : i32 to vector<16xi32>
      %parallel_loop3A_2763 = arith.addi %parallel_loop3A_173, %parallel_loop3A_2762 : vector<16xi32>
      %parallel_loop3A_2764 = tpu.vector_load_idx %arg5[%parallel_loop3A_2763] : memref<9000xi32, #tpu.memory_space<vmem>>[vector<16xi32>], vector<16xi32>,
      %parallel_loop3A_2765 = arith.constant 16 : i32
      %parallel_loop3A_2766 = vector.broadcast %parallel_loop3A_2765 : i32 to vector<16xi32>
      %parallel_loop3A_2767 = arith.shli %parallel_loop3A_2764, %parallel_loop3A_2766 : vector<16xi32>
      %parallel_loop3A_2768 = vector.bitcast %parallel_loop3A_2767 : vector<16xi32> to vector<16xf32>
      %parallel_loop3A_2769 = arith.addf %parallel_loop3A_2657, %parallel_loop3A_2768 : vector<16xf32>
      %parallel_loop3A_2770 = arith.constant -65536 : i32
      %parallel_loop3A_2771 = vector.broadcast %parallel_loop3A_2770 : i32 to vector<16xi32>
      %parallel_loop3A_2772 = arith.andi %parallel_loop3A_2764, %parallel_loop3A_2771 : vector<16xi32>
      %parallel_loop3A_2773 = vector.bitcast %parallel_loop3A_2772 : vector<16xi32> to vector<16xf32>
      %parallel_loop3A_2774 = arith.addf %parallel_loop3A_2662, %parallel_loop3A_2773 : vector<16xf32>
      %parallel_loop3A_2775 = arith.constant 6 : i32
      %parallel_loop3A_2776 = vector.broadcast %parallel_loop3A_2775 : i32 to vector<16xi32>
      %parallel_loop3A_2777 = arith.addi %parallel_loop3A_173, %parallel_loop3A_2776 : vector<16xi32>
      %parallel_loop3A_2778 = tpu.vector_load_idx %arg5[%parallel_loop3A_2777] : memref<9000xi32, #tpu.memory_space<vmem>>[vector<16xi32>], vector<16xi32>,
      %parallel_loop3A_2779 = arith.constant 16 : i32
      %parallel_loop3A_2780 = vector.broadcast %parallel_loop3A_2779 : i32 to vector<16xi32>
      %parallel_loop3A_2781 = arith.shli %parallel_loop3A_2778, %parallel_loop3A_2780 : vector<16xi32>
      %parallel_loop3A_2782 = vector.bitcast %parallel_loop3A_2781 : vector<16xi32> to vector<16xf32>
      %parallel_loop3A_2783 = arith.addf %parallel_loop3A_2671, %parallel_loop3A_2782 : vector<16xf32>
      %parallel_loop3A_2784 = arith.constant -65536 : i32
      %parallel_loop3A_2785 = vector.broadcast %parallel_loop3A_2784 : i32 to vector<16xi32>
      %parallel_loop3A_2786 = arith.andi %parallel_loop3A_2778, %parallel_loop3A_2785 : vector<16xi32>
      %parallel_loop3A_2787 = vector.bitcast %parallel_loop3A_2786 : vector<16xi32> to vector<16xf32>
      %parallel_loop3A_2788 = arith.addf %parallel_loop3A_2676, %parallel_loop3A_2787 : vector<16xf32>
      %parallel_loop3A_2789 = arith.constant 7 : i32
      %parallel_loop3A_2790 = vector.broadcast %parallel_loop3A_2789 : i32 to vector<16xi32>
      %parallel_loop3A_2791 = arith.addi %parallel_loop3A_173, %parallel_loop3A_2790 : vector<16xi32>
      %parallel_loop3A_2792 = tpu.vector_load_idx %arg5[%parallel_loop3A_2791] : memref<9000xi32, #tpu.memory_space<vmem>>[vector<16xi32>], vector<16xi32>,
      %parallel_loop3A_2793 = arith.constant 16 : i32
      %parallel_loop3A_2794 = vector.broadcast %parallel_loop3A_2793 : i32 to vector<16xi32>
      %parallel_loop3A_2795 = arith.shli %parallel_loop3A_2792, %parallel_loop3A_2794 : vector<16xi32>
      %parallel_loop3A_2796 = vector.bitcast %parallel_loop3A_2795 : vector<16xi32> to vector<16xf32>
      %parallel_loop3A_2797 = arith.addf %parallel_loop3A_2685, %parallel_loop3A_2796 : vector<16xf32>
      %parallel_loop3A_2798 = arith.constant -65536 : i32
      %parallel_loop3A_2799 = vector.broadcast %parallel_loop3A_2798 : i32 to vector<16xi32>
      %parallel_loop3A_2800 = arith.andi %parallel_loop3A_2792, %parallel_loop3A_2799 : vector<16xi32>
      %parallel_loop3A_2801 = vector.bitcast %parallel_loop3A_2800 : vector<16xi32> to vector<16xf32>
      %parallel_loop3A_2802 = arith.addf %parallel_loop3A_2690, %parallel_loop3A_2801 : vector<16xf32>
      %parallel_loop3A_2803 = arith.constant 0 : i32
      %parallel_loop3A_2804 = vector.broadcast %parallel_loop3A_2803 : i32 to vector<16xi32>
      %parallel_loop3A_2805 = arith.addi %parallel_loop3A_180, %parallel_loop3A_2804 : vector<16xi32>
      %parallel_loop3A_2806 = tpu.vector_load_idx %arg5[%parallel_loop3A_2805] : memref<9000xi32, #tpu.memory_space<vmem>>[vector<16xi32>], vector<16xi32>,
      %parallel_loop3A_2807 = arith.constant 16 : i32
      %parallel_loop3A_2808 = vector.broadcast %parallel_loop3A_2807 : i32 to vector<16xi32>
      %parallel_loop3A_2809 = arith.shli %parallel_loop3A_2806, %parallel_loop3A_2808 : vector<16xi32>
      %parallel_loop3A_2810 = vector.bitcast %parallel_loop3A_2809 : vector<16xi32> to vector<16xf32>
      %parallel_loop3A_2811 = arith.addf %parallel_loop3A_2699, %parallel_loop3A_2810 : vector<16xf32>
      %parallel_loop3A_2812 = arith.constant -65536 : i32
      %parallel_loop3A_2813 = vector.broadcast %parallel_loop3A_2812 : i32 to vector<16xi32>
      %parallel_loop3A_2814 = arith.andi %parallel_loop3A_2806, %parallel_loop3A_2813 : vector<16xi32>
      %parallel_loop3A_2815 = vector.bitcast %parallel_loop3A_2814 : vector<16xi32> to vector<16xf32>
      %parallel_loop3A_2816 = arith.addf %parallel_loop3A_2704, %parallel_loop3A_2815 : vector<16xf32>
      %parallel_loop3A_2817 = arith.constant 1 : i32
      %parallel_loop3A_2818 = vector.broadcast %parallel_loop3A_2817 : i32 to vector<16xi32>
      %parallel_loop3A_2819 = arith.addi %parallel_loop3A_180, %parallel_loop3A_2818 : vector<16xi32>
      %parallel_loop3A_2820 = tpu.vector_load_idx %arg5[%parallel_loop3A_2819] : memref<9000xi32, #tpu.memory_space<vmem>>[vector<16xi32>], vector<16xi32>,
      %parallel_loop3A_2821 = arith.constant 16 : i32
      %parallel_loop3A_2822 = vector.broadcast %parallel_loop3A_2821 : i32 to vector<16xi32>
      %parallel_loop3A_2823 = arith.shli %parallel_loop3A_2820, %parallel_loop3A_2822 : vector<16xi32>
      %parallel_loop3A_2824 = vector.bitcast %parallel_loop3A_2823 : vector<16xi32> to vector<16xf32>
      %parallel_loop3A_2825 = arith.addf %parallel_loop3A_2713, %parallel_loop3A_2824 : vector<16xf32>
      %parallel_loop3A_2826 = arith.constant -65536 : i32
      %parallel_loop3A_2827 = vector.broadcast %parallel_loop3A_2826 : i32 to vector<16xi32>
      %parallel_loop3A_2828 = arith.andi %parallel_loop3A_2820, %parallel_loop3A_2827 : vector<16xi32>
      %parallel_loop3A_2829 = vector.bitcast %parallel_loop3A_2828 : vector<16xi32> to vector<16xf32>
      %parallel_loop3A_2830 = arith.addf %parallel_loop3A_2718, %parallel_loop3A_2829 : vector<16xf32>
      %parallel_loop3A_2831 = arith.constant 2 : i32
      %parallel_loop3A_2832 = vector.broadcast %parallel_loop3A_2831 : i32 to vector<16xi32>
      %parallel_loop3A_2833 = arith.addi %parallel_loop3A_180, %parallel_loop3A_2832 : vector<16xi32>
      %parallel_loop3A_2834 = tpu.vector_load_idx %arg5[%parallel_loop3A_2833] : memref<9000xi32, #tpu.memory_space<vmem>>[vector<16xi32>], vector<16xi32>,
      %parallel_loop3A_2835 = arith.constant 16 : i32
      %parallel_loop3A_2836 = vector.broadcast %parallel_loop3A_2835 : i32 to vector<16xi32>
      %parallel_loop3A_2837 = arith.shli %parallel_loop3A_2834, %parallel_loop3A_2836 : vector<16xi32>
      %parallel_loop3A_2838 = vector.bitcast %parallel_loop3A_2837 : vector<16xi32> to vector<16xf32>
      %parallel_loop3A_2839 = arith.addf %parallel_loop3A_2727, %parallel_loop3A_2838 : vector<16xf32>
      %parallel_loop3A_2840 = arith.constant -65536 : i32
      %parallel_loop3A_2841 = vector.broadcast %parallel_loop3A_2840 : i32 to vector<16xi32>
      %parallel_loop3A_2842 = arith.andi %parallel_loop3A_2834, %parallel_loop3A_2841 : vector<16xi32>
      %parallel_loop3A_2843 = vector.bitcast %parallel_loop3A_2842 : vector<16xi32> to vector<16xf32>
      %parallel_loop3A_2844 = arith.addf %parallel_loop3A_2732, %parallel_loop3A_2843 : vector<16xf32>
      %parallel_loop3A_2845 = arith.constant 3 : i32
      %parallel_loop3A_2846 = vector.broadcast %parallel_loop3A_2845 : i32 to vector<16xi32>
      %parallel_loop3A_2847 = arith.addi %parallel_loop3A_180, %parallel_loop3A_2846 : vector<16xi32>
      %parallel_loop3A_2848 = tpu.vector_load_idx %arg5[%parallel_loop3A_2847] : memref<9000xi32, #tpu.memory_space<vmem>>[vector<16xi32>], vector<16xi32>,
      %parallel_loop3A_2849 = arith.constant 16 : i32
      %parallel_loop3A_2850 = vector.broadcast %parallel_loop3A_2849 : i32 to vector<16xi32>
      %parallel_loop3A_2851 = arith.shli %parallel_loop3A_2848, %parallel_loop3A_2850 : vector<16xi32>
      %parallel_loop3A_2852 = vector.bitcast %parallel_loop3A_2851 : vector<16xi32> to vector<16xf32>
      %parallel_loop3A_2853 = arith.addf %parallel_loop3A_2741, %parallel_loop3A_2852 : vector<16xf32>
      %parallel_loop3A_2854 = arith.constant -65536 : i32
      %parallel_loop3A_2855 = vector.broadcast %parallel_loop3A_2854 : i32 to vector<16xi32>
      %parallel_loop3A_2856 = arith.andi %parallel_loop3A_2848, %parallel_loop3A_2855 : vector<16xi32>
      %parallel_loop3A_2857 = vector.bitcast %parallel_loop3A_2856 : vector<16xi32> to vector<16xf32>
      %parallel_loop3A_2858 = arith.addf %parallel_loop3A_2746, %parallel_loop3A_2857 : vector<16xf32>
      %parallel_loop3A_2859 = arith.constant 4 : i32
      %parallel_loop3A_2860 = vector.broadcast %parallel_loop3A_2859 : i32 to vector<16xi32>
      %parallel_loop3A_2861 = arith.addi %parallel_loop3A_180, %parallel_loop3A_2860 : vector<16xi32>
      %parallel_loop3A_2862 = tpu.vector_load_idx %arg5[%parallel_loop3A_2861] : memref<9000xi32, #tpu.memory_space<vmem>>[vector<16xi32>], vector<16xi32>,
      %parallel_loop3A_2863 = arith.constant 16 : i32
      %parallel_loop3A_2864 = vector.broadcast %parallel_loop3A_2863 : i32 to vector<16xi32>
      %parallel_loop3A_2865 = arith.shli %parallel_loop3A_2862, %parallel_loop3A_2864 : vector<16xi32>
      %parallel_loop3A_2866 = vector.bitcast %parallel_loop3A_2865 : vector<16xi32> to vector<16xf32>
      %parallel_loop3A_2867 = arith.addf %parallel_loop3A_2755, %parallel_loop3A_2866 : vector<16xf32>
      %parallel_loop3A_2868 = arith.constant -65536 : i32
      %parallel_loop3A_2869 = vector.broadcast %parallel_loop3A_2868 : i32 to vector<16xi32>
      %parallel_loop3A_2870 = arith.andi %parallel_loop3A_2862, %parallel_loop3A_2869 : vector<16xi32>
      %parallel_loop3A_2871 = vector.bitcast %parallel_loop3A_2870 : vector<16xi32> to vector<16xf32>
      %parallel_loop3A_2872 = arith.addf %parallel_loop3A_2760, %parallel_loop3A_2871 : vector<16xf32>
      %parallel_loop3A_2873 = arith.constant 5 : i32
      %parallel_loop3A_2874 = vector.broadcast %parallel_loop3A_2873 : i32 to vector<16xi32>
      %parallel_loop3A_2875 = arith.addi %parallel_loop3A_180, %parallel_loop3A_2874 : vector<16xi32>
      %parallel_loop3A_2876 = tpu.vector_load_idx %arg5[%parallel_loop3A_2875] : memref<9000xi32, #tpu.memory_space<vmem>>[vector<16xi32>], vector<16xi32>,
      %parallel_loop3A_2877 = arith.constant 16 : i32
      %parallel_loop3A_2878 = vector.broadcast %parallel_loop3A_2877 : i32 to vector<16xi32>
      %parallel_loop3A_2879 = arith.shli %parallel_loop3A_2876, %parallel_loop3A_2878 : vector<16xi32>
      %parallel_loop3A_2880 = vector.bitcast %parallel_loop3A_2879 : vector<16xi32> to vector<16xf32>
      %parallel_loop3A_2881 = arith.addf %parallel_loop3A_2769, %parallel_loop3A_2880 : vector<16xf32>
      %parallel_loop3A_2882 = arith.constant -65536 : i32
      %parallel_loop3A_2883 = vector.broadcast %parallel_loop3A_2882 : i32 to vector<16xi32>
      %parallel_loop3A_2884 = arith.andi %parallel_loop3A_2876, %parallel_loop3A_2883 : vector<16xi32>
      %parallel_loop3A_2885 = vector.bitcast %parallel_loop3A_2884 : vector<16xi32> to vector<16xf32>
      %parallel_loop3A_2886 = arith.addf %parallel_loop3A_2774, %parallel_loop3A_2885 : vector<16xf32>
      %parallel_loop3A_2887 = arith.constant 6 : i32
      %parallel_loop3A_2888 = vector.broadcast %parallel_loop3A_2887 : i32 to vector<16xi32>
      %parallel_loop3A_2889 = arith.addi %parallel_loop3A_180, %parallel_loop3A_2888 : vector<16xi32>
      %parallel_loop3A_2890 = tpu.vector_load_idx %arg5[%parallel_loop3A_2889] : memref<9000xi32, #tpu.memory_space<vmem>>[vector<16xi32>], vector<16xi32>,
      %parallel_loop3A_2891 = arith.constant 16 : i32
      %parallel_loop3A_2892 = vector.broadcast %parallel_loop3A_2891 : i32 to vector<16xi32>
      %parallel_loop3A_2893 = arith.shli %parallel_loop3A_2890, %parallel_loop3A_2892 : vector<16xi32>
      %parallel_loop3A_2894 = vector.bitcast %parallel_loop3A_2893 : vector<16xi32> to vector<16xf32>
      %parallel_loop3A_2895 = arith.addf %parallel_loop3A_2783, %parallel_loop3A_2894 : vector<16xf32>
      %parallel_loop3A_2896 = arith.constant -65536 : i32
      %parallel_loop3A_2897 = vector.broadcast %parallel_loop3A_2896 : i32 to vector<16xi32>
      %parallel_loop3A_2898 = arith.andi %parallel_loop3A_2890, %parallel_loop3A_2897 : vector<16xi32>
      %parallel_loop3A_2899 = vector.bitcast %parallel_loop3A_2898 : vector<16xi32> to vector<16xf32>
      %parallel_loop3A_2900 = arith.addf %parallel_loop3A_2788, %parallel_loop3A_2899 : vector<16xf32>
      %parallel_loop3A_2901 = arith.constant 7 : i32
      %parallel_loop3A_2902 = vector.broadcast %parallel_loop3A_2901 : i32 to vector<16xi32>
      %parallel_loop3A_2903 = arith.addi %parallel_loop3A_180, %parallel_loop3A_2902 : vector<16xi32>
      %parallel_loop3A_2904 = tpu.vector_load_idx %arg5[%parallel_loop3A_2903] : memref<9000xi32, #tpu.memory_space<vmem>>[vector<16xi32>], vector<16xi32>,
      %parallel_loop3A_2905 = arith.constant 16 : i32
      %parallel_loop3A_2906 = vector.broadcast %parallel_loop3A_2905 : i32 to vector<16xi32>
      %parallel_loop3A_2907 = arith.shli %parallel_loop3A_2904, %parallel_loop3A_2906 : vector<16xi32>
      %parallel_loop3A_2908 = vector.bitcast %parallel_loop3A_2907 : vector<16xi32> to vector<16xf32>
      %parallel_loop3A_2909 = arith.addf %parallel_loop3A_2797, %parallel_loop3A_2908 : vector<16xf32>
      %parallel_loop3A_2910 = arith.constant -65536 : i32
      %parallel_loop3A_2911 = vector.broadcast %parallel_loop3A_2910 : i32 to vector<16xi32>
      %parallel_loop3A_2912 = arith.andi %parallel_loop3A_2904, %parallel_loop3A_2911 : vector<16xi32>
      %parallel_loop3A_2913 = vector.bitcast %parallel_loop3A_2912 : vector<16xi32> to vector<16xf32>
      %parallel_loop3A_2914 = arith.addf %parallel_loop3A_2802, %parallel_loop3A_2913 : vector<16xf32>
      %parallel_loop3A_2915 = arith.constant 0 : i32
      %parallel_loop3A_2916 = vector.broadcast %parallel_loop3A_2915 : i32 to vector<16xi32>
      %parallel_loop3A_2917 = arith.addi %parallel_loop3A_187, %parallel_loop3A_2916 : vector<16xi32>
      %parallel_loop3A_2918 = tpu.vector_load_idx %arg5[%parallel_loop3A_2917] : memref<9000xi32, #tpu.memory_space<vmem>>[vector<16xi32>], vector<16xi32>,
      %parallel_loop3A_2919 = arith.constant 16 : i32
      %parallel_loop3A_2920 = vector.broadcast %parallel_loop3A_2919 : i32 to vector<16xi32>
      %parallel_loop3A_2921 = arith.shli %parallel_loop3A_2918, %parallel_loop3A_2920 : vector<16xi32>
      %parallel_loop3A_2922 = vector.bitcast %parallel_loop3A_2921 : vector<16xi32> to vector<16xf32>
      %parallel_loop3A_2923 = arith.addf %parallel_loop3A_2811, %parallel_loop3A_2922 : vector<16xf32>
      %parallel_loop3A_2924 = arith.constant -65536 : i32
      %parallel_loop3A_2925 = vector.broadcast %parallel_loop3A_2924 : i32 to vector<16xi32>
      %parallel_loop3A_2926 = arith.andi %parallel_loop3A_2918, %parallel_loop3A_2925 : vector<16xi32>
      %parallel_loop3A_2927 = vector.bitcast %parallel_loop3A_2926 : vector<16xi32> to vector<16xf32>
      %parallel_loop3A_2928 = arith.addf %parallel_loop3A_2816, %parallel_loop3A_2927 : vector<16xf32>
      %parallel_loop3A_2929 = arith.constant 1 : i32
      %parallel_loop3A_2930 = vector.broadcast %parallel_loop3A_2929 : i32 to vector<16xi32>
      %parallel_loop3A_2931 = arith.addi %parallel_loop3A_187, %parallel_loop3A_2930 : vector<16xi32>
      %parallel_loop3A_2932 = tpu.vector_load_idx %arg5[%parallel_loop3A_2931] : memref<9000xi32, #tpu.memory_space<vmem>>[vector<16xi32>], vector<16xi32>,
      %parallel_loop3A_2933 = arith.constant 16 : i32
      %parallel_loop3A_2934 = vector.broadcast %parallel_loop3A_2933 : i32 to vector<16xi32>
      %parallel_loop3A_2935 = arith.shli %parallel_loop3A_2932, %parallel_loop3A_2934 : vector<16xi32>
      %parallel_loop3A_2936 = vector.bitcast %parallel_loop3A_2935 : vector<16xi32> to vector<16xf32>
      %parallel_loop3A_2937 = arith.addf %parallel_loop3A_2825, %parallel_loop3A_2936 : vector<16xf32>
      %parallel_loop3A_2938 = arith.constant -65536 : i32
      %parallel_loop3A_2939 = vector.broadcast %parallel_loop3A_2938 : i32 to vector<16xi32>
      %parallel_loop3A_2940 = arith.andi %parallel_loop3A_2932, %parallel_loop3A_2939 : vector<16xi32>
      %parallel_loop3A_2941 = vector.bitcast %parallel_loop3A_2940 : vector<16xi32> to vector<16xf32>
      %parallel_loop3A_2942 = arith.addf %parallel_loop3A_2830, %parallel_loop3A_2941 : vector<16xf32>
      %parallel_loop3A_2943 = arith.constant 2 : i32
      %parallel_loop3A_2944 = vector.broadcast %parallel_loop3A_2943 : i32 to vector<16xi32>
      %parallel_loop3A_2945 = arith.addi %parallel_loop3A_187, %parallel_loop3A_2944 : vector<16xi32>
      %parallel_loop3A_2946 = tpu.vector_load_idx %arg5[%parallel_loop3A_2945] : memref<9000xi32, #tpu.memory_space<vmem>>[vector<16xi32>], vector<16xi32>,
      %parallel_loop3A_2947 = arith.constant 16 : i32
      %parallel_loop3A_2948 = vector.broadcast %parallel_loop3A_2947 : i32 to vector<16xi32>
      %parallel_loop3A_2949 = arith.shli %parallel_loop3A_2946, %parallel_loop3A_2948 : vector<16xi32>
      %parallel_loop3A_2950 = vector.bitcast %parallel_loop3A_2949 : vector<16xi32> to vector<16xf32>
      %parallel_loop3A_2951 = arith.addf %parallel_loop3A_2839, %parallel_loop3A_2950 : vector<16xf32>
      %parallel_loop3A_2952 = arith.constant -65536 : i32
      %parallel_loop3A_2953 = vector.broadcast %parallel_loop3A_2952 : i32 to vector<16xi32>
      %parallel_loop3A_2954 = arith.andi %parallel_loop3A_2946, %parallel_loop3A_2953 : vector<16xi32>
      %parallel_loop3A_2955 = vector.bitcast %parallel_loop3A_2954 : vector<16xi32> to vector<16xf32>
      %parallel_loop3A_2956 = arith.addf %parallel_loop3A_2844, %parallel_loop3A_2955 : vector<16xf32>
      %parallel_loop3A_2957 = arith.constant 3 : i32
      %parallel_loop3A_2958 = vector.broadcast %parallel_loop3A_2957 : i32 to vector<16xi32>
      %parallel_loop3A_2959 = arith.addi %parallel_loop3A_187, %parallel_loop3A_2958 : vector<16xi32>
      %parallel_loop3A_2960 = tpu.vector_load_idx %arg5[%parallel_loop3A_2959] : memref<9000xi32, #tpu.memory_space<vmem>>[vector<16xi32>], vector<16xi32>,
      %parallel_loop3A_2961 = arith.constant 16 : i32
      %parallel_loop3A_2962 = vector.broadcast %parallel_loop3A_2961 : i32 to vector<16xi32>
      %parallel_loop3A_2963 = arith.shli %parallel_loop3A_2960, %parallel_loop3A_2962 : vector<16xi32>
      %parallel_loop3A_2964 = vector.bitcast %parallel_loop3A_2963 : vector<16xi32> to vector<16xf32>
      %parallel_loop3A_2965 = arith.addf %parallel_loop3A_2853, %parallel_loop3A_2964 : vector<16xf32>
      %parallel_loop3A_2966 = arith.constant -65536 : i32
      %parallel_loop3A_2967 = vector.broadcast %parallel_loop3A_2966 : i32 to vector<16xi32>
      %parallel_loop3A_2968 = arith.andi %parallel_loop3A_2960, %parallel_loop3A_2967 : vector<16xi32>
      %parallel_loop3A_2969 = vector.bitcast %parallel_loop3A_2968 : vector<16xi32> to vector<16xf32>
      %parallel_loop3A_2970 = arith.addf %parallel_loop3A_2858, %parallel_loop3A_2969 : vector<16xf32>
      %parallel_loop3A_2971 = arith.constant 4 : i32
      %parallel_loop3A_2972 = vector.broadcast %parallel_loop3A_2971 : i32 to vector<16xi32>
      %parallel_loop3A_2973 = arith.addi %parallel_loop3A_187, %parallel_loop3A_2972 : vector<16xi32>
      %parallel_loop3A_2974 = tpu.vector_load_idx %arg5[%parallel_loop3A_2973] : memref<9000xi32, #tpu.memory_space<vmem>>[vector<16xi32>], vector<16xi32>,
      %parallel_loop3A_2975 = arith.constant 16 : i32
      %parallel_loop3A_2976 = vector.broadcast %parallel_loop3A_2975 : i32 to vector<16xi32>
      %parallel_loop3A_2977 = arith.shli %parallel_loop3A_2974, %parallel_loop3A_2976 : vector<16xi32>
      %parallel_loop3A_2978 = vector.bitcast %parallel_loop3A_2977 : vector<16xi32> to vector<16xf32>
      %parallel_loop3A_2979 = arith.addf %parallel_loop3A_2867, %parallel_loop3A_2978 : vector<16xf32>
      %parallel_loop3A_2980 = arith.constant -65536 : i32
      %parallel_loop3A_2981 = vector.broadcast %parallel_loop3A_2980 : i32 to vector<16xi32>
      %parallel_loop3A_2982 = arith.andi %parallel_loop3A_2974, %parallel_loop3A_2981 : vector<16xi32>
      %parallel_loop3A_2983 = vector.bitcast %parallel_loop3A_2982 : vector<16xi32> to vector<16xf32>
      %parallel_loop3A_2984 = arith.addf %parallel_loop3A_2872, %parallel_loop3A_2983 : vector<16xf32>
      %parallel_loop3A_2985 = arith.constant 5 : i32
      %parallel_loop3A_2986 = vector.broadcast %parallel_loop3A_2985 : i32 to vector<16xi32>
      %parallel_loop3A_2987 = arith.addi %parallel_loop3A_187, %parallel_loop3A_2986 : vector<16xi32>
      %parallel_loop3A_2988 = tpu.vector_load_idx %arg5[%parallel_loop3A_2987] : memref<9000xi32, #tpu.memory_space<vmem>>[vector<16xi32>], vector<16xi32>,
      %parallel_loop3A_2989 = arith.constant 16 : i32
      %parallel_loop3A_2990 = vector.broadcast %parallel_loop3A_2989 : i32 to vector<16xi32>
      %parallel_loop3A_2991 = arith.shli %parallel_loop3A_2988, %parallel_loop3A_2990 : vector<16xi32>
      %parallel_loop3A_2992 = vector.bitcast %parallel_loop3A_2991 : vector<16xi32> to vector<16xf32>
      %parallel_loop3A_2993 = arith.addf %parallel_loop3A_2881, %parallel_loop3A_2992 : vector<16xf32>
      %parallel_loop3A_2994 = arith.constant -65536 : i32
      %parallel_loop3A_2995 = vector.broadcast %parallel_loop3A_2994 : i32 to vector<16xi32>
      %parallel_loop3A_2996 = arith.andi %parallel_loop3A_2988, %parallel_loop3A_2995 : vector<16xi32>
      %parallel_loop3A_2997 = vector.bitcast %parallel_loop3A_2996 : vector<16xi32> to vector<16xf32>
      %parallel_loop3A_2998 = arith.addf %parallel_loop3A_2886, %parallel_loop3A_2997 : vector<16xf32>
      %parallel_loop3A_2999 = arith.constant 6 : i32
      %parallel_loop3A_3000 = vector.broadcast %parallel_loop3A_2999 : i32 to vector<16xi32>
      %parallel_loop3A_3001 = arith.addi %parallel_loop3A_187, %parallel_loop3A_3000 : vector<16xi32>
      %parallel_loop3A_3002 = tpu.vector_load_idx %arg5[%parallel_loop3A_3001] : memref<9000xi32, #tpu.memory_space<vmem>>[vector<16xi32>], vector<16xi32>,
      %parallel_loop3A_3003 = arith.constant 16 : i32
      %parallel_loop3A_3004 = vector.broadcast %parallel_loop3A_3003 : i32 to vector<16xi32>
      %parallel_loop3A_3005 = arith.shli %parallel_loop3A_3002, %parallel_loop3A_3004 : vector<16xi32>
      %parallel_loop3A_3006 = vector.bitcast %parallel_loop3A_3005 : vector<16xi32> to vector<16xf32>
      %parallel_loop3A_3007 = arith.addf %parallel_loop3A_2895, %parallel_loop3A_3006 : vector<16xf32>
      %parallel_loop3A_3008 = arith.constant -65536 : i32
      %parallel_loop3A_3009 = vector.broadcast %parallel_loop3A_3008 : i32 to vector<16xi32>
      %parallel_loop3A_3010 = arith.andi %parallel_loop3A_3002, %parallel_loop3A_3009 : vector<16xi32>
      %parallel_loop3A_3011 = vector.bitcast %parallel_loop3A_3010 : vector<16xi32> to vector<16xf32>
      %parallel_loop3A_3012 = arith.addf %parallel_loop3A_2900, %parallel_loop3A_3011 : vector<16xf32>
      %parallel_loop3A_3013 = arith.constant 7 : i32
      %parallel_loop3A_3014 = vector.broadcast %parallel_loop3A_3013 : i32 to vector<16xi32>
      %parallel_loop3A_3015 = arith.addi %parallel_loop3A_187, %parallel_loop3A_3014 : vector<16xi32>
      %parallel_loop3A_3016 = tpu.vector_load_idx %arg5[%parallel_loop3A_3015] : memref<9000xi32, #tpu.memory_space<vmem>>[vector<16xi32>], vector<16xi32>,
      %parallel_loop3A_3017 = arith.constant 16 : i32
      %parallel_loop3A_3018 = vector.broadcast %parallel_loop3A_3017 : i32 to vector<16xi32>
      %parallel_loop3A_3019 = arith.shli %parallel_loop3A_3016, %parallel_loop3A_3018 : vector<16xi32>
      %parallel_loop3A_3020 = vector.bitcast %parallel_loop3A_3019 : vector<16xi32> to vector<16xf32>
      %parallel_loop3A_3021 = arith.addf %parallel_loop3A_2909, %parallel_loop3A_3020 : vector<16xf32>
      %parallel_loop3A_3022 = arith.constant -65536 : i32
      %parallel_loop3A_3023 = vector.broadcast %parallel_loop3A_3022 : i32 to vector<16xi32>
      %parallel_loop3A_3024 = arith.andi %parallel_loop3A_3016, %parallel_loop3A_3023 : vector<16xi32>
      %parallel_loop3A_3025 = vector.bitcast %parallel_loop3A_3024 : vector<16xi32> to vector<16xf32>
      %parallel_loop3A_3026 = arith.addf %parallel_loop3A_2914, %parallel_loop3A_3025 : vector<16xf32>
      %parallel_loop3A_3027 = arith.constant 0 : i32
      %parallel_loop3A_3028 = vector.broadcast %parallel_loop3A_3027 : i32 to vector<16xi32>
      %parallel_loop3A_3029 = arith.addi %parallel_loop3A_194, %parallel_loop3A_3028 : vector<16xi32>
      %parallel_loop3A_3030 = tpu.vector_load_idx %arg5[%parallel_loop3A_3029] : memref<9000xi32, #tpu.memory_space<vmem>>[vector<16xi32>], vector<16xi32>,
      %parallel_loop3A_3031 = arith.constant 16 : i32
      %parallel_loop3A_3032 = vector.broadcast %parallel_loop3A_3031 : i32 to vector<16xi32>
      %parallel_loop3A_3033 = arith.shli %parallel_loop3A_3030, %parallel_loop3A_3032 : vector<16xi32>
      %parallel_loop3A_3034 = vector.bitcast %parallel_loop3A_3033 : vector<16xi32> to vector<16xf32>
      %parallel_loop3A_3035 = arith.addf %parallel_loop3A_2923, %parallel_loop3A_3034 : vector<16xf32>
      %parallel_loop3A_3036 = arith.constant -65536 : i32
      %parallel_loop3A_3037 = vector.broadcast %parallel_loop3A_3036 : i32 to vector<16xi32>
      %parallel_loop3A_3038 = arith.andi %parallel_loop3A_3030, %parallel_loop3A_3037 : vector<16xi32>
      %parallel_loop3A_3039 = vector.bitcast %parallel_loop3A_3038 : vector<16xi32> to vector<16xf32>
      %parallel_loop3A_3040 = arith.addf %parallel_loop3A_2928, %parallel_loop3A_3039 : vector<16xf32>
      %parallel_loop3A_3041 = arith.constant 1 : i32
      %parallel_loop3A_3042 = vector.broadcast %parallel_loop3A_3041 : i32 to vector<16xi32>
      %parallel_loop3A_3043 = arith.addi %parallel_loop3A_194, %parallel_loop3A_3042 : vector<16xi32>
      %parallel_loop3A_3044 = tpu.vector_load_idx %arg5[%parallel_loop3A_3043] : memref<9000xi32, #tpu.memory_space<vmem>>[vector<16xi32>], vector<16xi32>,
      %parallel_loop3A_3045 = arith.constant 16 : i32
      %parallel_loop3A_3046 = vector.broadcast %parallel_loop3A_3045 : i32 to vector<16xi32>
      %parallel_loop3A_3047 = arith.shli %parallel_loop3A_3044, %parallel_loop3A_3046 : vector<16xi32>
      %parallel_loop3A_3048 = vector.bitcast %parallel_loop3A_3047 : vector<16xi32> to vector<16xf32>
      %parallel_loop3A_3049 = arith.addf %parallel_loop3A_2937, %parallel_loop3A_3048 : vector<16xf32>
      %parallel_loop3A_3050 = arith.constant -65536 : i32
      %parallel_loop3A_3051 = vector.broadcast %parallel_loop3A_3050 : i32 to vector<16xi32>
      %parallel_loop3A_3052 = arith.andi %parallel_loop3A_3044, %parallel_loop3A_3051 : vector<16xi32>
      %parallel_loop3A_3053 = vector.bitcast %parallel_loop3A_3052 : vector<16xi32> to vector<16xf32>
      %parallel_loop3A_3054 = arith.addf %parallel_loop3A_2942, %parallel_loop3A_3053 : vector<16xf32>
      %parallel_loop3A_3055 = arith.constant 2 : i32
      %parallel_loop3A_3056 = vector.broadcast %parallel_loop3A_3055 : i32 to vector<16xi32>
      %parallel_loop3A_3057 = arith.addi %parallel_loop3A_194, %parallel_loop3A_3056 : vector<16xi32>
      %parallel_loop3A_3058 = tpu.vector_load_idx %arg5[%parallel_loop3A_3057] : memref<9000xi32, #tpu.memory_space<vmem>>[vector<16xi32>], vector<16xi32>,
      %parallel_loop3A_3059 = arith.constant 16 : i32
      %parallel_loop3A_3060 = vector.broadcast %parallel_loop3A_3059 : i32 to vector<16xi32>
      %parallel_loop3A_3061 = arith.shli %parallel_loop3A_3058, %parallel_loop3A_3060 : vector<16xi32>
      %parallel_loop3A_3062 = vector.bitcast %parallel_loop3A_3061 : vector<16xi32> to vector<16xf32>
      %parallel_loop3A_3063 = arith.addf %parallel_loop3A_2951, %parallel_loop3A_3062 : vector<16xf32>
      %parallel_loop3A_3064 = arith.constant -65536 : i32
      %parallel_loop3A_3065 = vector.broadcast %parallel_loop3A_3064 : i32 to vector<16xi32>
      %parallel_loop3A_3066 = arith.andi %parallel_loop3A_3058, %parallel_loop3A_3065 : vector<16xi32>
      %parallel_loop3A_3067 = vector.bitcast %parallel_loop3A_3066 : vector<16xi32> to vector<16xf32>
      %parallel_loop3A_3068 = arith.addf %parallel_loop3A_2956, %parallel_loop3A_3067 : vector<16xf32>
      %parallel_loop3A_3069 = arith.constant 3 : i32
      %parallel_loop3A_3070 = vector.broadcast %parallel_loop3A_3069 : i32 to vector<16xi32>
      %parallel_loop3A_3071 = arith.addi %parallel_loop3A_194, %parallel_loop3A_3070 : vector<16xi32>
      %parallel_loop3A_3072 = tpu.vector_load_idx %arg5[%parallel_loop3A_3071] : memref<9000xi32, #tpu.memory_space<vmem>>[vector<16xi32>], vector<16xi32>,
      %parallel_loop3A_3073 = arith.constant 16 : i32
      %parallel_loop3A_3074 = vector.broadcast %parallel_loop3A_3073 : i32 to vector<16xi32>
      %parallel_loop3A_3075 = arith.shli %parallel_loop3A_3072, %parallel_loop3A_3074 : vector<16xi32>
      %parallel_loop3A_3076 = vector.bitcast %parallel_loop3A_3075 : vector<16xi32> to vector<16xf32>
      %parallel_loop3A_3077 = arith.addf %parallel_loop3A_2965, %parallel_loop3A_3076 : vector<16xf32>
      %parallel_loop3A_3078 = arith.constant -65536 : i32
      %parallel_loop3A_3079 = vector.broadcast %parallel_loop3A_3078 : i32 to vector<16xi32>
      %parallel_loop3A_3080 = arith.andi %parallel_loop3A_3072, %parallel_loop3A_3079 : vector<16xi32>
      %parallel_loop3A_3081 = vector.bitcast %parallel_loop3A_3080 : vector<16xi32> to vector<16xf32>
      %parallel_loop3A_3082 = arith.addf %parallel_loop3A_2970, %parallel_loop3A_3081 : vector<16xf32>
      %parallel_loop3A_3083 = arith.constant 4 : i32
      %parallel_loop3A_3084 = vector.broadcast %parallel_loop3A_3083 : i32 to vector<16xi32>
      %parallel_loop3A_3085 = arith.addi %parallel_loop3A_194, %parallel_loop3A_3084 : vector<16xi32>
      %parallel_loop3A_3086 = tpu.vector_load_idx %arg5[%parallel_loop3A_3085] : memref<9000xi32, #tpu.memory_space<vmem>>[vector<16xi32>], vector<16xi32>,
      %parallel_loop3A_3087 = arith.constant 16 : i32
      %parallel_loop3A_3088 = vector.broadcast %parallel_loop3A_3087 : i32 to vector<16xi32>
      %parallel_loop3A_3089 = arith.shli %parallel_loop3A_3086, %parallel_loop3A_3088 : vector<16xi32>
      %parallel_loop3A_3090 = vector.bitcast %parallel_loop3A_3089 : vector<16xi32> to vector<16xf32>
      %parallel_loop3A_3091 = arith.addf %parallel_loop3A_2979, %parallel_loop3A_3090 : vector<16xf32>
      %parallel_loop3A_3092 = arith.constant -65536 : i32
      %parallel_loop3A_3093 = vector.broadcast %parallel_loop3A_3092 : i32 to vector<16xi32>
      %parallel_loop3A_3094 = arith.andi %parallel_loop3A_3086, %parallel_loop3A_3093 : vector<16xi32>
      %parallel_loop3A_3095 = vector.bitcast %parallel_loop3A_3094 : vector<16xi32> to vector<16xf32>
      %parallel_loop3A_3096 = arith.addf %parallel_loop3A_2984, %parallel_loop3A_3095 : vector<16xf32>
      %parallel_loop3A_3097 = arith.constant 5 : i32
      %parallel_loop3A_3098 = vector.broadcast %parallel_loop3A_3097 : i32 to vector<16xi32>
      %parallel_loop3A_3099 = arith.addi %parallel_loop3A_194, %parallel_loop3A_3098 : vector<16xi32>
      %parallel_loop3A_3100 = tpu.vector_load_idx %arg5[%parallel_loop3A_3099] : memref<9000xi32, #tpu.memory_space<vmem>>[vector<16xi32>], vector<16xi32>,
      %parallel_loop3A_3101 = arith.constant 16 : i32
      %parallel_loop3A_3102 = vector.broadcast %parallel_loop3A_3101 : i32 to vector<16xi32>
      %parallel_loop3A_3103 = arith.shli %parallel_loop3A_3100, %parallel_loop3A_3102 : vector<16xi32>
      %parallel_loop3A_3104 = vector.bitcast %parallel_loop3A_3103 : vector<16xi32> to vector<16xf32>
      %parallel_loop3A_3105 = arith.addf %parallel_loop3A_2993, %parallel_loop3A_3104 : vector<16xf32>
      %parallel_loop3A_3106 = arith.constant -65536 : i32
      %parallel_loop3A_3107 = vector.broadcast %parallel_loop3A_3106 : i32 to vector<16xi32>
      %parallel_loop3A_3108 = arith.andi %parallel_loop3A_3100, %parallel_loop3A_3107 : vector<16xi32>
      %parallel_loop3A_3109 = vector.bitcast %parallel_loop3A_3108 : vector<16xi32> to vector<16xf32>
      %parallel_loop3A_3110 = arith.addf %parallel_loop3A_2998, %parallel_loop3A_3109 : vector<16xf32>
      %parallel_loop3A_3111 = arith.constant 6 : i32
      %parallel_loop3A_3112 = vector.broadcast %parallel_loop3A_3111 : i32 to vector<16xi32>
      %parallel_loop3A_3113 = arith.addi %parallel_loop3A_194, %parallel_loop3A_3112 : vector<16xi32>
      %parallel_loop3A_3114 = tpu.vector_load_idx %arg5[%parallel_loop3A_3113] : memref<9000xi32, #tpu.memory_space<vmem>>[vector<16xi32>], vector<16xi32>,
      %parallel_loop3A_3115 = arith.constant 16 : i32
      %parallel_loop3A_3116 = vector.broadcast %parallel_loop3A_3115 : i32 to vector<16xi32>
      %parallel_loop3A_3117 = arith.shli %parallel_loop3A_3114, %parallel_loop3A_3116 : vector<16xi32>
      %parallel_loop3A_3118 = vector.bitcast %parallel_loop3A_3117 : vector<16xi32> to vector<16xf32>
      %parallel_loop3A_3119 = arith.addf %parallel_loop3A_3007, %parallel_loop3A_3118 : vector<16xf32>
      %parallel_loop3A_3120 = arith.constant -65536 : i32
      %parallel_loop3A_3121 = vector.broadcast %parallel_loop3A_3120 : i32 to vector<16xi32>
      %parallel_loop3A_3122 = arith.andi %parallel_loop3A_3114, %parallel_loop3A_3121 : vector<16xi32>
      %parallel_loop3A_3123 = vector.bitcast %parallel_loop3A_3122 : vector<16xi32> to vector<16xf32>
      %parallel_loop3A_3124 = arith.addf %parallel_loop3A_3012, %parallel_loop3A_3123 : vector<16xf32>
      %parallel_loop3A_3125 = arith.constant 7 : i32
      %parallel_loop3A_3126 = vector.broadcast %parallel_loop3A_3125 : i32 to vector<16xi32>
      %parallel_loop3A_3127 = arith.addi %parallel_loop3A_194, %parallel_loop3A_3126 : vector<16xi32>
      %parallel_loop3A_3128 = tpu.vector_load_idx %arg5[%parallel_loop3A_3127] : memref<9000xi32, #tpu.memory_space<vmem>>[vector<16xi32>], vector<16xi32>,
      %parallel_loop3A_3129 = arith.constant 16 : i32
      %parallel_loop3A_3130 = vector.broadcast %parallel_loop3A_3129 : i32 to vector<16xi32>
      %parallel_loop3A_3131 = arith.shli %parallel_loop3A_3128, %parallel_loop3A_3130 : vector<16xi32>
      %parallel_loop3A_3132 = vector.bitcast %parallel_loop3A_3131 : vector<16xi32> to vector<16xf32>
      %parallel_loop3A_3133 = arith.addf %parallel_loop3A_3021, %parallel_loop3A_3132 : vector<16xf32>
      %parallel_loop3A_3134 = arith.constant -65536 : i32
      %parallel_loop3A_3135 = vector.broadcast %parallel_loop3A_3134 : i32 to vector<16xi32>
      %parallel_loop3A_3136 = arith.andi %parallel_loop3A_3128, %parallel_loop3A_3135 : vector<16xi32>
      %parallel_loop3A_3137 = vector.bitcast %parallel_loop3A_3136 : vector<16xi32> to vector<16xf32>
      %parallel_loop3A_3138 = arith.addf %parallel_loop3A_3026, %parallel_loop3A_3137 : vector<16xf32>
      %parallel_loop3A_3139 = arith.constant 0 : i32
      %parallel_loop3A_3140 = arith.index_cast %parallel_loop3A_3139 : i32 to index
      %parallel_loop3A_3141 = arith.index_cast %parallel_loop3A_7 : i32 to index
      %parallel_loop3A_3142 = tpu.vector_load %arg7[%parallel_loop3A_3140, %parallel_loop3A_3141] {strides = array<i32>} : memref<16x128xf32, #tpu.memory_space<vmem>>, vector<16xf32>,
      tpu.vector_store %arg7[%parallel_loop3A_3140, %parallel_loop3A_3141], %parallel_loop3A_3035 {strides = array<i32>} : memref<16x128xf32, #tpu.memory_space<vmem>>, vector<16xf32>,
      %parallel_loop3A_3143 = arith.constant 1 : i32
      %parallel_loop3A_3144 = arith.index_cast %parallel_loop3A_3143 : i32 to index
      %parallel_loop3A_3145 = arith.index_cast %parallel_loop3A_7 : i32 to index
      %parallel_loop3A_3146 = tpu.vector_load %arg7[%parallel_loop3A_3144, %parallel_loop3A_3145] {strides = array<i32>} : memref<16x128xf32, #tpu.memory_space<vmem>>, vector<16xf32>,
      tpu.vector_store %arg7[%parallel_loop3A_3144, %parallel_loop3A_3145], %parallel_loop3A_3040 {strides = array<i32>} : memref<16x128xf32, #tpu.memory_space<vmem>>, vector<16xf32>,
      %parallel_loop3A_3147 = arith.constant 2 : i32
      %parallel_loop3A_3148 = arith.index_cast %parallel_loop3A_3147 : i32 to index
      %parallel_loop3A_3149 = arith.index_cast %parallel_loop3A_7 : i32 to index
      %parallel_loop3A_3150 = tpu.vector_load %arg7[%parallel_loop3A_3148, %parallel_loop3A_3149] {strides = array<i32>} : memref<16x128xf32, #tpu.memory_space<vmem>>, vector<16xf32>,
      tpu.vector_store %arg7[%parallel_loop3A_3148, %parallel_loop3A_3149], %parallel_loop3A_3049 {strides = array<i32>} : memref<16x128xf32, #tpu.memory_space<vmem>>, vector<16xf32>,
      %parallel_loop3A_3151 = arith.constant 3 : i32
      %parallel_loop3A_3152 = arith.index_cast %parallel_loop3A_3151 : i32 to index
      %parallel_loop3A_3153 = arith.index_cast %parallel_loop3A_7 : i32 to index
      %parallel_loop3A_3154 = tpu.vector_load %arg7[%parallel_loop3A_3152, %parallel_loop3A_3153] {strides = array<i32>} : memref<16x128xf32, #tpu.memory_space<vmem>>, vector<16xf32>,
      tpu.vector_store %arg7[%parallel_loop3A_3152, %parallel_loop3A_3153], %parallel_loop3A_3054 {strides = array<i32>} : memref<16x128xf32, #tpu.memory_space<vmem>>, vector<16xf32>,
      %parallel_loop3A_3155 = arith.constant 4 : i32
      %parallel_loop3A_3156 = arith.index_cast %parallel_loop3A_3155 : i32 to index
      %parallel_loop3A_3157 = arith.index_cast %parallel_loop3A_7 : i32 to index
      %parallel_loop3A_3158 = tpu.vector_load %arg7[%parallel_loop3A_3156, %parallel_loop3A_3157] {strides = array<i32>} : memref<16x128xf32, #tpu.memory_space<vmem>>, vector<16xf32>,
      tpu.vector_store %arg7[%parallel_loop3A_3156, %parallel_loop3A_3157], %parallel_loop3A_3063 {strides = array<i32>} : memref<16x128xf32, #tpu.memory_space<vmem>>, vector<16xf32>,
      %parallel_loop3A_3159 = arith.constant 5 : i32
      %parallel_loop3A_3160 = arith.index_cast %parallel_loop3A_3159 : i32 to index
      %parallel_loop3A_3161 = arith.index_cast %parallel_loop3A_7 : i32 to index
      %parallel_loop3A_3162 = tpu.vector_load %arg7[%parallel_loop3A_3160, %parallel_loop3A_3161] {strides = array<i32>} : memref<16x128xf32, #tpu.memory_space<vmem>>, vector<16xf32>,
      tpu.vector_store %arg7[%parallel_loop3A_3160, %parallel_loop3A_3161], %parallel_loop3A_3068 {strides = array<i32>} : memref<16x128xf32, #tpu.memory_space<vmem>>, vector<16xf32>,
      %parallel_loop3A_3163 = arith.constant 6 : i32
      %parallel_loop3A_3164 = arith.index_cast %parallel_loop3A_3163 : i32 to index
      %parallel_loop3A_3165 = arith.index_cast %parallel_loop3A_7 : i32 to index
      %parallel_loop3A_3166 = tpu.vector_load %arg7[%parallel_loop3A_3164, %parallel_loop3A_3165] {strides = array<i32>} : memref<16x128xf32, #tpu.memory_space<vmem>>, vector<16xf32>,
      tpu.vector_store %arg7[%parallel_loop3A_3164, %parallel_loop3A_3165], %parallel_loop3A_3077 {strides = array<i32>} : memref<16x128xf32, #tpu.memory_space<vmem>>, vector<16xf32>,
      %parallel_loop3A_3167 = arith.constant 7 : i32
      %parallel_loop3A_3168 = arith.index_cast %parallel_loop3A_3167 : i32 to index
      %parallel_loop3A_3169 = arith.index_cast %parallel_loop3A_7 : i32 to index
      %parallel_loop3A_3170 = tpu.vector_load %arg7[%parallel_loop3A_3168, %parallel_loop3A_3169] {strides = array<i32>} : memref<16x128xf32, #tpu.memory_space<vmem>>, vector<16xf32>,
      tpu.vector_store %arg7[%parallel_loop3A_3168, %parallel_loop3A_3169], %parallel_loop3A_3082 {strides = array<i32>} : memref<16x128xf32, #tpu.memory_space<vmem>>, vector<16xf32>,
      %parallel_loop3A_3171 = arith.constant 8 : i32
      %parallel_loop3A_3172 = arith.index_cast %parallel_loop3A_3171 : i32 to index
      %parallel_loop3A_3173 = arith.index_cast %parallel_loop3A_7 : i32 to index
      %parallel_loop3A_3174 = tpu.vector_load %arg7[%parallel_loop3A_3172, %parallel_loop3A_3173] {strides = array<i32>} : memref<16x128xf32, #tpu.memory_space<vmem>>, vector<16xf32>,
      tpu.vector_store %arg7[%parallel_loop3A_3172, %parallel_loop3A_3173], %parallel_loop3A_3091 {strides = array<i32>} : memref<16x128xf32, #tpu.memory_space<vmem>>, vector<16xf32>,
      %parallel_loop3A_3175 = arith.constant 9 : i32
      %parallel_loop3A_3176 = arith.index_cast %parallel_loop3A_3175 : i32 to index
      %parallel_loop3A_3177 = arith.index_cast %parallel_loop3A_7 : i32 to index
      %parallel_loop3A_3178 = tpu.vector_load %arg7[%parallel_loop3A_3176, %parallel_loop3A_3177] {strides = array<i32>} : memref<16x128xf32, #tpu.memory_space<vmem>>, vector<16xf32>,
      tpu.vector_store %arg7[%parallel_loop3A_3176, %parallel_loop3A_3177], %parallel_loop3A_3096 {strides = array<i32>} : memref<16x128xf32, #tpu.memory_space<vmem>>, vector<16xf32>,
      %parallel_loop3A_3179 = arith.constant 10 : i32
      %parallel_loop3A_3180 = arith.index_cast %parallel_loop3A_3179 : i32 to index
      %parallel_loop3A_3181 = arith.index_cast %parallel_loop3A_7 : i32 to index
      %parallel_loop3A_3182 = tpu.vector_load %arg7[%parallel_loop3A_3180, %parallel_loop3A_3181] {strides = array<i32>} : memref<16x128xf32, #tpu.memory_space<vmem>>, vector<16xf32>,
      tpu.vector_store %arg7[%parallel_loop3A_3180, %parallel_loop3A_3181], %parallel_loop3A_3105 {strides = array<i32>} : memref<16x128xf32, #tpu.memory_space<vmem>>, vector<16xf32>,
      %parallel_loop3A_3183 = arith.constant 11 : i32
      %parallel_loop3A_3184 = arith.index_cast %parallel_loop3A_3183 : i32 to index
      %parallel_loop3A_3185 = arith.index_cast %parallel_loop3A_7 : i32 to index
      %parallel_loop3A_3186 = tpu.vector_load %arg7[%parallel_loop3A_3184, %parallel_loop3A_3185] {strides = array<i32>} : memref<16x128xf32, #tpu.memory_space<vmem>>, vector<16xf32>,
      tpu.vector_store %arg7[%parallel_loop3A_3184, %parallel_loop3A_3185], %parallel_loop3A_3110 {strides = array<i32>} : memref<16x128xf32, #tpu.memory_space<vmem>>, vector<16xf32>,
      %parallel_loop3A_3187 = arith.constant 12 : i32
      %parallel_loop3A_3188 = arith.index_cast %parallel_loop3A_3187 : i32 to index
      %parallel_loop3A_3189 = arith.index_cast %parallel_loop3A_7 : i32 to index
      %parallel_loop3A_3190 = tpu.vector_load %arg7[%parallel_loop3A_3188, %parallel_loop3A_3189] {strides = array<i32>} : memref<16x128xf32, #tpu.memory_space<vmem>>, vector<16xf32>,
      tpu.vector_store %arg7[%parallel_loop3A_3188, %parallel_loop3A_3189], %parallel_loop3A_3119 {strides = array<i32>} : memref<16x128xf32, #tpu.memory_space<vmem>>, vector<16xf32>,
      %parallel_loop3A_3191 = arith.constant 13 : i32
      %parallel_loop3A_3192 = arith.index_cast %parallel_loop3A_3191 : i32 to index
      %parallel_loop3A_3193 = arith.index_cast %parallel_loop3A_7 : i32 to index
      %parallel_loop3A_3194 = tpu.vector_load %arg7[%parallel_loop3A_3192, %parallel_loop3A_3193] {strides = array<i32>} : memref<16x128xf32, #tpu.memory_space<vmem>>, vector<16xf32>,
      tpu.vector_store %arg7[%parallel_loop3A_3192, %parallel_loop3A_3193], %parallel_loop3A_3124 {strides = array<i32>} : memref<16x128xf32, #tpu.memory_space<vmem>>, vector<16xf32>,
      %parallel_loop3A_3195 = arith.constant 14 : i32
      %parallel_loop3A_3196 = arith.index_cast %parallel_loop3A_3195 : i32 to index
      %parallel_loop3A_3197 = arith.index_cast %parallel_loop3A_7 : i32 to index
      %parallel_loop3A_3198 = tpu.vector_load %arg7[%parallel_loop3A_3196, %parallel_loop3A_3197] {strides = array<i32>} : memref<16x128xf32, #tpu.memory_space<vmem>>, vector<16xf32>,
      tpu.vector_store %arg7[%parallel_loop3A_3196, %parallel_loop3A_3197], %parallel_loop3A_3133 {strides = array<i32>} : memref<16x128xf32, #tpu.memory_space<vmem>>, vector<16xf32>,
      %parallel_loop3A_3199 = arith.constant 15 : i32
      %parallel_loop3A_3200 = arith.index_cast %parallel_loop3A_3199 : i32 to index
      %parallel_loop3A_3201 = arith.index_cast %parallel_loop3A_7 : i32 to index
      %parallel_loop3A_3202 = tpu.vector_load %arg7[%parallel_loop3A_3200, %parallel_loop3A_3201] {strides = array<i32>} : memref<16x128xf32, #tpu.memory_space<vmem>>, vector<16xf32>,
      tpu.vector_store %arg7[%parallel_loop3A_3200, %parallel_loop3A_3201], %parallel_loop3A_3138 {strides = array<i32>} : memref<16x128xf32, #tpu.memory_space<vmem>>, vector<16xf32>,
    } {sc.loop_unroll_factor = 2 : i64, sc.parallel_access}
    %mul3A_3 = arith.constant 128 : i32
    %mul3A_4 = arith.muli %add3A, %mul3A_3 : i32
    "tpu.region"() ({
      %run_scoped3A = tpu.sem_alloc : memref<!tpu.dma_semaphore, #tpu.memory_space<semaphore_mem>>
      %dma_start3A = arith.constant 0 : i32
      %dma_start3A_5 = tpu.memref_slice %arg4[%dma_start3A, %mul3A_4] : memref<16x4096xf32, #tpu.memory_space<hbm>> -> memref<16x128xf32, #tpu.memory_space<hbm>>
      %dma_start3A_6 = arith.constant 0 : i32
      %dma_start3A_7 = tpu.memref_slice %arg4[%dma_start3A_6, %mul3A_4] : memref<16x4096xf32, #tpu.memory_space<hbm>> -> memref<16x128xf32, #tpu.memory_space<hbm>>
      tpu.enqueue_dma source(%arg7 : memref<16x128xf32, #tpu.memory_space<vmem>>) target(%dma_start3A_7 : memref<16x128xf32, #tpu.memory_space<hbm>>) target_semaphore(%run_scoped3A : memref<!tpu.dma_semaphore, #tpu.memory_space<semaphore_mem>>)
      %dma_wait3A = arith.constant 0 : i32
      %dma_wait3A_8 = tpu.memref_slice %arg4[%dma_wait3A, %mul3A_4] : memref<16x4096xf32, #tpu.memory_space<hbm>> -> memref<16x128xf32, #tpu.memory_space<hbm>>
      %dma_wait3A_9 = arith.constant 0 : i32
      %dma_wait3A_10 = tpu.memref_slice %arg4[%dma_wait3A_9, %mul3A_4] : memref<16x4096xf32, #tpu.memory_space<hbm>> -> memref<16x128xf32, #tpu.memory_space<hbm>>
      tpu.wait_dma2 semaphore(%run_scoped3A : memref<!tpu.dma_semaphore, #tpu.memory_space<semaphore_mem>>) src(%arg7 : memref<16x128xf32, #tpu.memory_space<vmem>>) dst(%dma_wait3A_10 : memref<16x128xf32, #tpu.memory_space<hbm>>)
      tpu.yield
    }) : () -> ()
    return
  }
}

module attributes {stable_mosaic.version = 14 : i64} {
  func.func @mm(%arg0: i32, %arg1: memref<16x4096xf32, #tpu.memory_space<vmem>>, %arg2: memref<200x16xf32, #tpu.memory_space<vmem>>, %arg3: memref<200x4096xf32, #tpu.memory_space<vmem>>) attributes {dimension_semantics = [#tpu.dimension_semantics<arbitrary>], iteration_bounds = array<i64: 5>, scalar_prefetch = 0 : i64, scratch_operands = 0 : i64, tpu.core_type = #tpu.core_type<tc>, window_params = [{pipeline_mode = #tpu.pipeline_mode<synchronous>, transform_indices = @transform_0, window_bounds = array<i64: 16, 4096>}, {transform_indices = @transform_1, window_bounds = array<i64: 200, 16>}, {transform_indices = @transform_2, window_bounds = array<i64: 200, 4096>}]} {
    %get3A = arith.constant 0 : index
    %get3A_0 = arith.constant 0 : index
    %get3A_1 = vector.load %arg2[%get3A, %get3A_0] : memref<200x16xf32, #tpu.memory_space<vmem>>, vector<200x16xf32>
    %convert_element_type3A = arith.truncf %get3A_1 : vector<200x16xf32> to vector<200x16xbf16>
    %get3A_2 = arith.constant 0 : index
    %get3A_3 = arith.constant 0 : index
    %get3A_4 = vector.load %arg1[%get3A_2, %get3A_3] : memref<16x4096xf32, #tpu.memory_space<vmem>>, vector<16x4096xf32>
    %convert_element_type3A_5 = arith.truncf %get3A_4 : vector<16x4096xf32> to vector<16x4096xbf16>
    %dot_general3A = arith.constant dense<0.000000e+00> : vector<200x4096xf32>
    %dot_general3A_6 = tpu.matmul %convert_element_type3A, %convert_element_type3A_5, %dot_general3A {dimension_numbers = #tpu.dot_dimension_numbers<[1], [0], [0], [1], [0, 0, 1, 1], [], []>, transpose_lhs_hint = false} : vector<200x16xbf16>, vector<16x4096xbf16>, vector<200x4096xf32> -> vector<200x4096xf32>
    %swap3A = arith.constant 0 : index
    %swap3A_7 = arith.constant 0 : index
    %swap3A_8 = vector.load %arg3[%swap3A, %swap3A_7] : memref<200x4096xf32, #tpu.memory_space<vmem>>, vector<200x4096xf32>
    tpu.vector_store %arg3[%swap3A, %swap3A_7], %dot_general3A_6 {strides = array<i32>} : memref<200x4096xf32, #tpu.memory_space<vmem>>, vector<200x4096xf32>,
    return
  }
  func.func @transform_0(%arg0: i32) -> (i32, i32) {
    %c0_i32 = arith.constant 0 : i32
    %c0_i32_0 = arith.constant 0 : i32
    %c0_i32_1 = arith.constant 0 : i32
    return %c0_i32, %c0_i32_0 : i32, i32
  }
  func.func @transform_1(%arg0: i32) -> (i32, i32) {
    %c0_i32 = arith.constant 0 : i32
    %c0_i32_0 = arith.constant 0 : i32
    return %arg0, %c0_i32 : i32, i32
  }
  func.func @transform_2(%arg0: i32) -> (i32, i32) {
    %c0_i32 = arith.constant 0 : i32
    %c0_i32_0 = arith.constant 0 : i32
    return %arg0, %c0_i32 : i32, i32
  }
}

</mosaic_0001>

<sc_bundles>
// kernel: kernel.4.cloned.1.call-start
scs
__scs_entry_jumppad:
0x0: {  	(pc) =	sbr.rel $0x88, $3  }
0x1: {  	(tag) =	ssettag $0x0;
	lr =	simm.s32 $0x1  }
0x2: {  	[smem:$0x3F9E] =	sst lr;
	_ =	strace $0xD0000000  }
0x3: {  	_ = 	snop  }
0x4: {  	_ = 	snop  }
0x5: {  	_ = 	snop  }
0x6: {  	_ = 	snop  }
0x7: {  	_ = 	snop  }
__scs_overlays_trampoline_lowered:
0x8: {  	[smem:$0x3FAD] =	sst s0  }
0x9: {  	[smem:$0x3FAE] =	sst s1  }
0xa: {  	[smem:$0x3FAF] =	sst s2  }
0xb: {  	[smem:$0x3FB0] =	sst s3  }
0xc: {  	[smem:$0x3FB1] =	sst s4  }
0xd: {  	[smem:$0x3FB2] =	sst s5  }
0xe: {  	[smem:$0x3FB3] =	sst s6  }
0xf: {  	[smem:$0x3FB4] =	sst s7  }
0x10: {  	[smem:$0x3FB5] =	sst s8  }
0x11: {  	[smem:$0x3FB6] =	sst s9;
	s0 =	simm.s32 @!p0 $0x0  }
0x12: {  	s1 =	sld [smem:$0x3F9C];
	s0 =	simm.s32 @p0 $0x1  }
0x13: {  	[smem:$0x3FB7] =	sst s0;
	s0 =	simm.s32 @!p1 $0x0  }
0x14: {  	s2 =	sld [smem:$0x3F9B];
	s0 =	simm.s32 @p1 $0x1  }
0x15: {  	[smem:$0x3FB8] =	sst s0;
	s0 =	simm.s32 @!p2 $0x0  }
0x16: {  	s3 =	sld [smem:$0x3FDB];
	s0 =	simm.s32 @p2 $0x1  }
0x17: {  	s4 =	simm.s32 $0x1BF5;
	[smem:$0x3FBA] =	sst s0  }
0x18: {  	s0 =	sld [smem:$0x3F9D];
	_ =	swait.ge [sflag:s4], $0x0  }
0x19: {  	s7 =	sld [smem:$0x3F9E]  }
0x1a: {  	s8 =	sadd.s32 $0xFFFFE003, lr  }
0x1b: {  	s9 =	sadd.s32 $0xFFFFFEF7, lr;
	s5 =	simm.s32 $0xFFFFFFFF;
	p2 =	slt.u32 s8, $0xFFFFF086  }
0x1c: {  	p1 =	slt.u32 s9, $0xF7A;
	s5 =	simm.s32 @!p2 $0x0  }
0x1d: {  	s5 =	simm.s32 @p1 $0x1;
	p0 =	seq.s32 s7, s2  }
0x1e: {  	s7 =	smul.u32 @!p0 $0xF7A, s2;
	p2 =	seq.s32 @!p0 s5, $0x0  }
0x1f: {  	s9 =	smul.u32 $0xF7A, s1;
	s8 =	simm.s32 @!p0 $0x1BF5;
	p2 =	por !p2, p0  }
0x20: {  	[sflag:s8] =	ssyncset.s32 @!p0 $0xFFFFF086;
	s6 =	sadd.s32 @!p0 s3, s7;
	s7 =	simm.s32 @!p0 $0x108  }
0x21: {  	s3 =	sadd.s32 s3, s9;
	s6 =	sadd.s32 @!p0 $0x88, s6;
	s7 =	simm.s32 @p2 $0x1082  }
0x22: {  	[simem:s7], [sflag:s8] =	dma.local @!p0 [hbm:s6], $0xF7A  }
0x23: {  	s9 =	sor.u32 $0xD0000000, s2;
	s6 =	simm.s32 $0x108;
	_ =	swait.ge @!p0 [sflag:s8], $0x0  }
0x24: {  	s3 =	sadd.s32 $0x88, s3;
	s6 =	simm.s32 @!p1 $0x1082;
	[sflag:s4] =	ssyncset.s32 $0xFFFFF086  }
0x25: {  	[simem:s6], [sflag:s4] =	dma.local [hbm:s3], $0xF7A  }
0x26: {  	[smem:$0x3F9E] =	sst s1;
	(tag) =	ssettag s2;
	_ =	strace s9  }
0x27: {  	s1 =	sld [smem:$0x3FAE]  }
0x28: {  	s2 =	sld [smem:$0x3FAF]  }
0x29: {  	s4 =	sld [smem:$0x3FB1]  }
0x2a: {  	p0 =	seq.s32 s5, $0x0;
	s5 =	sld [smem:$0x3FB2]  }
0x2b: {  	s6 =	sld [smem:$0x3FB3]  }
0x2c: {  	s7 =	sld [smem:$0x3FB4]  }
0x2d: {  	s3 =	simm.s32 $0x108;
	s8 =	sld [smem:$0x3FB5]  }
0x2e: {  	s3 =	simm.s32 @!p0 $0x1082;
	s9 =	sld [smem:$0x3FB6]  }
0x2f: {  	lr =	sadd.s32 s0, s3;
	s0 =	sld [smem:$0x3FAD]  }
0x30: {  	s3 =	sld [smem:$0x3FB0]  }
0x31: {  	[smem:$0x3FB9] =	sst s10  }
0x32: {  	s10 =	sld [smem:$0x3FB7];
	_ =	sdelay $0x3  }
0x33: {  	p0 =	seq.s32 s10, $0x1;
	s10 =	sld [smem:$0x3FB9];
	_ =	sdelay $0x3  }
0x34: {  	[smem:$0x3FB9] =	sst s10  }
0x35: {  	s10 =	sld [smem:$0x3FB8];
	_ =	sdelay $0x3  }
0x36: {  	p1 =	seq.s32 s10, $0x1;
	s10 =	sld [smem:$0x3FB9];
	_ =	sdelay $0x3  }
0x37: {  	[smem:$0x3FB9] =	sst s10  }
0x38: {  	s10 =	sld [smem:$0x3FBA]  }
0x39: {  	_ = 	snop;
	(pc) =	sbr.ind lr, $3  }
0x3a: {  	_ = 	snop  }
0x3b: {  	_ = 	snop  }
0x3c: {  	p2 =	seq.s32 s10, $0x1;
	s10 =	sld [smem:$0x3FB9]  }
0x3d: {  	_ =	shalt  }
0x3e: {  	_ =	shalt  }
0x3f: {  	_ =	shalt  }
0x40: {  	_ =	shalt  }
0x41: {  	_ =	shalt  }
0x42: {  	_ =	shalt  }
0x43: {  	_ =	shalt  }
0x44: {  	_ =	shalt  }
0x45: {  	_ =	shalt  }
0x46: {  	_ =	shalt  }
0x47: {  	_ =	shalt  }
0x48: {  	_ =	shalt  }
0x49: {  	_ =	shalt  }
0x4a: {  	_ =	shalt  }
0x4b: {  	_ =	shalt  }
0x4c: {  	_ =	shalt  }
0x4d: {  	_ =	shalt  }
0x4e: {  	_ =	shalt  }
0x4f: {  	_ =	shalt  }
0x50: {  	_ =	shalt  }
0x51: {  	_ =	shalt  }
0x52: {  	_ =	shalt  }
0x53: {  	_ =	shalt  }
0x54: {  	_ =	shalt  }
0x55: {  	_ =	shalt  }
0x56: {  	_ =	shalt  }
0x57: {  	_ =	shalt  }
0x58: {  	_ =	shalt  }
0x59: {  	_ =	shalt  }
0x5a: {  	_ =	shalt  }
0x5b: {  	_ =	shalt  }
0x5c: {  	_ =	shalt  }
0x5d: {  	_ =	shalt  }
0x5e: {  	_ =	shalt  }
0x5f: {  	_ =	shalt  }
0x60: {  	_ =	shalt  }
0x61: {  	_ =	shalt  }
0x62: {  	_ =	shalt  }
0x63: {  	_ =	shalt  }
0x64: {  	_ =	shalt  }
0x65: {  	_ =	shalt  }
0x66: {  	_ =	shalt  }
0x67: {  	_ =	shalt  }
0x68: {  	_ =	shalt  }
0x69: {  	_ =	shalt  }
0x6a: {  	_ =	shalt  }
0x6b: {  	_ =	shalt  }
0x6c: {  	_ =	shalt  }
0x6d: {  	_ =	shalt  }
0x6e: {  	_ =	shalt  }
0x6f: {  	_ =	shalt  }
0x70: {  	_ =	shalt  }
0x71: {  	_ =	shalt  }
0x72: {  	_ =	shalt  }
0x73: {  	_ =	shalt  }
0x74: {  	_ =	shalt  }
0x75: {  	_ =	shalt  }
0x76: {  	_ =	shalt  }
0x77: {  	_ =	shalt  }
0x78: {  	_ =	shalt  }
0x79: {  	_ =	shalt  }
0x7a: {  	_ =	shalt  }
0x7b: {  	_ =	shalt  }
0x7c: {  	_ =	shalt  }
0x7d: {  	_ =	shalt  }
0x7e: {  	_ =	shalt  }
0x7f: {  	_ =	shalt  }
0x80: {  	_ =	shalt  }
0x81: {  	_ =	shalt  }
0x82: {  	_ =	shalt  }
0x83: {  	_ =	shalt  }
0x84: {  	_ =	shalt  }
0x85: {  	_ =	shalt  }
0x86: {  	_ =	shalt  }
0x87: {  	_ =	shalt  }
.Lfunc_end0:
.L_simem_size_0:
called_computation_lowered:
.L_overlay_start_0:
0x88: {  	s2 =	sld [smem:$0x3FD9]  }
0x89: {  	s3 =	sld [smem:$0x3FFE];
	_ =	sdelay $0x1  }
0x8a: {  	s1 =	srdreg.scid  }
0x8b: {  	s0 =	sand.u32 $0x1, s1  }
0x8c: {  	s17 =	sshll.u32 s0, $0xA;
	s2 =	sadd.s32 s3, s2  }
0x8d: {  	s2 =	sadd.s32 s2, s17  }
0x8e: {  	[smem:$0x3FC5] =	sst s2  }
0x8f: {  	_ = 	snop  }
0x90: {  	s2 =	sld [smem:$0x3FD0];
	(tm) =	ssettm $0x1  }
0x91: {  	s18 =	sld [smem:$0x3FFB];
	_ =	sdelay $0x3  }
0x92: {  	_ =	strace s18  }
0x93: {  	s3 =	sld [smem:$0x3FFC];
	_ =	sdelay $0x3  }
0x94: {  	_ =	strace s3  }
0x95: {  	s3 =	sld [smem:$0x3FFD];
	_ =	sdelay $0x3  }
0x96: {  	_ =	strace s3  }
0x97: {  	_ =	strace $0x8FFFFFFF  }
0x98: {  	s19 =	sld [smem:$0x3FDB];
	_ =	sdelay $0x1  }
0x99: {  	s4 =	simm.s32 $_scs_section_size  }
0x9a: {  	s5 =	simm.s32 $_size__tile_overlayer_lowered;
	s6 =	simm.s32 $_tile_overlayer_lowered  }
0x9b: {  	s22 =	simm.s32 $0x1BFF;
	s21 =	sshll.u32 s6, $0x1;
	s3 =	sadd.s32 s4, s19  }
0x9c: {  	s7 =	simm.s32 $0x0;
	s20 =	sshll.u32 s5, $0x1;
	s5 =	sadd.s32 s21, s3  }
0x9d: {  	[timem:s7], [sflag:s22] =	dma.local [hbm:s5], s20  }
0x9e: {  	_ =	swait.ge [sflag:s22], s20  }
0x9f: {  	s4 =	ssub.s32 $0x0, s20;
	[sflag:s22] =	ssyncset.done $0x0  }
0xa0: {  	[sflag:s22] =	ssyncadd.s32 s4;
	_ =	sdelay $0x1  }
0xa1: {  	s23 =	simm.s32 $0x1B8B  }
0xa2: {  	_ =	swait.ge [sflag:s23], $0x1  }
0xa3: {  	[sflag:s23] =	ssyncset.done $0x0  }
0xa4: {  	s25 =	simm.s32 $0x1B8E;
	s24 =	sld [smem:$0x3FFE];
	[sflag:s23] =	ssyncadd.s32 $0xFFFFFFFF  }
0xa5: {  	s26 =	simm.s32 $execute0_lowered;
	[smem:$0x3FD2] =	sst s25  }
0xa6: {  	s5 =	sshll.u32 s26, $0x1;
	_ =	strace $0x80000046;
	[dreg:$0x1] =	wrdreg $0xFFFFFFFF  }
0xa7: {  	s28 =	simm.s32 $_size_execute0_lowered;
	s3 =	sadd.s32 s3, s5;
	[dreg:$0x0] =	wrdreg $0x0  }
0xa8: {  	s5 =	sshll.u32 s28, $0x1;
	[dreg:$0x2] =	wrdreg s3  }
0xa9: {  	[dreg:$0x3] =	wrdreg s5  }
0xaa: {  	[dreg:$0x4] =	wrdreg $0xC0  }
0xab: {  	_ =	task [dreg:s7], $0x5FFFF  }
0xac: {  	[dreg:$0x1] =	wrdreg $0xFFFFFFFF  }
0xad: {  	[dreg:$0x0] =	wrdreg $0x60  }
0xae: {  	[dreg:$0x2] =	wrdreg s2  }
0xaf: {  	[dreg:$0x3] =	wrdreg s24  }
0xb0: {  	[dreg:$0x4] =	wrdreg $0x9  }
0xb1: {  	_ =	task.clear_ibuf [dreg:s7], $0x5FFFF;
	_ =	strace $0x90000046  }
0xb2: {  	s29 =	simm.s32 $0x9;
	_ =	strace $0x80000048  }
0xb3: {  	_ =	swait.ge [sflag:s29], $0x1  }
0xb4: {  	[sflag:s29] =	ssyncadd.s32 $0xFFFFFFFF  }
0xb5: {  	_ =	strace $0x90000048  }
0xb6: {  	_ =	sfence  }
0xb7: {  	s30 =	sld [smem:$0x0];
	_ =	sdelay $0x2  }
0xb8: {  	s31 =	sshll.u32 s1, $0xD;
	s1 =	sshrl.u32 s1, $0x2  }
0xb9: {  	s3 =	sand.u32 $0x4000, s31;
	s1 =	sadd.s32 s1, s30  }
0xba: {  	s0 =	sor.u32 s3, s0;
	s1 =	sshll.u32 s1, $0x11  }
0xbb: {  	s0 =	sor.u32 s1, s0  }
0xbc: {  	s0 =	sadd.s32 $0x8F2B, s0  }
0xbd: {  	[sflag:s0] =	ssyncadd.remote.s32 $0x1  }
0xbe: {  	_ =	sfence.sel $0xFFFF  }
0xbf: {  	[dreg:$0x0] =	wrdreg $0xFFFFFFFF;
	(pc) =	sbr.abs _section_cstart, $3  }
0xc0: {  	[dreg:$0x1] =	wrdreg $0xFFFFFFFF  }
0xc1: {  	_ =	task.clear_ibuf [dreg:s7], $0x2FFFF;
	_ =	strace $0x9FFFFFFF  }
0xc2: {  	(tm) =	ssettm $0x7FFFFFFF  }
0xc3: {  	_ =	shalt  }
tec
execute0_lowered:
.L_overlay_start_1:
0x0: {  	(tag) =	ssettag $0x1  }
0x1: {  	s4 =	rddreg [dreg:$0x0];
	v0 =	vlaneseq.u32  }
0x2: {  	s5 =	rddreg [dreg:$0x1];
	s2 =	srdreg.scid;
	v0 =	vmul.u32 $0x1A, v0  }
0x3: {  	s0 =	rddreg [dreg:$0x2];
	s1 =	stileid.u32  }
0x4: {  	s10 =	simm.s32 $0x2380;
	s11 =	simm.s32 $0x8000;
	s12 =	simm.s32 $0x3080;
	v1 =	vor.u32 $0x1, v0  }
0x5: {  	s13 =	simm.s32 $0x0;
	s3 =	sand.u32 $0x1, s2;
	s6 =	sshll.u32 s1, $0x8;
	v2 =	vadd.s32 $0x2, v0;
	v3 =	vadd.s32 $0x3, v0;
	v4 =	vadd.s32 $0x4, v0  }
0x6: {  	s8 =	sshrl.u32 s1, $0x2;
	s2 =	simm.s32 $0x0;
	s7 =	sshll.u32 s3, $0x7;
	v5 =	vadd.s32 $0x5, v0;
	v6 =	vadd.s32 $0x6, v0;
	v7 =	vadd.s32 $0x7, v0  }
0x7: {  	s28 =	smul.u32 $0x6800, s8;
	[smem:$0x7FF] =	sst s2;
	s9 =	ssub.s32 $0x2, s3;
	v8 =	vadd.s32 $0x8, v0;
	v9 =	vadd.s32 $0x9, v0;
	v10 =	vadd.s32 $0xA, v0  }
0x8: {  	s3 =	sadd.s32 $0x600, s5;
	s6 =	sor.u32 s7, s6;
	_ =	strace $0x80000047;
	v11 =	vadd.s32 $0xB, v0;
	v12 =	vadd.s32 $0xC, v0;
	v13 =	vadd.s32 $0xD, v0  }
0x9: {  	s8 =	simm.s32 $0x80;
	s30 =	sshrl.u32 s9, $0x1;
	v14 =	vadd.s32 $0xE, v0;
	v15 =	vadd.s32 $0xF, v0;
	v16 =	vadd.s32 $0x10, v0;
	[tilespmem:$0x1FFF0] =	vst v0;
	s29 =	sand.u32 $0x380, s6  }
0xa: {  	v17 =	vadd.s32 $0x11, v0;
	v18 =	vadd.s32 $0x12, v0;
	v19 =	vadd.s32 $0x13, v0;
	s5 =	sadd.s32 s6, s5;
	s31 =	ssub.s32 s9, s30;
	[tilespmem:$0x1FFC0] =	vst v1;
	s7 =	sor.u32 s28, s29  }
0xb: {  	v25 =	vadd.s32 $0x14, v0;
	v21 =	vadd.s32 $0x15, v0;
	v22 =	vadd.s32 $0x16, v0;
	s9 =	simm.s32 $0x400;
	[tilespmem:$0x1FFD0] =	vst v2;
	s5 =	sadd.s32 $0xC00, s5;
	s7 =	sshrl.u32 s7, $0x3  }
0xc: {  	v23 =	vadd.s32 $0x17, v0;
	v24 =	vadd.s32 $0x18, v0;
	v63 =	vadd.s32 $0x19, v0;
	[tilespmem:$0x1FFE0] =	vst v3;
	s6 =	smax.u32 s31, $0x1;
	s4 =	sadd.s32 s4, s7;
	s7 =	simm.s32 $0x1  }
.LBB2_1:
0xd: {  	[tilespmem:s2], [sflag:$0x1] =	stream.linear.gather [hbm4b:s3+s2], $0x2380, $0x38;
	[tilespmem:$0x3880] =	vst v63  }
0xe: {  	_ =	swait.ge [sflag:s7], $0x2380  }
0xf: {  	[sflag:s7] =	ssyncset.done $0x0  }
0x10: {  	[sflag:s7] =	ssyncadd.s32 $0xFFFFDC80  }
0x11: {  	[tilespmem:s10], [sflag:$0x1] =	stream.strided.gather [hbm4b:s4+s8], $0xD00, s9, s8, $0x38;
	[tilespmem:$0x3880] =	vst v63  }
0x12: {  	_ =	swait.ge [sflag:s7], $0xD00  }
0x13: {  	s14 =	simm.s32 $0xFFFFFFFE;
	[sflag:s7] =	ssyncset.done $0x0  }
0x14: {  	s15 =	simm.s32 $0x3480;
	s16 =	simm.s32 $0x0;
	[sflag:s7] =	ssyncadd.s32 $0xFFFFF300  }
.LBB2_2:
0x15: {  	v26 =	vmov s16  }
0x16: {  	v26 =	vmul.u32 $0x1A, v26;
	_ =	sdelay $0x1  }
0x17: {  	v26 =	vbroadcast v26, $0x0;
	_ =	sdelay $0x1  }
0x18: {  	v27 =	vadd.s32 v0, v26;
	_ =	sdelay $0x4  }
0x19: {  	v27 =	vld.idx.msk [tilespmem:v27+s10+$0x0], $0xffff;
	_ =	sdelay $0x1  }
0x1a: {  	v29 =	vadd.s32 v1, v26;
	_ =	sdelay $0x2  }
0x1b: {  	v27 =	vmul.u32 $0x9, v27;
	_ =	sdelay $0x1  }
0x1c: {  	v29 =	vld.idx.msk [tilespmem:v29+s10+$0x0], $0xffff;
	v28 =	vadd.s32 $0x1, v27  }
0x1d: {  	v30 =	vadd.s32 $0x2, v27  }
0x1e: {  	v32 =	vadd.s32 $0x3, v27  }
0x1f: {  	v33 =	vadd.s32 $0x4, v27  }
0x20: {  	v35 =	vadd.s32 $0x5, v27;
	v31 =	vld.idx.msk [tilespmem:v27+s2+$0x0], $0xffff  }
0x21: {  	v29 =	vmul.u32 $0x9, v29;
	v37 =	vadd.s32 $0x6, v27;
	v28 =	vld.idx.msk [tilespmem:v28+s2+$0x0], $0xffff  }
0x22: {  	v30 =	vld.idx.msk [tilespmem:v30+s2+$0x0], $0xffff  }
0x23: {  	v40 =	vadd.s32 v2, v26;
	v32 =	vld.idx.msk [tilespmem:v32+s2+$0x0], $0xffff  }
0x24: {  	v42 =	vadd.s32 $0x1, v29;
	v33 =	vld.idx.msk [tilespmem:v33+s2+$0x0], $0xffff  }
0x25: {  	v43 =	vadd.s32 $0x2, v29;
	v45 =	vadd.s32 $0x3, v29;
	v35 =	vld.idx.msk [tilespmem:v35+s2+$0x0], $0xffff  }
0x26: {  	v48 =	vadd.s32 $0x4, v29;
	v50 =	vadd.s32 $0x5, v29;
	v52 =	vadd.s32 $0x6, v29;
	v37 =	vld.idx.msk [tilespmem:v37+s2+$0x0], $0xffff  }
0x27: {  	v27 =	vadd.s32 $0x7, v27;
	v46 =	vld.idx.msk [tilespmem:v29+s2+$0x0], $0xffff;
	v29 =	vadd.s32 $0x7, v29;
	v34 =	vshll.u32 v31, $0x10  }
0x28: {  	v40 =	vld.idx.msk [tilespmem:v40+s10+$0x0], $0xffff;
	v31 =	vand.u32 $0xFFFF0000, v31;
	v34 =	vadd.f32 $0.0e+00, v34;
	v36 =	vshll.u32 v28, $0x10  }
0x29: {  	v42 =	vld.idx.msk [tilespmem:v42+s2+$0x0], $0xffff;
	v31 =	vadd.f32 $0.0e+00, v31;
	v28 =	vand.u32 $0xFFFF0000, v28;
	v38 =	vshll.u32 v30, $0x10  }
0x2a: {  	v43 =	vld.idx.msk [tilespmem:v43+s2+$0x0], $0xffff;
	v30 =	vand.u32 $0xFFFF0000, v30;
	v39 =	vshll.u32 v32, $0x10;
	v32 =	vand.u32 $0xFFFF0000, v32  }
0x2b: {  	v41 =	vshll.u32 v33, $0x10;
	v33 =	vand.u32 $0xFFFF0000, v33;
	v44 =	vshll.u32 v35, $0x10  }
0x2c: {  	v45 =	vld.idx.msk [tilespmem:v45+s2+$0x0], $0xffff;
	v35 =	vand.u32 $0xFFFF0000, v35;
	v47 =	vshll.u32 v37, $0x10;
	v37 =	vand.u32 $0xFFFF0000, v37  }
0x2d: {  	v51 =	vshll.u32 v46, $0x10;
	v46 =	vand.u32 $0xFFFF0000, v46;
	v40 =	vmul.u32 $0x9, v40  }
0x2e: {  	v56 =	vld.idx.msk [tilespmem:v48+s2+$0x0], $0xffff;
	v62 =	vshll.u32 v42, $0x10;
	v42 =	vand.u32 $0xFFFF0000, v42;
	v36 =	vadd.f32 $0.0e+00, v36  }
0x2f: {  	v53 =	vshll.u32 v43, $0x10;
	v28 =	vadd.f32 $0.0e+00, v28;
	v38 =	vadd.f32 $0.0e+00, v38  }
0x30: {  	v54 =	vld.idx.msk [tilespmem:v50+s2+$0x0], $0xffff;
	v57 =	vand.u32 $0xFFFF0000, v43;
	v30 =	vadd.f32 $0.0e+00, v30;
	v39 =	vadd.f32 $0.0e+00, v39  }
0x31: {  	v58 =	vshll.u32 v45, $0x10;
	v32 =	vadd.f32 $0.0e+00, v32;
	v41 =	vadd.f32 $0.0e+00, v41  }
0x32: {  	v59 =	vand.u32 $0xFFFF0000, v45;
	v33 =	vadd.f32 $0.0e+00, v33;
	v44 =	vadd.f32 $0.0e+00, v44  }
0x33: {  	v60 =	vshll.u32 v56, $0x10;
	v35 =	vadd.f32 $0.0e+00, v35;
	v47 =	vadd.f32 $0.0e+00, v47  }
0x34: {  	v55 =	vand.u32 $0xFFFF0000, v56;
	v37 =	vadd.f32 $0.0e+00, v37;
	v34 =	vadd.f32 v51, v34  }
0x35: {  	v27 =	vld.idx.msk [tilespmem:v27+s2+$0x0], $0xffff;
	v56 =	vshll.u32 v54, $0x10;
	v31 =	vadd.f32 v46, v31;
	v36 =	vadd.f32 v62, v36  }
0x36: {  	v28 =	vadd.f32 v42, v28;
	v38 =	vadd.f32 v53, v38;
	v62 =	vadd.s32 v3, v26  }
0x37: {  	v30 =	vadd.f32 v57, v30;
	v39 =	vadd.f32 v58, v39;
	v42 =	vld.idx.msk [tilespmem:v52+s2+$0x0], $0xffff;
	v57 =	vadd.s32 $0x2, v40  }
0x38: {  	v32 =	vadd.f32 v59, v32;
	v41 =	vadd.f32 v60, v41;
	v60 =	vadd.s32 $0x3, v40  }
0x39: {  	v29 =	vld.idx.msk [tilespmem:v29+s2+$0x0], $0xffff;
	v61 =	vadd.s32 $0x1, v40;
	v33 =	vadd.f32 v55, v33;
	v43 =	vadd.f32 v56, v44  }
0x3a: {  	v58 =	vand.u32 $0xFFFF0000, v54;
	v55 =	vadd.s32 v4, v26;
	v49 =	vshll.u32 v27, $0x10;
	v44 =	vld.idx.msk [tilespmem:v40+s2+$0x0], $0xffff  }
0x3b: {  	v27 =	vand.u32 $0xFFFF0000, v27;
	v35 =	vadd.f32 v58, v35;
	v49 =	vadd.f32 $0.0e+00, v49;
	v48 =	vld.idx.msk [tilespmem:v62+s10+$0x0], $0xffff  }
0x3c: {  	v27 =	vadd.f32 $0.0e+00, v27;
	v59 =	vshll.u32 v42, $0x10;
	v62 =	vadd.s32 $0x4, v40;
	v46 =	vld.idx.msk [tilespmem:v57+s2+$0x0], $0xffff  }
0x3d: {  	v42 =	vand.u32 $0xFFFF0000, v42;
	v57 =	vadd.s32 $0x5, v40;
	v58 =	vld.idx.msk [tilespmem:v60+s2+$0x0], $0xffff;
	v60 =	vadd.s32 $0x6, v40  }
0x3e: {  	v40 =	vadd.s32 $0x7, v40;
	v45 =	vadd.f32 v59, v47;
	v47 =	vld.idx.msk [tilespmem:v61+s2+$0x0], $0xffff;
	v61 =	vshll.u32 v29, $0x10  }
0x3f: {  	v37 =	vadd.f32 v42, v37;
	v29 =	vand.u32 $0xFFFF0000, v29;
	v42 =	vadd.f32 v61, v49  }
0x40: {  	v27 =	vadd.f32 v29, v27;
	v56 =	vshll.u32 v44, $0x10;
	v44 =	vand.u32 $0xFFFF0000, v44  }
0x41: {  	v29 =	vadd.f32 v56, v34;
	v31 =	vadd.f32 v44, v31;
	v48 =	vmul.u32 $0x9, v48;
	v61 =	vld.idx.msk [tilespmem:v62+s2+$0x0], $0xffff  }
0x42: {  	v62 =	vshll.u32 v46, $0x10;
	v46 =	vand.u32 $0xFFFF0000, v46;
	v53 =	vld.idx.msk [tilespmem:v57+s2+$0x0], $0xffff;
	v54 =	vshll.u32 v58, $0x10  }
0x43: {  	v34 =	vand.u32 $0xFFFF0000, v58;
	v56 =	vld.idx.msk [tilespmem:v60+s2+$0x0], $0xffff;
	v59 =	vshll.u32 v47, $0x10;
	v38 =	vadd.f32 v62, v38  }
0x44: {  	v47 =	vand.u32 $0xFFFF0000, v47;
	v30 =	vadd.f32 v46, v30;
	v39 =	vadd.f32 v54, v39  }
0x45: {  	v32 =	vadd.f32 v34, v32;
	v36 =	vadd.f32 v59, v36;
	v58 =	vadd.s32 $0x1, v48  }
0x46: {  	v28 =	vadd.f32 v47, v28;
	v59 =	vadd.s32 $0x2, v48;
	v57 =	vshll.u32 v61, $0x10  }
0x47: {  	v40 =	vld.idx.msk [tilespmem:v40+s2+$0x0], $0xffff;
	v44 =	vand.u32 $0xFFFF0000, v61;
	v60 =	vshll.u32 v53, $0x10;
	v47 =	vand.u32 $0xFFFF0000, v53  }
0x48: {  	v61 =	vadd.s32 $0x3, v48;
	v62 =	vshll.u32 v56, $0x10;
	v34 =	vand.u32 $0xFFFF0000, v56;
	v46 =	vld.idx.msk [tilespmem:v48+s2+$0x0], $0xffff  }
0x49: {  	v56 =	vadd.s32 $0x4, v48;
	v41 =	vadd.f32 v57, v41;
	v35 =	vadd.f32 v47, v35;
	v47 =	vld.idx.msk [tilespmem:v55+s10+$0x0], $0xffff  }
0x4a: {  	v33 =	vadd.f32 v44, v33;
	v43 =	vadd.f32 v60, v43;
	v57 =	vld.idx.msk [tilespmem:v58+s2+$0x0], $0xffff  }
0x4b: {  	v45 =	vadd.f32 v62, v45;
	v34 =	vadd.f32 v34, v37;
	v62 =	vadd.s32 $0x6, v48;
	v44 =	vld.idx.msk [tilespmem:v59+s2+$0x0], $0xffff  }
0x4c: {  	v58 =	vshll.u32 v40, $0x10;
	v40 =	vand.u32 $0xFFFF0000, v40;
	v59 =	vadd.s32 $0x5, v48  }
0x4d: {  	v48 =	vadd.s32 $0x7, v48;
	v42 =	vadd.f32 v58, v42;
	v27 =	vadd.f32 v40, v27;
	v60 =	vld.idx.msk [tilespmem:v61+s2+$0x0], $0xffff  }
0x4e: {  	v54 =	vld.idx.msk [tilespmem:v56+s2+$0x0], $0xffff;
	v61 =	vshll.u32 v46, $0x10;
	v46 =	vand.u32 $0xFFFF0000, v46;
	v47 =	vmul.u32 $0x9, v47  }
0x4f: {  	v29 =	vadd.f32 v61, v29;
	v31 =	vadd.f32 v46, v31;
	v55 =	vshll.u32 v57, $0x10  }
0x50: {  	v37 =	vand.u32 $0xFFFF0000, v57;
	v56 =	vshll.u32 v44, $0x10;
	v36 =	vadd.f32 v55, v36  }
0x51: {  	v57 =	vld.idx.msk [tilespmem:v59+s2+$0x0], $0xffff;
	v58 =	vand.u32 $0xFFFF0000, v44;
	v28 =	vadd.f32 v37, v28;
	v37 =	vadd.f32 v56, v38  }
0x52: {  	v61 =	vadd.s32 $0x1, v47;
	v59 =	vshll.u32 v60, $0x10;
	v40 =	vand.u32 $0xFFFF0000, v60  }
0x53: {  	v60 =	vshll.u32 v54, $0x10;
	v38 =	vadd.f32 v59, v39;
	v39 =	vld.idx.msk [tilespmem:v62+s2+$0x0], $0xffff;
	v62 =	vadd.s32 v5, v26  }
0x54: {  	v56 =	vadd.s32 $0x2, v47;
	v32 =	vadd.f32 v40, v32;
	v40 =	vadd.f32 v60, v41;
	v41 =	vld.idx.msk [tilespmem:v48+s2+$0x0], $0xffff  }
0x55: {  	v30 =	vadd.f32 v58, v30;
	v54 =	vand.u32 $0xFFFF0000, v54;
	v59 =	vadd.s32 $0x3, v47  }
0x56: {  	v33 =	vadd.f32 v54, v33;
	v55 =	vshll.u32 v57, $0x10;
	v44 =	vld.idx.msk [tilespmem:v47+s2+$0x0], $0xffff;
	v57 =	vand.u32 $0xFFFF0000, v57  }
0x57: {  	v54 =	vadd.s32 v6, v26;
	v43 =	vadd.f32 v55, v43;
	v35 =	vadd.f32 v57, v35;
	v46 =	vld.idx.msk [tilespmem:v61+s2+$0x0], $0xffff  }
0x58: {  	v61 =	vadd.s32 $0x4, v47;
	v58 =	vshll.u32 v39, $0x10;
	v49 =	vld.idx.msk [tilespmem:v62+s10+$0x0], $0xffff;
	v39 =	vand.u32 $0xFFFF0000, v39  }
0x59: {  	v60 =	vshll.u32 v41, $0x10;
	v62 =	vld.idx.msk [tilespmem:v56+s2+$0x0], $0xffff;
	v41 =	vand.u32 $0xFFFF0000, v41;
	v56 =	vadd.s32 $0x5, v47  }
0x5a: {  	v57 =	vld.idx.msk [tilespmem:v59+s2+$0x0], $0xffff;
	v59 =	vadd.s32 $0x6, v47;
	v47 =	vadd.s32 $0x7, v47;
	v45 =	vadd.f32 v58, v45  }
0x5b: {  	v34 =	vadd.f32 v39, v34;
	v39 =	vadd.f32 v60, v42;
	v55 =	vshll.u32 v44, $0x10  }
0x5c: {  	v27 =	vadd.f32 v41, v27;
	v44 =	vand.u32 $0xFFFF0000, v44;
	v29 =	vadd.f32 v55, v29  }
0x5d: {  	v58 =	vshll.u32 v46, $0x10;
	v31 =	vadd.f32 v44, v31;
	v60 =	vld.idx.msk [tilespmem:v61+s2+$0x0], $0xffff;
	v46 =	vand.u32 $0xFFFF0000, v46  }
0x5e: {  	v36 =	vadd.f32 v58, v36;
	v28 =	vadd.f32 v46, v28  }
0x5f: {  	v49 =	vmul.u32 $0x9, v49;
	v61 =	vshll.u32 v62, $0x10;
	v42 =	vand.u32 $0xFFFF0000, v62;
	v62 =	vld.idx.msk [tilespmem:v56+s2+$0x0], $0xffff  }
0x60: {  	v53 =	vshll.u32 v57, $0x10;
	v41 =	vand.u32 $0xFFFF0000, v57;
	v55 =	vld.idx.msk [tilespmem:v59+s2+$0x0], $0xffff;
	v37 =	vadd.f32 v61, v37  }
0x61: {  	v30 =	vadd.f32 v42, v30;
	v38 =	vadd.f32 v53, v38;
	v42 =	vld.idx.msk [tilespmem:v47+s2+$0x0], $0xffff;
	v57 =	vadd.s32 $0x1, v49  }
0x62: {  	v32 =	vadd.f32 v41, v32;
	v47 =	vld.idx.msk [tilespmem:v54+s10+$0x0], $0xffff;
	v56 =	vshll.u32 v60, $0x10;
	v58 =	vadd.s32 $0x2, v49  }
0x63: {  	v44 =	vand.u32 $0xFFFF0000, v60;
	v60 =	vadd.s32 $0x3, v49;
	v40 =	vadd.f32 v56, v40  }
0x64: {  	v33 =	vadd.f32 v44, v33;
	v59 =	vshll.u32 v62, $0x10;
	v46 =	vand.u32 $0xFFFF0000, v62  }
0x65: {  	v61 =	vshll.u32 v55, $0x10;
	v41 =	vand.u32 $0xFFFF0000, v55;
	v35 =	vadd.f32 v46, v35;
	v46 =	vld.idx.msk [tilespmem:v49+s2+$0x0], $0xffff  }
0x66: {  	v62 =	vadd.s32 $0x4, v49;
	v43 =	vadd.f32 v59, v43;
	v45 =	vadd.f32 v61, v45;
	v56 =	vld.idx.msk [tilespmem:v57+s2+$0x0], $0xffff  }
0x67: {  	v34 =	vadd.f32 v41, v34;
	v61 =	vadd.s32 $0x6, v49;
	v47 =	vmul.u32 $0x9, v47;
	v44 =	vld.idx.msk [tilespmem:v58+s2+$0x0], $0xffff  }
0x68: {  	v57 =	vshll.u32 v42, $0x10;
	v42 =	vand.u32 $0xFFFF0000, v42;
	v58 =	vadd.s32 $0x5, v49;
	v59 =	vld.idx.msk [tilespmem:v60+s2+$0x0], $0xffff  }
0x69: {  	v49 =	vadd.s32 $0x7, v49;
	v39 =	vadd.f32 v57, v39;
	v27 =	vadd.f32 v42, v27  }
0x6a: {  	v50 =	vadd.s32 $0x1, v47;
	v60 =	vshll.u32 v46, $0x10;
	v46 =	vand.u32 $0xFFFF0000, v46  }
0x6b: {  	v62 =	vld.idx.msk [tilespmem:v62+s2+$0x0], $0xffff;
	v29 =	vadd.f32 v60, v29;
	v31 =	vadd.f32 v46, v31;
	v52 =	vshll.u32 v56, $0x10  }
0x6c: {  	v41 =	vand.u32 $0xFFFF0000, v56;
	v53 =	vshll.u32 v44, $0x10;
	v55 =	vand.u32 $0xFFFF0000, v44  }
0x6d: {  	v54 =	vld.idx.msk [tilespmem:v58+s2+$0x0], $0xffff;
	v56 =	vshll.u32 v59, $0x10;
	v36 =	vadd.f32 v52, v36;
	v28 =	vadd.f32 v41, v28  }
0x6e: {  	v42 =	vand.u32 $0xFFFF0000, v59;
	v37 =	vadd.f32 v53, v37;
	v30 =	vadd.f32 v55, v30  }
0x6f: {  	v58 =	vadd.s32 v7, v26;
	v38 =	vadd.f32 v56, v38;
	v41 =	vld.idx.msk [tilespmem:v61+s2+$0x0], $0xffff;
	v32 =	vadd.f32 v42, v32  }
0x70: {  	v42 =	vld.idx.msk [tilespmem:v49+s2+$0x0], $0xffff;
	v61 =	vadd.s32 $0x2, v47;
	v57 =	vshll.u32 v62, $0x10;
	v59 =	vand.u32 $0xFFFF0000, v62  }
0x71: {  	v44 =	vld.idx.msk [tilespmem:v47+s2+$0x0], $0xffff;
	v40 =	vadd.f32 v57, v40;
	v33 =	vadd.f32 v59, v33  }
0x72: {  	v57 =	vadd.s32 $0x3, v47;
	v59 =	vadd.s32 $0x4, v47;
	v60 =	vshll.u32 v54, $0x10  }
0x73: {  	v46 =	vld.idx.msk [tilespmem:v50+s2+$0x0], $0xffff;
	v62 =	vand.u32 $0xFFFF0000, v54;
	v54 =	vadd.s32 v8, v26;
	v43 =	vadd.f32 v60, v43  }
0x74: {  	v48 =	vld.idx.msk [tilespmem:v58+s10+$0x0], $0xffff;
	v56 =	vshll.u32 v41, $0x10;
	v35 =	vadd.f32 v62, v35;
	v41 =	vand.u32 $0xFFFF0000, v41  }
0x75: {  	v58 =	vshll.u32 v42, $0x10;
	v42 =	vand.u32 $0xFFFF0000, v42;
	v34 =	vadd.f32 v41, v34;
	v41 =	vld.idx.msk [tilespmem:v61+s2+$0x0], $0xffff  }
0x76: {  	v60 =	vshll.u32 v44, $0x10;
	v45 =	vadd.f32 v56, v45;
	v61 =	vadd.s32 $0x5, v47  }
0x77: {  	v44 =	vand.u32 $0xFFFF0000, v44;
	v39 =	vadd.f32 v58, v39;
	v27 =	vadd.f32 v42, v27;
	v62 =	vld.idx.msk [tilespmem:v57+s2+$0x0], $0xffff  }
0x78: {  	v29 =	vadd.f32 v60, v29;
	v56 =	vshll.u32 v46, $0x10;
	v57 =	vadd.s32 $0x6, v47;
	v58 =	vld.idx.msk [tilespmem:v59+s2+$0x0], $0xffff  }
0x79: {  	v31 =	vadd.f32 v44, v31;
	v46 =	vand.u32 $0xFFFF0000, v46;
	v47 =	vadd.s32 $0x7, v47  }
0x7a: {  	v36 =	vadd.f32 v56, v36;
	v48 =	vmul.u32 $0x9, v48;
	v59 =	vshll.u32 v41, $0x10  }
0x7b: {  	v28 =	vadd.f32 v46, v28;
	v41 =	vand.u32 $0xFFFF0000, v41;
	v60 =	vld.idx.msk [tilespmem:v61+s2+$0x0], $0xffff;
	v37 =	vadd.f32 v59, v37  }
0x7c: {  	v30 =	vadd.f32 v41, v30;
	v59 =	vld.idx.msk [tilespmem:v54+s10+$0x0], $0xffff;
	v53 =	vshll.u32 v62, $0x10;
	v42 =	vand.u32 $0xFFFF0000, v62  }
0x7d: {  	v55 =	vld.idx.msk [tilespmem:v57+s2+$0x0], $0xffff;
	v61 =	vshll.u32 v58, $0x10;
	v44 =	vand.u32 $0xFFFF0000, v58;
	v62 =	vadd.s32 $0x1, v48  }
0x7e: {  	v57 =	vadd.s32 $0x3, v48;
	v38 =	vadd.f32 v53, v38;
	v32 =	vadd.f32 v42, v32;
	v42 =	vld.idx.msk [tilespmem:v47+s2+$0x0], $0xffff  }
0x7f: {  	v40 =	vadd.f32 v61, v40;
	v33 =	vadd.f32 v44, v33;
	v44 =	vadd.s32 $0x2, v48  }
0x80: {  	v61 =	vadd.s32 $0x4, v48;
	v58 =	vld.idx.msk [tilespmem:v48+s2+$0x0], $0xffff;
	v56 =	vshll.u32 v60, $0x10;
	v46 =	vand.u32 $0xFFFF0000, v60  }
0x81: {  	v43 =	vadd.f32 v56, v43;
	v35 =	vadd.f32 v46, v35;
	v47 =	vmul.u32 $0x9, v59  }
0x82: {  	v60 =	vshll.u32 v55, $0x10;
	v41 =	vand.u32 $0xFFFF0000, v55;
	v62 =	vld.idx.msk [tilespmem:v62+s2+$0x0], $0xffff;
	v55 =	vadd.s32 $0x5, v48  }
0x83: {  	v56 =	vld.idx.msk [tilespmem:v57+s2+$0x0], $0xffff;
	v45 =	vadd.f32 v60, v45;
	v34 =	vadd.f32 v41, v34;
	v54 =	vshll.u32 v42, $0x10  }
0x84: {  	v42 =	vand.u32 $0xFFFF0000, v42;
	v44 =	vld.idx.msk [tilespmem:v44+s2+$0x0], $0xffff;
	v50 =	vadd.s32 $0x1, v47;
	v39 =	vadd.f32 v54, v39  }
0x85: {  	v59 =	vld.idx.msk [tilespmem:v61+s2+$0x0], $0xffff;
	v27 =	vadd.f32 v42, v27;
	v57 =	vshll.u32 v58, $0x10;
	v46 =	vand.u32 $0xFFFF0000, v58  }
0x86: {  	v58 =	vadd.s32 $0x6, v48;
	v48 =	vadd.s32 $0x7, v48;
	v29 =	vadd.f32 v57, v29  }
0x87: {  	v31 =	vadd.f32 v46, v31;
	v60 =	vshll.u32 v62, $0x10;
	v41 =	vand.u32 $0xFFFF0000, v62  }
0x88: {  	v54 =	vshll.u32 v56, $0x10;
	v42 =	vand.u32 $0xFFFF0000, v56;
	v56 =	vadd.s32 v9, v26  }
0x89: {  	v62 =	vld.idx.msk [tilespmem:v55+s2+$0x0], $0xffff;
	v36 =	vadd.f32 v60, v36;
	v28 =	vadd.f32 v41, v28;
	v61 =	vshll.u32 v44, $0x10  }
0x8a: {  	v53 =	vand.u32 $0xFFFF0000, v44;
	v38 =	vadd.f32 v54, v38;
	v55 =	vshll.u32 v59, $0x10;
	v44 =	vld.idx.msk [tilespmem:v47+s2+$0x0], $0xffff  }
0x8b: {  	v32 =	vadd.f32 v42, v32;
	v57 =	vand.u32 $0xFFFF0000, v59;
	v59 =	vadd.s32 $0x2, v47;
	v41 =	vld.idx.msk [tilespmem:v58+s2+$0x0], $0xffff  }
0x8c: {  	v37 =	vadd.f32 v61, v37;
	v30 =	vadd.f32 v53, v30;
	v42 =	vld.idx.msk [tilespmem:v48+s2+$0x0], $0xffff  }
0x8d: {  	v40 =	vadd.f32 v55, v40;
	v33 =	vadd.f32 v57, v33  }
0x8e: {  	v46 =	vld.idx.msk [tilespmem:v50+s2+$0x0], $0xffff;
	v58 =	vshll.u32 v62, $0x10;
	v60 =	vand.u32 $0xFFFF0000, v62;
	v62 =	vadd.s32 $0x3, v47  }
0x8f: {  	v49 =	vld.idx.msk [tilespmem:v56+s10+$0x0], $0xffff;
	v56 =	vadd.s32 $0x4, v47;
	v43 =	vadd.f32 v58, v43;
	v35 =	vadd.f32 v60, v35  }
0x90: {  	v57 =	vld.idx.msk [tilespmem:v59+s2+$0x0], $0xffff;
	v58 =	vshll.u32 v44, $0x10;
	v59 =	vadd.s32 $0x5, v47;
	v44 =	vand.u32 $0xFFFF0000, v44  }
0x91: {  	v61 =	vshll.u32 v41, $0x10;
	v41 =	vand.u32 $0xFFFF0000, v41;
	v55 =	vshll.u32 v42, $0x10  }
0x92: {  	v42 =	vand.u32 $0xFFFF0000, v42;
	v29 =	vadd.f32 v58, v29;
	v31 =	vadd.f32 v44, v31  }
0x93: {  	v45 =	vadd.f32 v61, v45;
	v34 =	vadd.f32 v41, v34;
	v60 =	vld.idx.msk [tilespmem:v62+s2+$0x0], $0xffff;
	v62 =	vadd.s32 $0x6, v47  }
0x94: {  	v39 =	vadd.f32 v55, v39;
	v27 =	vadd.f32 v42, v27;
	v61 =	vshll.u32 v46, $0x10;
	v53 =	vld.idx.msk [tilespmem:v56+s2+$0x0], $0xffff  }
0x95: {  	v46 =	vand.u32 $0xFFFF0000, v46;
	v49 =	vmul.u32 $0x9, v49;
	v47 =	vadd.s32 $0x7, v47  }
0x96: {  	v36 =	vadd.f32 v61, v36;
	v28 =	vadd.f32 v46, v28;
	v54 =	vshll.u32 v57, $0x10;
	v55 =	vld.idx.msk [tilespmem:v59+s2+$0x0], $0xffff  }
0x97: {  	v41 =	vand.u32 $0xFFFF0000, v57;
	v57 =	vadd.s32 v10, v26;
	v37 =	vadd.f32 v54, v37  }
0x98: {  	v30 =	vadd.f32 v41, v30;
	v56 =	vshll.u32 v60, $0x10;
	v42 =	vand.u32 $0xFFFF0000, v60;
	v58 =	vld.idx.msk [tilespmem:v62+s2+$0x0], $0xffff  }
0x99: {  	v59 =	vshll.u32 v53, $0x10;
	v44 =	vand.u32 $0xFFFF0000, v53;
	v60 =	vadd.s32 $0x1, v49  }
0x9a: {  	v62 =	vadd.s32 $0x3, v49;
	v38 =	vadd.f32 v56, v38;
	v32 =	vadd.f32 v42, v32;
	v42 =	vld.idx.msk [tilespmem:v47+s2+$0x0], $0xffff  }
0x9b: {  	v33 =	vadd.f32 v44, v33;
	v44 =	vadd.s32 $0x2, v49;
	v61 =	vshll.u32 v55, $0x10;
	v56 =	vld.idx.msk [tilespmem:v49+s2+$0x0], $0xffff  }
0x9c: {  	v40 =	vadd.f32 v59, v40;
	v46 =	vand.u32 $0xFFFF0000, v55;
	v47 =	vld.idx.msk [tilespmem:v57+s10+$0x0], $0xffff;
	v43 =	vadd.f32 v61, v43  }
0x9d: {  	v35 =	vadd.f32 v46, v35;
	v61 =	vadd.s32 $0x5, v49;
	v57 =	vshll.u32 v58, $0x10  }
0x9e: {  	v41 =	vand.u32 $0xFFFF0000, v58;
	v58 =	vadd.s32 $0x4, v49;
	v59 =	vld.idx.msk [tilespmem:v60+s2+$0x0], $0xffff;
	v45 =	vadd.f32 v57, v45  }
0x9f: {  	v62 =	vld.idx.msk [tilespmem:v62+s2+$0x0], $0xffff;
	v34 =	vadd.f32 v41, v34;
	v60 =	vshll.u32 v42, $0x10;
	v42 =	vand.u32 $0xFFFF0000, v42  }
0xa0: {  	v44 =	vld.idx.msk [tilespmem:v44+s2+$0x0], $0xffff;
	v55 =	vshll.u32 v56, $0x10;
	v46 =	vand.u32 $0xFFFF0000, v56;
	v56 =	vadd.s32 $0x6, v49  }
0xa1: {  	v47 =	vmul.u32 $0x9, v47;
	v39 =	vadd.f32 v60, v39;
	v27 =	vadd.f32 v42, v27  }
0xa2: {  	v49 =	vadd.s32 $0x7, v49;
	v29 =	vadd.f32 v55, v29;
	v31 =	vadd.f32 v46, v31;
	v54 =	vld.idx.msk [tilespmem:v61+s2+$0x0], $0xffff  }
0xa3: {  	v61 =	vadd.s32 $0x1, v47;
	v57 =	vld.idx.msk [tilespmem:v58+s2+$0x0], $0xffff;
	v52 =	vshll.u32 v59, $0x10;
	v41 =	vand.u32 $0xFFFF0000, v59  }
0xa4: {  	v59 =	vshll.u32 v62, $0x10;
	v42 =	vand.u32 $0xFFFF0000, v62;
	v62 =	vadd.s32 v11, v26  }
0xa5: {  	v36 =	vadd.f32 v52, v36;
	v28 =	vadd.f32 v41, v28;
	v53 =	vshll.u32 v44, $0x10  }
0xa6: {  	v58 =	vand.u32 $0xFFFF0000, v44;
	v38 =	vadd.f32 v59, v38;
	v41 =	vld.idx.msk [tilespmem:v56+s2+$0x0], $0xffff;
	v32 =	vadd.f32 v42, v32  }
0xa7: {  	v42 =	vld.idx.msk [tilespmem:v49+s2+$0x0], $0xffff;
	v37 =	vadd.f32 v53, v37;
	v30 =	vadd.f32 v58, v30  }
0xa8: {  	v44 =	vld.idx.msk [tilespmem:v47+s2+$0x0], $0xffff;
	v60 =	vshll.u32 v57, $0x10;
	v55 =	vand.u32 $0xFFFF0000, v57;
	v57 =	vadd.s32 $0x2, v47  }
0xa9: {  	v56 =	vshll.u32 v54, $0x10;
	v58 =	vand.u32 $0xFFFF0000, v54;
	v48 =	vld.idx.msk [tilespmem:v62+s10+$0x0], $0xffff;
	v62 =	vadd.s32 $0x4, v47  }
0xaa: {  	v43 =	vadd.f32 v56, v43;
	v40 =	vadd.f32 v60, v40;
	v60 =	vadd.s32 $0x3, v47  }
0xab: {  	v35 =	vadd.f32 v58, v35;
	v46 =	vld.idx.msk [tilespmem:v61+s2+$0x0], $0xffff;
	v33 =	vadd.f32 v55, v33;
	v59 =	vshll.u32 v41, $0x10  }
0xac: {  	v41 =	vand.u32 $0xFFFF0000, v41;
	v61 =	vshll.u32 v42, $0x10;
	v42 =	vand.u32 $0xFFFF0000, v42  }
0xad: {  	v55 =	vadd.s32 v12, v26;
	v45 =	vadd.f32 v59, v45;
	v34 =	vadd.f32 v41, v34;
	v41 =	vld.idx.msk [tilespmem:v57+s2+$0x0], $0xffff  }
0xae: {  	v39 =	vadd.f32 v61, v39;
	v56 =	vshll.u32 v44, $0x10;
	v57 =	vadd.s32 $0x5, v47;
	v61 =	vld.idx.msk [tilespmem:v62+s2+$0x0], $0xffff  }
0xaf: {  	v27 =	vadd.f32 v42, v27;
	v44 =	vand.u32 $0xFFFF0000, v44;
	v58 =	vld.idx.msk [tilespmem:v60+s2+$0x0], $0xffff;
	v60 =	vadd.s32 $0x6, v47  }
0xb0: {  	v29 =	vadd.f32 v56, v29;
	v59 =	vshll.u32 v46, $0x10;
	v48 =	vmul.u32 $0x9, v48  }
0xb1: {  	v31 =	vadd.f32 v44, v31;
	v46 =	vand.u32 $0xFFFF0000, v46;
	v47 =	vadd.s32 $0x7, v47  }
0xb2: {  	v36 =	vadd.f32 v59, v36;
	v28 =	vadd.f32 v46, v28;
	v59 =	vadd.s32 $0x2, v48  }
0xb3: {  	v62 =	vshll.u32 v41, $0x10;
	v41 =	vand.u32 $0xFFFF0000, v41;
	v53 =	vld.idx.msk [tilespmem:v57+s2+$0x0], $0xffff;
	v57 =	vshll.u32 v61, $0x10  }
0xb4: {  	v44 =	vand.u32 $0xFFFF0000, v61;
	v37 =	vadd.f32 v62, v37;
	v30 =	vadd.f32 v41, v30;
	v56 =	vld.idx.msk [tilespmem:v60+s2+$0x0], $0xffff  }
0xb5: {  	v54 =	vshll.u32 v58, $0x10;
	v42 =	vand.u32 $0xFFFF0000, v58;
	v58 =	vadd.s32 $0x1, v48  }
0xb6: {  	v61 =	vadd.s32 $0x3, v48;
	v40 =	vadd.f32 v57, v40;
	v32 =	vadd.f32 v42, v32;
	v42 =	vld.idx.msk [tilespmem:v47+s2+$0x0], $0xffff  }
0xb7: {  	v33 =	vadd.f32 v44, v33;
	v38 =	vadd.f32 v54, v38;
	v47 =	vld.idx.msk [tilespmem:v55+s10+$0x0], $0xffff  }
0xb8: {  	v44 =	vld.idx.msk [tilespmem:v59+s2+$0x0], $0xffff;
	v59 =	vadd.s32 $0x5, v48;
	v60 =	vshll.u32 v53, $0x10;
	v46 =	vand.u32 $0xFFFF0000, v53  }
0xb9: {  	v43 =	vadd.f32 v60, v43;
	v35 =	vadd.f32 v46, v35;
	v46 =	vld.idx.msk [tilespmem:v48+s2+$0x0], $0xffff;
	v62 =	vshll.u32 v56, $0x10  }
0xba: {  	v41 =	vand.u32 $0xFFFF0000, v56;
	v56 =	vadd.s32 $0x4, v48;
	v57 =	vld.idx.msk [tilespmem:v58+s2+$0x0], $0xffff;
	v45 =	vadd.f32 v62, v45  }
0xbb: {  	v60 =	vld.idx.msk [tilespmem:v61+s2+$0x0], $0xffff;
	v34 =	vadd.f32 v41, v34;
	v58 =	vshll.u32 v42, $0x10;
	v42 =	vand.u32 $0xFFFF0000, v42  }
0xbc: {  	v62 =	vadd.s32 $0x6, v48;
	v47 =	vmul.u32 $0x9, v47;
	v48 =	vadd.s32 $0x7, v48  }
0xbd: {  	v39 =	vadd.f32 v58, v39;
	v27 =	vadd.f32 v42, v27;
	v58 =	vand.u32 $0xFFFF0000, v44  }
0xbe: {  	v30 =	vadd.f32 v58, v30;
	v61 =	vshll.u32 v46, $0x10;
	v46 =	vand.u32 $0xFFFF0000, v46  }
0xbf: {  	v54 =	vld.idx.msk [tilespmem:v56+s2+$0x0], $0xffff;
	v55 =	vshll.u32 v57, $0x10;
	v41 =	vand.u32 $0xFFFF0000, v57;
	v56 =	vshll.u32 v44, $0x10  }
0xc0: {  	v57 =	vld.idx.msk [tilespmem:v59+s2+$0x0], $0xffff;
	v59 =	vshll.u32 v60, $0x10;
	v42 =	vand.u32 $0xFFFF0000, v60;
	v29 =	vadd.f32 v61, v29  }
0xc1: {  	v31 =	vadd.f32 v46, v31;
	v28 =	vadd.f32 v41, v28;
	v41 =	vld.idx.msk [tilespmem:v62+s2+$0x0], $0xffff;
	v61 =	vadd.s32 $0x1, v47  }
0xc2: {  	v36 =	vadd.f32 v55, v36;
	v37 =	vadd.f32 v56, v37;
	v62 =	vadd.s32 v13, v26  }
0xc3: {  	v38 =	vadd.f32 v59, v38;
	v32 =	vadd.f32 v42, v32;
	v42 =	vld.idx.msk [tilespmem:v48+s2+$0x0], $0xffff;
	v56 =	vadd.s32 $0x2, v47  }
0xc4: {  	v59 =	vadd.s32 $0x3, v47;
	v60 =	vshll.u32 v54, $0x10;
	v54 =	vand.u32 $0xFFFF0000, v54  }
0xc5: {  	v44 =	vld.idx.msk [tilespmem:v47+s2+$0x0], $0xffff;
	v55 =	vshll.u32 v57, $0x10;
	v57 =	vand.u32 $0xFFFF0000, v57;
	v40 =	vadd.f32 v60, v40  }
0xc6: {  	v33 =	vadd.f32 v54, v33;
	v43 =	vadd.f32 v55, v43;
	v58 =	vshll.u32 v41, $0x10;
	v46 =	vld.idx.msk [tilespmem:v61+s2+$0x0], $0xffff  }
0xc7: {  	v35 =	vadd.f32 v57, v35;
	v49 =	vld.idx.msk [tilespmem:v62+s10+$0x0], $0xffff;
	v41 =	vand.u32 $0xFFFF0000, v41;
	v61 =	vadd.s32 $0x4, v47  }
0xc8: {  	v60 =	vshll.u32 v42, $0x10;
	v62 =	vld.idx.msk [tilespmem:v56+s2+$0x0], $0xffff;
	v42 =	vand.u32 $0xFFFF0000, v42;
	v56 =	vadd.s32 $0x5, v47  }
0xc9: {  	v57 =	vld.idx.msk [tilespmem:v59+s2+$0x0], $0xffff;
	v59 =	vadd.s32 $0x6, v47;
	v47 =	vadd.s32 $0x7, v47;
	v45 =	vadd.f32 v58, v45  }
0xca: {  	v54 =	vadd.s32 v14, v26;
	v34 =	vadd.f32 v41, v34;
	v39 =	vadd.f32 v60, v39  }
0xcb: {  	v55 =	vshll.u32 v44, $0x10;
	v27 =	vadd.f32 v42, v27;
	v44 =	vand.u32 $0xFFFF0000, v44  }
0xcc: {  	v29 =	vadd.f32 v55, v29;
	v31 =	vadd.f32 v44, v31;
	v58 =	vshll.u32 v46, $0x10;
	v60 =	vld.idx.msk [tilespmem:v61+s2+$0x0], $0xffff  }
0xcd: {  	v49 =	vmul.u32 $0x9, v49;
	v61 =	vshll.u32 v62, $0x10;
	v41 =	vand.u32 $0xFFFF0000, v62;
	v62 =	vld.idx.msk [tilespmem:v56+s2+$0x0], $0xffff  }
0xce: {  	v46 =	vand.u32 $0xFFFF0000, v46;
	v53 =	vshll.u32 v57, $0x10;
	v55 =	vld.idx.msk [tilespmem:v59+s2+$0x0], $0xffff;
	v36 =	vadd.f32 v58, v36  }
0xcf: {  	v42 =	vand.u32 $0xFFFF0000, v57;
	v28 =	vadd.f32 v46, v28;
	v37 =	vadd.f32 v61, v37  }
0xd0: {  	v30 =	vadd.f32 v41, v30;
	v32 =	vadd.f32 v42, v32;
	v42 =	vld.idx.msk [tilespmem:v47+s2+$0x0], $0xffff;
	v57 =	vadd.s32 $0x1, v49  }
0xd1: {  	v38 =	vadd.f32 v53, v38;
	v47 =	vld.idx.msk [tilespmem:v54+s10+$0x0], $0xffff;
	v58 =	vadd.s32 $0x2, v49;
	v56 =	vshll.u32 v60, $0x10  }
0xd2: {  	v44 =	vand.u32 $0xFFFF0000, v60;
	v59 =	vshll.u32 v62, $0x10;
	v46 =	vand.u32 $0xFFFF0000, v62  }
0xd3: {  	v60 =	vadd.s32 $0x3, v49;
	v61 =	vshll.u32 v55, $0x10;
	v40 =	vadd.f32 v56, v40  }
0xd4: {  	v62 =	vadd.s32 $0x4, v49;
	v33 =	vadd.f32 v44, v33;
	v35 =	vadd.f32 v46, v35;
	v46 =	vld.idx.msk [tilespmem:v49+s2+$0x0], $0xffff  }
0xd5: {  	v41 =	vand.u32 $0xFFFF0000, v55;
	v43 =	vadd.f32 v59, v43;
	v45 =	vadd.f32 v61, v45;
	v56 =	vld.idx.msk [tilespmem:v57+s2+$0x0], $0xffff  }
0xd6: {  	v34 =	vadd.f32 v41, v34;
	v61 =	vadd.s32 $0x6, v49;
	v47 =	vmul.u32 $0x9, v47;
	v44 =	vld.idx.msk [tilespmem:v58+s2+$0x0], $0xffff  }
0xd7: {  	v57 =	vshll.u32 v42, $0x10;
	v42 =	vand.u32 $0xFFFF0000, v42;
	v58 =	vadd.s32 $0x5, v49  }
0xd8: {  	v49 =	vadd.s32 $0x7, v49;
	v39 =	vadd.f32 v57, v39;
	v27 =	vadd.f32 v42, v27;
	v59 =	vld.idx.msk [tilespmem:v60+s2+$0x0], $0xffff  }
0xd9: {  	v50 =	vadd.s32 $0x1, v47;
	v62 =	vld.idx.msk [tilespmem:v62+s2+$0x0], $0xffff;
	v60 =	vshll.u32 v46, $0x10;
	v46 =	vand.u32 $0xFFFF0000, v46  }
0xda: {  	v29 =	vadd.f32 v60, v29;
	v31 =	vadd.f32 v46, v31;
	v52 =	vshll.u32 v56, $0x10  }
0xdb: {  	v41 =	vand.u32 $0xFFFF0000, v56;
	v53 =	vshll.u32 v44, $0x10;
	v55 =	vand.u32 $0xFFFF0000, v44  }
0xdc: {  	v54 =	vld.idx.msk [tilespmem:v58+s2+$0x0], $0xffff;
	v58 =	vadd.s32 v15, v26;
	v36 =	vadd.f32 v52, v36;
	v28 =	vadd.f32 v41, v28  }
0xdd: {  	v37 =	vadd.f32 v53, v37;
	v30 =	vadd.f32 v55, v30;
	v41 =	vld.idx.msk [tilespmem:v61+s2+$0x0], $0xffff;
	v61 =	vadd.s32 $0x2, v47  }
0xde: {  	v56 =	vshll.u32 v59, $0x10;
	v42 =	vand.u32 $0xFFFF0000, v59;
	v57 =	vshll.u32 v62, $0x10  }
0xdf: {  	v44 =	vld.idx.msk [tilespmem:v47+s2+$0x0], $0xffff;
	v59 =	vand.u32 $0xFFFF0000, v62;
	v38 =	vadd.f32 v56, v38;
	v32 =	vadd.f32 v42, v32  }
0xe0: {  	v40 =	vadd.f32 v57, v40;
	v33 =	vadd.f32 v59, v33  }
0xe1: {  	v46 =	vld.idx.msk [tilespmem:v50+s2+$0x0], $0xffff;
	v57 =	vadd.s32 $0x3, v47;
	v59 =	vadd.s32 $0x4, v47;
	v60 =	vshll.u32 v54, $0x10  }
0xe2: {  	v42 =	vld.idx.msk [tilespmem:v49+s2+$0x0], $0xffff;
	v62 =	vand.u32 $0xFFFF0000, v54;
	v54 =	vadd.s32 v16, v26;
	v43 =	vadd.f32 v60, v43  }
0xe3: {  	v48 =	vld.idx.msk [tilespmem:v58+s10+$0x0], $0xffff;
	v56 =	vshll.u32 v41, $0x10;
	v35 =	vadd.f32 v62, v35;
	v41 =	vand.u32 $0xFFFF0000, v41  }
0xe4: {  	v60 =	vshll.u32 v44, $0x10;
	v44 =	vand.u32 $0xFFFF0000, v44;
	v34 =	vadd.f32 v41, v34;
	v41 =	vld.idx.msk [tilespmem:v61+s2+$0x0], $0xffff  }
0xe5: {  	v45 =	vadd.f32 v56, v45;
	v61 =	vadd.s32 $0x5, v47;
	v29 =	vadd.f32 v60, v29  }
0xe6: {  	v56 =	vshll.u32 v46, $0x10;
	v31 =	vadd.f32 v44, v31;
	v46 =	vand.u32 $0xFFFF0000, v46;
	v62 =	vld.idx.msk [tilespmem:v57+s2+$0x0], $0xffff  }
0xe7: {  	v36 =	vadd.f32 v56, v36;
	v58 =	vshll.u32 v42, $0x10;
	v57 =	vadd.s32 $0x6, v47  }
0xe8: {  	v28 =	vadd.f32 v46, v28;
	v42 =	vand.u32 $0xFFFF0000, v42;
	v39 =	vadd.f32 v58, v39;
	v58 =	vld.idx.msk [tilespmem:v59+s2+$0x0], $0xffff  }
0xe9: {  	v47 =	vadd.s32 $0x7, v47;
	v48 =	vmul.u32 $0x9, v48;
	v59 =	vshll.u32 v41, $0x10  }
0xea: {  	v27 =	vadd.f32 v42, v27;
	v41 =	vand.u32 $0xFFFF0000, v41;
	v60 =	vld.idx.msk [tilespmem:v61+s2+$0x0], $0xffff;
	v37 =	vadd.f32 v59, v37  }
0xeb: {  	v30 =	vadd.f32 v41, v30;
	v59 =	vld.idx.msk [tilespmem:v54+s10+$0x0], $0xffff;
	v53 =	vshll.u32 v62, $0x10;
	v42 =	vand.u32 $0xFFFF0000, v62  }
0xec: {  	v55 =	vld.idx.msk [tilespmem:v57+s2+$0x0], $0xffff;
	v62 =	vadd.s32 $0x1, v48;
	v57 =	vadd.s32 $0x3, v48;
	v38 =	vadd.f32 v53, v38  }
0xed: {  	v32 =	vadd.f32 v42, v32;
	v61 =	vshll.u32 v58, $0x10;
	v44 =	vand.u32 $0xFFFF0000, v58  }
0xee: {  	v42 =	vld.idx.msk [tilespmem:v47+s2+$0x0], $0xffff;
	v40 =	vadd.f32 v61, v40;
	v33 =	vadd.f32 v44, v33  }
0xef: {  	v44 =	vadd.s32 $0x2, v48;
	v58 =	vld.idx.msk [tilespmem:v48+s2+$0x0], $0xffff;
	v56 =	vshll.u32 v60, $0x10;
	v46 =	vand.u32 $0xFFFF0000, v60  }
0xf0: {  	v61 =	vadd.s32 $0x4, v48;
	v43 =	vadd.f32 v56, v43;
	v35 =	vadd.f32 v46, v35  }
0xf1: {  	v47 =	vmul.u32 $0x9, v59;
	v60 =	vshll.u32 v55, $0x10;
	v41 =	vand.u32 $0xFFFF0000, v55;
	v62 =	vld.idx.msk [tilespmem:v62+s2+$0x0], $0xffff  }
0xf2: {  	v55 =	vadd.s32 $0x5, v48;
	v56 =	vld.idx.msk [tilespmem:v57+s2+$0x0], $0xffff;
	v45 =	vadd.f32 v60, v45;
	v34 =	vadd.f32 v41, v34  }
0xf3: {  	v54 =	vshll.u32 v42, $0x10;
	v42 =	vand.u32 $0xFFFF0000, v42;
	v50 =	vadd.s32 $0x1, v47  }
0xf4: {  	v44 =	vld.idx.msk [tilespmem:v44+s2+$0x0], $0xffff;
	v57 =	vshll.u32 v58, $0x10;
	v46 =	vand.u32 $0xFFFF0000, v58;
	v58 =	vadd.s32 $0x6, v48  }
0xf5: {  	v39 =	vadd.f32 v54, v39;
	v27 =	vadd.f32 v42, v27;
	v59 =	vld.idx.msk [tilespmem:v61+s2+$0x0], $0xffff;
	v48 =	vadd.s32 $0x7, v48  }
0xf6: {  	v29 =	vadd.f32 v57, v29;
	v31 =	vadd.f32 v46, v31;
	v60 =	vshll.u32 v62, $0x10  }
0xf7: {  	v41 =	vand.u32 $0xFFFF0000, v62;
	v54 =	vshll.u32 v56, $0x10;
	v42 =	vand.u32 $0xFFFF0000, v56  }
0xf8: {  	v62 =	vld.idx.msk [tilespmem:v55+s2+$0x0], $0xffff;
	v56 =	vadd.s32 v17, v26;
	v36 =	vadd.f32 v60, v36;
	v28 =	vadd.f32 v41, v28  }
0xf9: {  	v38 =	vadd.f32 v54, v38;
	v32 =	vadd.f32 v42, v32;
	v61 =	vshll.u32 v44, $0x10;
	v41 =	vld.idx.msk [tilespmem:v58+s2+$0x0], $0xffff  }
0xfa: {  	v53 =	vand.u32 $0xFFFF0000, v44;
	v55 =	vshll.u32 v59, $0x10;
	v42 =	vld.idx.msk [tilespmem:v48+s2+$0x0], $0xffff;
	v57 =	vand.u32 $0xFFFF0000, v59  }
0xfb: {  	v59 =	vadd.s32 $0x2, v47;
	v44 =	vld.idx.msk [tilespmem:v47+s2+$0x0], $0xffff;
	v37 =	vadd.f32 v61, v37;
	v30 =	vadd.f32 v53, v30  }
0xfc: {  	v40 =	vadd.f32 v55, v40;
	v33 =	vadd.f32 v57, v33  }
0xfd: {  	v46 =	vld.idx.msk [tilespmem:v50+s2+$0x0], $0xffff;
	v58 =	vshll.u32 v62, $0x10;
	v60 =	vand.u32 $0xFFFF0000, v62;
	v62 =	vadd.s32 $0x3, v47  }
0xfe: {  	v49 =	vld.idx.msk [tilespmem:v56+s10+$0x0], $0xffff;
	v56 =	vadd.s32 $0x4, v47;
	v43 =	vadd.f32 v58, v43;
	v35 =	vadd.f32 v60, v35  }
0xff: {  	v61 =	vshll.u32 v41, $0x10;
	v41 =	vand.u32 $0xFFFF0000, v41;
	v55 =	vshll.u32 v42, $0x10  }
0x100: {  	v57 =	vld.idx.msk [tilespmem:v59+s2+$0x0], $0xffff;
	v42 =	vand.u32 $0xFFFF0000, v42;
	v58 =	vshll.u32 v44, $0x10;
	v59 =	vadd.s32 $0x5, v47  }
0x101: {  	v44 =	vand.u32 $0xFFFF0000, v44;
	v45 =	vadd.f32 v61, v45;
	v34 =	vadd.f32 v41, v34  }
0x102: {  	v39 =	vadd.f32 v55, v39;
	v27 =	vadd.f32 v42, v27;
	v60 =	vld.idx.msk [tilespmem:v62+s2+$0x0], $0xffff;
	v62 =	vadd.s32 $0x6, v47  }
0x103: {  	v29 =	vadd.f32 v58, v29;
	v61 =	vshll.u32 v46, $0x10;
	v31 =	vadd.f32 v44, v31;
	v53 =	vld.idx.msk [tilespmem:v56+s2+$0x0], $0xffff  }
0x104: {  	v46 =	vand.u32 $0xFFFF0000, v46;
	v49 =	vmul.u32 $0x9, v49;
	v47 =	vadd.s32 $0x7, v47  }
0x105: {  	v36 =	vadd.f32 v61, v36;
	v28 =	vadd.f32 v46, v28;
	v54 =	vshll.u32 v57, $0x10;
	v55 =	vld.idx.msk [tilespmem:v59+s2+$0x0], $0xffff  }
0x106: {  	v41 =	vand.u32 $0xFFFF0000, v57;
	v57 =	vadd.s32 v18, v26;
	v37 =	vadd.f32 v54, v37  }
0x107: {  	v30 =	vadd.f32 v41, v30;
	v56 =	vshll.u32 v60, $0x10;
	v42 =	vand.u32 $0xFFFF0000, v60;
	v58 =	vld.idx.msk [tilespmem:v62+s2+$0x0], $0xffff  }
0x108: {  	v59 =	vshll.u32 v53, $0x10;
	v44 =	vand.u32 $0xFFFF0000, v53;
	v60 =	vadd.s32 $0x1, v49  }
0x109: {  	v62 =	vadd.s32 $0x3, v49;
	v38 =	vadd.f32 v56, v38;
	v32 =	vadd.f32 v42, v32;
	v42 =	vld.idx.msk [tilespmem:v47+s2+$0x0], $0xffff  }
0x10a: {  	v33 =	vadd.f32 v44, v33;
	v44 =	vadd.s32 $0x2, v49;
	v56 =	vld.idx.msk [tilespmem:v49+s2+$0x0], $0xffff;
	v61 =	vshll.u32 v55, $0x10  }
0x10b: {  	v40 =	vadd.f32 v59, v40;
	v46 =	vand.u32 $0xFFFF0000, v55;
	v47 =	vld.idx.msk [tilespmem:v57+s10+$0x0], $0xffff;
	v43 =	vadd.f32 v61, v43  }
0x10c: {  	v35 =	vadd.f32 v46, v35;
	v61 =	vadd.s32 $0x5, v49;
	v57 =	vshll.u32 v58, $0x10  }
0x10d: {  	v41 =	vand.u32 $0xFFFF0000, v58;
	v58 =	vadd.s32 $0x4, v49;
	v59 =	vld.idx.msk [tilespmem:v60+s2+$0x0], $0xffff;
	v45 =	vadd.f32 v57, v45  }
0x10e: {  	v62 =	vld.idx.msk [tilespmem:v62+s2+$0x0], $0xffff;
	v34 =	vadd.f32 v41, v34;
	v60 =	vshll.u32 v42, $0x10;
	v42 =	vand.u32 $0xFFFF0000, v42  }
0x10f: {  	v44 =	vld.idx.msk [tilespmem:v44+s2+$0x0], $0xffff;
	v55 =	vshll.u32 v56, $0x10;
	v46 =	vand.u32 $0xFFFF0000, v56;
	v56 =	vadd.s32 $0x6, v49  }
0x110: {  	v39 =	vadd.f32 v60, v39;
	v27 =	vadd.f32 v42, v27;
	v47 =	vmul.u32 $0x9, v47  }
0x111: {  	v49 =	vadd.s32 $0x7, v49;
	v29 =	vadd.f32 v55, v29;
	v31 =	vadd.f32 v46, v31;
	v54 =	vld.idx.msk [tilespmem:v61+s2+$0x0], $0xffff  }
0x112: {  	v61 =	vadd.s32 $0x1, v47;
	v57 =	vld.idx.msk [tilespmem:v58+s2+$0x0], $0xffff;
	v52 =	vshll.u32 v59, $0x10;
	v41 =	vand.u32 $0xFFFF0000, v59  }
0x113: {  	v59 =	vshll.u32 v62, $0x10;
	v42 =	vand.u32 $0xFFFF0000, v62;
	v62 =	vadd.s32 v19, v26  }
0x114: {  	v36 =	vadd.f32 v52, v36;
	v28 =	vadd.f32 v41, v28;
	v53 =	vshll.u32 v44, $0x10  }
0x115: {  	v58 =	vand.u32 $0xFFFF0000, v44;
	v38 =	vadd.f32 v59, v38;
	v41 =	vld.idx.msk [tilespmem:v56+s2+$0x0], $0xffff;
	v32 =	vadd.f32 v42, v32  }
0x116: {  	v42 =	vld.idx.msk [tilespmem:v49+s2+$0x0], $0xffff;
	v37 =	vadd.f32 v53, v37;
	v30 =	vadd.f32 v58, v30  }
0x117: {  	v60 =	vshll.u32 v57, $0x10;
	v55 =	vand.u32 $0xFFFF0000, v57;
	v57 =	vadd.s32 $0x2, v47  }
0x118: {  	v56 =	vshll.u32 v54, $0x10;
	v58 =	vand.u32 $0xFFFF0000, v54;
	v48 =	vld.idx.msk [tilespmem:v62+s10+$0x0], $0xffff;
	v62 =	vadd.s32 $0x4, v47  }
0x119: {  	v44 =	vld.idx.msk [tilespmem:v47+s2+$0x0], $0xffff;
	v43 =	vadd.f32 v56, v43;
	v40 =	vadd.f32 v60, v40;
	v60 =	vadd.s32 $0x3, v47  }
0x11a: {  	v35 =	vadd.f32 v58, v35;
	v46 =	vld.idx.msk [tilespmem:v61+s2+$0x0], $0xffff;
	v33 =	vadd.f32 v55, v33;
	v59 =	vshll.u32 v41, $0x10  }
0x11b: {  	v41 =	vand.u32 $0xFFFF0000, v41;
	v61 =	vshll.u32 v42, $0x10;
	v42 =	vand.u32 $0xFFFF0000, v42  }
0x11c: {  	v55 =	vadd.s32 v25, v26;
	v45 =	vadd.f32 v59, v45;
	v34 =	vadd.f32 v41, v34;
	v41 =	vld.idx.msk [tilespmem:v57+s2+$0x0], $0xffff  }
0x11d: {  	v39 =	vadd.f32 v61, v39;
	v27 =	vadd.f32 v42, v27;
	v57 =	vadd.s32 $0x5, v47;
	v61 =	vld.idx.msk [tilespmem:v62+s2+$0x0], $0xffff  }
0x11e: {  	v56 =	vshll.u32 v44, $0x10;
	v44 =	vand.u32 $0xFFFF0000, v44;
	v58 =	vld.idx.msk [tilespmem:v60+s2+$0x0], $0xffff;
	v60 =	vadd.s32 $0x6, v47  }
0x11f: {  	v29 =	vadd.f32 v56, v29;
	v59 =	vshll.u32 v46, $0x10;
	v48 =	vmul.u32 $0x9, v48  }
0x120: {  	v31 =	vadd.f32 v44, v31;
	v46 =	vand.u32 $0xFFFF0000, v46;
	v47 =	vadd.s32 $0x7, v47  }
0x121: {  	v36 =	vadd.f32 v59, v36;
	v28 =	vadd.f32 v46, v28;
	v59 =	vadd.s32 $0x2, v48  }
0x122: {  	v62 =	vshll.u32 v41, $0x10;
	v41 =	vand.u32 $0xFFFF0000, v41;
	v53 =	vld.idx.msk [tilespmem:v57+s2+$0x0], $0xffff;
	v57 =	vshll.u32 v61, $0x10  }
0x123: {  	v44 =	vand.u32 $0xFFFF0000, v61;
	v37 =	vadd.f32 v62, v37;
	v30 =	vadd.f32 v41, v30;
	v56 =	vld.idx.msk [tilespmem:v60+s2+$0x0], $0xffff  }
0x124: {  	v54 =	vshll.u32 v58, $0x10;
	v42 =	vand.u32 $0xFFFF0000, v58;
	v58 =	vadd.s32 $0x1, v48  }
0x125: {  	v61 =	vadd.s32 $0x3, v48;
	v40 =	vadd.f32 v57, v40;
	v32 =	vadd.f32 v42, v32;
	v42 =	vld.idx.msk [tilespmem:v47+s2+$0x0], $0xffff  }
0x126: {  	v33 =	vadd.f32 v44, v33;
	v38 =	vadd.f32 v54, v38;
	v47 =	vld.idx.msk [tilespmem:v55+s10+$0x0], $0xffff  }
0x127: {  	v44 =	vld.idx.msk [tilespmem:v59+s2+$0x0], $0xffff;
	v59 =	vadd.s32 $0x5, v48;
	v60 =	vshll.u32 v53, $0x10;
	v46 =	vand.u32 $0xFFFF0000, v53  }
0x128: {  	v43 =	vadd.f32 v60, v43;
	v35 =	vadd.f32 v46, v35;
	v46 =	vld.idx.msk [tilespmem:v48+s2+$0x0], $0xffff;
	v62 =	vshll.u32 v56, $0x10  }
0x129: {  	v41 =	vand.u32 $0xFFFF0000, v56;
	v56 =	vadd.s32 $0x4, v48;
	v57 =	vld.idx.msk [tilespmem:v58+s2+$0x0], $0xffff;
	v45 =	vadd.f32 v62, v45  }
0x12a: {  	v60 =	vld.idx.msk [tilespmem:v61+s2+$0x0], $0xffff;
	v34 =	vadd.f32 v41, v34;
	v58 =	vshll.u32 v42, $0x10;
	v42 =	vand.u32 $0xFFFF0000, v42  }
0x12b: {  	v62 =	vadd.s32 $0x6, v48;
	v47 =	vmul.u32 $0x9, v47;
	v48 =	vadd.s32 $0x7, v48  }
0x12c: {  	v39 =	vadd.f32 v58, v39;
	v27 =	vadd.f32 v42, v27;
	v58 =	vand.u32 $0xFFFF0000, v44  }
0x12d: {  	v30 =	vadd.f32 v58, v30;
	v61 =	vshll.u32 v46, $0x10;
	v46 =	vand.u32 $0xFFFF0000, v46  }
0x12e: {  	v54 =	vld.idx.msk [tilespmem:v56+s2+$0x0], $0xffff;
	v55 =	vshll.u32 v57, $0x10;
	v41 =	vand.u32 $0xFFFF0000, v57;
	v56 =	vshll.u32 v44, $0x10  }
0x12f: {  	v57 =	vld.idx.msk [tilespmem:v59+s2+$0x0], $0xffff;
	v59 =	vshll.u32 v60, $0x10;
	v42 =	vand.u32 $0xFFFF0000, v60;
	v29 =	vadd.f32 v61, v29  }
0x130: {  	v31 =	vadd.f32 v46, v31;
	v28 =	vadd.f32 v41, v28;
	v41 =	vld.idx.msk [tilespmem:v62+s2+$0x0], $0xffff;
	v61 =	vadd.s32 $0x1, v47  }
0x131: {  	v36 =	vadd.f32 v55, v36;
	v37 =	vadd.f32 v56, v37;
	v62 =	vadd.s32 v21, v26  }
0x132: {  	v38 =	vadd.f32 v59, v38;
	v32 =	vadd.f32 v42, v32;
	v42 =	vld.idx.msk [tilespmem:v48+s2+$0x0], $0xffff;
	v56 =	vadd.s32 $0x2, v47  }
0x133: {  	v59 =	vadd.s32 $0x3, v47;
	v60 =	vshll.u32 v54, $0x10;
	v54 =	vand.u32 $0xFFFF0000, v54  }
0x134: {  	v44 =	vld.idx.msk [tilespmem:v47+s2+$0x0], $0xffff;
	v55 =	vshll.u32 v57, $0x10;
	v57 =	vand.u32 $0xFFFF0000, v57;
	v40 =	vadd.f32 v60, v40  }
0x135: {  	v33 =	vadd.f32 v54, v33;
	v43 =	vadd.f32 v55, v43;
	v58 =	vshll.u32 v41, $0x10;
	v46 =	vld.idx.msk [tilespmem:v61+s2+$0x0], $0xffff  }
0x136: {  	v35 =	vadd.f32 v57, v35;
	v49 =	vld.idx.msk [tilespmem:v62+s10+$0x0], $0xffff;
	v41 =	vand.u32 $0xFFFF0000, v41;
	v61 =	vadd.s32 $0x4, v47  }
0x137: {  	v60 =	vshll.u32 v42, $0x10;
	v62 =	vld.idx.msk [tilespmem:v56+s2+$0x0], $0xffff;
	v42 =	vand.u32 $0xFFFF0000, v42;
	v56 =	vadd.s32 $0x5, v47  }
0x138: {  	v57 =	vld.idx.msk [tilespmem:v59+s2+$0x0], $0xffff;
	v59 =	vadd.s32 $0x6, v47;
	v47 =	vadd.s32 $0x7, v47;
	v45 =	vadd.f32 v58, v45  }
0x139: {  	v54 =	vadd.s32 v22, v26;
	v34 =	vadd.f32 v41, v34;
	v39 =	vadd.f32 v60, v39  }
0x13a: {  	v55 =	vshll.u32 v44, $0x10;
	v27 =	vadd.f32 v42, v27;
	v44 =	vand.u32 $0xFFFF0000, v44  }
0x13b: {  	v29 =	vadd.f32 v55, v29;
	v31 =	vadd.f32 v44, v31;
	v58 =	vshll.u32 v46, $0x10;
	v60 =	vld.idx.msk [tilespmem:v61+s2+$0x0], $0xffff  }
0x13c: {  	v49 =	vmul.u32 $0x9, v49;
	v61 =	vshll.u32 v62, $0x10;
	v41 =	vand.u32 $0xFFFF0000, v62;
	v62 =	vld.idx.msk [tilespmem:v56+s2+$0x0], $0xffff  }
0x13d: {  	v46 =	vand.u32 $0xFFFF0000, v46;
	v53 =	vshll.u32 v57, $0x10;
	v55 =	vld.idx.msk [tilespmem:v59+s2+$0x0], $0xffff;
	v36 =	vadd.f32 v58, v36  }
0x13e: {  	v42 =	vand.u32 $0xFFFF0000, v57;
	v28 =	vadd.f32 v46, v28;
	v37 =	vadd.f32 v61, v37  }
0x13f: {  	v30 =	vadd.f32 v41, v30;
	v32 =	vadd.f32 v42, v32;
	v42 =	vld.idx.msk [tilespmem:v47+s2+$0x0], $0xffff;
	v57 =	vadd.s32 $0x1, v49  }
0x140: {  	v38 =	vadd.f32 v53, v38;
	v47 =	vld.idx.msk [tilespmem:v54+s10+$0x0], $0xffff;
	v58 =	vadd.s32 $0x2, v49;
	v56 =	vshll.u32 v60, $0x10  }
0x141: {  	v44 =	vand.u32 $0xFFFF0000, v60;
	v59 =	vshll.u32 v62, $0x10;
	v46 =	vand.u32 $0xFFFF0000, v62  }
0x142: {  	v60 =	vadd.s32 $0x3, v49;
	v61 =	vshll.u32 v55, $0x10;
	v40 =	vadd.f32 v56, v40  }
0x143: {  	v62 =	vadd.s32 $0x4, v49;
	v33 =	vadd.f32 v44, v33;
	v35 =	vadd.f32 v46, v35;
	v46 =	vld.idx.msk [tilespmem:v49+s2+$0x0], $0xffff  }
0x144: {  	v41 =	vand.u32 $0xFFFF0000, v55;
	v43 =	vadd.f32 v59, v43;
	v45 =	vadd.f32 v61, v45;
	v56 =	vld.idx.msk [tilespmem:v57+s2+$0x0], $0xffff  }
0x145: {  	v34 =	vadd.f32 v41, v34;
	v61 =	vadd.s32 $0x6, v49;
	v47 =	vmul.u32 $0x9, v47;
	v44 =	vld.idx.msk [tilespmem:v58+s2+$0x0], $0xffff  }
0x146: {  	v57 =	vshll.u32 v42, $0x10;
	v42 =	vand.u32 $0xFFFF0000, v42;
	v58 =	vadd.s32 $0x5, v49  }
0x147: {  	v49 =	vadd.s32 $0x7, v49;
	v39 =	vadd.f32 v57, v39;
	v27 =	vadd.f32 v42, v27;
	v59 =	vld.idx.msk [tilespmem:v60+s2+$0x0], $0xffff  }
0x148: {  	v50 =	vadd.s32 $0x1, v47;
	v62 =	vld.idx.msk [tilespmem:v62+s2+$0x0], $0xffff;
	v60 =	vshll.u32 v46, $0x10;
	v46 =	vand.u32 $0xFFFF0000, v46  }
0x149: {  	v29 =	vadd.f32 v60, v29;
	v31 =	vadd.f32 v46, v31;
	v52 =	vshll.u32 v56, $0x10  }
0x14a: {  	v41 =	vand.u32 $0xFFFF0000, v56;
	v53 =	vshll.u32 v44, $0x10;
	v55 =	vand.u32 $0xFFFF0000, v44  }
0x14b: {  	v54 =	vld.idx.msk [tilespmem:v58+s2+$0x0], $0xffff;
	v58 =	vadd.s32 v23, v26;
	v36 =	vadd.f32 v52, v36;
	v28 =	vadd.f32 v41, v28  }
0x14c: {  	v37 =	vadd.f32 v53, v37;
	v30 =	vadd.f32 v55, v30;
	v41 =	vld.idx.msk [tilespmem:v61+s2+$0x0], $0xffff;
	v61 =	vadd.s32 $0x2, v47  }
0x14d: {  	v44 =	vld.idx.msk [tilespmem:v47+s2+$0x0], $0xffff;
	v56 =	vshll.u32 v59, $0x10;
	v42 =	vand.u32 $0xFFFF0000, v59;
	v57 =	vshll.u32 v62, $0x10  }
0x14e: {  	v59 =	vand.u32 $0xFFFF0000, v62;
	v38 =	vadd.f32 v56, v38;
	v32 =	vadd.f32 v42, v32  }
0x14f: {  	v46 =	vld.idx.msk [tilespmem:v50+s2+$0x0], $0xffff;
	v40 =	vadd.f32 v57, v40;
	v33 =	vadd.f32 v59, v33;
	v57 =	vadd.s32 $0x3, v47  }
0x150: {  	v59 =	vadd.s32 $0x4, v47;
	v60 =	vshll.u32 v54, $0x10;
	v62 =	vand.u32 $0xFFFF0000, v54  }
0x151: {  	v42 =	vld.idx.msk [tilespmem:v49+s2+$0x0], $0xffff;
	v43 =	vadd.f32 v60, v43;
	v56 =	vshll.u32 v41, $0x10;
	v35 =	vadd.f32 v62, v35  }
0x152: {  	v48 =	vld.idx.msk [tilespmem:v58+s10+$0x0], $0xffff;
	v41 =	vand.u32 $0xFFFF0000, v41;
	v60 =	vshll.u32 v44, $0x10;
	v44 =	vand.u32 $0xFFFF0000, v44  }
0x153: {  	v45 =	vadd.f32 v56, v45;
	v34 =	vadd.f32 v41, v34;
	v41 =	vld.idx.msk [tilespmem:v61+s2+$0x0], $0xffff;
	v61 =	vadd.s32 $0x5, v47  }
0x154: {  	v29 =	vadd.f32 v60, v29;
	v56 =	vshll.u32 v46, $0x10;
	v31 =	vadd.f32 v44, v31  }
0x155: {  	v46 =	vand.u32 $0xFFFF0000, v46;
	v36 =	vadd.f32 v56, v36;
	v62 =	vld.idx.msk [tilespmem:v57+s2+$0x0], $0xffff;
	v57 =	vadd.s32 $0x6, v47  }
0x156: {  	v28 =	vadd.f32 v46, v28;
	v58 =	vshll.u32 v42, $0x10;
	v42 =	vand.u32 $0xFFFF0000, v42  }
0x157: {  	v47 =	vadd.s32 $0x7, v47;
	v39 =	vadd.f32 v58, v39;
	v48 =	vmul.u32 $0x9, v48;
	v58 =	vld.idx.msk [tilespmem:v59+s2+$0x0], $0xffff  }
0x158: {  	v27 =	vadd.f32 v42, v27;
	v59 =	vshll.u32 v41, $0x10;
	v41 =	vand.u32 $0xFFFF0000, v41  }
0x159: {  	v60 =	vld.idx.msk [tilespmem:v61+s2+$0x0], $0xffff;
	v50 =	vadd.s32 $0x1, v48;
	v56 =	vadd.s32 $0x2, v48;
	v37 =	vadd.f32 v59, v37  }
0x15a: {  	v30 =	vadd.f32 v41, v30;
	v61 =	vshll.u32 v62, $0x10;
	v42 =	vand.u32 $0xFFFF0000, v62;
	v54 =	vld.idx.msk [tilespmem:v57+s2+$0x0], $0xffff  }
0x15b: {  	v62 =	vadd.s32 v24, v26;
	v26 =	vadd.s32 v63, v26;
	v38 =	vadd.f32 v61, v38  }
0x15c: {  	v32 =	vadd.f32 v42, v32;
	v55 =	vshll.u32 v58, $0x10;
	v44 =	vand.u32 $0xFFFF0000, v58;
	v42 =	vld.idx.msk [tilespmem:v47+s2+$0x0], $0xffff  }
0x15d: {  	v58 =	vadd.s32 $0x3, v48;
	v40 =	vadd.f32 v55, v40;
	v33 =	vadd.f32 v44, v33;
	v59 =	vld.idx.msk [tilespmem:v48+s2+$0x0], $0xffff  }
0x15e: {  	v57 =	vshll.u32 v60, $0x10;
	v46 =	vand.u32 $0xFFFF0000, v60;
	v44 =	vld.idx.msk [tilespmem:v56+s2+$0x0], $0xffff;
	v56 =	vadd.s32 $0x5, v48  }
0x15f: {  	v43 =	vadd.f32 v57, v43;
	v35 =	vadd.f32 v46, v35;
	v61 =	vshll.u32 v54, $0x10  }
0x160: {  	v60 =	vld.idx.msk [tilespmem:v62+s10+$0x0], $0xffff;
	v41 =	vand.u32 $0xFFFF0000, v54;
	v62 =	vadd.s32 $0x4, v48;
	v45 =	vadd.f32 v61, v45  }
0x161: {  	v54 =	vld.idx.msk [tilespmem:v50+s2+$0x0], $0xffff;
	v34 =	vadd.f32 v41, v34;
	v55 =	vshll.u32 v42, $0x10;
	v42 =	vand.u32 $0xFFFF0000, v42  }
0x162: {  	v26 =	vld.idx.msk [tilespmem:v26+s10+$0x0], $0xffff;
	v39 =	vadd.f32 v55, v39;
	v27 =	vadd.f32 v42, v27  }
0x163: {  	v57 =	vld.idx.msk [tilespmem:v58+s2+$0x0], $0xffff;
	v58 =	vshll.u32 v59, $0x10;
	v46 =	vand.u32 $0xFFFF0000, v59;
	v59 =	vadd.s32 $0x6, v48  }
0x164: {  	v48 =	vadd.s32 $0x7, v48;
	v29 =	vadd.f32 v58, v29;
	v53 =	vand.u32 $0xFFFF0000, v44  }
0x165: {  	v31 =	vadd.f32 v46, v31;
	v52 =	vld.idx.msk [tilespmem:v56+s2+$0x0], $0xffff;
	v30 =	vadd.f32 v53, v30;
	v47 =	vmul.u32 $0x9, v60  }
0x166: {  	v60 =	vld.idx.msk [tilespmem:v62+s2+$0x0], $0xffff;
	v61 =	vshll.u32 v54, $0x10;
	v41 =	vand.u32 $0xFFFF0000, v54;
	v62 =	vshll.u32 v44, $0x10  }
0x167: {  	v26 =	vmul.u32 $0x9, v26;
	v36 =	vadd.f32 v61, v36;
	v28 =	vadd.f32 v41, v28  }
0x168: {  	v37 =	vadd.f32 v62, v37;
	v42 =	vand.u32 $0xFFFF0000, v57;
	v41 =	vld.idx.msk [tilespmem:v59+s2+$0x0], $0xffff;
	v56 =	vadd.s32 $0x1, v47  }
0x169: {  	v54 =	vshll.u32 v57, $0x10;
	v32 =	vadd.f32 v42, v32;
	v42 =	vld.idx.msk [tilespmem:v48+s2+$0x0], $0xffff;
	v59 =	vadd.s32 $0x2, v47  }
0x16a: {  	v38 =	vadd.f32 v54, v38;
	v62 =	vadd.s32 $0x3, v47;
	v58 =	vshll.u32 v52, $0x10  }
0x16b: {  	v43 =	vadd.f32 v58, v43;
	v55 =	vshll.u32 v60, $0x10;
	v57 =	vand.u32 $0xFFFF0000, v60  }
0x16c: {  	v60 =	vand.u32 $0xFFFF0000, v52;
	v40 =	vadd.f32 v55, v40;
	v33 =	vadd.f32 v57, v33;
	v44 =	vld.idx.msk [tilespmem:v47+s2+$0x0], $0xffff  }
0x16d: {  	v35 =	vadd.f32 v60, v35;
	v61 =	vshll.u32 v41, $0x10;
	v54 =	vld.idx.msk [tilespmem:v56+s2+$0x0], $0xffff;
	v41 =	vand.u32 $0xFFFF0000, v41  }
0x16e: {  	v55 =	vshll.u32 v42, $0x10;
	v56 =	vadd.s32 $0x4, v47;
	v57 =	vld.idx.msk [tilespmem:v59+s2+$0x0], $0xffff;
	v42 =	vand.u32 $0xFFFF0000, v42  }
0x16f: {  	v59 =	vadd.s32 $0x5, v47;
	v60 =	vld.idx.msk [tilespmem:v62+s2+$0x0], $0xffff;
	v62 =	vadd.s32 $0x6, v47;
	v45 =	vadd.f32 v61, v45  }
0x170: {  	v47 =	vadd.s32 $0x7, v47;
	v34 =	vadd.f32 v41, v34;
	v39 =	vadd.f32 v55, v39  }
0x171: {  	v27 =	vadd.f32 v42, v27;
	v58 =	vshll.u32 v44, $0x10;
	v44 =	vand.u32 $0xFFFF0000, v44  }
0x172: {  	v29 =	vadd.f32 v58, v29;
	v61 =	vshll.u32 v54, $0x10;
	v31 =	vadd.f32 v44, v31  }
0x173: {  	s17 =	sadd.s32 $0x10, s16;
	v52 =	vld.idx.msk [tilespmem:v56+s2+$0x0], $0xffff;
	v46 =	vand.u32 $0xFFFF0000, v54;
	v53 =	vshll.u32 v57, $0x10;
	v41 =	vand.u32 $0xFFFF0000, v57  }
0x174: {  	v54 =	vld.idx.msk [tilespmem:v59+s2+$0x0], $0xffff;
	v57 =	vshll.u32 v60, $0x10;
	v58 =	vmov s17;
	v42 =	vand.u32 $0xFFFF0000, v60  }
0x175: {  	v36 =	vadd.f32 v61, v36;
	v48 =	vadd.f32 v57, v38;
	v38 =	vld.idx.msk [tilespmem:v62+s2+$0x0], $0xffff;
	v59 =	vmul.u32 $0x1A, v58  }
0x176: {  	v28 =	vadd.f32 v46, v28;
	v46 =	vadd.f32 v53, v37;
	v61 =	vadd.s32 $0x1, v26  }
0x177: {  	v32 =	vadd.f32 v42, v32;
	v62 =	vld.idx.msk [tilespmem:v47+s2+$0x0], $0xffff;
	v57 =	vadd.s32 $0x2, v26;
	v42 =	vbroadcast v59, $0x0  }
0x178: {  	v30 =	vadd.f32 v41, v30;
	v60 =	vshll.u32 v52, $0x10;
	v55 =	vand.u32 $0xFFFF0000, v52  }
0x179: {  	v41 =	vadd.s32 v0, v42;
	v37 =	vand.u32 $0xFFFF0000, v54;
	v52 =	vadd.s32 $0x3, v26  }
0x17a: {  	v51 =	vadd.f32 v55, v33;
	v33 =	vld.idx.msk [tilespmem:v26+s2+$0x0], $0xffff;
	v58 =	vshll.u32 v38, $0x10;
	v53 =	vadd.f32 v37, v35  }
0x17b: {  	v35 =	vld.idx.msk [tilespmem:v61+s2+$0x0], $0xffff;
	v59 =	vand.u32 $0xFFFF0000, v38;
	v44 =	vadd.f32 v58, v45;
	v45 =	vadd.s32 $0x4, v26  }
0x17c: {  	v61 =	vand.u32 $0xFFFF0000, v62;
	v50 =	vadd.f32 v59, v34;
	v34 =	vld.idx.msk [tilespmem:v57+s2+$0x0], $0xffff;
	v57 =	vadd.s32 $0x5, v26  }
0x17d: {  	v55 =	vadd.f32 v61, v27;
	v61 =	vadd.s32 $0x6, v26  }
0x17e: {  	v56 =	vshll.u32 v54, $0x10;
	v49 =	vadd.f32 v60, v40;
	v26 =	vadd.s32 $0x7, v26;
	v58 =	vld.idx.msk [tilespmem:v41+s10+$0x0], $0xffff  }
0x17f: {  	v43 =	vadd.f32 v56, v43;
	v60 =	vshll.u32 v62, $0x10;
	v27 =	vld.idx.msk [tilespmem:v52+s2+$0x0], $0xffff;
	v59 =	vand.u32 $0xFFFF0000, v33  }
0x180: {  	v56 =	vadd.s32 v1, v42;
	v62 =	vshll.u32 v33, $0x10;
	v41 =	vadd.f32 v59, v31;
	v31 =	vld.idx.msk [tilespmem:v45+s2+$0x0], $0xffff  }
0x181: {  	v54 =	vadd.f32 v60, v39;
	v60 =	vshll.u32 v35, $0x10;
	v40 =	vadd.f32 v62, v29;
	v45 =	vld.idx.msk [tilespmem:v57+s2+$0x0], $0xffff  }
0x182: {  	v38 =	vadd.f32 v60, v36;
	v62 =	vand.u32 $0xFFFF0000, v35;
	v33 =	vshll.u32 v34, $0x10;
	v60 =	vld.idx.msk [tilespmem:v61+s2+$0x0], $0xffff  }
0x183: {  	v35 =	vand.u32 $0xFFFF0000, v34;
	v61 =	vadd.s32 v2, v42;
	v26 =	vld.idx.msk [tilespmem:v26+s2+$0x0], $0xffff;
	v37 =	vadd.f32 v62, v28  }
0x184: {  	v39 =	vadd.f32 v33, v46;
	v47 =	vmul.u32 $0x9, v58;
	v59 =	vshll.u32 v27, $0x10  }
0x185: {  	v36 =	vadd.f32 v35, v30;
	v27 =	vand.u32 $0xFFFF0000, v27;
	v35 =	vadd.f32 v59, v48  }
0x186: {  	v34 =	vadd.f32 v27, v32;
	v27 =	vshll.u32 v31, $0x10;
	v62 =	vadd.s32 $0x1, v47  }
0x187: {  	v57 =	vadd.s32 $0x2, v47;
	v58 =	vand.u32 $0xFFFF0000, v45;
	v28 =	vand.u32 $0xFFFF0000, v60  }
0x188: {  	v59 =	vld.idx.msk [tilespmem:v56+s10+$0x0], $0xffff;
	v56 =	vshll.u32 v26, $0x10;
	v33 =	vadd.f32 v27, v49;
	v27 =	vand.u32 $0xFFFF0000, v31  }
0x189: {  	v26 =	vand.u32 $0xFFFF0000, v26;
	v32 =	vadd.f32 v27, v51;
	v27 =	vshll.u32 v45, $0x10  }
0x18a: {  	v49 =	vadd.s32 $0x3, v47;
	v31 =	vadd.f32 v27, v43;
	v27 =	vshll.u32 v60, $0x10;
	v60 =	vld.idx.msk [tilespmem:v61+s10+$0x0], $0xffff  }
0x18b: {  	v29 =	vadd.f32 v58, v53;
	v58 =	vadd.s32 $0x5, v47;
	v0 =	vadd.f32 v26, v55;
	v43 =	vld.idx.msk [tilespmem:v47+s2+$0x0], $0xffff  }
0x18c: {  	v53 =	vadd.s32 $0x6, v47;
	v62 =	vld.idx.msk [tilespmem:v62+s2+$0x0], $0xffff  }
0x18d: {  	v61 =	vadd.s32 $0x4, v47;
	v30 =	vadd.f32 v27, v44;
	v45 =	vmul.u32 $0x9, v59;
	v57 =	vld.idx.msk [tilespmem:v57+s2+$0x0], $0xffff  }
0x18e: {  	v26 =	vmovc v63;
	v63 =	vadd.s32 v3, v42;
	v27 =	vadd.f32 v28, v50;
	v28 =	vadd.f32 v56, v54  }
0x18f: {  	[tilespmem:$0x1FFB0] =	vst v0;
	v47 =	vadd.s32 $0x7, v47;
	v0 =	vmovc v9;
	v9 =	vmovc v4;
	v49 =	vld.idx.msk [tilespmem:v49+s2+$0x0], $0xffff;
	v2 =	vadd.s32 $0x4, v45;
	v4 =	vadd.s32 $0x5, v45  }
0x190: {  	v48 =	vld.idx.msk [tilespmem:v58+s2+$0x0], $0xffff;
	v51 =	vmul.u32 $0x9, v60;
	v59 =	vshll.u32 v43, $0x10;
	v43 =	vand.u32 $0xFFFF0000, v43  }
0x191: {  	v53 =	vld.idx.msk [tilespmem:v53+s2+$0x0], $0xffff;
	v50 =	vadd.f32 $0.0e+00, v59;
	v43 =	vadd.f32 $0.0e+00, v43;
	v60 =	vshll.u32 v62, $0x10  }
0x192: {  	v52 =	vld.idx.msk [tilespmem:v61+s2+$0x0], $0xffff;
	v44 =	vand.u32 $0xFFFF0000, v62;
	v61 =	vshll.u32 v57, $0x10;
	v46 =	vand.u32 $0xFFFF0000, v57  }
0x193: {  	v57 =	vadd.s32 $0x1, v45;
	v54 =	vadd.f32 $0.0e+00, v60;
	v44 =	vadd.f32 $0.0e+00, v44  }
0x194: {  	v59 =	vadd.s32 $0x2, v45;
	v55 =	vadd.f32 $0.0e+00, v61;
	v46 =	vadd.f32 $0.0e+00, v46;
	v61 =	vld.idx.msk [tilespmem:v45+s2+$0x0], $0xffff  }
0x195: {  	v62 =	vshll.u32 v49, $0x10;
	v49 =	vand.u32 $0xFFFF0000, v49;
	v60 =	vshll.u32 v48, $0x10  }
0x196: {  	v47 =	vld.idx.msk [tilespmem:v47+s2+$0x0], $0xffff;
	v48 =	vand.u32 $0xFFFF0000, v48;
	v56 =	vadd.f32 $0.0e+00, v62;
	v62 =	vadd.s32 $0x3, v45  }
0x197: {  	v1 =	vshll.u32 v53, $0x10;
	v49 =	vadd.f32 $0.0e+00, v49;
	v60 =	vadd.f32 $0.0e+00, v60  }
0x198: {  	v20 =	vmovc v15;
	v53 =	vand.u32 $0xFFFF0000, v53;
	v48 =	vadd.f32 $0.0e+00, v48;
	v1 =	vadd.f32 $0.0e+00, v1;
	v57 =	vld.idx.msk [tilespmem:v57+s2+$0x0], $0xffff  }
0x199: {  	v15 =	vmovc v10;
	v10 =	vmovc v5;
	v53 =	vadd.f32 $0.0e+00, v53;
	v58 =	vshll.u32 v52, $0x10;
	v59 =	vld.idx.msk [tilespmem:v59+s2+$0x0], $0xffff;
	v5 =	vshll.u32 v61, $0x10  }
0x19a: {  	v2 =	vld.idx.msk [tilespmem:v2+s2+$0x0], $0xffff;
	v5 =	vadd.f32 v5, v50;
	v50 =	vand.u32 $0xFFFF0000, v61;
	v61 =	vadd.s32 $0x6, v45  }
0x19b: {  	v52 =	vand.u32 $0xFFFF0000, v52;
	v58 =	vadd.f32 $0.0e+00, v58;
	v3 =	vshll.u32 v47, $0x10;
	v62 =	vld.idx.msk [tilespmem:v62+s2+$0x0], $0xffff  }
0x19c: {  	v52 =	vadd.f32 $0.0e+00, v52;
	v47 =	vand.u32 $0xFFFF0000, v47;
	v3 =	vadd.f32 $0.0e+00, v3  }
0x19d: {  	v43 =	vadd.f32 v50, v43;
	v50 =	vshll.u32 v57, $0x10;
	v57 =	vand.u32 $0xFFFF0000, v57  }
0x19e: {  	v4 =	vld.idx.msk [tilespmem:v4+s2+$0x0], $0xffff;
	v45 =	vadd.s32 $0x7, v45;
	v44 =	vadd.f32 v57, v44;
	v57 =	vand.u32 $0xFFFF0000, v59  }
0x19f: {  	v50 =	vadd.f32 v50, v54;
	v54 =	vshll.u32 v59, $0x10;
	v46 =	vadd.f32 v57, v46;
	v57 =	vld.idx.msk [tilespmem:v61+s2+$0x0], $0xffff  }
0x1a0: {  	v54 =	vadd.f32 v54, v55;
	v59 =	vshll.u32 v62, $0x10;
	v61 =	vld.idx.msk [tilespmem:v63+s10+$0x0], $0xffff;
	v63 =	vshll.u32 v2, $0x10  }
0x1a1: {  	v2 =	vand.u32 $0xFFFF0000, v2;
	v55 =	vadd.f32 v59, v56;
	v59 =	vadd.s32 $0x1, v51  }
0x1a2: {  	v47 =	vadd.f32 $0.0e+00, v47;
	v56 =	vand.u32 $0xFFFF0000, v62;
	v2 =	vadd.f32 v2, v52  }
0x1a3: {  	v45 =	vld.idx.msk [tilespmem:v45+s2+$0x0], $0xffff;
	v52 =	vadd.s32 $0x2, v51;
	v49 =	vadd.f32 v56, v49;
	v56 =	vadd.f32 v63, v58  }
0x1a4: {  	v62 =	vld.idx.msk [tilespmem:v51+s2+$0x0], $0xffff;
	v58 =	vshll.u32 v4, $0x10;
	v4 =	vand.u32 $0xFFFF0000, v4;
	v63 =	vadd.s32 $0x3, v51  }
0x1a5: {  	v58 =	vadd.f32 v58, v60;
	v4 =	vadd.f32 v4, v48  }
0x1a6: {  	v60 =	vadd.s32 $0x4, v51;
	v48 =	vshll.u32 v57, $0x10;
	v57 =	vand.u32 $0xFFFF0000, v57;
	v59 =	vld.idx.msk [tilespmem:v59+s2+$0x0], $0xffff  }
0x1a7: {  	v61 =	vmul.u32 $0x9, v61;
	v1 =	vadd.f32 v48, v1;
	v48 =	vadd.f32 v57, v53  }
0x1a8: {  	v53 =	vshll.u32 v45, $0x10;
	v45 =	vand.u32 $0xFFFF0000, v45;
	v52 =	vld.idx.msk [tilespmem:v52+s2+$0x0], $0xffff;
	v57 =	vadd.s32 $0x5, v51  }
0x1a9: {  	v3 =	vadd.f32 v53, v3;
	v45 =	vadd.f32 v45, v47;
	v47 =	vshll.u32 v62, $0x10;
	v53 =	vld.idx.msk [tilespmem:v63+s2+$0x0], $0xffff  }
0x1aa: {  	v5 =	vadd.f32 v47, v5;
	v47 =	vand.u32 $0xFFFF0000, v62;
	v62 =	vadd.s32 $0x6, v51  }
0x1ab: {  	v63 =	vadd.s32 v9, v42;
	v60 =	vld.idx.msk [tilespmem:v60+s2+$0x0], $0xffff;
	v43 =	vadd.f32 v47, v43;
	v47 =	vshll.u32 v59, $0x10  }
0x1ac: {  	v51 =	vadd.s32 $0x7, v51;
	v59 =	vand.u32 $0xFFFF0000, v59;
	v47 =	vadd.f32 v47, v50  }
0x1ad: {  	v57 =	vld.idx.msk [tilespmem:v57+s2+$0x0], $0xffff;
	v44 =	vadd.f32 v59, v44;
	v50 =	vshll.u32 v52, $0x10;
	v52 =	vand.u32 $0xFFFF0000, v52  }
0x1ae: {  	v59 =	vshll.u32 v53, $0x10;
	v53 =	vand.u32 $0xFFFF0000, v53;
	v50 =	vadd.f32 v50, v54  }
0x1af: {  	v46 =	vadd.f32 v52, v46;
	v52 =	vadd.f32 v59, v55;
	v54 =	vld.idx.msk [tilespmem:v62+s2+$0x0], $0xffff;
	v55 =	vadd.s32 $0x1, v61  }
0x1b0: {  	v59 =	vld.idx.msk [tilespmem:v63+s10+$0x0], $0xffff;
	v49 =	vadd.f32 v53, v49;
	v53 =	vshll.u32 v60, $0x10;
	v60 =	vand.u32 $0xFFFF0000, v60  }
0x1b1: {  	v51 =	vld.idx.msk [tilespmem:v51+s2+$0x0], $0xffff;
	v63 =	vadd.s32 $0x3, v61;
	v53 =	vadd.f32 v53, v56;
	v56 =	vadd.s32 $0x2, v61  }
0x1b2: {  	v62 =	vld.idx.msk [tilespmem:v61+s2+$0x0], $0xffff;
	v2 =	vadd.f32 v60, v2;
	v60 =	vshll.u32 v57, $0x10;
	v57 =	vand.u32 $0xFFFF0000, v57  }
0x1b3: {  	v58 =	vadd.f32 v60, v58;
	v4 =	vadd.f32 v57, v4  }
0x1b4: {  	v60 =	vadd.s32 $0x4, v61;
	v57 =	vshll.u32 v54, $0x10;
	v54 =	vand.u32 $0xFFFF0000, v54;
	v55 =	vld.idx.msk [tilespmem:v55+s2+$0x0], $0xffff  }
0x1b5: {  	v59 =	vmul.u32 $0x9, v59;
	v1 =	vadd.f32 v57, v1;
	v48 =	vadd.f32 v54, v48  }
0x1b6: {  	v54 =	vshll.u32 v51, $0x10;
	v51 =	vand.u32 $0xFFFF0000, v51;
	v56 =	vld.idx.msk [tilespmem:v56+s2+$0x0], $0xffff;
	v57 =	vadd.s32 $0x5, v61  }
0x1b7: {  	v3 =	vadd.f32 v54, v3;
	v45 =	vadd.f32 v51, v45;
	v51 =	vshll.u32 v62, $0x10;
	v54 =	vld.idx.msk [tilespmem:v63+s2+$0x0], $0xffff  }
0x1b8: {  	v5 =	vadd.f32 v51, v5;
	v51 =	vand.u32 $0xFFFF0000, v62;
	v62 =	vadd.s32 $0x6, v61  }
0x1b9: {  	v63 =	vadd.s32 v10, v42;
	v43 =	vadd.f32 v51, v43;
	v60 =	vld.idx.msk [tilespmem:v60+s2+$0x0], $0xffff;
	v51 =	vshll.u32 v55, $0x10  }
0x1ba: {  	v47 =	vadd.f32 v51, v47;
	v51 =	vand.u32 $0xFFFF0000, v55;
	v55 =	vadd.s32 $0x7, v61  }
0x1bb: {  	v61 =	vshll.u32 v56, $0x10;
	v56 =	vand.u32 $0xFFFF0000, v56;
	v57 =	vld.idx.msk [tilespmem:v57+s2+$0x0], $0xffff;
	v44 =	vadd.f32 v51, v44  }
0x1bc: {  	v50 =	vadd.f32 v61, v50;
	v46 =	vadd.f32 v56, v46;
	v56 =	vshll.u32 v54, $0x10  }
0x1bd: {  	v51 =	vadd.f32 v56, v52;
	v52 =	vand.u32 $0xFFFF0000, v54;
	v54 =	vld.idx.msk [tilespmem:v62+s2+$0x0], $0xffff;
	v56 =	vadd.s32 $0x1, v59  }
0x1be: {  	v61 =	vld.idx.msk [tilespmem:v63+s10+$0x0], $0xffff;
	v63 =	vadd.s32 $0x3, v59;
	v49 =	vadd.f32 v52, v49;
	v52 =	vshll.u32 v60, $0x10  }
0x1bf: {  	v60 =	vand.u32 $0xFFFF0000, v60;
	v52 =	vadd.f32 v52, v53;
	v53 =	vld.idx.msk [tilespmem:v55+s2+$0x0], $0xffff;
	v55 =	vadd.s32 $0x2, v59  }
0x1c0: {  	v62 =	vld.idx.msk [tilespmem:v59+s2+$0x0], $0xffff;
	v2 =	vadd.f32 v60, v2;
	v60 =	vshll.u32 v57, $0x10;
	v57 =	vand.u32 $0xFFFF0000, v57  }
0x1c1: {  	v58 =	vadd.f32 v60, v58;
	v4 =	vadd.f32 v57, v4  }
0x1c2: {  	v60 =	vadd.s32 $0x4, v59;
	v57 =	vshll.u32 v54, $0x10;
	v54 =	vand.u32 $0xFFFF0000, v54;
	v56 =	vld.idx.msk [tilespmem:v56+s2+$0x0], $0xffff  }
0x1c3: {  	v61 =	vmul.u32 $0x9, v61;
	v1 =	vadd.f32 v57, v1;
	v48 =	vadd.f32 v54, v48  }
0x1c4: {  	v57 =	vadd.s32 $0x5, v59;
	v54 =	vshll.u32 v53, $0x10;
	v53 =	vand.u32 $0xFFFF0000, v53;
	v55 =	vld.idx.msk [tilespmem:v55+s2+$0x0], $0xffff  }
0x1c5: {  	v3 =	vadd.f32 v54, v3;
	v45 =	vadd.f32 v53, v45;
	v53 =	vshll.u32 v62, $0x10;
	v54 =	vld.idx.msk [tilespmem:v63+s2+$0x0], $0xffff  }
0x1c6: {  	v5 =	vadd.f32 v53, v5;
	v53 =	vand.u32 $0xFFFF0000, v62;
	v62 =	vadd.s32 $0x6, v59  }
0x1c7: {  	v63 =	vadd.s32 v6, v42;
	v60 =	vld.idx.msk [tilespmem:v60+s2+$0x0], $0xffff;
	v43 =	vadd.f32 v53, v43;
	v53 =	vshll.u32 v56, $0x10  }
0x1c8: {  	v47 =	vadd.f32 v53, v47;
	v53 =	vand.u32 $0xFFFF0000, v56;
	v56 =	vadd.s32 $0x7, v59  }
0x1c9: {  	v57 =	vld.idx.msk [tilespmem:v57+s2+$0x0], $0xffff;
	v44 =	vadd.f32 v53, v44;
	v53 =	vshll.u32 v55, $0x10;
	v55 =	vand.u32 $0xFFFF0000, v55  }
0x1ca: {  	v50 =	vadd.f32 v53, v50;
	v46 =	vadd.f32 v55, v46;
	v59 =	vshll.u32 v54, $0x10  }
0x1cb: {  	v53 =	vand.u32 $0xFFFF0000, v54;
	v55 =	vadd.s32 $0x1, v61;
	v51 =	vadd.f32 v59, v51;
	v54 =	vld.idx.msk [tilespmem:v62+s2+$0x0], $0xffff  }
0x1cc: {  	v59 =	vld.idx.msk [tilespmem:v63+s10+$0x0], $0xffff;
	v49 =	vadd.f32 v53, v49;
	v53 =	vshll.u32 v60, $0x10;
	v60 =	vand.u32 $0xFFFF0000, v60  }
0x1cd: {  	v63 =	vadd.s32 $0x3, v61;
	v52 =	vadd.f32 v53, v52;
	v53 =	vld.idx.msk [tilespmem:v56+s2+$0x0], $0xffff;
	v56 =	vadd.s32 $0x2, v61  }
0x1ce: {  	v62 =	vld.idx.msk [tilespmem:v61+s2+$0x0], $0xffff;
	v2 =	vadd.f32 v60, v2;
	v60 =	vshll.u32 v57, $0x10;
	v57 =	vand.u32 $0xFFFF0000, v57  }
0x1cf: {  	v58 =	vadd.f32 v60, v58;
	v4 =	vadd.f32 v57, v4  }
0x1d0: {  	v60 =	vadd.s32 $0x4, v61;
	v55 =	vld.idx.msk [tilespmem:v55+s2+$0x0], $0xffff;
	v57 =	vshll.u32 v54, $0x10;
	v54 =	vand.u32 $0xFFFF0000, v54  }
0x1d1: {  	v59 =	vmul.u32 $0x9, v59;
	v1 =	vadd.f32 v57, v1;
	v48 =	vadd.f32 v54, v48  }
0x1d2: {  	v57 =	vadd.s32 $0x5, v61;
	v54 =	vshll.u32 v53, $0x10;
	v53 =	vand.u32 $0xFFFF0000, v53;
	v56 =	vld.idx.msk [tilespmem:v56+s2+$0x0], $0xffff  }
0x1d3: {  	v3 =	vadd.f32 v54, v3;
	v45 =	vadd.f32 v53, v45;
	v53 =	vshll.u32 v62, $0x10;
	v54 =	vld.idx.msk [tilespmem:v63+s2+$0x0], $0xffff  }
0x1d4: {  	v5 =	vadd.f32 v53, v5;
	v53 =	vand.u32 $0xFFFF0000, v62;
	v62 =	vadd.s32 $0x6, v61  }
0x1d5: {  	v60 =	vld.idx.msk [tilespmem:v60+s2+$0x0], $0xffff;
	v63 =	vadd.s32 v7, v42;
	v43 =	vadd.f32 v53, v43;
	v53 =	vshll.u32 v55, $0x10  }
0x1d6: {  	v47 =	vadd.f32 v53, v47;
	v53 =	vand.u32 $0xFFFF0000, v55;
	v55 =	vadd.s32 $0x7, v61  }
0x1d7: {  	v57 =	vld.idx.msk [tilespmem:v57+s2+$0x0], $0xffff;
	v44 =	vadd.f32 v53, v44;
	v61 =	vshll.u32 v56, $0x10;
	v56 =	vand.u32 $0xFFFF0000, v56  }
0x1d8: {  	v50 =	vadd.f32 v61, v50;
	v46 =	vadd.f32 v56, v46;
	v56 =	vshll.u32 v54, $0x10  }
0x1d9: {  	v53 =	vand.u32 $0xFFFF0000, v54;
	v51 =	vadd.f32 v56, v51;
	v54 =	vld.idx.msk [tilespmem:v62+s2+$0x0], $0xffff;
	v56 =	vadd.s32 $0x1, v59  }
0x1da: {  	v61 =	vld.idx.msk [tilespmem:v63+s10+$0x0], $0xffff;
	v63 =	vadd.s32 $0x3, v59;
	v49 =	vadd.f32 v53, v49;
	v53 =	vshll.u32 v60, $0x10  }
0x1db: {  	v60 =	vand.u32 $0xFFFF0000, v60;
	v52 =	vadd.f32 v53, v52;
	v53 =	vld.idx.msk [tilespmem:v55+s2+$0x0], $0xffff;
	v55 =	vadd.s32 $0x2, v59  }
0x1dc: {  	v62 =	vld.idx.msk [tilespmem:v59+s2+$0x0], $0xffff;
	v2 =	vadd.f32 v60, v2;
	v60 =	vshll.u32 v57, $0x10;
	v57 =	vand.u32 $0xFFFF0000, v57  }
0x1dd: {  	v58 =	vadd.f32 v60, v58;
	v4 =	vadd.f32 v57, v4  }
0x1de: {  	v60 =	vadd.s32 $0x4, v59;
	v57 =	vshll.u32 v54, $0x10;
	v54 =	vand.u32 $0xFFFF0000, v54;
	v56 =	vld.idx.msk [tilespmem:v56+s2+$0x0], $0xffff  }
0x1df: {  	v61 =	vmul.u32 $0x9, v61;
	v1 =	vadd.f32 v57, v1;
	v48 =	vadd.f32 v54, v48  }
0x1e0: {  	v57 =	vadd.s32 $0x5, v59;
	v54 =	vshll.u32 v53, $0x10;
	v53 =	vand.u32 $0xFFFF0000, v53;
	v55 =	vld.idx.msk [tilespmem:v55+s2+$0x0], $0xffff  }
0x1e1: {  	v3 =	vadd.f32 v54, v3;
	v45 =	vadd.f32 v53, v45;
	v53 =	vshll.u32 v62, $0x10;
	v54 =	vld.idx.msk [tilespmem:v63+s2+$0x0], $0xffff  }
0x1e2: {  	v5 =	vadd.f32 v53, v5;
	v53 =	vand.u32 $0xFFFF0000, v62;
	v62 =	vadd.s32 $0x6, v59  }
0x1e3: {  	v63 =	vadd.s32 v8, v42;
	v60 =	vld.idx.msk [tilespmem:v60+s2+$0x0], $0xffff;
	v43 =	vadd.f32 v53, v43;
	v53 =	vshll.u32 v56, $0x10  }
0x1e4: {  	v47 =	vadd.f32 v53, v47;
	v53 =	vand.u32 $0xFFFF0000, v56;
	v56 =	vadd.s32 $0x7, v59  }
0x1e5: {  	v57 =	vld.idx.msk [tilespmem:v57+s2+$0x0], $0xffff;
	v44 =	vadd.f32 v53, v44;
	v53 =	vshll.u32 v55, $0x10;
	v55 =	vand.u32 $0xFFFF0000, v55  }
0x1e6: {  	v50 =	vadd.f32 v53, v50;
	v46 =	vadd.f32 v55, v46;
	v59 =	vshll.u32 v54, $0x10  }
0x1e7: {  	v53 =	vand.u32 $0xFFFF0000, v54;
	v55 =	vadd.s32 $0x1, v61;
	v51 =	vadd.f32 v59, v51;
	v54 =	vld.idx.msk [tilespmem:v62+s2+$0x0], $0xffff  }
0x1e8: {  	v59 =	vld.idx.msk [tilespmem:v63+s10+$0x0], $0xffff;
	v49 =	vadd.f32 v53, v49;
	v53 =	vshll.u32 v60, $0x10;
	v60 =	vand.u32 $0xFFFF0000, v60  }
0x1e9: {  	v63 =	vadd.s32 $0x3, v61;
	v52 =	vadd.f32 v53, v52;
	v53 =	vld.idx.msk [tilespmem:v56+s2+$0x0], $0xffff;
	v56 =	vadd.s32 $0x2, v61  }
0x1ea: {  	v62 =	vld.idx.msk [tilespmem:v61+s2+$0x0], $0xffff;
	v2 =	vadd.f32 v60, v2;
	v60 =	vshll.u32 v57, $0x10;
	v57 =	vand.u32 $0xFFFF0000, v57  }
0x1eb: {  	v58 =	vadd.f32 v60, v58;
	v4 =	vadd.f32 v57, v4  }
0x1ec: {  	v60 =	vadd.s32 $0x4, v61;
	v55 =	vld.idx.msk [tilespmem:v55+s2+$0x0], $0xffff;
	v57 =	vshll.u32 v54, $0x10;
	v54 =	vand.u32 $0xFFFF0000, v54  }
0x1ed: {  	v59 =	vmul.u32 $0x9, v59;
	v1 =	vadd.f32 v57, v1;
	v48 =	vadd.f32 v54, v48  }
0x1ee: {  	v57 =	vadd.s32 $0x5, v61;
	v54 =	vshll.u32 v53, $0x10;
	v53 =	vand.u32 $0xFFFF0000, v53;
	v56 =	vld.idx.msk [tilespmem:v56+s2+$0x0], $0xffff  }
0x1ef: {  	v3 =	vadd.f32 v54, v3;
	v45 =	vadd.f32 v53, v45;
	v53 =	vshll.u32 v62, $0x10;
	v54 =	vld.idx.msk [tilespmem:v63+s2+$0x0], $0xffff  }
0x1f0: {  	v5 =	vadd.f32 v53, v5;
	v53 =	vand.u32 $0xFFFF0000, v62;
	v62 =	vadd.s32 $0x6, v61  }
0x1f1: {  	v63 =	vadd.s32 v0, v42;
	v60 =	vld.idx.msk [tilespmem:v60+s2+$0x0], $0xffff;
	v43 =	vadd.f32 v53, v43;
	v53 =	vshll.u32 v55, $0x10  }
0x1f2: {  	v47 =	vadd.f32 v53, v47;
	v53 =	vand.u32 $0xFFFF0000, v55;
	v55 =	vadd.s32 $0x7, v61  }
0x1f3: {  	v57 =	vld.idx.msk [tilespmem:v57+s2+$0x0], $0xffff;
	v44 =	vadd.f32 v53, v44;
	v61 =	vshll.u32 v56, $0x10;
	v56 =	vand.u32 $0xFFFF0000, v56  }
0x1f4: {  	v50 =	vadd.f32 v61, v50;
	v46 =	vadd.f32 v56, v46;
	v56 =	vshll.u32 v54, $0x10  }
0x1f5: {  	v53 =	vand.u32 $0xFFFF0000, v54;
	v51 =	vadd.f32 v56, v51;
	v54 =	vld.idx.msk [tilespmem:v62+s2+$0x0], $0xffff;
	v56 =	vadd.s32 $0x1, v59  }
0x1f6: {  	v61 =	vld.idx.msk [tilespmem:v63+s10+$0x0], $0xffff;
	v63 =	vadd.s32 $0x3, v59;
	v49 =	vadd.f32 v53, v49;
	v53 =	vshll.u32 v60, $0x10  }
0x1f7: {  	v60 =	vand.u32 $0xFFFF0000, v60;
	v52 =	vadd.f32 v53, v52;
	v53 =	vld.idx.msk [tilespmem:v55+s2+$0x0], $0xffff;
	v55 =	vadd.s32 $0x2, v59  }
0x1f8: {  	v62 =	vld.idx.msk [tilespmem:v59+s2+$0x0], $0xffff;
	v2 =	vadd.f32 v60, v2;
	v60 =	vshll.u32 v57, $0x10;
	v57 =	vand.u32 $0xFFFF0000, v57  }
0x1f9: {  	v58 =	vadd.f32 v60, v58;
	v4 =	vadd.f32 v57, v4  }
0x1fa: {  	v60 =	vadd.s32 $0x4, v59;
	v57 =	vshll.u32 v54, $0x10;
	v54 =	vand.u32 $0xFFFF0000, v54;
	v56 =	vld.idx.msk [tilespmem:v56+s2+$0x0], $0xffff  }
0x1fb: {  	v61 =	vmul.u32 $0x9, v61;
	v1 =	vadd.f32 v57, v1;
	v48 =	vadd.f32 v54, v48  }
0x1fc: {  	v57 =	vadd.s32 $0x5, v59;
	v54 =	vshll.u32 v53, $0x10;
	v53 =	vand.u32 $0xFFFF0000, v53;
	v55 =	vld.idx.msk [tilespmem:v55+s2+$0x0], $0xffff  }
0x1fd: {  	v3 =	vadd.f32 v54, v3;
	v45 =	vadd.f32 v53, v45;
	v53 =	vshll.u32 v62, $0x10;
	v54 =	vld.idx.msk [tilespmem:v63+s2+$0x0], $0xffff  }
0x1fe: {  	v5 =	vadd.f32 v53, v5;
	v53 =	vand.u32 $0xFFFF0000, v62;
	v62 =	vadd.s32 $0x6, v59  }
0x1ff: {  	v63 =	vadd.s32 v15, v42;
	v60 =	vld.idx.msk [tilespmem:v60+s2+$0x0], $0xffff;
	v43 =	vadd.f32 v53, v43;
	v53 =	vshll.u32 v56, $0x10  }
0x200: {  	v47 =	vadd.f32 v53, v47;
	v53 =	vand.u32 $0xFFFF0000, v56;
	v56 =	vadd.s32 $0x7, v59  }
0x201: {  	v57 =	vld.idx.msk [tilespmem:v57+s2+$0x0], $0xffff;
	v44 =	vadd.f32 v53, v44;
	v53 =	vshll.u32 v55, $0x10;
	v55 =	vand.u32 $0xFFFF0000, v55  }
0x202: {  	v50 =	vadd.f32 v53, v50;
	v46 =	vadd.f32 v55, v46;
	v59 =	vshll.u32 v54, $0x10  }
0x203: {  	v53 =	vand.u32 $0xFFFF0000, v54;
	v55 =	vadd.s32 $0x1, v61;
	v51 =	vadd.f32 v59, v51;
	v54 =	vld.idx.msk [tilespmem:v62+s2+$0x0], $0xffff  }
0x204: {  	v59 =	vld.idx.msk [tilespmem:v63+s10+$0x0], $0xffff;
	v49 =	vadd.f32 v53, v49;
	v53 =	vshll.u32 v60, $0x10;
	v60 =	vand.u32 $0xFFFF0000, v60  }
0x205: {  	v63 =	vadd.s32 $0x3, v61;
	v52 =	vadd.f32 v53, v52;
	v53 =	vld.idx.msk [tilespmem:v56+s2+$0x0], $0xffff;
	v56 =	vadd.s32 $0x2, v61  }
0x206: {  	v62 =	vld.idx.msk [tilespmem:v61+s2+$0x0], $0xffff;
	v2 =	vadd.f32 v60, v2;
	v60 =	vshll.u32 v57, $0x10;
	v57 =	vand.u32 $0xFFFF0000, v57  }
0x207: {  	v58 =	vadd.f32 v60, v58;
	v4 =	vadd.f32 v57, v4  }
0x208: {  	v60 =	vadd.s32 $0x4, v61;
	v55 =	vld.idx.msk [tilespmem:v55+s2+$0x0], $0xffff;
	v57 =	vshll.u32 v54, $0x10;
	v54 =	vand.u32 $0xFFFF0000, v54  }
0x209: {  	v59 =	vmul.u32 $0x9, v59;
	v1 =	vadd.f32 v57, v1;
	v48 =	vadd.f32 v54, v48  }
0x20a: {  	v57 =	vadd.s32 $0x5, v61;
	v54 =	vshll.u32 v53, $0x10;
	v53 =	vand.u32 $0xFFFF0000, v53;
	v56 =	vld.idx.msk [tilespmem:v56+s2+$0x0], $0xffff  }
0x20b: {  	v3 =	vadd.f32 v54, v3;
	v45 =	vadd.f32 v53, v45;
	v53 =	vshll.u32 v62, $0x10;
	v54 =	vld.idx.msk [tilespmem:v63+s2+$0x0], $0xffff  }
0x20c: {  	v5 =	vadd.f32 v53, v5;
	v53 =	vand.u32 $0xFFFF0000, v62;
	v62 =	vadd.s32 $0x6, v61  }
0x20d: {  	v63 =	vadd.s32 v11, v42;
	v60 =	vld.idx.msk [tilespmem:v60+s2+$0x0], $0xffff;
	v43 =	vadd.f32 v53, v43;
	v53 =	vshll.u32 v55, $0x10  }
0x20e: {  	v47 =	vadd.f32 v53, v47;
	v53 =	vand.u32 $0xFFFF0000, v55;
	v55 =	vadd.s32 $0x7, v61  }
0x20f: {  	v57 =	vld.idx.msk [tilespmem:v57+s2+$0x0], $0xffff;
	v44 =	vadd.f32 v53, v44;
	v61 =	vshll.u32 v56, $0x10;
	v56 =	vand.u32 $0xFFFF0000, v56  }
0x210: {  	v50 =	vadd.f32 v61, v50;
	v46 =	vadd.f32 v56, v46;
	v56 =	vshll.u32 v54, $0x10  }
0x211: {  	v53 =	vand.u32 $0xFFFF0000, v54;
	v51 =	vadd.f32 v56, v51;
	v54 =	vld.idx.msk [tilespmem:v62+s2+$0x0], $0xffff;
	v56 =	vadd.s32 $0x1, v59  }
0x212: {  	v61 =	vld.idx.msk [tilespmem:v63+s10+$0x0], $0xffff;
	v63 =	vadd.s32 $0x3, v59;
	v49 =	vadd.f32 v53, v49;
	v53 =	vshll.u32 v60, $0x10  }
0x213: {  	v60 =	vand.u32 $0xFFFF0000, v60;
	v52 =	vadd.f32 v53, v52;
	v53 =	vld.idx.msk [tilespmem:v55+s2+$0x0], $0xffff;
	v55 =	vadd.s32 $0x2, v59  }
0x214: {  	v62 =	vld.idx.msk [tilespmem:v59+s2+$0x0], $0xffff;
	v2 =	vadd.f32 v60, v2;
	v60 =	vshll.u32 v57, $0x10;
	v57 =	vand.u32 $0xFFFF0000, v57  }
0x215: {  	v58 =	vadd.f32 v60, v58;
	v4 =	vadd.f32 v57, v4  }
0x216: {  	v60 =	vadd.s32 $0x4, v59;
	v57 =	vshll.u32 v54, $0x10;
	v54 =	vand.u32 $0xFFFF0000, v54;
	v56 =	vld.idx.msk [tilespmem:v56+s2+$0x0], $0xffff  }
0x217: {  	v61 =	vmul.u32 $0x9, v61;
	v1 =	vadd.f32 v57, v1;
	v48 =	vadd.f32 v54, v48  }
0x218: {  	v57 =	vadd.s32 $0x5, v59;
	v54 =	vshll.u32 v53, $0x10;
	v53 =	vand.u32 $0xFFFF0000, v53;
	v55 =	vld.idx.msk [tilespmem:v55+s2+$0x0], $0xffff  }
0x219: {  	v3 =	vadd.f32 v54, v3;
	v45 =	vadd.f32 v53, v45;
	v53 =	vshll.u32 v62, $0x10;
	v54 =	vld.idx.msk [tilespmem:v63+s2+$0x0], $0xffff  }
0x21a: {  	v5 =	vadd.f32 v53, v5;
	v53 =	vand.u32 $0xFFFF0000, v62;
	v62 =	vadd.s32 $0x6, v59  }
0x21b: {  	v63 =	vadd.s32 v12, v42;
	v60 =	vld.idx.msk [tilespmem:v60+s2+$0x0], $0xffff;
	v43 =	vadd.f32 v53, v43;
	v53 =	vshll.u32 v56, $0x10  }
0x21c: {  	v47 =	vadd.f32 v53, v47;
	v53 =	vand.u32 $0xFFFF0000, v56;
	v56 =	vadd.s32 $0x7, v59  }
0x21d: {  	v57 =	vld.idx.msk [tilespmem:v57+s2+$0x0], $0xffff;
	v44 =	vadd.f32 v53, v44;
	v53 =	vshll.u32 v55, $0x10;
	v55 =	vand.u32 $0xFFFF0000, v55  }
0x21e: {  	v50 =	vadd.f32 v53, v50;
	v46 =	vadd.f32 v55, v46;
	v59 =	vshll.u32 v54, $0x10  }
0x21f: {  	v53 =	vand.u32 $0xFFFF0000, v54;
	v55 =	vadd.s32 $0x1, v61;
	v51 =	vadd.f32 v59, v51;
	v54 =	vld.idx.msk [tilespmem:v62+s2+$0x0], $0xffff  }
0x220: {  	v59 =	vld.idx.msk [tilespmem:v63+s10+$0x0], $0xffff;
	v49 =	vadd.f32 v53, v49;
	v53 =	vshll.u32 v60, $0x10;
	v60 =	vand.u32 $0xFFFF0000, v60  }
0x221: {  	v63 =	vadd.s32 $0x3, v61;
	v52 =	vadd.f32 v53, v52;
	v53 =	vld.idx.msk [tilespmem:v56+s2+$0x0], $0xffff;
	v56 =	vadd.s32 $0x2, v61  }
0x222: {  	v62 =	vld.idx.msk [tilespmem:v61+s2+$0x0], $0xffff;
	v2 =	vadd.f32 v60, v2;
	v60 =	vshll.u32 v57, $0x10;
	v57 =	vand.u32 $0xFFFF0000, v57  }
0x223: {  	v58 =	vadd.f32 v60, v58;
	v4 =	vadd.f32 v57, v4  }
0x224: {  	v60 =	vadd.s32 $0x4, v61;
	v55 =	vld.idx.msk [tilespmem:v55+s2+$0x0], $0xffff;
	v57 =	vshll.u32 v54, $0x10;
	v54 =	vand.u32 $0xFFFF0000, v54  }
0x225: {  	v59 =	vmul.u32 $0x9, v59;
	v1 =	vadd.f32 v57, v1;
	v48 =	vadd.f32 v54, v48  }
0x226: {  	v57 =	vadd.s32 $0x5, v61;
	v54 =	vshll.u32 v53, $0x10;
	v53 =	vand.u32 $0xFFFF0000, v53;
	v56 =	vld.idx.msk [tilespmem:v56+s2+$0x0], $0xffff  }
0x227: {  	v3 =	vadd.f32 v54, v3;
	v45 =	vadd.f32 v53, v45;
	v53 =	vshll.u32 v62, $0x10;
	v54 =	vld.idx.msk [tilespmem:v63+s2+$0x0], $0xffff  }
0x228: {  	v5 =	vadd.f32 v53, v5;
	v53 =	vand.u32 $0xFFFF0000, v62;
	v62 =	vadd.s32 $0x6, v61  }
0x229: {  	v63 =	vadd.s32 v13, v42;
	v60 =	vld.idx.msk [tilespmem:v60+s2+$0x0], $0xffff;
	v43 =	vadd.f32 v53, v43;
	v53 =	vshll.u32 v55, $0x10  }
0x22a: {  	v47 =	vadd.f32 v53, v47;
	v53 =	vand.u32 $0xFFFF0000, v55;
	v55 =	vadd.s32 $0x7, v61  }
0x22b: {  	v57 =	vld.idx.msk [tilespmem:v57+s2+$0x0], $0xffff;
	v44 =	vadd.f32 v53, v44;
	v61 =	vshll.u32 v56, $0x10;
	v56 =	vand.u32 $0xFFFF0000, v56  }
0x22c: {  	v50 =	vadd.f32 v61, v50;
	v46 =	vadd.f32 v56, v46;
	v56 =	vshll.u32 v54, $0x10  }
0x22d: {  	v53 =	vand.u32 $0xFFFF0000, v54;
	v51 =	vadd.f32 v56, v51;
	v54 =	vld.idx.msk [tilespmem:v62+s2+$0x0], $0xffff;
	v56 =	vadd.s32 $0x1, v59  }
0x22e: {  	v61 =	vld.idx.msk [tilespmem:v63+s10+$0x0], $0xffff;
	v63 =	vadd.s32 $0x3, v59;
	v49 =	vadd.f32 v53, v49;
	v53 =	vshll.u32 v60, $0x10  }
0x22f: {  	v60 =	vand.u32 $0xFFFF0000, v60;
	v52 =	vadd.f32 v53, v52;
	v53 =	vld.idx.msk [tilespmem:v55+s2+$0x0], $0xffff;
	v55 =	vadd.s32 $0x2, v59  }
0x230: {  	v62 =	vld.idx.msk [tilespmem:v59+s2+$0x0], $0xffff;
	v2 =	vadd.f32 v60, v2;
	v60 =	vshll.u32 v57, $0x10;
	v57 =	vand.u32 $0xFFFF0000, v57  }
0x231: {  	v58 =	vadd.f32 v60, v58;
	v4 =	vadd.f32 v57, v4  }
0x232: {  	v60 =	vadd.s32 $0x4, v59;
	v57 =	vshll.u32 v54, $0x10;
	v54 =	vand.u32 $0xFFFF0000, v54;
	v56 =	vld.idx.msk [tilespmem:v56+s2+$0x0], $0xffff  }
0x233: {  	v61 =	vmul.u32 $0x9, v61;
	v1 =	vadd.f32 v57, v1;
	v48 =	vadd.f32 v54, v48  }
0x234: {  	v57 =	vadd.s32 $0x5, v59;
	v54 =	vshll.u32 v53, $0x10;
	v53 =	vand.u32 $0xFFFF0000, v53;
	v55 =	vld.idx.msk [tilespmem:v55+s2+$0x0], $0xffff  }
0x235: {  	v3 =	vadd.f32 v54, v3;
	v45 =	vadd.f32 v53, v45;
	v53 =	vshll.u32 v62, $0x10;
	v54 =	vld.idx.msk [tilespmem:v63+s2+$0x0], $0xffff  }
0x236: {  	v5 =	vadd.f32 v53, v5;
	v53 =	vand.u32 $0xFFFF0000, v62;
	v62 =	vadd.s32 $0x6, v59  }
0x237: {  	v63 =	vadd.s32 v14, v42;
	v60 =	vld.idx.msk [tilespmem:v60+s2+$0x0], $0xffff;
	v43 =	vadd.f32 v53, v43;
	v53 =	vshll.u32 v56, $0x10  }
0x238: {  	v47 =	vadd.f32 v53, v47;
	v53 =	vand.u32 $0xFFFF0000, v56;
	v56 =	vadd.s32 $0x7, v59  }
0x239: {  	v57 =	vld.idx.msk [tilespmem:v57+s2+$0x0], $0xffff;
	v44 =	vadd.f32 v53, v44;
	v53 =	vshll.u32 v55, $0x10;
	v55 =	vand.u32 $0xFFFF0000, v55  }
0x23a: {  	v50 =	vadd.f32 v53, v50;
	v46 =	vadd.f32 v55, v46;
	v59 =	vshll.u32 v54, $0x10  }
0x23b: {  	v53 =	vand.u32 $0xFFFF0000, v54;
	v55 =	vadd.s32 $0x1, v61;
	v51 =	vadd.f32 v59, v51;
	v54 =	vld.idx.msk [tilespmem:v62+s2+$0x0], $0xffff  }
0x23c: {  	v59 =	vld.idx.msk [tilespmem:v63+s10+$0x0], $0xffff;
	v49 =	vadd.f32 v53, v49;
	v53 =	vshll.u32 v60, $0x10;
	v60 =	vand.u32 $0xFFFF0000, v60  }
0x23d: {  	v63 =	vadd.s32 $0x3, v61;
	v52 =	vadd.f32 v53, v52;
	v53 =	vld.idx.msk [tilespmem:v56+s2+$0x0], $0xffff;
	v56 =	vadd.s32 $0x2, v61  }
0x23e: {  	v62 =	vld.idx.msk [tilespmem:v61+s2+$0x0], $0xffff;
	v2 =	vadd.f32 v60, v2;
	v60 =	vshll.u32 v57, $0x10;
	v57 =	vand.u32 $0xFFFF0000, v57  }
0x23f: {  	v58 =	vadd.f32 v60, v58;
	v4 =	vadd.f32 v57, v4  }
0x240: {  	v60 =	vadd.s32 $0x4, v61;
	v55 =	vld.idx.msk [tilespmem:v55+s2+$0x0], $0xffff;
	v57 =	vshll.u32 v54, $0x10;
	v54 =	vand.u32 $0xFFFF0000, v54  }
0x241: {  	v59 =	vmul.u32 $0x9, v59;
	v1 =	vadd.f32 v57, v1;
	v48 =	vadd.f32 v54, v48  }
0x242: {  	v57 =	vadd.s32 $0x5, v61;
	v54 =	vshll.u32 v53, $0x10;
	v53 =	vand.u32 $0xFFFF0000, v53;
	v56 =	vld.idx.msk [tilespmem:v56+s2+$0x0], $0xffff  }
0x243: {  	v3 =	vadd.f32 v54, v3;
	v45 =	vadd.f32 v53, v45;
	v53 =	vshll.u32 v62, $0x10;
	v54 =	vld.idx.msk [tilespmem:v63+s2+$0x0], $0xffff  }
0x244: {  	v5 =	vadd.f32 v53, v5;
	v53 =	vand.u32 $0xFFFF0000, v62;
	v62 =	vadd.s32 $0x6, v61  }
0x245: {  	v63 =	vadd.s32 v20, v42;
	v60 =	vld.idx.msk [tilespmem:v60+s2+$0x0], $0xffff;
	v43 =	vadd.f32 v53, v43;
	v53 =	vshll.u32 v55, $0x10  }
0x246: {  	v47 =	vadd.f32 v53, v47;
	v53 =	vand.u32 $0xFFFF0000, v55;
	v55 =	vadd.s32 $0x7, v61  }
0x247: {  	v57 =	vld.idx.msk [tilespmem:v57+s2+$0x0], $0xffff;
	v44 =	vadd.f32 v53, v44;
	v61 =	vshll.u32 v56, $0x10;
	v56 =	vand.u32 $0xFFFF0000, v56  }
0x248: {  	v50 =	vadd.f32 v61, v50;
	v46 =	vadd.f32 v56, v46;
	v56 =	vshll.u32 v54, $0x10  }
0x249: {  	v53 =	vand.u32 $0xFFFF0000, v54;
	v51 =	vadd.f32 v56, v51;
	v54 =	vld.idx.msk [tilespmem:v62+s2+$0x0], $0xffff;
	v56 =	vadd.s32 $0x1, v59  }
0x24a: {  	v61 =	vld.idx.msk [tilespmem:v63+s10+$0x0], $0xffff;
	v63 =	vadd.s32 $0x3, v59;
	v49 =	vadd.f32 v53, v49;
	v53 =	vshll.u32 v60, $0x10  }
0x24b: {  	v60 =	vand.u32 $0xFFFF0000, v60;
	v52 =	vadd.f32 v53, v52;
	v53 =	vld.idx.msk [tilespmem:v55+s2+$0x0], $0xffff;
	v55 =	vadd.s32 $0x2, v59  }
0x24c: {  	v62 =	vld.idx.msk [tilespmem:v59+s2+$0x0], $0xffff;
	v2 =	vadd.f32 v60, v2;
	v60 =	vshll.u32 v57, $0x10;
	v57 =	vand.u32 $0xFFFF0000, v57  }
0x24d: {  	v58 =	vadd.f32 v60, v58;
	v4 =	vadd.f32 v57, v4  }
0x24e: {  	v60 =	vadd.s32 $0x4, v59;
	v57 =	vshll.u32 v54, $0x10;
	v54 =	vand.u32 $0xFFFF0000, v54;
	v56 =	vld.idx.msk [tilespmem:v56+s2+$0x0], $0xffff  }
0x24f: {  	v61 =	vmul.u32 $0x9, v61;
	v1 =	vadd.f32 v57, v1;
	v48 =	vadd.f32 v54, v48  }
0x250: {  	v57 =	vadd.s32 $0x5, v59;
	v54 =	vshll.u32 v53, $0x10;
	v53 =	vand.u32 $0xFFFF0000, v53;
	v55 =	vld.idx.msk [tilespmem:v55+s2+$0x0], $0xffff  }
0x251: {  	v3 =	vadd.f32 v54, v3;
	v45 =	vadd.f32 v53, v45;
	v53 =	vshll.u32 v62, $0x10;
	v54 =	vld.idx.msk [tilespmem:v63+s2+$0x0], $0xffff  }
0x252: {  	v5 =	vadd.f32 v53, v5;
	v53 =	vand.u32 $0xFFFF0000, v62;
	v62 =	vadd.s32 $0x6, v59  }
0x253: {  	v63 =	vadd.s32 v16, v42;
	v60 =	vld.idx.msk [tilespmem:v60+s2+$0x0], $0xffff;
	v43 =	vadd.f32 v53, v43;
	v53 =	vshll.u32 v56, $0x10  }
0x254: {  	v47 =	vadd.f32 v53, v47;
	v53 =	vand.u32 $0xFFFF0000, v56;
	v56 =	vadd.s32 $0x7, v59  }
0x255: {  	v57 =	vld.idx.msk [tilespmem:v57+s2+$0x0], $0xffff;
	v44 =	vadd.f32 v53, v44;
	v53 =	vshll.u32 v55, $0x10;
	v55 =	vand.u32 $0xFFFF0000, v55  }
0x256: {  	v50 =	vadd.f32 v53, v50;
	v46 =	vadd.f32 v55, v46;
	v59 =	vshll.u32 v54, $0x10  }
0x257: {  	v53 =	vand.u32 $0xFFFF0000, v54;
	v55 =	vadd.s32 $0x1, v61;
	v51 =	vadd.f32 v59, v51;
	v54 =	vld.idx.msk [tilespmem:v62+s2+$0x0], $0xffff  }
0x258: {  	v59 =	vld.idx.msk [tilespmem:v63+s10+$0x0], $0xffff;
	v49 =	vadd.f32 v53, v49;
	v53 =	vshll.u32 v60, $0x10;
	v60 =	vand.u32 $0xFFFF0000, v60  }
0x259: {  	v63 =	vadd.s32 $0x3, v61;
	v52 =	vadd.f32 v53, v52;
	v53 =	vld.idx.msk [tilespmem:v56+s2+$0x0], $0xffff;
	v56 =	vadd.s32 $0x2, v61  }
0x25a: {  	v62 =	vld.idx.msk [tilespmem:v61+s2+$0x0], $0xffff;
	v2 =	vadd.f32 v60, v2;
	v60 =	vshll.u32 v57, $0x10;
	v57 =	vand.u32 $0xFFFF0000, v57  }
0x25b: {  	v58 =	vadd.f32 v60, v58;
	v4 =	vadd.f32 v57, v4  }
0x25c: {  	v60 =	vadd.s32 $0x4, v61;
	v55 =	vld.idx.msk [tilespmem:v55+s2+$0x0], $0xffff;
	v57 =	vshll.u32 v54, $0x10;
	v54 =	vand.u32 $0xFFFF0000, v54  }
0x25d: {  	v59 =	vmul.u32 $0x9, v59;
	v1 =	vadd.f32 v57, v1;
	v48 =	vadd.f32 v54, v48  }
0x25e: {  	v57 =	vadd.s32 $0x5, v61;
	v54 =	vshll.u32 v53, $0x10;
	v53 =	vand.u32 $0xFFFF0000, v53;
	v56 =	vld.idx.msk [tilespmem:v56+s2+$0x0], $0xffff  }
0x25f: {  	v3 =	vadd.f32 v54, v3;
	v45 =	vadd.f32 v53, v45;
	v53 =	vshll.u32 v62, $0x10;
	v54 =	vld.idx.msk [tilespmem:v63+s2+$0x0], $0xffff  }
0x260: {  	v5 =	vadd.f32 v53, v5;
	v53 =	vand.u32 $0xFFFF0000, v62;
	v62 =	vadd.s32 $0x6, v61  }
0x261: {  	v63 =	vadd.s32 v17, v42;
	v60 =	vld.idx.msk [tilespmem:v60+s2+$0x0], $0xffff;
	v43 =	vadd.f32 v53, v43;
	v53 =	vshll.u32 v55, $0x10  }
0x262: {  	v47 =	vadd.f32 v53, v47;
	v53 =	vand.u32 $0xFFFF0000, v55;
	v55 =	vadd.s32 $0x7, v61  }
0x263: {  	v57 =	vld.idx.msk [tilespmem:v57+s2+$0x0], $0xffff;
	v44 =	vadd.f32 v53, v44;
	v61 =	vshll.u32 v56, $0x10;
	v56 =	vand.u32 $0xFFFF0000, v56  }
0x264: {  	v50 =	vadd.f32 v61, v50;
	v46 =	vadd.f32 v56, v46;
	v56 =	vshll.u32 v54, $0x10  }
0x265: {  	v53 =	vand.u32 $0xFFFF0000, v54;
	v51 =	vadd.f32 v56, v51;
	v54 =	vld.idx.msk [tilespmem:v62+s2+$0x0], $0xffff;
	v56 =	vadd.s32 $0x1, v59  }
0x266: {  	v61 =	vld.idx.msk [tilespmem:v63+s10+$0x0], $0xffff;
	v63 =	vadd.s32 $0x3, v59;
	v49 =	vadd.f32 v53, v49;
	v53 =	vshll.u32 v60, $0x10  }
0x267: {  	v60 =	vand.u32 $0xFFFF0000, v60;
	v52 =	vadd.f32 v53, v52;
	v53 =	vld.idx.msk [tilespmem:v55+s2+$0x0], $0xffff;
	v55 =	vadd.s32 $0x2, v59  }
0x268: {  	v62 =	vld.idx.msk [tilespmem:v59+s2+$0x0], $0xffff;
	v2 =	vadd.f32 v60, v2;
	v60 =	vshll.u32 v57, $0x10;
	v57 =	vand.u32 $0xFFFF0000, v57  }
0x269: {  	v58 =	vadd.f32 v60, v58;
	v4 =	vadd.f32 v57, v4  }
0x26a: {  	v60 =	vadd.s32 $0x4, v59;
	v57 =	vshll.u32 v54, $0x10;
	v54 =	vand.u32 $0xFFFF0000, v54;
	v56 =	vld.idx.msk [tilespmem:v56+s2+$0x0], $0xffff  }
0x26b: {  	v61 =	vmul.u32 $0x9, v61;
	v1 =	vadd.f32 v57, v1;
	v48 =	vadd.f32 v54, v48  }
0x26c: {  	v57 =	vadd.s32 $0x5, v59;
	v54 =	vshll.u32 v53, $0x10;
	v53 =	vand.u32 $0xFFFF0000, v53;
	v55 =	vld.idx.msk [tilespmem:v55+s2+$0x0], $0xffff  }
0x26d: {  	v3 =	vadd.f32 v54, v3;
	v45 =	vadd.f32 v53, v45;
	v53 =	vshll.u32 v62, $0x10;
	v54 =	vld.idx.msk [tilespmem:v63+s2+$0x0], $0xffff  }
0x26e: {  	v5 =	vadd.f32 v53, v5;
	v53 =	vand.u32 $0xFFFF0000, v62;
	v62 =	vadd.s32 $0x6, v59  }
0x26f: {  	v63 =	vadd.s32 v18, v42;
	v60 =	vld.idx.msk [tilespmem:v60+s2+$0x0], $0xffff;
	v43 =	vadd.f32 v53, v43;
	v53 =	vshll.u32 v56, $0x10  }
0x270: {  	v47 =	vadd.f32 v53, v47;
	v53 =	vand.u32 $0xFFFF0000, v56;
	v56 =	vadd.s32 $0x7, v59  }
0x271: {  	v57 =	vld.idx.msk [tilespmem:v57+s2+$0x0], $0xffff;
	v44 =	vadd.f32 v53, v44;
	v53 =	vshll.u32 v55, $0x10;
	v55 =	vand.u32 $0xFFFF0000, v55  }
0x272: {  	v50 =	vadd.f32 v53, v50;
	v46 =	vadd.f32 v55, v46;
	v59 =	vshll.u32 v54, $0x10  }
0x273: {  	v53 =	vand.u32 $0xFFFF0000, v54;
	v55 =	vadd.s32 $0x1, v61;
	v51 =	vadd.f32 v59, v51;
	v54 =	vld.idx.msk [tilespmem:v62+s2+$0x0], $0xffff  }
0x274: {  	v59 =	vld.idx.msk [tilespmem:v63+s10+$0x0], $0xffff;
	v49 =	vadd.f32 v53, v49;
	v53 =	vshll.u32 v60, $0x10;
	v60 =	vand.u32 $0xFFFF0000, v60  }
0x275: {  	v63 =	vadd.s32 $0x3, v61;
	v52 =	vadd.f32 v53, v52;
	v53 =	vld.idx.msk [tilespmem:v56+s2+$0x0], $0xffff;
	v56 =	vadd.s32 $0x2, v61  }
0x276: {  	v62 =	vld.idx.msk [tilespmem:v61+s2+$0x0], $0xffff;
	v2 =	vadd.f32 v60, v2;
	v60 =	vshll.u32 v57, $0x10;
	v57 =	vand.u32 $0xFFFF0000, v57  }
0x277: {  	v58 =	vadd.f32 v60, v58;
	v4 =	vadd.f32 v57, v4  }
0x278: {  	v60 =	vadd.s32 $0x4, v61;
	v55 =	vld.idx.msk [tilespmem:v55+s2+$0x0], $0xffff;
	v57 =	vshll.u32 v54, $0x10;
	v54 =	vand.u32 $0xFFFF0000, v54  }
0x279: {  	v59 =	vmul.u32 $0x9, v59;
	v1 =	vadd.f32 v57, v1;
	v48 =	vadd.f32 v54, v48  }
0x27a: {  	v57 =	vadd.s32 $0x5, v61;
	v54 =	vshll.u32 v53, $0x10;
	v53 =	vand.u32 $0xFFFF0000, v53;
	v56 =	vld.idx.msk [tilespmem:v56+s2+$0x0], $0xffff  }
0x27b: {  	v3 =	vadd.f32 v54, v3;
	v45 =	vadd.f32 v53, v45;
	v53 =	vshll.u32 v62, $0x10;
	v54 =	vld.idx.msk [tilespmem:v63+s2+$0x0], $0xffff  }
0x27c: {  	v5 =	vadd.f32 v53, v5;
	v53 =	vand.u32 $0xFFFF0000, v62;
	v62 =	vadd.s32 $0x6, v61  }
0x27d: {  	v63 =	vadd.s32 v19, v42;
	v60 =	vld.idx.msk [tilespmem:v60+s2+$0x0], $0xffff;
	v43 =	vadd.f32 v53, v43;
	v53 =	vshll.u32 v55, $0x10  }
0x27e: {  	v47 =	vadd.f32 v53, v47;
	v53 =	vand.u32 $0xFFFF0000, v55;
	v55 =	vadd.s32 $0x7, v61  }
0x27f: {  	v57 =	vld.idx.msk [tilespmem:v57+s2+$0x0], $0xffff;
	v44 =	vadd.f32 v53, v44;
	v61 =	vshll.u32 v56, $0x10;
	v56 =	vand.u32 $0xFFFF0000, v56  }
0x280: {  	v50 =	vadd.f32 v61, v50;
	v46 =	vadd.f32 v56, v46;
	v56 =	vshll.u32 v54, $0x10  }
0x281: {  	v53 =	vand.u32 $0xFFFF0000, v54;
	v51 =	vadd.f32 v56, v51;
	v54 =	vld.idx.msk [tilespmem:v62+s2+$0x0], $0xffff;
	v56 =	vadd.s32 $0x1, v59  }
0x282: {  	v61 =	vld.idx.msk [tilespmem:v63+s10+$0x0], $0xffff;
	v63 =	vadd.s32 $0x3, v59;
	v49 =	vadd.f32 v53, v49;
	v53 =	vshll.u32 v60, $0x10  }
0x283: {  	v60 =	vand.u32 $0xFFFF0000, v60;
	v52 =	vadd.f32 v53, v52;
	v53 =	vld.idx.msk [tilespmem:v55+s2+$0x0], $0xffff;
	v55 =	vadd.s32 $0x2, v59  }
0x284: {  	v62 =	vld.idx.msk [tilespmem:v59+s2+$0x0], $0xffff;
	v2 =	vadd.f32 v60, v2;
	v60 =	vshll.u32 v57, $0x10;
	v57 =	vand.u32 $0xFFFF0000, v57  }
0x285: {  	v58 =	vadd.f32 v60, v58;
	v4 =	vadd.f32 v57, v4  }
0x286: {  	v60 =	vadd.s32 $0x4, v59;
	v57 =	vshll.u32 v54, $0x10;
	v54 =	vand.u32 $0xFFFF0000, v54;
	v56 =	vld.idx.msk [tilespmem:v56+s2+$0x0], $0xffff  }
0x287: {  	v61 =	vmul.u32 $0x9, v61;
	v1 =	vadd.f32 v57, v1;
	v48 =	vadd.f32 v54, v48  }
0x288: {  	v57 =	vadd.s32 $0x5, v59;
	v54 =	vshll.u32 v53, $0x10;
	v53 =	vand.u32 $0xFFFF0000, v53;
	v55 =	vld.idx.msk [tilespmem:v55+s2+$0x0], $0xffff  }
0x289: {  	v3 =	vadd.f32 v54, v3;
	v45 =	vadd.f32 v53, v45;
	v53 =	vshll.u32 v62, $0x10;
	v54 =	vld.idx.msk [tilespmem:v63+s2+$0x0], $0xffff  }
0x28a: {  	v5 =	vadd.f32 v53, v5;
	v53 =	vand.u32 $0xFFFF0000, v62;
	v62 =	vadd.s32 $0x6, v59  }
0x28b: {  	v63 =	vadd.s32 v25, v42;
	v60 =	vld.idx.msk [tilespmem:v60+s2+$0x0], $0xffff;
	v43 =	vadd.f32 v53, v43;
	v53 =	vshll.u32 v56, $0x10  }
0x28c: {  	v47 =	vadd.f32 v53, v47;
	v53 =	vand.u32 $0xFFFF0000, v56;
	v56 =	vadd.s32 $0x7, v59  }
0x28d: {  	v57 =	vld.idx.msk [tilespmem:v57+s2+$0x0], $0xffff;
	v44 =	vadd.f32 v53, v44;
	v53 =	vshll.u32 v55, $0x10;
	v55 =	vand.u32 $0xFFFF0000, v55  }
0x28e: {  	v50 =	vadd.f32 v53, v50;
	v46 =	vadd.f32 v55, v46;
	v59 =	vshll.u32 v54, $0x10  }
0x28f: {  	v53 =	vand.u32 $0xFFFF0000, v54;
	v55 =	vadd.s32 $0x1, v61;
	v51 =	vadd.f32 v59, v51;
	v54 =	vld.idx.msk [tilespmem:v62+s2+$0x0], $0xffff  }
0x290: {  	v59 =	vld.idx.msk [tilespmem:v63+s10+$0x0], $0xffff;
	v49 =	vadd.f32 v53, v49;
	v53 =	vshll.u32 v60, $0x10;
	v60 =	vand.u32 $0xFFFF0000, v60  }
0x291: {  	v63 =	vadd.s32 $0x3, v61;
	v52 =	vadd.f32 v53, v52;
	v53 =	vld.idx.msk [tilespmem:v56+s2+$0x0], $0xffff;
	v56 =	vadd.s32 $0x2, v61  }
0x292: {  	v62 =	vld.idx.msk [tilespmem:v61+s2+$0x0], $0xffff;
	v2 =	vadd.f32 v60, v2;
	v60 =	vshll.u32 v57, $0x10;
	v57 =	vand.u32 $0xFFFF0000, v57  }
0x293: {  	v58 =	vadd.f32 v60, v58;
	v4 =	vadd.f32 v57, v4  }
0x294: {  	v60 =	vadd.s32 $0x4, v61;
	v55 =	vld.idx.msk [tilespmem:v55+s2+$0x0], $0xffff;
	v57 =	vshll.u32 v54, $0x10;
	v54 =	vand.u32 $0xFFFF0000, v54  }
0x295: {  	v59 =	vmul.u32 $0x9, v59;
	v1 =	vadd.f32 v57, v1;
	v48 =	vadd.f32 v54, v48  }
0x296: {  	v57 =	vadd.s32 $0x5, v61;
	v54 =	vshll.u32 v53, $0x10;
	v53 =	vand.u32 $0xFFFF0000, v53;
	v56 =	vld.idx.msk [tilespmem:v56+s2+$0x0], $0xffff  }
0x297: {  	v3 =	vadd.f32 v54, v3;
	v45 =	vadd.f32 v53, v45;
	v53 =	vshll.u32 v62, $0x10;
	v54 =	vld.idx.msk [tilespmem:v63+s2+$0x0], $0xffff  }
0x298: {  	v5 =	vadd.f32 v53, v5;
	v53 =	vand.u32 $0xFFFF0000, v62;
	v62 =	vadd.s32 $0x6, v61  }
0x299: {  	v63 =	vadd.s32 v21, v42;
	v60 =	vld.idx.msk [tilespmem:v60+s2+$0x0], $0xffff;
	v43 =	vadd.f32 v53, v43;
	v53 =	vshll.u32 v55, $0x10  }
0x29a: {  	v47 =	vadd.f32 v53, v47;
	v53 =	vand.u32 $0xFFFF0000, v55;
	v55 =	vadd.s32 $0x7, v61  }
0x29b: {  	v57 =	vld.idx.msk [tilespmem:v57+s2+$0x0], $0xffff;
	v61 =	vshll.u32 v56, $0x10;
	v56 =	vand.u32 $0xFFFF0000, v56  }
0x29c: {  	v44 =	vadd.f32 v53, v44;
	v46 =	vadd.f32 v56, v46;
	v56 =	vshll.u32 v54, $0x10  }
0x29d: {  	v53 =	vand.u32 $0xFFFF0000, v54;
	v51 =	vadd.f32 v56, v51;
	v54 =	vld.idx.msk [tilespmem:v62+s2+$0x0], $0xffff;
	v56 =	vadd.s32 $0x1, v59  }
0x29e: {  	v50 =	vadd.f32 v61, v50;
	v61 =	vld.idx.msk [tilespmem:v63+s10+$0x0], $0xffff;
	v49 =	vadd.f32 v53, v49;
	v53 =	vshll.u32 v60, $0x10  }
0x29f: {  	v60 =	vand.u32 $0xFFFF0000, v60;
	v52 =	vadd.f32 v53, v52;
	v53 =	vld.idx.msk [tilespmem:v55+s2+$0x0], $0xffff;
	v55 =	vadd.s32 $0x2, v59  }
0x2a0: {  	v62 =	vld.idx.msk [tilespmem:v59+s2+$0x0], $0xffff;
	v2 =	vadd.f32 v60, v2;
	v60 =	vshll.u32 v57, $0x10;
	v57 =	vand.u32 $0xFFFF0000, v57  }
0x2a1: {  	v63 =	vadd.s32 $0x3, v59;
	v58 =	vadd.f32 v60, v58;
	v4 =	vadd.f32 v57, v4  }
0x2a2: {  	v60 =	vadd.s32 $0x4, v59;
	v57 =	vshll.u32 v54, $0x10;
	v54 =	vand.u32 $0xFFFF0000, v54;
	v56 =	vld.idx.msk [tilespmem:v56+s2+$0x0], $0xffff  }
0x2a3: {  	v61 =	vmul.u32 $0x9, v61;
	v1 =	vadd.f32 v57, v1;
	v48 =	vadd.f32 v54, v48  }
0x2a4: {  	v57 =	vadd.s32 $0x5, v59;
	v54 =	vshll.u32 v53, $0x10;
	v53 =	vand.u32 $0xFFFF0000, v53;
	v55 =	vld.idx.msk [tilespmem:v55+s2+$0x0], $0xffff  }
0x2a5: {  	v3 =	vadd.f32 v54, v3;
	v45 =	vadd.f32 v53, v45;
	v53 =	vshll.u32 v62, $0x10  }
0x2a6: {  	v54 =	vld.idx.msk [tilespmem:v63+s2+$0x0], $0xffff;
	v5 =	vadd.f32 v53, v5;
	v53 =	vand.u32 $0xFFFF0000, v62;
	v62 =	vadd.s32 $0x6, v59  }
0x2a7: {  	v63 =	vadd.s32 v22, v42;
	v60 =	vld.idx.msk [tilespmem:v60+s2+$0x0], $0xffff;
	v43 =	vadd.f32 v53, v43;
	v53 =	vshll.u32 v56, $0x10  }
0x2a8: {  	v47 =	vadd.f32 v53, v47;
	v53 =	vand.u32 $0xFFFF0000, v56;
	v56 =	vadd.s32 $0x7, v59  }
0x2a9: {  	v57 =	vld.idx.msk [tilespmem:v57+s2+$0x0], $0xffff;
	v44 =	vadd.f32 v53, v44;
	v53 =	vshll.u32 v55, $0x10;
	v55 =	vand.u32 $0xFFFF0000, v55  }
0x2aa: {  	v50 =	vadd.f32 v53, v50;
	v46 =	vadd.f32 v55, v46  }
0x2ab: {  	v59 =	vshll.u32 v54, $0x10;
	v53 =	vand.u32 $0xFFFF0000, v54;
	v55 =	vadd.s32 $0x1, v61;
	v54 =	vld.idx.msk [tilespmem:v62+s2+$0x0], $0xffff  }
0x2ac: {  	v51 =	vadd.f32 v59, v51;
	v59 =	vld.idx.msk [tilespmem:v63+s10+$0x0], $0xffff;
	v49 =	vadd.f32 v53, v49;
	v53 =	vshll.u32 v60, $0x10  }
0x2ad: {  	v60 =	vand.u32 $0xFFFF0000, v60;
	v52 =	vadd.f32 v53, v52;
	v53 =	vld.idx.msk [tilespmem:v56+s2+$0x0], $0xffff;
	v56 =	vadd.s32 $0x2, v61  }
0x2ae: {  	v62 =	vld.idx.msk [tilespmem:v61+s2+$0x0], $0xffff;
	v2 =	vadd.f32 v60, v2;
	v60 =	vshll.u32 v57, $0x10;
	v57 =	vand.u32 $0xFFFF0000, v57  }
0x2af: {  	v63 =	vadd.s32 $0x3, v61;
	v58 =	vadd.f32 v60, v58;
	v4 =	vadd.f32 v57, v4  }
0x2b0: {  	v60 =	vadd.s32 $0x4, v61;
	v55 =	vld.idx.msk [tilespmem:v55+s2+$0x0], $0xffff;
	v57 =	vshll.u32 v54, $0x10;
	v54 =	vand.u32 $0xFFFF0000, v54  }
0x2b1: {  	v59 =	vmul.u32 $0x9, v59;
	v1 =	vadd.f32 v57, v1;
	v48 =	vadd.f32 v54, v48  }
0x2b2: {  	v57 =	vadd.s32 $0x5, v61;
	v54 =	vshll.u32 v53, $0x10;
	v53 =	vand.u32 $0xFFFF0000, v53;
	v56 =	vld.idx.msk [tilespmem:v56+s2+$0x0], $0xffff  }
0x2b3: {  	v3 =	vadd.f32 v54, v3;
	v45 =	vadd.f32 v53, v45;
	v53 =	vshll.u32 v62, $0x10  }
0x2b4: {  	v54 =	vld.idx.msk [tilespmem:v63+s2+$0x0], $0xffff;
	v5 =	vadd.f32 v53, v5;
	v53 =	vand.u32 $0xFFFF0000, v62;
	v62 =	vadd.s32 $0x6, v61  }
0x2b5: {  	v63 =	vadd.s32 v23, v42;
	v60 =	vld.idx.msk [tilespmem:v60+s2+$0x0], $0xffff;
	v43 =	vadd.f32 v53, v43;
	v53 =	vshll.u32 v55, $0x10  }
0x2b6: {  	v47 =	vadd.f32 v53, v47;
	v53 =	vand.u32 $0xFFFF0000, v55;
	v55 =	vadd.s32 $0x7, v61  }
0x2b7: {  	v57 =	vld.idx.msk [tilespmem:v57+s2+$0x0], $0xffff;
	v44 =	vadd.f32 v53, v44;
	v61 =	vshll.u32 v56, $0x10;
	v56 =	vand.u32 $0xFFFF0000, v56  }
0x2b8: {  	v50 =	vadd.f32 v61, v50;
	v46 =	vadd.f32 v56, v46  }
0x2b9: {  	v61 =	vshll.u32 v54, $0x10;
	v53 =	vand.u32 $0xFFFF0000, v54;
	v56 =	vadd.s32 $0x1, v59;
	v54 =	vld.idx.msk [tilespmem:v62+s2+$0x0], $0xffff  }
0x2ba: {  	v51 =	vadd.f32 v61, v51;
	v61 =	vld.idx.msk [tilespmem:v63+s10+$0x0], $0xffff;
	v49 =	vadd.f32 v53, v49;
	v53 =	vshll.u32 v60, $0x10  }
0x2bb: {  	v60 =	vand.u32 $0xFFFF0000, v60;
	v52 =	vadd.f32 v53, v52;
	v53 =	vld.idx.msk [tilespmem:v55+s2+$0x0], $0xffff;
	v55 =	vadd.s32 $0x2, v59  }
0x2bc: {  	v2 =	vadd.f32 v60, v2;
	v60 =	vshll.u32 v57, $0x10  }
0x2bd: {  	v62 =	vld.idx.msk [tilespmem:v59+s2+$0x0], $0xffff;
	v63 =	vadd.s32 $0x3, v59;
	v57 =	vand.u32 $0xFFFF0000, v57;
	v58 =	vadd.f32 v60, v58  }
0x2be: {  	v4 =	vadd.f32 v57, v4;
	v60 =	vadd.s32 $0x4, v59;
	v57 =	vshll.u32 v54, $0x10  }
0x2bf: {  	v56 =	vld.idx.msk [tilespmem:v56+s2+$0x0], $0xffff;
	v54 =	vand.u32 $0xFFFF0000, v54;
	v61 =	vmul.u32 $0x9, v61;
	v1 =	vadd.f32 v57, v1  }
0x2c0: {  	v48 =	vadd.f32 v54, v48;
	v54 =	vshll.u32 v53, $0x10;
	v53 =	vand.u32 $0xFFFF0000, v53;
	v55 =	vld.idx.msk [tilespmem:v55+s2+$0x0], $0xffff  }
0x2c1: {  	v57 =	vadd.s32 $0x5, v59;
	v3 =	vadd.f32 v54, v3;
	v45 =	vadd.f32 v53, v45  }
0x2c2: {  	v53 =	vshll.u32 v62, $0x10;
	v54 =	vld.idx.msk [tilespmem:v63+s2+$0x0], $0xffff;
	v63 =	vadd.s32 v24, v42;
	v42 =	vadd.s32 v26, v42  }
0x2c3: {  	v5 =	vadd.f32 v53, v5;
	v53 =	vand.u32 $0xFFFF0000, v62;
	v62 =	vadd.s32 $0x6, v59  }
0x2c4: {  	v60 =	vld.idx.msk [tilespmem:v60+s2+$0x0], $0xffff;
	v59 =	vadd.s32 $0x7, v59;
	v43 =	vadd.f32 v53, v43;
	v53 =	vshll.u32 v56, $0x10  }
0x2c5: {  	v56 =	vand.u32 $0xFFFF0000, v56;
	v47 =	vadd.f32 v53, v47;
	v53 =	vshll.u32 v55, $0x10  }
0x2c6: {  	v44 =	vadd.f32 v56, v44;
	v56 =	vld.idx.msk [tilespmem:v57+s2+$0x0], $0xffff;
	v55 =	vand.u32 $0xFFFF0000, v55;
	v50 =	vadd.f32 v53, v50  }
0x2c7: {  	v46 =	vadd.f32 v55, v46;
	v57 =	vshll.u32 v54, $0x10;
	v55 =	vadd.s32 $0x1, v61  }
0x2c8: {  	v53 =	vadd.s32 $0x2, v61;
	v51 =	vadd.f32 v57, v51;
	v57 =	vand.u32 $0xFFFF0000, v54;
	v54 =	vld.idx.msk [tilespmem:v62+s2+$0x0], $0xffff  }
0x2c9: {  	v62 =	vshll.u32 v60, $0x10;
	v60 =	vand.u32 $0xFFFF0000, v60;
	v59 =	vld.idx.msk [tilespmem:v59+s2+$0x0], $0xffff;
	v49 =	vadd.f32 v57, v49  }
0x2ca: {  	v52 =	vadd.f32 v62, v52;
	v2 =	vadd.f32 v60, v2  }
0x2cb: {  	v60 =	vld.idx.msk [tilespmem:v61+s2+$0x0], $0xffff;
	v62 =	vadd.s32 $0x3, v61;
	v57 =	vshll.u32 v56, $0x10;
	v56 =	vand.u32 $0xFFFF0000, v56  }
0x2cc: {  	v42 =	vld.idx.msk [tilespmem:v42+s10+$0x0], $0xffff;
	v57 =	vadd.f32 v57, v58;
	v4 =	vadd.f32 v56, v4  }
0x2cd: {  	v58 =	vadd.s32 $0x4, v61;
	v55 =	vld.idx.msk [tilespmem:v55+s2+$0x0], $0xffff;
	v56 =	vshll.u32 v54, $0x10;
	v54 =	vand.u32 $0xFFFF0000, v54  }
0x2ce: {  	v53 =	vld.idx.msk [tilespmem:v53+s2+$0x0], $0xffff;
	v1 =	vadd.f32 v56, v1;
	v48 =	vadd.f32 v54, v48;
	v54 =	vshll.u32 v59, $0x10  }
0x2cf: {  	v56 =	vld.idx.msk [tilespmem:v63+s10+$0x0], $0xffff;
	v3 =	vadd.f32 v54, v3;
	v54 =	vand.u32 $0xFFFF0000, v59;
	v59 =	vadd.s32 $0x5, v61  }
0x2d0: {  	v62 =	vld.idx.msk [tilespmem:v62+s2+$0x0], $0xffff;
	v45 =	vadd.f32 v54, v45;
	v54 =	vshll.u32 v60, $0x10;
	v60 =	vand.u32 $0xFFFF0000, v60  }
0x2d1: {  	v5 =	vadd.f32 v54, v5;
	v43 =	vadd.f32 v60, v43  }
0x2d2: {  	v58 =	vld.idx.msk [tilespmem:v58+s2+$0x0], $0xffff;
	v54 =	vshll.u32 v55, $0x10;
	v55 =	vand.u32 $0xFFFF0000, v55;
	v60 =	vadd.s32 $0x6, v61  }
0x2d3: {  	[tilespmem:s15+$0xFFFFFC80] =	vst v41;
	v41 =	vmul.u32 $0x9, v42;
	v47 =	vadd.f32 v54, v47;
	v44 =	vadd.f32 v55, v44  }
0x2d4: {  	v54 =	vshll.u32 v53, $0x10;
	v53 =	vand.u32 $0xFFFF0000, v53;
	v55 =	vld.idx.msk [tilespmem:v59+s2+$0x0], $0xffff;
	v59 =	vadd.s32 $0x7, v61  }
0x2d5: {  	v56 =	vmul.u32 $0x9, v56;
	v50 =	vadd.f32 v54, v50;
	v61 =	vshll.u32 v62, $0x10  }
0x2d6: {  	v46 =	vadd.f32 v53, v46;
	v51 =	vadd.f32 v61, v51;
	v61 =	vand.u32 $0xFFFF0000, v62  }
0x2d7: {  	v54 =	vadd.s32 $0x1, v56;
	v53 =	vshll.u32 v58, $0x10;
	v62 =	vand.u32 $0xFFFF0000, v58;
	v60 =	vld.idx.msk [tilespmem:v60+s2+$0x0], $0xffff  }
0x2d8: {  	v58 =	vadd.s32 $0x3, v56;
	v49 =	vadd.f32 v61, v49;
	v61 =	vadd.s32 $0x2, v56  }
0x2d9: {  	v52 =	vadd.f32 v53, v52;
	v2 =	vadd.f32 v62, v2;
	v53 =	vshll.u32 v55, $0x10;
	v59 =	vld.idx.msk [tilespmem:v59+s2+$0x0], $0xffff  }
0x2da: {  	[tilespmem:s15+$0xFFFFFC00] =	vst v40;
	v63 =	vmovc v26;
	v26 =	vld [tilespmem:$0x1FFB0];
	v62 =	vadd.s32 $0x4, v56;
	v40 =	vadd.f32 v53, v57;
	v53 =	vand.u32 $0xFFFF0000, v55  }
0x2db: {  	v55 =	vld.idx.msk [tilespmem:v56+s2+$0x0], $0xffff;
	v57 =	vadd.s32 $0x5, v56;
	v4 =	vadd.f32 v53, v4  }
0x2dc: {  	[tilespmem:s15+$0xFFFFFD00] =	vst v38;
	v42 =	vld.idx.msk [tilespmem:v54+s2+$0x0], $0xffff;
	v53 =	vadd.s32 $0x6, v56;
	v38 =	vshll.u32 v60, $0x10;
	v54 =	vand.u32 $0xFFFF0000, v60  }
0x2dd: {  	[tilespmem:s15+$0xFFFFFD80] =	vst v37;
	v60 =	vld.idx.msk [tilespmem:v61+s2+$0x0], $0xffff;
	v56 =	vadd.s32 $0x7, v56;
	v1 =	vadd.f32 v38, v1;
	v37 =	vadd.f32 v54, v48  }
0x2de: {  	[tilespmem:s15+$0xFFFFFE00] =	vst v39;
	v38 =	vld.idx.msk [tilespmem:v58+s2+$0x0], $0xffff;
	v58 =	vadd.s32 $0x1, v41;
	v39 =	vshll.u32 v59, $0x10;
	v61 =	vand.u32 $0xFFFF0000, v59  }
0x2df: {  	[tilespmem:s15+$0xFFFFFE80] =	vst v36;
	v54 =	vld.idx.msk [tilespmem:v62+s2+$0x0], $0xffff;
	v3 =	vadd.f32 v39, v3;
	v36 =	vadd.f32 v61, v45;
	v45 =	vadd.s32 $0x2, v41  }
0x2e0: {  	[tilespmem:s15+$0xFFFFFF00] =	vst v35;
	v48 =	vld.idx.msk [tilespmem:v41+s2+$0x0], $0xffff;
	v59 =	vshll.u32 v55, $0x10;
	v61 =	vand.u32 $0xFFFF0000, v55;
	v55 =	vadd.s32 $0x3, v41  }
0x2e1: {  	[tilespmem:s15+$0xFFFFFF80] =	vst v34;
	v39 =	vld.idx.msk [tilespmem:v57+s2+$0x0], $0xffff;
	v62 =	vshll.u32 v42, $0x10;
	v42 =	vand.u32 $0xFFFF0000, v42;
	v5 =	vadd.f32 v59, v5  }
0x2e2: {  	[tilespmem:s15+$0x0] =	vst v33;
	v34 =	vadd.f32 v61, v43;
	v35 =	vld.idx.msk [tilespmem:v56+s2+$0x0], $0xffff;
	v43 =	vadd.s32 $0x4, v41;
	v56 =	vadd.s32 $0x5, v41  }
0x2e3: {  	[tilespmem:s15+$0x80] =	vst v32;
	v53 =	vld.idx.msk [tilespmem:v53+s2+$0x0], $0xffff;
	v32 =	vadd.f32 v62, v47;
	v33 =	vadd.f32 v42, v44;
	v44 =	vadd.s32 $0x6, v41  }
0x2e4: {  	v61 =	vshll.u32 v60, $0x10;
	v62 =	vand.u32 $0xFFFF0000, v60;
	v41 =	vadd.s32 $0x7, v41;
	v42 =	vld.idx.msk [tilespmem:v58+s2+$0x0], $0xffff  }
0x2e5: {  	[tilespmem:s15+$0x180] =	vst v29;
	v57 =	vadd.f32 v61, v50;
	v58 =	vadd.f32 v62, v46;
	v59 =	vshll.u32 v38, $0x10;
	v45 =	vld.idx.msk [tilespmem:v45+s2+$0x0], $0xffff  }
0x2e6: {  	[tilespmem:s15+$0x200] =	vst v30;
	v38 =	vand.u32 $0xFFFF0000, v38;
	v60 =	vshll.u32 v54, $0x10;
	v62 =	vshll.u32 v48, $0x10;
	v47 =	vld.idx.msk [tilespmem:v55+s2+$0x0], $0xffff  }
0x2e7: {  	[tilespmem:s15+$0x280] =	vst v27;
	v50 =	vand.u32 $0xFFFF0000, v54;
	v30 =	vadd.f32 v59, v51;
	v27 =	vadd.f32 v38, v49;
	v43 =	vld.idx.msk [tilespmem:v43+s2+$0x0], $0xffff  }
0x2e8: {  	[tilespmem:s15+$0x100] =	vst v31;
	v61 =	vadd.f32 v60, v52;
	v5 =	vadd.f32 v62, v5;
	v51 =	vand.u32 $0xFFFF0000, v48;
	v49 =	vld.idx.msk [tilespmem:v56+s2+$0x0], $0xffff  }
0x2e9: {  	[tilespmem:s15+$0x380] =	vst v26;
	v2 =	vadd.f32 v50, v2;
	v26 =	vadd.f32 v51, v34;
	v44 =	vld.idx.msk [tilespmem:v44+s2+$0x0], $0xffff  }
0x2ea: {  	v54 =	vld.idx.msk [tilespmem:v41+s2+$0x0], $0xffff;
	[tilespmem:s15+$0xFFFFFC10] =	vst v5;
	v5 =	vshll.u32 v39, $0x10;
	v56 =	vand.u32 $0xFFFF0000, v39;
	v52 =	vshll.u32 v42, $0x10  }
0x2eb: {  	[tilespmem:s15+$0x300] =	vst v28;
	v55 =	vand.u32 $0xFFFF0000, v42;
	v5 =	vadd.f32 v5, v40;
	v28 =	vadd.f32 v52, v32  }
0x2ec: {  	[tilespmem:s15+$0xFFFFFC90] =	vst v26;
	v4 =	vadd.f32 v56, v4;
	v32 =	vadd.f32 v55, v33;
	v26 =	vshll.u32 v45, $0x10  }
0x2ed: {  	[tilespmem:s15+$0xFFFFFD10] =	vst v28;
	v59 =	vshll.u32 v47, $0x10;
	v60 =	vand.u32 $0xFFFF0000, v47;
	v26 =	vadd.f32 v26, v57  }
0x2ee: {  	[tilespmem:s15+$0xFFFFFD90] =	vst v32;
	v57 =	vand.u32 $0xFFFF0000, v45;
	v29 =	vadd.f32 v59, v30;
	v62 =	vand.u32 $0xFFFF0000, v43  }
0x2ef: {  	v58 =	vadd.f32 v57, v58;
	v2 =	vadd.f32 v62, v2;
	[tilespmem:s15+$0xFFFFFE10] =	vst v26;
	v26 =	vshll.u32 v53, $0x10  }
0x2f0: {  	[tilespmem:s15+$0xFFFFFF10] =	vst v29;
	v1 =	vadd.f32 v26, v1;
	v26 =	vadd.f32 v60, v27;
	v27 =	vshll.u32 v43, $0x10  }
0x2f1: {  	[tilespmem:s15+$0x90] =	vst v2;
	v2 =	vshll.u32 v44, $0x10;
	v27 =	vadd.f32 v27, v61;
	v61 =	vand.u32 $0xFFFF0000, v53  }
0x2f2: {  	v28 =	vadd.f32 v61, v37;
	[tilespmem:s15+$0xFFFFFF90] =	vst v26;
	v26 =	vshll.u32 v49, $0x10;
	v1 =	vadd.f32 v2, v1  }
0x2f3: {  	v2 =	vand.u32 $0xFFFF0000, v35;
	v5 =	vadd.f32 v26, v5;
	[tilespmem:s15+$0x10] =	vst v27;
	v27 =	vand.u32 $0xFFFF0000, v49  }
0x2f4: {  	s14 =	sadd.s32 $0x2, s14;
	v26 =	vshll.u32 v35, $0x10;
	v2 =	vadd.f32 v2, v36;
	v4 =	vadd.f32 v27, v4;
	[tilespmem:s15+$0x210] =	vst v1  }
0x2f5: {  	p0 =	slt.u32 s14, $0x6;
	v3 =	vadd.f32 v26, v3;
	v1 =	vand.u32 $0xFFFF0000, v54;
	[tilespmem:s15+$0x110] =	vst v5;
	v5 =	vand.u32 $0xFFFF0000, v44  }
.Ltmp0:
0x2f6: {  	v1 =	vadd.f32 v1, v2;
	v5 =	vadd.f32 v5, v28;
	[tilespmem:s15+$0x190] =	vst v4;
	v4 =	vshll.u32 v54, $0x10;
	(pc) =	sbr.rel @p0 .LBB2_2-.Ltmp0, $4  }
0x2f7: {  	[tilespmem:s15+$0xFFFFFE90] =	vst v58;
	v2 =	vld [tilespmem:$0x1FFD0]  }
0x2f8: {  	v3 =	vadd.f32 v4, v3;
	[tilespmem:s15+$0x390] =	vst v1;
	v1 =	vld [tilespmem:$0x1FFC0]  }
0x2f9: {  	[tilespmem:s15+$0x290] =	vst v5;
	v4 =	vmov v9;
	v9 =	vmov v0;
	v0 =	vld [tilespmem:$0x1FFF0]  }
0x2fa: {  	s16 =	sadd.s32 $0x20, s16;
	[tilespmem:s15+$0x310] =	vst v3;
	v3 =	vld [tilespmem:$0x1FFE0];
	s15 =	sadd.s32 $0x20, s15;
	v5 =	vmov v10;
	v10 =	vmov v15;
	v15 =	vmov v20  }
0x2fb: {  	s13 =	sadd.s32 $0x1, s13  }
0x2fc: {  	p0 =	sne.s32 s13, s6  }
.Ltmp1:
0x2fd: {  	_ = 	snop;
	(pc) =	sbr.rel @p0 .LBB2_1-.Ltmp1, $4  }
0x2fe: {  	[hbm4b:s5+s9] =	stream.strided.scatter [tilespmem:s12], [sflag:$0x1], $0x800, s11, s9, $0x38;
	[tilespmem:$0x3880] =	vst v63  }
0x2ff: {  	_ =	swait.ge [sflag:s7], $0x800  }
0x300: {  	[sflag:s7] =	ssyncset.done $0x0  }
0x301: {  	[sflag:s7] =	ssyncadd.s32 $0xFFFFF800  }
0x302: {  	_ =	sfence.sel $0x180000  }
0x303: {  	[bflag:$0x0] =	sbarrier.arrive $0xFFFF  }
0x304: {  	p0 =	sne.s32 s1, $0x0;
	_ =	strace $0x90000047  }
0x305: {  	s0 =	sadd.s32 @!p0 $0x100000, s0;
	[bflag:$0x2] =	sbarrier.arrive $0xFFFF  }
0x306: {  	[sflag:s0] =	ssyncadd.tile.s32 @!p0 $0x1;
	_ =	shalt  }
.Lfunc_end2:
_tile_overlayer_lowered:
.L_overlay_start_2:
0x307: {  	(tag) =	ssettag $0x2  }
0x308: {  	s0 =	rddreg [dreg:$0x0];
	s2 =	stileid.u32  }
0x309: {  	s1 =	rddreg [dreg:$0x1];
	p0 =	sne.s32 s2, $0x0  }
0x30a: {  	s3 =	rddreg [dreg:$0x2];
	[bflag:$0x3] =	sbarrier.arrive $0xFFFF;
	s2 =	simm.s32 @!p0 $0x1C01  }
0x30b: {  	[timem:s3], [sflag:s2] =	dma.local @!p0 [hbm:s0], s1  }
0x30c: {  	s0 =	simm.s32 @!p0 $0x1  }
0x30d: {  	_ =	swait.ge @!p0 [sflag:s0], s1  }
0x30e: {  	s1 =	ssub.s32 @!p0 $0x0, s1;
	[sflag:s0] =	ssyncset.done @!p0 $0x0  }
0x30f: {  	[sflag:s0] =	ssyncadd.s32 @!p0 s1  }
0x310: {  	[bflag:$0x3] =	sbarrier.arrive $0xFFFF  }
0x311: {  	_ =	shalt  }

</sc_bundles>
